<compile_context>
chip_gen: v7x
topology: tpu7x:2x2x1
jax: 0.10.2.dev20260603
libtpu: 0.0.44.dev20260713+nightly
codegen_flags: <defaults>
</compile_context>

<pallas_src>
import functools

import jax
import jax.numpy as jnp
from jax import lax
from jax.experimental import pallas as pl
from jax.experimental.pallas import tpu as pltpu
from jax.experimental.pallas import tpu_sc as plsc

BATCH = 16384
DIM = 16
LANES = 16
NUM_ROWS = 1000000
NUM_CORES = 2
NUM_SUBCORES = 16
NUM_WORKERS = NUM_CORES * NUM_SUBCORES
BPW = BATCH // NUM_WORKERS
CHUNKS = BPW // LANES


def _neumf_body(uidx_hbm, iidx_hbm, umf_hbm, imf_hbm, umlp_hbm, imlp_hbm,
                params_hbm, out_hbm,
                uidx_v, iidx_v, ubuf_v, ibuf_v, params_v, out_v, sem):
    wid = lax.axis_index("s") * NUM_CORES + lax.axis_index("c")
    base = wid * BPW
    pltpu.sync_copy(params_hbm, params_v)
    pltpu.sync_copy(uidx_hbm.at[pl.ds(base, BPW)], uidx_v)
    pltpu.sync_copy(iidx_hbm.at[pl.ds(base, BPW)], iidx_v)

    w_mlp = params_v[pl.ds(0, LANES)]
    w_mf = params_v[pl.ds(DIM, LANES)]
    bias = params_v[pl.ds(2 * DIM, LANES)][0]

    lanes = lax.iota(jnp.int32, LANES)

    def half(utbl, itbl, w, uv, iv, acc):
        copies = []
        for j in range(LANES):
            uoff = pl.multiple_of(
                lax.shift_left(lax.shift_right_logical(uv[j], 7), 7), 128)
            ioff = pl.multiple_of(
                lax.shift_left(lax.shift_right_logical(iv[j], 7), 7), 128)
            copies.append(pltpu.async_copy(
                utbl.at[:, pl.ds(uoff, 128)], ubuf_v.at[j], sem))
            copies.append(pltpu.async_copy(
                itbl.at[:, pl.ds(ioff, 128)], ibuf_v.at[j], sem))
        for cp in copies:
            cp.wait()
        uln = uv & 127
        iln = iv & 127
        for d in range(DIM):
            drow = jnp.full((LANES,), d, jnp.int32)
            gu = plsc.load_gather(ubuf_v, [lanes, drow, uln])
            gi = plsc.load_gather(ibuf_v, [lanes, drow, iln])
            acc = acc + (gu * gi) * w[d]
        return acc

    def chunk(c, carry):
        b0 = c * LANES
        uv = uidx_v[pl.ds(b0, LANES)]
        iv = iidx_v[pl.ds(b0, LANES)]
        acc = jnp.full((LANES,), bias, jnp.float32)
        acc = half(umlp_hbm, imlp_hbm, w_mlp, uv, iv, acc)
        acc = half(umf_hbm, imf_hbm, w_mf, uv, iv, acc)
        out_v[pl.ds(b0, LANES)] = 1.0 / (1.0 + jnp.exp(-acc))
        return carry

    lax.fori_loop(0, CHUNKS, chunk, 0)
    pltpu.sync_copy(out_v, out_hbm.at[pl.ds(base, BPW)])


@jax.jit
def kernel(user_indices, item_indices, emb_user_mf, emb_item_mf,
           emb_user_mlp, emb_item_mlp, affine_w, affine_b):
    params = jnp.concatenate(
        [affine_w[0], affine_b, jnp.zeros((15,), jnp.float32)])
    mesh = plsc.VectorSubcoreMesh(core_axis_name="c", subcore_axis_name="s")
    run = functools.partial(
        pl.kernel,
        mesh=mesh,
        compiler_params=pltpu.CompilerParams(
            needs_layout_passes=False, use_tc_tiling_on_sc=True),
        out_type=jax.ShapeDtypeStruct((BATCH,), jnp.float32),
        scratch_types=[
            pltpu.VMEM((BPW,), jnp.int32),
            pltpu.VMEM((BPW,), jnp.int32),
            pltpu.VMEM((LANES, DIM, 128), jnp.float32),
            pltpu.VMEM((LANES, DIM, 128), jnp.float32),
            pltpu.VMEM((2 * DIM + 16,), jnp.float32),
            pltpu.VMEM((BPW,), jnp.float32),
            pltpu.SemaphoreType.DMA,
        ],
    )(_neumf_body)
    out = run(user_indices.astype(jnp.int32), item_indices.astype(jnp.int32),
              emb_user_mf.T, emb_item_mf.T, emb_user_mlp.T, emb_item_mlp.T,
              params)
    return out.reshape(BATCH, 1)

# --- scband reference (transcript-rebuilt; emitter-appended) ---
"""Pipeline reference for scband-neu-mf-28295244546621 (READ-ONLY COPY).

The authoritative reference and input builder live on the scoring server;
editing this copy changes nothing except your own understanding.
"""

import jax, jax.numpy as jnp
import numpy as np

NUM_USERS = 1000000
NUM_ITEMS = 1000000
DIM_MF = 16
DIM_MLP = 16
BATCH = 16384

def setup_inputs(seed: int = 0) -> dict:
    key = jax.random.key(seed)
    k1, k2, k3, k4, k5, k6, k7, k8 = jax.random.split(key, 8)
    user_indices = jax.random.randint(k1, (BATCH,), 0, NUM_USERS, dtype=jnp.int64 if jax.config.jax_enable_x64 else jnp.int32)
    item_indices = jax.random.randint(k2, (BATCH,), 0, NUM_ITEMS, dtype=jnp.int64 if jax.config.jax_enable_x64 else jnp.int32)
    # learned parameters, init N(0, 0.01) as in weight_init_gaussian
    emb_user_mf = jax.random.normal(k3, (NUM_USERS, DIM_MF), dtype=jnp.float32) * 0.01
    emb_item_mf = jax.random.normal(k4, (NUM_ITEMS, DIM_MF), dtype=jnp.float32) * 0.01
    emb_user_mlp = jax.random.normal(k5, (NUM_USERS, DIM_MLP), dtype=jnp.float32) * 0.01
    emb_item_mlp = jax.random.normal(k6, (NUM_ITEMS, DIM_MLP), dtype=jnp.float32) * 0.01
    affine_w = jax.random.normal(k7, (1, DIM_MLP + DIM_MF), dtype=jnp.float32) * 0.01
    affine_b = jnp.zeros((1,), dtype=jnp.float32)
    return {
        'user_indices': user_indices,
        'item_indices': item_indices,
        'emb_user_mf': emb_user_mf,
        'emb_item_mf': emb_item_mf,
        'emb_user_mlp': emb_user_mlp,
        'emb_item_mlp': emb_item_mlp,
        'affine_w': affine_w,
        'affine_b': affine_b,
    }

def reference(user_indices, item_indices, emb_user_mf, emb_item_mf, emb_user_mlp, emb_item_mlp, affine_w, affine_b):
    # MF branch: gather + elementwise product
    user_embedding_mf = jnp.take(emb_user_mf, user_indices, axis=0)
    item_embedding_mf = jnp.take(emb_item_mf, item_indices, axis=0)
    mf_vector = user_embedding_mf * item_embedding_mf
    # CDECF (MLP/ODE) branch modeled as latent interaction of user/item MLP embeddings -> [B, latent_dim_mlp]
    user_embedding_mlp = jnp.take(emb_user_mlp, user_indices, axis=0)
    item_embedding_mlp = jnp.take(emb_item_mlp, item_indices, axis=0)
    mlp_vector = user_embedding_mlp * item_embedding_mlp
    vector = jnp.concatenate([mlp_vector, mf_vector], axis=-1)
    logits = vector @ affine_w.T + affine_b
    rating = jax.nn.sigmoid(logits)
    return rating

if __name__ == "__main__":
    import jax
    _d = setup_inputs()
    print(jax.jit(kernel)(*tuple(_d.values())))

</pallas_src>

<mosaic_0001>
#map = affine_map<(d0, d1) -> (0)>
#map1 = affine_map<(d0, d1) -> (0, 0)>
module attributes {stable_mosaic.version = 14 : i64} {
  func.func @_neumf_body(%arg0: i32, %arg1: i32, %arg2: memref<16384xi32, #tpu.memory_space<hbm>>, %arg3: memref<16384xi32, #tpu.memory_space<hbm>>, %arg4: memref<16x1000000xf32, #tpu.memory_space<hbm>>, %arg5: memref<16x1000000xf32, #tpu.memory_space<hbm>>, %arg6: memref<16x1000000xf32, #tpu.memory_space<hbm>>, %arg7: memref<16x1000000xf32, #tpu.memory_space<hbm>>, %arg8: memref<48xf32, #tpu.memory_space<hbm>>, %arg9: memref<16384xf32, #tpu.memory_space<hbm>>, %arg10: memref<512xi32, #tpu.memory_space<vmem>>, %arg11: memref<512xi32, #tpu.memory_space<vmem>>, %arg12: memref<16x16x128xf32, #tpu.memory_space<vmem>>, %arg13: memref<16x16x128xf32, #tpu.memory_space<vmem>>, %arg14: memref<48xf32, #tpu.memory_space<vmem>>, %arg15: memref<512xf32, #tpu.memory_space<vmem>>, %arg16: memref<!tpu.dma_semaphore, #tpu.memory_space<semaphore_mem>>) attributes {dimension_semantics = [#tpu.dimension_semantics<core_parallel>, #tpu.dimension_semantics<subcore_parallel>], iteration_bounds = array<i64: 2, 16>, scalar_prefetch = 0 : i64, scratch_operands = 7 : i64, tpu.core_type = #tpu.core_type<sc_vector_subcore>, window_params = [{transform_indices = #map}, {transform_indices = #map}, {transform_indices = #map1}, {transform_indices = #map1}, {transform_indices = #map1}, {transform_indices = #map1}, {transform_indices = #map}, {transform_indices = #map}]} {
    %mul3A = arith.constant 2 : i32
    %mul3A_0 = arith.muli %arg1, %mul3A : i32
    %add3A = arith.addi %mul3A_0, %arg0 : i32
    %mul3A_1 = arith.constant 512 : i32
    %mul3A_2 = arith.muli %add3A, %mul3A_1 : i32
    "tpu.region"() ({
      %run_scoped3A = tpu.sem_alloc : memref<!tpu.dma_semaphore, #tpu.memory_space<semaphore_mem>>
      tpu.enqueue_dma source(%arg8 : memref<48xf32, #tpu.memory_space<hbm>>) target(%arg14 : memref<48xf32, #tpu.memory_space<vmem>>) target_semaphore(%run_scoped3A : memref<!tpu.dma_semaphore, #tpu.memory_space<semaphore_mem>>)
      tpu.wait_dma2 semaphore(%run_scoped3A : memref<!tpu.dma_semaphore, #tpu.memory_space<semaphore_mem>>) src(%arg8 : memref<48xf32, #tpu.memory_space<hbm>>) dst(%arg14 : memref<48xf32, #tpu.memory_space<vmem>>)
      tpu.yield
    }) : () -> ()
    "tpu.region"() ({
      %run_scoped3A = tpu.sem_alloc : memref<!tpu.dma_semaphore, #tpu.memory_space<semaphore_mem>>
      %dma_start3A = tpu.memref_slice %arg2[%mul3A_2] : memref<16384xi32, #tpu.memory_space<hbm>> -> memref<512xi32, #tpu.memory_space<hbm>>
      %dma_start3A_13 = tpu.memref_slice %arg2[%mul3A_2] : memref<16384xi32, #tpu.memory_space<hbm>> -> memref<512xi32, #tpu.memory_space<hbm>>
      tpu.enqueue_dma source(%dma_start3A_13 : memref<512xi32, #tpu.memory_space<hbm>>) target(%arg10 : memref<512xi32, #tpu.memory_space<vmem>>) target_semaphore(%run_scoped3A : memref<!tpu.dma_semaphore, #tpu.memory_space<semaphore_mem>>)
      %dma_wait3A = tpu.memref_slice %arg2[%mul3A_2] : memref<16384xi32, #tpu.memory_space<hbm>> -> memref<512xi32, #tpu.memory_space<hbm>>
      %dma_wait3A_14 = tpu.memref_slice %arg2[%mul3A_2] : memref<16384xi32, #tpu.memory_space<hbm>> -> memref<512xi32, #tpu.memory_space<hbm>>
      tpu.wait_dma2 semaphore(%run_scoped3A : memref<!tpu.dma_semaphore, #tpu.memory_space<semaphore_mem>>) src(%dma_wait3A_14 : memref<512xi32, #tpu.memory_space<hbm>>) dst(%arg10 : memref<512xi32, #tpu.memory_space<vmem>>)
      tpu.yield
    }) : () -> ()
    "tpu.region"() ({
      %run_scoped3A = tpu.sem_alloc : memref<!tpu.dma_semaphore, #tpu.memory_space<semaphore_mem>>
      %dma_start3A = tpu.memref_slice %arg3[%mul3A_2] : memref<16384xi32, #tpu.memory_space<hbm>> -> memref<512xi32, #tpu.memory_space<hbm>>
      %dma_start3A_13 = tpu.memref_slice %arg3[%mul3A_2] : memref<16384xi32, #tpu.memory_space<hbm>> -> memref<512xi32, #tpu.memory_space<hbm>>
      tpu.enqueue_dma source(%dma_start3A_13 : memref<512xi32, #tpu.memory_space<hbm>>) target(%arg11 : memref<512xi32, #tpu.memory_space<vmem>>) target_semaphore(%run_scoped3A : memref<!tpu.dma_semaphore, #tpu.memory_space<semaphore_mem>>)
      %dma_wait3A = tpu.memref_slice %arg3[%mul3A_2] : memref<16384xi32, #tpu.memory_space<hbm>> -> memref<512xi32, #tpu.memory_space<hbm>>
      %dma_wait3A_14 = tpu.memref_slice %arg3[%mul3A_2] : memref<16384xi32, #tpu.memory_space<hbm>> -> memref<512xi32, #tpu.memory_space<hbm>>
      tpu.wait_dma2 semaphore(%run_scoped3A : memref<!tpu.dma_semaphore, #tpu.memory_space<semaphore_mem>>) src(%dma_wait3A_14 : memref<512xi32, #tpu.memory_space<hbm>>) dst(%arg11 : memref<512xi32, #tpu.memory_space<vmem>>)
      tpu.yield
    }) : () -> ()
    %get3A = arith.constant 0 : index
    %get3A_3 = tpu.vector_load %arg14[%get3A] {strides = array<i32>} : memref<48xf32, #tpu.memory_space<vmem>>, vector<16xf32>,
    %get3A_4 = arith.constant 16 : index
    %get3A_5 = tpu.vector_load %arg14[%get3A_4] {strides = array<i32>} : memref<48xf32, #tpu.memory_space<vmem>>, vector<16xf32>,
    %get3A_6 = arith.constant 32 : index
    %get3A_7 = tpu.vector_load %arg14[%get3A_6] {strides = array<i32>} : memref<48xf32, #tpu.memory_space<vmem>>, vector<16xf32>,
    %slice3A = vector.extract_strided_slice %get3A_7 {offsets = [0], sizes = [1], strides = [1]} : vector<16xf32> to vector<1xf32>
    %squeeze3A = vector.extract %slice3A[0] : f32 from vector<1xf32>
    %iota3A = tpu.iota {dimensions = array<i32: 0>} : vector<16xi32>
    %scan3A = arith.constant 0 : i32
    %scan3A_8 = arith.constant 0 : i32
    %scan3A_9 = arith.constant 32 : i32
    %scan3A_10 = arith.addi %scan3A_8, %scan3A_9 : i32
    %scan3A_11 = arith.constant 1 : i32
    scf.for %scan3A_13 = %scan3A_8 to %scan3A_10 step %scan3A_11  : i32 {
      %mul3A_14 = arith.constant 16 : i32
      %mul3A_15 = arith.muli %scan3A_13, %mul3A_14 : i32
      %get3A_16 = arith.index_cast %mul3A_15 : i32 to index
      %get3A_17 = tpu.vector_load %arg10[%get3A_16] {strides = array<i32>} : memref<512xi32, #tpu.memory_space<vmem>>, vector<16xi32>,
      %get3A_18 = arith.index_cast %mul3A_15 : i32 to index
      %get3A_19 = tpu.vector_load %arg11[%get3A_18] {strides = array<i32>} : memref<512xi32, #tpu.memory_space<vmem>>, vector<16xi32>,
      %broadcast_in_dim3A = vector.broadcast %squeeze3A : f32 to vector<16xf32>
      %slice3A_20 = vector.extract_strided_slice %get3A_17 {offsets = [0], sizes = [1], strides = [1]} : vector<16xi32> to vector<1xi32>
      %squeeze3A_21 = vector.extract %slice3A_20[0] : i32 from vector<1xi32>
      %shift_right_logical3A = arith.constant 7 : i32
      %shift_right_logical3A_22 = arith.shrui %squeeze3A_21, %shift_right_logical3A : i32
      %shift_left3A = arith.constant 7 : i32
      %shift_left3A_23 = arith.shli %shift_right_logical3A_22, %shift_left3A : i32
      %multiple_of3A = tpu.assume_multiple %shift_left3A_23, 128 : i32
      %slice3A_24 = vector.extract_strided_slice %get3A_19 {offsets = [0], sizes = [1], strides = [1]} : vector<16xi32> to vector<1xi32>
      %squeeze3A_25 = vector.extract %slice3A_24[0] : i32 from vector<1xi32>
      %shift_right_logical3A_26 = arith.constant 7 : i32
      %shift_right_logical3A_27 = arith.shrui %squeeze3A_25, %shift_right_logical3A_26 : i32
      %shift_left3A_28 = arith.constant 7 : i32
      %shift_left3A_29 = arith.shli %shift_right_logical3A_27, %shift_left3A_28 : i32
      %multiple_of3A_30 = tpu.assume_multiple %shift_left3A_29, 128 : i32
      %dma_start3A = arith.constant 0 : i32
      %dma_start3A_31 = arith.constant 0 : i32
      %dma_start3A_32 = arith.constant 0 : i32
      %dma_start3A_33 = tpu.memref_slice %arg12[%dma_start3A, %dma_start3A_31, %dma_start3A_32] : memref<16x16x128xf32, #tpu.memory_space<vmem>> -> memref<1x16x128xf32, #tpu.memory_space<vmem>>
      %dma_start3A_34 = tpu.memref_squeeze %dma_start3A_33 : memref<1x16x128xf32, #tpu.memory_space<vmem>> -> memref<16x128xf32, #tpu.memory_space<vmem>>
      %dma_start3A_35 = arith.constant 0 : i32
      %dma_start3A_36 = tpu.memref_slice %arg6[%dma_start3A_35, %multiple_of3A] : memref<16x1000000xf32, #tpu.memory_space<hbm>> -> memref<16x128xf32, #tpu.memory_space<hbm>>
      %dma_start3A_37 = arith.constant 0 : i32
      %dma_start3A_38 = arith.constant 0 : i32
      %dma_start3A_39 = tpu.memref_slice %arg12[%dma_start3A, %dma_start3A_37, %dma_start3A_38] : memref<16x16x128xf32, #tpu.memory_space<vmem>> -> memref<1x16x128xf32, #tpu.memory_space<vmem>>
      %dma_start3A_40 = tpu.memref_squeeze %dma_start3A_39 : memref<1x16x128xf32, #tpu.memory_space<vmem>> -> memref<16x128xf32, #tpu.memory_space<vmem>>
      %dma_start3A_41 = arith.constant 0 : i32
      %dma_start3A_42 = tpu.memref_slice %arg6[%dma_start3A_41, %multiple_of3A] : memref<16x1000000xf32, #tpu.memory_space<hbm>> -> memref<16x128xf32, #tpu.memory_space<hbm>>
      tpu.enqueue_dma source(%dma_start3A_42 : memref<16x128xf32, #tpu.memory_space<hbm>>) target(%dma_start3A_40 : memref<16x128xf32, #tpu.memory_space<vmem>>) target_semaphore(%arg16 : memref<!tpu.dma_semaphore, #tpu.memory_space<semaphore_mem>>)
      %dma_start3A_43 = arith.constant 0 : i32
      %dma_start3A_44 = arith.constant 0 : i32
      %dma_start3A_45 = arith.constant 0 : i32
      %dma_start3A_46 = tpu.memref_slice %arg13[%dma_start3A_43, %dma_start3A_44, %dma_start3A_45] : memref<16x16x128xf32, #tpu.memory_space<vmem>> -> memref<1x16x128xf32, #tpu.memory_space<vmem>>
      %dma_start3A_47 = tpu.memref_squeeze %dma_start3A_46 : memref<1x16x128xf32, #tpu.memory_space<vmem>> -> memref<16x128xf32, #tpu.memory_space<vmem>>
      %dma_start3A_48 = arith.constant 0 : i32
      %dma_start3A_49 = tpu.memref_slice %arg7[%dma_start3A_48, %multiple_of3A_30] : memref<16x1000000xf32, #tpu.memory_space<hbm>> -> memref<16x128xf32, #tpu.memory_space<hbm>>
      %dma_start3A_50 = arith.constant 0 : i32
      %dma_start3A_51 = arith.constant 0 : i32
      %dma_start3A_52 = tpu.memref_slice %arg13[%dma_start3A_43, %dma_start3A_50, %dma_start3A_51] : memref<16x16x128xf32, #tpu.memory_space<vmem>> -> memref<1x16x128xf32, #tpu.memory_space<vmem>>
      %dma_start3A_53 = tpu.memref_squeeze %dma_start3A_52 : memref<1x16x128xf32, #tpu.memory_space<vmem>> -> memref<16x128xf32, #tpu.memory_space<vmem>>
      %dma_start3A_54 = arith.constant 0 : i32
      %dma_start3A_55 = tpu.memref_slice %arg7[%dma_start3A_54, %multiple_of3A_30] : memref<16x1000000xf32, #tpu.memory_space<hbm>> -> memref<16x128xf32, #tpu.memory_space<hbm>>
      tpu.enqueue_dma source(%dma_start3A_55 : memref<16x128xf32, #tpu.memory_space<hbm>>) target(%dma_start3A_53 : memref<16x128xf32, #tpu.memory_space<vmem>>) target_semaphore(%arg16 : memref<!tpu.dma_semaphore, #tpu.memory_space<semaphore_mem>>)
      %slice3A_56 = vector.extract_strided_slice %get3A_17 {offsets = [1], sizes = [1], strides = [1]} : vector<16xi32> to vector<1xi32>
      %squeeze3A_57 = vector.extract %slice3A_56[0] : i32 from vector<1xi32>
      %shift_right_logical3A_58 = arith.constant 7 : i32
      %shift_right_logical3A_59 = arith.shrui %squeeze3A_57, %shift_right_logical3A_58 : i32
      %shift_left3A_60 = arith.constant 7 : i32
      %shift_left3A_61 = arith.shli %shift_right_logical3A_59, %shift_left3A_60 : i32
      %multiple_of3A_62 = tpu.assume_multiple %shift_left3A_61, 128 : i32
      %slice3A_63 = vector.extract_strided_slice %get3A_19 {offsets = [1], sizes = [1], strides = [1]} : vector<16xi32> to vector<1xi32>
      %squeeze3A_64 = vector.extract %slice3A_63[0] : i32 from vector<1xi32>
      %shift_right_logical3A_65 = arith.constant 7 : i32
      %shift_right_logical3A_66 = arith.shrui %squeeze3A_64, %shift_right_logical3A_65 : i32
      %shift_left3A_67 = arith.constant 7 : i32
      %shift_left3A_68 = arith.shli %shift_right_logical3A_66, %shift_left3A_67 : i32
      %multiple_of3A_69 = tpu.assume_multiple %shift_left3A_68, 128 : i32
      %dma_start3A_70 = arith.constant 1 : i32
      %dma_start3A_71 = arith.constant 0 : i32
      %dma_start3A_72 = arith.constant 0 : i32
      %dma_start3A_73 = tpu.memref_slice %arg12[%dma_start3A_70, %dma_start3A_71, %dma_start3A_72] : memref<16x16x128xf32, #tpu.memory_space<vmem>> -> memref<1x16x128xf32, #tpu.memory_space<vmem>>
      %dma_start3A_74 = tpu.memref_squeeze %dma_start3A_73 : memref<1x16x128xf32, #tpu.memory_space<vmem>> -> memref<16x128xf32, #tpu.memory_space<vmem>>
      %dma_start3A_75 = arith.constant 0 : i32
      %dma_start3A_76 = tpu.memref_slice %arg6[%dma_start3A_75, %multiple_of3A_62] : memref<16x1000000xf32, #tpu.memory_space<hbm>> -> memref<16x128xf32, #tpu.memory_space<hbm>>
      %dma_start3A_77 = arith.constant 0 : i32
      %dma_start3A_78 = arith.constant 0 : i32
      %dma_start3A_79 = tpu.memref_slice %arg12[%dma_start3A_70, %dma_start3A_77, %dma_start3A_78] : memref<16x16x128xf32, #tpu.memory_space<vmem>> -> memref<1x16x128xf32, #tpu.memory_space<vmem>>
      %dma_start3A_80 = tpu.memref_squeeze %dma_start3A_79 : memref<1x16x128xf32, #tpu.memory_space<vmem>> -> memref<16x128xf32, #tpu.memory_space<vmem>>
      %dma_start3A_81 = arith.constant 0 : i32
      %dma_start3A_82 = tpu.memref_slice %arg6[%dma_start3A_81, %multiple_of3A_62] : memref<16x1000000xf32, #tpu.memory_space<hbm>> -> memref<16x128xf32, #tpu.memory_space<hbm>>
      tpu.enqueue_dma source(%dma_start3A_82 : memref<16x128xf32, #tpu.memory_space<hbm>>) target(%dma_start3A_80 : memref<16x128xf32, #tpu.memory_space<vmem>>) target_semaphore(%arg16 : memref<!tpu.dma_semaphore, #tpu.memory_space<semaphore_mem>>)
      %dma_start3A_83 = arith.constant 1 : i32
      %dma_start3A_84 = arith.constant 0 : i32
      %dma_start3A_85 = arith.constant 0 : i32
      %dma_start3A_86 = tpu.memref_slice %arg13[%dma_start3A_83, %dma_start3A_84, %dma_start3A_85] : memref<16x16x128xf32, #tpu.memory_space<vmem>> -> memref<1x16x128xf32, #tpu.memory_space<vmem>>
      %dma_start3A_87 = tpu.memref_squeeze %dma_start3A_86 : memref<1x16x128xf32, #tpu.memory_space<vmem>> -> memref<16x128xf32, #tpu.memory_space<vmem>>
      %dma_start3A_88 = arith.constant 0 : i32
      %dma_start3A_89 = tpu.memref_slice %arg7[%dma_start3A_88, %multiple_of3A_69] : memref<16x1000000xf32, #tpu.memory_space<hbm>> -> memref<16x128xf32, #tpu.memory_space<hbm>>
      %dma_start3A_90 = arith.constant 0 : i32
      %dma_start3A_91 = arith.constant 0 : i32
      %dma_start3A_92 = tpu.memref_slice %arg13[%dma_start3A_83, %dma_start3A_90, %dma_start3A_91] : memref<16x16x128xf32, #tpu.memory_space<vmem>> -> memref<1x16x128xf32, #tpu.memory_space<vmem>>
      %dma_start3A_93 = tpu.memref_squeeze %dma_start3A_92 : memref<1x16x128xf32, #tpu.memory_space<vmem>> -> memref<16x128xf32, #tpu.memory_space<vmem>>
      %dma_start3A_94 = arith.constant 0 : i32
      %dma_start3A_95 = tpu.memref_slice %arg7[%dma_start3A_94, %multiple_of3A_69] : memref<16x1000000xf32, #tpu.memory_space<hbm>> -> memref<16x128xf32, #tpu.memory_space<hbm>>
      tpu.enqueue_dma source(%dma_start3A_95 : memref<16x128xf32, #tpu.memory_space<hbm>>) target(%dma_start3A_93 : memref<16x128xf32, #tpu.memory_space<vmem>>) target_semaphore(%arg16 : memref<!tpu.dma_semaphore, #tpu.memory_space<semaphore_mem>>)
      %slice3A_96 = vector.extract_strided_slice %get3A_17 {offsets = [2], sizes = [1], strides = [1]} : vector<16xi32> to vector<1xi32>
      %squeeze3A_97 = vector.extract %slice3A_96[0] : i32 from vector<1xi32>
      %shift_right_logical3A_98 = arith.constant 7 : i32
      %shift_right_logical3A_99 = arith.shrui %squeeze3A_97, %shift_right_logical3A_98 : i32
      %shift_left3A_100 = arith.constant 7 : i32
      %shift_left3A_101 = arith.shli %shift_right_logical3A_99, %shift_left3A_100 : i32
      %multiple_of3A_102 = tpu.assume_multiple %shift_left3A_101, 128 : i32
      %slice3A_103 = vector.extract_strided_slice %get3A_19 {offsets = [2], sizes = [1], strides = [1]} : vector<16xi32> to vector<1xi32>
      %squeeze3A_104 = vector.extract %slice3A_103[0] : i32 from vector<1xi32>
      %shift_right_logical3A_105 = arith.constant 7 : i32
      %shift_right_logical3A_106 = arith.shrui %squeeze3A_104, %shift_right_logical3A_105 : i32
      %shift_left3A_107 = arith.constant 7 : i32
      %shift_left3A_108 = arith.shli %shift_right_logical3A_106, %shift_left3A_107 : i32
      %multiple_of3A_109 = tpu.assume_multiple %shift_left3A_108, 128 : i32
      %dma_start3A_110 = arith.constant 2 : i32
      %dma_start3A_111 = arith.constant 0 : i32
      %dma_start3A_112 = arith.constant 0 : i32
      %dma_start3A_113 = tpu.memref_slice %arg12[%dma_start3A_110, %dma_start3A_111, %dma_start3A_112] : memref<16x16x128xf32, #tpu.memory_space<vmem>> -> memref<1x16x128xf32, #tpu.memory_space<vmem>>
      %dma_start3A_114 = tpu.memref_squeeze %dma_start3A_113 : memref<1x16x128xf32, #tpu.memory_space<vmem>> -> memref<16x128xf32, #tpu.memory_space<vmem>>
      %dma_start3A_115 = arith.constant 0 : i32
      %dma_start3A_116 = tpu.memref_slice %arg6[%dma_start3A_115, %multiple_of3A_102] : memref<16x1000000xf32, #tpu.memory_space<hbm>> -> memref<16x128xf32, #tpu.memory_space<hbm>>
      %dma_start3A_117 = arith.constant 0 : i32
      %dma_start3A_118 = arith.constant 0 : i32
      %dma_start3A_119 = tpu.memref_slice %arg12[%dma_start3A_110, %dma_start3A_117, %dma_start3A_118] : memref<16x16x128xf32, #tpu.memory_space<vmem>> -> memref<1x16x128xf32, #tpu.memory_space<vmem>>
      %dma_start3A_120 = tpu.memref_squeeze %dma_start3A_119 : memref<1x16x128xf32, #tpu.memory_space<vmem>> -> memref<16x128xf32, #tpu.memory_space<vmem>>
      %dma_start3A_121 = arith.constant 0 : i32
      %dma_start3A_122 = tpu.memref_slice %arg6[%dma_start3A_121, %multiple_of3A_102] : memref<16x1000000xf32, #tpu.memory_space<hbm>> -> memref<16x128xf32, #tpu.memory_space<hbm>>
      tpu.enqueue_dma source(%dma_start3A_122 : memref<16x128xf32, #tpu.memory_space<hbm>>) target(%dma_start3A_120 : memref<16x128xf32, #tpu.memory_space<vmem>>) target_semaphore(%arg16 : memref<!tpu.dma_semaphore, #tpu.memory_space<semaphore_mem>>)
      %dma_start3A_123 = arith.constant 2 : i32
      %dma_start3A_124 = arith.constant 0 : i32
      %dma_start3A_125 = arith.constant 0 : i32
      %dma_start3A_126 = tpu.memref_slice %arg13[%dma_start3A_123, %dma_start3A_124, %dma_start3A_125] : memref<16x16x128xf32, #tpu.memory_space<vmem>> -> memref<1x16x128xf32, #tpu.memory_space<vmem>>
      %dma_start3A_127 = tpu.memref_squeeze %dma_start3A_126 : memref<1x16x128xf32, #tpu.memory_space<vmem>> -> memref<16x128xf32, #tpu.memory_space<vmem>>
      %dma_start3A_128 = arith.constant 0 : i32
      %dma_start3A_129 = tpu.memref_slice %arg7[%dma_start3A_128, %multiple_of3A_109] : memref<16x1000000xf32, #tpu.memory_space<hbm>> -> memref<16x128xf32, #tpu.memory_space<hbm>>
      %dma_start3A_130 = arith.constant 0 : i32
      %dma_start3A_131 = arith.constant 0 : i32
      %dma_start3A_132 = tpu.memref_slice %arg13[%dma_start3A_123, %dma_start3A_130, %dma_start3A_131] : memref<16x16x128xf32, #tpu.memory_space<vmem>> -> memref<1x16x128xf32, #tpu.memory_space<vmem>>
      %dma_start3A_133 = tpu.memref_squeeze %dma_start3A_132 : memref<1x16x128xf32, #tpu.memory_space<vmem>> -> memref<16x128xf32, #tpu.memory_space<vmem>>
      %dma_start3A_134 = arith.constant 0 : i32
      %dma_start3A_135 = tpu.memref_slice %arg7[%dma_start3A_134, %multiple_of3A_109] : memref<16x1000000xf32, #tpu.memory_space<hbm>> -> memref<16x128xf32, #tpu.memory_space<hbm>>
      tpu.enqueue_dma source(%dma_start3A_135 : memref<16x128xf32, #tpu.memory_space<hbm>>) target(%dma_start3A_133 : memref<16x128xf32, #tpu.memory_space<vmem>>) target_semaphore(%arg16 : memref<!tpu.dma_semaphore, #tpu.memory_space<semaphore_mem>>)
      %slice3A_136 = vector.extract_strided_slice %get3A_17 {offsets = [3], sizes = [1], strides = [1]} : vector<16xi32> to vector<1xi32>
      %squeeze3A_137 = vector.extract %slice3A_136[0] : i32 from vector<1xi32>
      %shift_right_logical3A_138 = arith.constant 7 : i32
      %shift_right_logical3A_139 = arith.shrui %squeeze3A_137, %shift_right_logical3A_138 : i32
      %shift_left3A_140 = arith.constant 7 : i32
      %shift_left3A_141 = arith.shli %shift_right_logical3A_139, %shift_left3A_140 : i32
      %multiple_of3A_142 = tpu.assume_multiple %shift_left3A_141, 128 : i32
      %slice3A_143 = vector.extract_strided_slice %get3A_19 {offsets = [3], sizes = [1], strides = [1]} : vector<16xi32> to vector<1xi32>
      %squeeze3A_144 = vector.extract %slice3A_143[0] : i32 from vector<1xi32>
      %shift_right_logical3A_145 = arith.constant 7 : i32
      %shift_right_logical3A_146 = arith.shrui %squeeze3A_144, %shift_right_logical3A_145 : i32
      %shift_left3A_147 = arith.constant 7 : i32
      %shift_left3A_148 = arith.shli %shift_right_logical3A_146, %shift_left3A_147 : i32
      %multiple_of3A_149 = tpu.assume_multiple %shift_left3A_148, 128 : i32
      %dma_start3A_150 = arith.constant 3 : i32
      %dma_start3A_151 = arith.constant 0 : i32
      %dma_start3A_152 = arith.constant 0 : i32
      %dma_start3A_153 = tpu.memref_slice %arg12[%dma_start3A_150, %dma_start3A_151, %dma_start3A_152] : memref<16x16x128xf32, #tpu.memory_space<vmem>> -> memref<1x16x128xf32, #tpu.memory_space<vmem>>
      %dma_start3A_154 = tpu.memref_squeeze %dma_start3A_153 : memref<1x16x128xf32, #tpu.memory_space<vmem>> -> memref<16x128xf32, #tpu.memory_space<vmem>>
      %dma_start3A_155 = arith.constant 0 : i32
      %dma_start3A_156 = tpu.memref_slice %arg6[%dma_start3A_155, %multiple_of3A_142] : memref<16x1000000xf32, #tpu.memory_space<hbm>> -> memref<16x128xf32, #tpu.memory_space<hbm>>
      %dma_start3A_157 = arith.constant 0 : i32
      %dma_start3A_158 = arith.constant 0 : i32
      %dma_start3A_159 = tpu.memref_slice %arg12[%dma_start3A_150, %dma_start3A_157, %dma_start3A_158] : memref<16x16x128xf32, #tpu.memory_space<vmem>> -> memref<1x16x128xf32, #tpu.memory_space<vmem>>
      %dma_start3A_160 = tpu.memref_squeeze %dma_start3A_159 : memref<1x16x128xf32, #tpu.memory_space<vmem>> -> memref<16x128xf32, #tpu.memory_space<vmem>>
      %dma_start3A_161 = arith.constant 0 : i32
      %dma_start3A_162 = tpu.memref_slice %arg6[%dma_start3A_161, %multiple_of3A_142] : memref<16x1000000xf32, #tpu.memory_space<hbm>> -> memref<16x128xf32, #tpu.memory_space<hbm>>
      tpu.enqueue_dma source(%dma_start3A_162 : memref<16x128xf32, #tpu.memory_space<hbm>>) target(%dma_start3A_160 : memref<16x128xf32, #tpu.memory_space<vmem>>) target_semaphore(%arg16 : memref<!tpu.dma_semaphore, #tpu.memory_space<semaphore_mem>>)
      %dma_start3A_163 = arith.constant 3 : i32
      %dma_start3A_164 = arith.constant 0 : i32
      %dma_start3A_165 = arith.constant 0 : i32
      %dma_start3A_166 = tpu.memref_slice %arg13[%dma_start3A_163, %dma_start3A_164, %dma_start3A_165] : memref<16x16x128xf32, #tpu.memory_space<vmem>> -> memref<1x16x128xf32, #tpu.memory_space<vmem>>
      %dma_start3A_167 = tpu.memref_squeeze %dma_start3A_166 : memref<1x16x128xf32, #tpu.memory_space<vmem>> -> memref<16x128xf32, #tpu.memory_space<vmem>>
      %dma_start3A_168 = arith.constant 0 : i32
      %dma_start3A_169 = tpu.memref_slice %arg7[%dma_start3A_168, %multiple_of3A_149] : memref<16x1000000xf32, #tpu.memory_space<hbm>> -> memref<16x128xf32, #tpu.memory_space<hbm>>
      %dma_start3A_170 = arith.constant 0 : i32
      %dma_start3A_171 = arith.constant 0 : i32
      %dma_start3A_172 = tpu.memref_slice %arg13[%dma_start3A_163, %dma_start3A_170, %dma_start3A_171] : memref<16x16x128xf32, #tpu.memory_space<vmem>> -> memref<1x16x128xf32, #tpu.memory_space<vmem>>
      %dma_start3A_173 = tpu.memref_squeeze %dma_start3A_172 : memref<1x16x128xf32, #tpu.memory_space<vmem>> -> memref<16x128xf32, #tpu.memory_space<vmem>>
      %dma_start3A_174 = arith.constant 0 : i32
      %dma_start3A_175 = tpu.memref_slice %arg7[%dma_start3A_174, %multiple_of3A_149] : memref<16x1000000xf32, #tpu.memory_space<hbm>> -> memref<16x128xf32, #tpu.memory_space<hbm>>
      tpu.enqueue_dma source(%dma_start3A_175 : memref<16x128xf32, #tpu.memory_space<hbm>>) target(%dma_start3A_173 : memref<16x128xf32, #tpu.memory_space<vmem>>) target_semaphore(%arg16 : memref<!tpu.dma_semaphore, #tpu.memory_space<semaphore_mem>>)
      %slice3A_176 = vector.extract_strided_slice %get3A_17 {offsets = [4], sizes = [1], strides = [1]} : vector<16xi32> to vector<1xi32>
      %squeeze3A_177 = vector.extract %slice3A_176[0] : i32 from vector<1xi32>
      %shift_right_logical3A_178 = arith.constant 7 : i32
      %shift_right_logical3A_179 = arith.shrui %squeeze3A_177, %shift_right_logical3A_178 : i32
      %shift_left3A_180 = arith.constant 7 : i32
      %shift_left3A_181 = arith.shli %shift_right_logical3A_179, %shift_left3A_180 : i32
      %multiple_of3A_182 = tpu.assume_multiple %shift_left3A_181, 128 : i32
      %slice3A_183 = vector.extract_strided_slice %get3A_19 {offsets = [4], sizes = [1], strides = [1]} : vector<16xi32> to vector<1xi32>
      %squeeze3A_184 = vector.extract %slice3A_183[0] : i32 from vector<1xi32>
      %shift_right_logical3A_185 = arith.constant 7 : i32
      %shift_right_logical3A_186 = arith.shrui %squeeze3A_184, %shift_right_logical3A_185 : i32
      %shift_left3A_187 = arith.constant 7 : i32
      %shift_left3A_188 = arith.shli %shift_right_logical3A_186, %shift_left3A_187 : i32
      %multiple_of3A_189 = tpu.assume_multiple %shift_left3A_188, 128 : i32
      %dma_start3A_190 = arith.constant 4 : i32
      %dma_start3A_191 = arith.constant 0 : i32
      %dma_start3A_192 = arith.constant 0 : i32
      %dma_start3A_193 = tpu.memref_slice %arg12[%dma_start3A_190, %dma_start3A_191, %dma_start3A_192] : memref<16x16x128xf32, #tpu.memory_space<vmem>> -> memref<1x16x128xf32, #tpu.memory_space<vmem>>
      %dma_start3A_194 = tpu.memref_squeeze %dma_start3A_193 : memref<1x16x128xf32, #tpu.memory_space<vmem>> -> memref<16x128xf32, #tpu.memory_space<vmem>>
      %dma_start3A_195 = arith.constant 0 : i32
      %dma_start3A_196 = tpu.memref_slice %arg6[%dma_start3A_195, %multiple_of3A_182] : memref<16x1000000xf32, #tpu.memory_space<hbm>> -> memref<16x128xf32, #tpu.memory_space<hbm>>
      %dma_start3A_197 = arith.constant 0 : i32
      %dma_start3A_198 = arith.constant 0 : i32
      %dma_start3A_199 = tpu.memref_slice %arg12[%dma_start3A_190, %dma_start3A_197, %dma_start3A_198] : memref<16x16x128xf32, #tpu.memory_space<vmem>> -> memref<1x16x128xf32, #tpu.memory_space<vmem>>
      %dma_start3A_200 = tpu.memref_squeeze %dma_start3A_199 : memref<1x16x128xf32, #tpu.memory_space<vmem>> -> memref<16x128xf32, #tpu.memory_space<vmem>>
      %dma_start3A_201 = arith.constant 0 : i32
      %dma_start3A_202 = tpu.memref_slice %arg6[%dma_start3A_201, %multiple_of3A_182] : memref<16x1000000xf32, #tpu.memory_space<hbm>> -> memref<16x128xf32, #tpu.memory_space<hbm>>
      tpu.enqueue_dma source(%dma_start3A_202 : memref<16x128xf32, #tpu.memory_space<hbm>>) target(%dma_start3A_200 : memref<16x128xf32, #tpu.memory_space<vmem>>) target_semaphore(%arg16 : memref<!tpu.dma_semaphore, #tpu.memory_space<semaphore_mem>>)
      %dma_start3A_203 = arith.constant 4 : i32
      %dma_start3A_204 = arith.constant 0 : i32
      %dma_start3A_205 = arith.constant 0 : i32
      %dma_start3A_206 = tpu.memref_slice %arg13[%dma_start3A_203, %dma_start3A_204, %dma_start3A_205] : memref<16x16x128xf32, #tpu.memory_space<vmem>> -> memref<1x16x128xf32, #tpu.memory_space<vmem>>
      %dma_start3A_207 = tpu.memref_squeeze %dma_start3A_206 : memref<1x16x128xf32, #tpu.memory_space<vmem>> -> memref<16x128xf32, #tpu.memory_space<vmem>>
      %dma_start3A_208 = arith.constant 0 : i32
      %dma_start3A_209 = tpu.memref_slice %arg7[%dma_start3A_208, %multiple_of3A_189] : memref<16x1000000xf32, #tpu.memory_space<hbm>> -> memref<16x128xf32, #tpu.memory_space<hbm>>
      %dma_start3A_210 = arith.constant 0 : i32
      %dma_start3A_211 = arith.constant 0 : i32
      %dma_start3A_212 = tpu.memref_slice %arg13[%dma_start3A_203, %dma_start3A_210, %dma_start3A_211] : memref<16x16x128xf32, #tpu.memory_space<vmem>> -> memref<1x16x128xf32, #tpu.memory_space<vmem>>
      %dma_start3A_213 = tpu.memref_squeeze %dma_start3A_212 : memref<1x16x128xf32, #tpu.memory_space<vmem>> -> memref<16x128xf32, #tpu.memory_space<vmem>>
      %dma_start3A_214 = arith.constant 0 : i32
      %dma_start3A_215 = tpu.memref_slice %arg7[%dma_start3A_214, %multiple_of3A_189] : memref<16x1000000xf32, #tpu.memory_space<hbm>> -> memref<16x128xf32, #tpu.memory_space<hbm>>
      tpu.enqueue_dma source(%dma_start3A_215 : memref<16x128xf32, #tpu.memory_space<hbm>>) target(%dma_start3A_213 : memref<16x128xf32, #tpu.memory_space<vmem>>) target_semaphore(%arg16 : memref<!tpu.dma_semaphore, #tpu.memory_space<semaphore_mem>>)
      %slice3A_216 = vector.extract_strided_slice %get3A_17 {offsets = [5], sizes = [1], strides = [1]} : vector<16xi32> to vector<1xi32>
      %squeeze3A_217 = vector.extract %slice3A_216[0] : i32 from vector<1xi32>
      %shift_right_logical3A_218 = arith.constant 7 : i32
      %shift_right_logical3A_219 = arith.shrui %squeeze3A_217, %shift_right_logical3A_218 : i32
      %shift_left3A_220 = arith.constant 7 : i32
      %shift_left3A_221 = arith.shli %shift_right_logical3A_219, %shift_left3A_220 : i32
      %multiple_of3A_222 = tpu.assume_multiple %shift_left3A_221, 128 : i32
      %slice3A_223 = vector.extract_strided_slice %get3A_19 {offsets = [5], sizes = [1], strides = [1]} : vector<16xi32> to vector<1xi32>
      %squeeze3A_224 = vector.extract %slice3A_223[0] : i32 from vector<1xi32>
      %shift_right_logical3A_225 = arith.constant 7 : i32
      %shift_right_logical3A_226 = arith.shrui %squeeze3A_224, %shift_right_logical3A_225 : i32
      %shift_left3A_227 = arith.constant 7 : i32
      %shift_left3A_228 = arith.shli %shift_right_logical3A_226, %shift_left3A_227 : i32
      %multiple_of3A_229 = tpu.assume_multiple %shift_left3A_228, 128 : i32
      %dma_start3A_230 = arith.constant 5 : i32
      %dma_start3A_231 = arith.constant 0 : i32
      %dma_start3A_232 = arith.constant 0 : i32
      %dma_start3A_233 = tpu.memref_slice %arg12[%dma_start3A_230, %dma_start3A_231, %dma_start3A_232] : memref<16x16x128xf32, #tpu.memory_space<vmem>> -> memref<1x16x128xf32, #tpu.memory_space<vmem>>
      %dma_start3A_234 = tpu.memref_squeeze %dma_start3A_233 : memref<1x16x128xf32, #tpu.memory_space<vmem>> -> memref<16x128xf32, #tpu.memory_space<vmem>>
      %dma_start3A_235 = arith.constant 0 : i32
      %dma_start3A_236 = tpu.memref_slice %arg6[%dma_start3A_235, %multiple_of3A_222] : memref<16x1000000xf32, #tpu.memory_space<hbm>> -> memref<16x128xf32, #tpu.memory_space<hbm>>
      %dma_start3A_237 = arith.constant 0 : i32
      %dma_start3A_238 = arith.constant 0 : i32
      %dma_start3A_239 = tpu.memref_slice %arg12[%dma_start3A_230, %dma_start3A_237, %dma_start3A_238] : memref<16x16x128xf32, #tpu.memory_space<vmem>> -> memref<1x16x128xf32, #tpu.memory_space<vmem>>
      %dma_start3A_240 = tpu.memref_squeeze %dma_start3A_239 : memref<1x16x128xf32, #tpu.memory_space<vmem>> -> memref<16x128xf32, #tpu.memory_space<vmem>>
      %dma_start3A_241 = arith.constant 0 : i32
      %dma_start3A_242 = tpu.memref_slice %arg6[%dma_start3A_241, %multiple_of3A_222] : memref<16x1000000xf32, #tpu.memory_space<hbm>> -> memref<16x128xf32, #tpu.memory_space<hbm>>
      tpu.enqueue_dma source(%dma_start3A_242 : memref<16x128xf32, #tpu.memory_space<hbm>>) target(%dma_start3A_240 : memref<16x128xf32, #tpu.memory_space<vmem>>) target_semaphore(%arg16 : memref<!tpu.dma_semaphore, #tpu.memory_space<semaphore_mem>>)
      %dma_start3A_243 = arith.constant 5 : i32
      %dma_start3A_244 = arith.constant 0 : i32
      %dma_start3A_245 = arith.constant 0 : i32
      %dma_start3A_246 = tpu.memref_slice %arg13[%dma_start3A_243, %dma_start3A_244, %dma_start3A_245] : memref<16x16x128xf32, #tpu.memory_space<vmem>> -> memref<1x16x128xf32, #tpu.memory_space<vmem>>
      %dma_start3A_247 = tpu.memref_squeeze %dma_start3A_246 : memref<1x16x128xf32, #tpu.memory_space<vmem>> -> memref<16x128xf32, #tpu.memory_space<vmem>>
      %dma_start3A_248 = arith.constant 0 : i32
      %dma_start3A_249 = tpu.memref_slice %arg7[%dma_start3A_248, %multiple_of3A_229] : memref<16x1000000xf32, #tpu.memory_space<hbm>> -> memref<16x128xf32, #tpu.memory_space<hbm>>
      %dma_start3A_250 = arith.constant 0 : i32
      %dma_start3A_251 = arith.constant 0 : i32
      %dma_start3A_252 = tpu.memref_slice %arg13[%dma_start3A_243, %dma_start3A_250, %dma_start3A_251] : memref<16x16x128xf32, #tpu.memory_space<vmem>> -> memref<1x16x128xf32, #tpu.memory_space<vmem>>
      %dma_start3A_253 = tpu.memref_squeeze %dma_start3A_252 : memref<1x16x128xf32, #tpu.memory_space<vmem>> -> memref<16x128xf32, #tpu.memory_space<vmem>>
      %dma_start3A_254 = arith.constant 0 : i32
      %dma_start3A_255 = tpu.memref_slice %arg7[%dma_start3A_254, %multiple_of3A_229] : memref<16x1000000xf32, #tpu.memory_space<hbm>> -> memref<16x128xf32, #tpu.memory_space<hbm>>
      tpu.enqueue_dma source(%dma_start3A_255 : memref<16x128xf32, #tpu.memory_space<hbm>>) target(%dma_start3A_253 : memref<16x128xf32, #tpu.memory_space<vmem>>) target_semaphore(%arg16 : memref<!tpu.dma_semaphore, #tpu.memory_space<semaphore_mem>>)
      %slice3A_256 = vector.extract_strided_slice %get3A_17 {offsets = [6], sizes = [1], strides = [1]} : vector<16xi32> to vector<1xi32>
      %squeeze3A_257 = vector.extract %slice3A_256[0] : i32 from vector<1xi32>
      %shift_right_logical3A_258 = arith.constant 7 : i32
      %shift_right_logical3A_259 = arith.shrui %squeeze3A_257, %shift_right_logical3A_258 : i32
      %shift_left3A_260 = arith.constant 7 : i32
      %shift_left3A_261 = arith.shli %shift_right_logical3A_259, %shift_left3A_260 : i32
      %multiple_of3A_262 = tpu.assume_multiple %shift_left3A_261, 128 : i32
      %slice3A_263 = vector.extract_strided_slice %get3A_19 {offsets = [6], sizes = [1], strides = [1]} : vector<16xi32> to vector<1xi32>
      %squeeze3A_264 = vector.extract %slice3A_263[0] : i32 from vector<1xi32>
      %shift_right_logical3A_265 = arith.constant 7 : i32
      %shift_right_logical3A_266 = arith.shrui %squeeze3A_264, %shift_right_logical3A_265 : i32
      %shift_left3A_267 = arith.constant 7 : i32
      %shift_left3A_268 = arith.shli %shift_right_logical3A_266, %shift_left3A_267 : i32
      %multiple_of3A_269 = tpu.assume_multiple %shift_left3A_268, 128 : i32
      %dma_start3A_270 = arith.constant 6 : i32
      %dma_start3A_271 = arith.constant 0 : i32
      %dma_start3A_272 = arith.constant 0 : i32
      %dma_start3A_273 = tpu.memref_slice %arg12[%dma_start3A_270, %dma_start3A_271, %dma_start3A_272] : memref<16x16x128xf32, #tpu.memory_space<vmem>> -> memref<1x16x128xf32, #tpu.memory_space<vmem>>
      %dma_start3A_274 = tpu.memref_squeeze %dma_start3A_273 : memref<1x16x128xf32, #tpu.memory_space<vmem>> -> memref<16x128xf32, #tpu.memory_space<vmem>>
      %dma_start3A_275 = arith.constant 0 : i32
      %dma_start3A_276 = tpu.memref_slice %arg6[%dma_start3A_275, %multiple_of3A_262] : memref<16x1000000xf32, #tpu.memory_space<hbm>> -> memref<16x128xf32, #tpu.memory_space<hbm>>
      %dma_start3A_277 = arith.constant 0 : i32
      %dma_start3A_278 = arith.constant 0 : i32
      %dma_start3A_279 = tpu.memref_slice %arg12[%dma_start3A_270, %dma_start3A_277, %dma_start3A_278] : memref<16x16x128xf32, #tpu.memory_space<vmem>> -> memref<1x16x128xf32, #tpu.memory_space<vmem>>
      %dma_start3A_280 = tpu.memref_squeeze %dma_start3A_279 : memref<1x16x128xf32, #tpu.memory_space<vmem>> -> memref<16x128xf32, #tpu.memory_space<vmem>>
      %dma_start3A_281 = arith.constant 0 : i32
      %dma_start3A_282 = tpu.memref_slice %arg6[%dma_start3A_281, %multiple_of3A_262] : memref<16x1000000xf32, #tpu.memory_space<hbm>> -> memref<16x128xf32, #tpu.memory_space<hbm>>
      tpu.enqueue_dma source(%dma_start3A_282 : memref<16x128xf32, #tpu.memory_space<hbm>>) target(%dma_start3A_280 : memref<16x128xf32, #tpu.memory_space<vmem>>) target_semaphore(%arg16 : memref<!tpu.dma_semaphore, #tpu.memory_space<semaphore_mem>>)
      %dma_start3A_283 = arith.constant 6 : i32
      %dma_start3A_284 = arith.constant 0 : i32
      %dma_start3A_285 = arith.constant 0 : i32
      %dma_start3A_286 = tpu.memref_slice %arg13[%dma_start3A_283, %dma_start3A_284, %dma_start3A_285] : memref<16x16x128xf32, #tpu.memory_space<vmem>> -> memref<1x16x128xf32, #tpu.memory_space<vmem>>
      %dma_start3A_287 = tpu.memref_squeeze %dma_start3A_286 : memref<1x16x128xf32, #tpu.memory_space<vmem>> -> memref<16x128xf32, #tpu.memory_space<vmem>>
      %dma_start3A_288 = arith.constant 0 : i32
      %dma_start3A_289 = tpu.memref_slice %arg7[%dma_start3A_288, %multiple_of3A_269] : memref<16x1000000xf32, #tpu.memory_space<hbm>> -> memref<16x128xf32, #tpu.memory_space<hbm>>
      %dma_start3A_290 = arith.constant 0 : i32
      %dma_start3A_291 = arith.constant 0 : i32
      %dma_start3A_292 = tpu.memref_slice %arg13[%dma_start3A_283, %dma_start3A_290, %dma_start3A_291] : memref<16x16x128xf32, #tpu.memory_space<vmem>> -> memref<1x16x128xf32, #tpu.memory_space<vmem>>
      %dma_start3A_293 = tpu.memref_squeeze %dma_start3A_292 : memref<1x16x128xf32, #tpu.memory_space<vmem>> -> memref<16x128xf32, #tpu.memory_space<vmem>>
      %dma_start3A_294 = arith.constant 0 : i32
      %dma_start3A_295 = tpu.memref_slice %arg7[%dma_start3A_294, %multiple_of3A_269] : memref<16x1000000xf32, #tpu.memory_space<hbm>> -> memref<16x128xf32, #tpu.memory_space<hbm>>
      tpu.enqueue_dma source(%dma_start3A_295 : memref<16x128xf32, #tpu.memory_space<hbm>>) target(%dma_start3A_293 : memref<16x128xf32, #tpu.memory_space<vmem>>) target_semaphore(%arg16 : memref<!tpu.dma_semaphore, #tpu.memory_space<semaphore_mem>>)
      %slice3A_296 = vector.extract_strided_slice %get3A_17 {offsets = [7], sizes = [1], strides = [1]} : vector<16xi32> to vector<1xi32>
      %squeeze3A_297 = vector.extract %slice3A_296[0] : i32 from vector<1xi32>
      %shift_right_logical3A_298 = arith.constant 7 : i32
      %shift_right_logical3A_299 = arith.shrui %squeeze3A_297, %shift_right_logical3A_298 : i32
      %shift_left3A_300 = arith.constant 7 : i32
      %shift_left3A_301 = arith.shli %shift_right_logical3A_299, %shift_left3A_300 : i32
      %multiple_of3A_302 = tpu.assume_multiple %shift_left3A_301, 128 : i32
      %slice3A_303 = vector.extract_strided_slice %get3A_19 {offsets = [7], sizes = [1], strides = [1]} : vector<16xi32> to vector<1xi32>
      %squeeze3A_304 = vector.extract %slice3A_303[0] : i32 from vector<1xi32>
      %shift_right_logical3A_305 = arith.constant 7 : i32
      %shift_right_logical3A_306 = arith.shrui %squeeze3A_304, %shift_right_logical3A_305 : i32
      %shift_left3A_307 = arith.constant 7 : i32
      %shift_left3A_308 = arith.shli %shift_right_logical3A_306, %shift_left3A_307 : i32
      %multiple_of3A_309 = tpu.assume_multiple %shift_left3A_308, 128 : i32
      %dma_start3A_310 = arith.constant 7 : i32
      %dma_start3A_311 = arith.constant 0 : i32
      %dma_start3A_312 = arith.constant 0 : i32
      %dma_start3A_313 = tpu.memref_slice %arg12[%dma_start3A_310, %dma_start3A_311, %dma_start3A_312] : memref<16x16x128xf32, #tpu.memory_space<vmem>> -> memref<1x16x128xf32, #tpu.memory_space<vmem>>
      %dma_start3A_314 = tpu.memref_squeeze %dma_start3A_313 : memref<1x16x128xf32, #tpu.memory_space<vmem>> -> memref<16x128xf32, #tpu.memory_space<vmem>>
      %dma_start3A_315 = arith.constant 0 : i32
      %dma_start3A_316 = tpu.memref_slice %arg6[%dma_start3A_315, %multiple_of3A_302] : memref<16x1000000xf32, #tpu.memory_space<hbm>> -> memref<16x128xf32, #tpu.memory_space<hbm>>
      %dma_start3A_317 = arith.constant 0 : i32
      %dma_start3A_318 = arith.constant 0 : i32
      %dma_start3A_319 = tpu.memref_slice %arg12[%dma_start3A_310, %dma_start3A_317, %dma_start3A_318] : memref<16x16x128xf32, #tpu.memory_space<vmem>> -> memref<1x16x128xf32, #tpu.memory_space<vmem>>
      %dma_start3A_320 = tpu.memref_squeeze %dma_start3A_319 : memref<1x16x128xf32, #tpu.memory_space<vmem>> -> memref<16x128xf32, #tpu.memory_space<vmem>>
      %dma_start3A_321 = arith.constant 0 : i32
      %dma_start3A_322 = tpu.memref_slice %arg6[%dma_start3A_321, %multiple_of3A_302] : memref<16x1000000xf32, #tpu.memory_space<hbm>> -> memref<16x128xf32, #tpu.memory_space<hbm>>
      tpu.enqueue_dma source(%dma_start3A_322 : memref<16x128xf32, #tpu.memory_space<hbm>>) target(%dma_start3A_320 : memref<16x128xf32, #tpu.memory_space<vmem>>) target_semaphore(%arg16 : memref<!tpu.dma_semaphore, #tpu.memory_space<semaphore_mem>>)
      %dma_start3A_323 = arith.constant 7 : i32
      %dma_start3A_324 = arith.constant 0 : i32
      %dma_start3A_325 = arith.constant 0 : i32
      %dma_start3A_326 = tpu.memref_slice %arg13[%dma_start3A_323, %dma_start3A_324, %dma_start3A_325] : memref<16x16x128xf32, #tpu.memory_space<vmem>> -> memref<1x16x128xf32, #tpu.memory_space<vmem>>
      %dma_start3A_327 = tpu.memref_squeeze %dma_start3A_326 : memref<1x16x128xf32, #tpu.memory_space<vmem>> -> memref<16x128xf32, #tpu.memory_space<vmem>>
      %dma_start3A_328 = arith.constant 0 : i32
      %dma_start3A_329 = tpu.memref_slice %arg7[%dma_start3A_328, %multiple_of3A_309] : memref<16x1000000xf32, #tpu.memory_space<hbm>> -> memref<16x128xf32, #tpu.memory_space<hbm>>
      %dma_start3A_330 = arith.constant 0 : i32
      %dma_start3A_331 = arith.constant 0 : i32
      %dma_start3A_332 = tpu.memref_slice %arg13[%dma_start3A_323, %dma_start3A_330, %dma_start3A_331] : memref<16x16x128xf32, #tpu.memory_space<vmem>> -> memref<1x16x128xf32, #tpu.memory_space<vmem>>
      %dma_start3A_333 = tpu.memref_squeeze %dma_start3A_332 : memref<1x16x128xf32, #tpu.memory_space<vmem>> -> memref<16x128xf32, #tpu.memory_space<vmem>>
      %dma_start3A_334 = arith.constant 0 : i32
      %dma_start3A_335 = tpu.memref_slice %arg7[%dma_start3A_334, %multiple_of3A_309] : memref<16x1000000xf32, #tpu.memory_space<hbm>> -> memref<16x128xf32, #tpu.memory_space<hbm>>
      tpu.enqueue_dma source(%dma_start3A_335 : memref<16x128xf32, #tpu.memory_space<hbm>>) target(%dma_start3A_333 : memref<16x128xf32, #tpu.memory_space<vmem>>) target_semaphore(%arg16 : memref<!tpu.dma_semaphore, #tpu.memory_space<semaphore_mem>>)
      %slice3A_336 = vector.extract_strided_slice %get3A_17 {offsets = [8], sizes = [1], strides = [1]} : vector<16xi32> to vector<1xi32>
      %squeeze3A_337 = vector.extract %slice3A_336[0] : i32 from vector<1xi32>
      %shift_right_logical3A_338 = arith.constant 7 : i32
      %shift_right_logical3A_339 = arith.shrui %squeeze3A_337, %shift_right_logical3A_338 : i32
      %shift_left3A_340 = arith.constant 7 : i32
      %shift_left3A_341 = arith.shli %shift_right_logical3A_339, %shift_left3A_340 : i32
      %multiple_of3A_342 = tpu.assume_multiple %shift_left3A_341, 128 : i32
      %slice3A_343 = vector.extract_strided_slice %get3A_19 {offsets = [8], sizes = [1], strides = [1]} : vector<16xi32> to vector<1xi32>
      %squeeze3A_344 = vector.extract %slice3A_343[0] : i32 from vector<1xi32>
      %shift_right_logical3A_345 = arith.constant 7 : i32
      %shift_right_logical3A_346 = arith.shrui %squeeze3A_344, %shift_right_logical3A_345 : i32
      %shift_left3A_347 = arith.constant 7 : i32
      %shift_left3A_348 = arith.shli %shift_right_logical3A_346, %shift_left3A_347 : i32
      %multiple_of3A_349 = tpu.assume_multiple %shift_left3A_348, 128 : i32
      %dma_start3A_350 = arith.constant 8 : i32
      %dma_start3A_351 = arith.constant 0 : i32
      %dma_start3A_352 = arith.constant 0 : i32
      %dma_start3A_353 = tpu.memref_slice %arg12[%dma_start3A_350, %dma_start3A_351, %dma_start3A_352] : memref<16x16x128xf32, #tpu.memory_space<vmem>> -> memref<1x16x128xf32, #tpu.memory_space<vmem>>
      %dma_start3A_354 = tpu.memref_squeeze %dma_start3A_353 : memref<1x16x128xf32, #tpu.memory_space<vmem>> -> memref<16x128xf32, #tpu.memory_space<vmem>>
      %dma_start3A_355 = arith.constant 0 : i32
      %dma_start3A_356 = tpu.memref_slice %arg6[%dma_start3A_355, %multiple_of3A_342] : memref<16x1000000xf32, #tpu.memory_space<hbm>> -> memref<16x128xf32, #tpu.memory_space<hbm>>
      %dma_start3A_357 = arith.constant 0 : i32
      %dma_start3A_358 = arith.constant 0 : i32
      %dma_start3A_359 = tpu.memref_slice %arg12[%dma_start3A_350, %dma_start3A_357, %dma_start3A_358] : memref<16x16x128xf32, #tpu.memory_space<vmem>> -> memref<1x16x128xf32, #tpu.memory_space<vmem>>
      %dma_start3A_360 = tpu.memref_squeeze %dma_start3A_359 : memref<1x16x128xf32, #tpu.memory_space<vmem>> -> memref<16x128xf32, #tpu.memory_space<vmem>>
      %dma_start3A_361 = arith.constant 0 : i32
      %dma_start3A_362 = tpu.memref_slice %arg6[%dma_start3A_361, %multiple_of3A_342] : memref<16x1000000xf32, #tpu.memory_space<hbm>> -> memref<16x128xf32, #tpu.memory_space<hbm>>
      tpu.enqueue_dma source(%dma_start3A_362 : memref<16x128xf32, #tpu.memory_space<hbm>>) target(%dma_start3A_360 : memref<16x128xf32, #tpu.memory_space<vmem>>) target_semaphore(%arg16 : memref<!tpu.dma_semaphore, #tpu.memory_space<semaphore_mem>>)
      %dma_start3A_363 = arith.constant 8 : i32
      %dma_start3A_364 = arith.constant 0 : i32
      %dma_start3A_365 = arith.constant 0 : i32
      %dma_start3A_366 = tpu.memref_slice %arg13[%dma_start3A_363, %dma_start3A_364, %dma_start3A_365] : memref<16x16x128xf32, #tpu.memory_space<vmem>> -> memref<1x16x128xf32, #tpu.memory_space<vmem>>
      %dma_start3A_367 = tpu.memref_squeeze %dma_start3A_366 : memref<1x16x128xf32, #tpu.memory_space<vmem>> -> memref<16x128xf32, #tpu.memory_space<vmem>>
      %dma_start3A_368 = arith.constant 0 : i32
      %dma_start3A_369 = tpu.memref_slice %arg7[%dma_start3A_368, %multiple_of3A_349] : memref<16x1000000xf32, #tpu.memory_space<hbm>> -> memref<16x128xf32, #tpu.memory_space<hbm>>
      %dma_start3A_370 = arith.constant 0 : i32
      %dma_start3A_371 = arith.constant 0 : i32
      %dma_start3A_372 = tpu.memref_slice %arg13[%dma_start3A_363, %dma_start3A_370, %dma_start3A_371] : memref<16x16x128xf32, #tpu.memory_space<vmem>> -> memref<1x16x128xf32, #tpu.memory_space<vmem>>
      %dma_start3A_373 = tpu.memref_squeeze %dma_start3A_372 : memref<1x16x128xf32, #tpu.memory_space<vmem>> -> memref<16x128xf32, #tpu.memory_space<vmem>>
      %dma_start3A_374 = arith.constant 0 : i32
      %dma_start3A_375 = tpu.memref_slice %arg7[%dma_start3A_374, %multiple_of3A_349] : memref<16x1000000xf32, #tpu.memory_space<hbm>> -> memref<16x128xf32, #tpu.memory_space<hbm>>
      tpu.enqueue_dma source(%dma_start3A_375 : memref<16x128xf32, #tpu.memory_space<hbm>>) target(%dma_start3A_373 : memref<16x128xf32, #tpu.memory_space<vmem>>) target_semaphore(%arg16 : memref<!tpu.dma_semaphore, #tpu.memory_space<semaphore_mem>>)
      %slice3A_376 = vector.extract_strided_slice %get3A_17 {offsets = [9], sizes = [1], strides = [1]} : vector<16xi32> to vector<1xi32>
      %squeeze3A_377 = vector.extract %slice3A_376[0] : i32 from vector<1xi32>
      %shift_right_logical3A_378 = arith.constant 7 : i32
      %shift_right_logical3A_379 = arith.shrui %squeeze3A_377, %shift_right_logical3A_378 : i32
      %shift_left3A_380 = arith.constant 7 : i32
      %shift_left3A_381 = arith.shli %shift_right_logical3A_379, %shift_left3A_380 : i32
      %multiple_of3A_382 = tpu.assume_multiple %shift_left3A_381, 128 : i32
      %slice3A_383 = vector.extract_strided_slice %get3A_19 {offsets = [9], sizes = [1], strides = [1]} : vector<16xi32> to vector<1xi32>
      %squeeze3A_384 = vector.extract %slice3A_383[0] : i32 from vector<1xi32>
      %shift_right_logical3A_385 = arith.constant 7 : i32
      %shift_right_logical3A_386 = arith.shrui %squeeze3A_384, %shift_right_logical3A_385 : i32
      %shift_left3A_387 = arith.constant 7 : i32
      %shift_left3A_388 = arith.shli %shift_right_logical3A_386, %shift_left3A_387 : i32
      %multiple_of3A_389 = tpu.assume_multiple %shift_left3A_388, 128 : i32
      %dma_start3A_390 = arith.constant 9 : i32
      %dma_start3A_391 = arith.constant 0 : i32
      %dma_start3A_392 = arith.constant 0 : i32
      %dma_start3A_393 = tpu.memref_slice %arg12[%dma_start3A_390, %dma_start3A_391, %dma_start3A_392] : memref<16x16x128xf32, #tpu.memory_space<vmem>> -> memref<1x16x128xf32, #tpu.memory_space<vmem>>
      %dma_start3A_394 = tpu.memref_squeeze %dma_start3A_393 : memref<1x16x128xf32, #tpu.memory_space<vmem>> -> memref<16x128xf32, #tpu.memory_space<vmem>>
      %dma_start3A_395 = arith.constant 0 : i32
      %dma_start3A_396 = tpu.memref_slice %arg6[%dma_start3A_395, %multiple_of3A_382] : memref<16x1000000xf32, #tpu.memory_space<hbm>> -> memref<16x128xf32, #tpu.memory_space<hbm>>
      %dma_start3A_397 = arith.constant 0 : i32
      %dma_start3A_398 = arith.constant 0 : i32
      %dma_start3A_399 = tpu.memref_slice %arg12[%dma_start3A_390, %dma_start3A_397, %dma_start3A_398] : memref<16x16x128xf32, #tpu.memory_space<vmem>> -> memref<1x16x128xf32, #tpu.memory_space<vmem>>
      %dma_start3A_400 = tpu.memref_squeeze %dma_start3A_399 : memref<1x16x128xf32, #tpu.memory_space<vmem>> -> memref<16x128xf32, #tpu.memory_space<vmem>>
      %dma_start3A_401 = arith.constant 0 : i32
      %dma_start3A_402 = tpu.memref_slice %arg6[%dma_start3A_401, %multiple_of3A_382] : memref<16x1000000xf32, #tpu.memory_space<hbm>> -> memref<16x128xf32, #tpu.memory_space<hbm>>
      tpu.enqueue_dma source(%dma_start3A_402 : memref<16x128xf32, #tpu.memory_space<hbm>>) target(%dma_start3A_400 : memref<16x128xf32, #tpu.memory_space<vmem>>) target_semaphore(%arg16 : memref<!tpu.dma_semaphore, #tpu.memory_space<semaphore_mem>>)
      %dma_start3A_403 = arith.constant 9 : i32
      %dma_start3A_404 = arith.constant 0 : i32
      %dma_start3A_405 = arith.constant 0 : i32
      %dma_start3A_406 = tpu.memref_slice %arg13[%dma_start3A_403, %dma_start3A_404, %dma_start3A_405] : memref<16x16x128xf32, #tpu.memory_space<vmem>> -> memref<1x16x128xf32, #tpu.memory_space<vmem>>
      %dma_start3A_407 = tpu.memref_squeeze %dma_start3A_406 : memref<1x16x128xf32, #tpu.memory_space<vmem>> -> memref<16x128xf32, #tpu.memory_space<vmem>>
      %dma_start3A_408 = arith.constant 0 : i32
      %dma_start3A_409 = tpu.memref_slice %arg7[%dma_start3A_408, %multiple_of3A_389] : memref<16x1000000xf32, #tpu.memory_space<hbm>> -> memref<16x128xf32, #tpu.memory_space<hbm>>
      %dma_start3A_410 = arith.constant 0 : i32
      %dma_start3A_411 = arith.constant 0 : i32
      %dma_start3A_412 = tpu.memref_slice %arg13[%dma_start3A_403, %dma_start3A_410, %dma_start3A_411] : memref<16x16x128xf32, #tpu.memory_space<vmem>> -> memref<1x16x128xf32, #tpu.memory_space<vmem>>
      %dma_start3A_413 = tpu.memref_squeeze %dma_start3A_412 : memref<1x16x128xf32, #tpu.memory_space<vmem>> -> memref<16x128xf32, #tpu.memory_space<vmem>>
      %dma_start3A_414 = arith.constant 0 : i32
      %dma_start3A_415 = tpu.memref_slice %arg7[%dma_start3A_414, %multiple_of3A_389] : memref<16x1000000xf32, #tpu.memory_space<hbm>> -> memref<16x128xf32, #tpu.memory_space<hbm>>
      tpu.enqueue_dma source(%dma_start3A_415 : memref<16x128xf32, #tpu.memory_space<hbm>>) target(%dma_start3A_413 : memref<16x128xf32, #tpu.memory_space<vmem>>) target_semaphore(%arg16 : memref<!tpu.dma_semaphore, #tpu.memory_space<semaphore_mem>>)
      %slice3A_416 = vector.extract_strided_slice %get3A_17 {offsets = [10], sizes = [1], strides = [1]} : vector<16xi32> to vector<1xi32>
      %squeeze3A_417 = vector.extract %slice3A_416[0] : i32 from vector<1xi32>
      %shift_right_logical3A_418 = arith.constant 7 : i32
      %shift_right_logical3A_419 = arith.shrui %squeeze3A_417, %shift_right_logical3A_418 : i32
      %shift_left3A_420 = arith.constant 7 : i32
      %shift_left3A_421 = arith.shli %shift_right_logical3A_419, %shift_left3A_420 : i32
      %multiple_of3A_422 = tpu.assume_multiple %shift_left3A_421, 128 : i32
      %slice3A_423 = vector.extract_strided_slice %get3A_19 {offsets = [10], sizes = [1], strides = [1]} : vector<16xi32> to vector<1xi32>
      %squeeze3A_424 = vector.extract %slice3A_423[0] : i32 from vector<1xi32>
      %shift_right_logical3A_425 = arith.constant 7 : i32
      %shift_right_logical3A_426 = arith.shrui %squeeze3A_424, %shift_right_logical3A_425 : i32
      %shift_left3A_427 = arith.constant 7 : i32
      %shift_left3A_428 = arith.shli %shift_right_logical3A_426, %shift_left3A_427 : i32
      %multiple_of3A_429 = tpu.assume_multiple %shift_left3A_428, 128 : i32
      %dma_start3A_430 = arith.constant 10 : i32
      %dma_start3A_431 = arith.constant 0 : i32
      %dma_start3A_432 = arith.constant 0 : i32
      %dma_start3A_433 = tpu.memref_slice %arg12[%dma_start3A_430, %dma_start3A_431, %dma_start3A_432] : memref<16x16x128xf32, #tpu.memory_space<vmem>> -> memref<1x16x128xf32, #tpu.memory_space<vmem>>
      %dma_start3A_434 = tpu.memref_squeeze %dma_start3A_433 : memref<1x16x128xf32, #tpu.memory_space<vmem>> -> memref<16x128xf32, #tpu.memory_space<vmem>>
      %dma_start3A_435 = arith.constant 0 : i32
      %dma_start3A_436 = tpu.memref_slice %arg6[%dma_start3A_435, %multiple_of3A_422] : memref<16x1000000xf32, #tpu.memory_space<hbm>> -> memref<16x128xf32, #tpu.memory_space<hbm>>
      %dma_start3A_437 = arith.constant 0 : i32
      %dma_start3A_438 = arith.constant 0 : i32
      %dma_start3A_439 = tpu.memref_slice %arg12[%dma_start3A_430, %dma_start3A_437, %dma_start3A_438] : memref<16x16x128xf32, #tpu.memory_space<vmem>> -> memref<1x16x128xf32, #tpu.memory_space<vmem>>
      %dma_start3A_440 = tpu.memref_squeeze %dma_start3A_439 : memref<1x16x128xf32, #tpu.memory_space<vmem>> -> memref<16x128xf32, #tpu.memory_space<vmem>>
      %dma_start3A_441 = arith.constant 0 : i32
      %dma_start3A_442 = tpu.memref_slice %arg6[%dma_start3A_441, %multiple_of3A_422] : memref<16x1000000xf32, #tpu.memory_space<hbm>> -> memref<16x128xf32, #tpu.memory_space<hbm>>
      tpu.enqueue_dma source(%dma_start3A_442 : memref<16x128xf32, #tpu.memory_space<hbm>>) target(%dma_start3A_440 : memref<16x128xf32, #tpu.memory_space<vmem>>) target_semaphore(%arg16 : memref<!tpu.dma_semaphore, #tpu.memory_space<semaphore_mem>>)
      %dma_start3A_443 = arith.constant 10 : i32
      %dma_start3A_444 = arith.constant 0 : i32
      %dma_start3A_445 = arith.constant 0 : i32
      %dma_start3A_446 = tpu.memref_slice %arg13[%dma_start3A_443, %dma_start3A_444, %dma_start3A_445] : memref<16x16x128xf32, #tpu.memory_space<vmem>> -> memref<1x16x128xf32, #tpu.memory_space<vmem>>
      %dma_start3A_447 = tpu.memref_squeeze %dma_start3A_446 : memref<1x16x128xf32, #tpu.memory_space<vmem>> -> memref<16x128xf32, #tpu.memory_space<vmem>>
      %dma_start3A_448 = arith.constant 0 : i32
      %dma_start3A_449 = tpu.memref_slice %arg7[%dma_start3A_448, %multiple_of3A_429] : memref<16x1000000xf32, #tpu.memory_space<hbm>> -> memref<16x128xf32, #tpu.memory_space<hbm>>
      %dma_start3A_450 = arith.constant 0 : i32
      %dma_start3A_451 = arith.constant 0 : i32
      %dma_start3A_452 = tpu.memref_slice %arg13[%dma_start3A_443, %dma_start3A_450, %dma_start3A_451] : memref<16x16x128xf32, #tpu.memory_space<vmem>> -> memref<1x16x128xf32, #tpu.memory_space<vmem>>
      %dma_start3A_453 = tpu.memref_squeeze %dma_start3A_452 : memref<1x16x128xf32, #tpu.memory_space<vmem>> -> memref<16x128xf32, #tpu.memory_space<vmem>>
      %dma_start3A_454 = arith.constant 0 : i32
      %dma_start3A_455 = tpu.memref_slice %arg7[%dma_start3A_454, %multiple_of3A_429] : memref<16x1000000xf32, #tpu.memory_space<hbm>> -> memref<16x128xf32, #tpu.memory_space<hbm>>
      tpu.enqueue_dma source(%dma_start3A_455 : memref<16x128xf32, #tpu.memory_space<hbm>>) target(%dma_start3A_453 : memref<16x128xf32, #tpu.memory_space<vmem>>) target_semaphore(%arg16 : memref<!tpu.dma_semaphore, #tpu.memory_space<semaphore_mem>>)
      %slice3A_456 = vector.extract_strided_slice %get3A_17 {offsets = [11], sizes = [1], strides = [1]} : vector<16xi32> to vector<1xi32>
      %squeeze3A_457 = vector.extract %slice3A_456[0] : i32 from vector<1xi32>
      %shift_right_logical3A_458 = arith.constant 7 : i32
      %shift_right_logical3A_459 = arith.shrui %squeeze3A_457, %shift_right_logical3A_458 : i32
      %shift_left3A_460 = arith.constant 7 : i32
      %shift_left3A_461 = arith.shli %shift_right_logical3A_459, %shift_left3A_460 : i32
      %multiple_of3A_462 = tpu.assume_multiple %shift_left3A_461, 128 : i32
      %slice3A_463 = vector.extract_strided_slice %get3A_19 {offsets = [11], sizes = [1], strides = [1]} : vector<16xi32> to vector<1xi32>
      %squeeze3A_464 = vector.extract %slice3A_463[0] : i32 from vector<1xi32>
      %shift_right_logical3A_465 = arith.constant 7 : i32
      %shift_right_logical3A_466 = arith.shrui %squeeze3A_464, %shift_right_logical3A_465 : i32
      %shift_left3A_467 = arith.constant 7 : i32
      %shift_left3A_468 = arith.shli %shift_right_logical3A_466, %shift_left3A_467 : i32
      %multiple_of3A_469 = tpu.assume_multiple %shift_left3A_468, 128 : i32
      %dma_start3A_470 = arith.constant 11 : i32
      %dma_start3A_471 = arith.constant 0 : i32
      %dma_start3A_472 = arith.constant 0 : i32
      %dma_start3A_473 = tpu.memref_slice %arg12[%dma_start3A_470, %dma_start3A_471, %dma_start3A_472] : memref<16x16x128xf32, #tpu.memory_space<vmem>> -> memref<1x16x128xf32, #tpu.memory_space<vmem>>
      %dma_start3A_474 = tpu.memref_squeeze %dma_start3A_473 : memref<1x16x128xf32, #tpu.memory_space<vmem>> -> memref<16x128xf32, #tpu.memory_space<vmem>>
      %dma_start3A_475 = arith.constant 0 : i32
      %dma_start3A_476 = tpu.memref_slice %arg6[%dma_start3A_475, %multiple_of3A_462] : memref<16x1000000xf32, #tpu.memory_space<hbm>> -> memref<16x128xf32, #tpu.memory_space<hbm>>
      %dma_start3A_477 = arith.constant 0 : i32
      %dma_start3A_478 = arith.constant 0 : i32
      %dma_start3A_479 = tpu.memref_slice %arg12[%dma_start3A_470, %dma_start3A_477, %dma_start3A_478] : memref<16x16x128xf32, #tpu.memory_space<vmem>> -> memref<1x16x128xf32, #tpu.memory_space<vmem>>
      %dma_start3A_480 = tpu.memref_squeeze %dma_start3A_479 : memref<1x16x128xf32, #tpu.memory_space<vmem>> -> memref<16x128xf32, #tpu.memory_space<vmem>>
      %dma_start3A_481 = arith.constant 0 : i32
      %dma_start3A_482 = tpu.memref_slice %arg6[%dma_start3A_481, %multiple_of3A_462] : memref<16x1000000xf32, #tpu.memory_space<hbm>> -> memref<16x128xf32, #tpu.memory_space<hbm>>
      tpu.enqueue_dma source(%dma_start3A_482 : memref<16x128xf32, #tpu.memory_space<hbm>>) target(%dma_start3A_480 : memref<16x128xf32, #tpu.memory_space<vmem>>) target_semaphore(%arg16 : memref<!tpu.dma_semaphore, #tpu.memory_space<semaphore_mem>>)
      %dma_start3A_483 = arith.constant 11 : i32
      %dma_start3A_484 = arith.constant 0 : i32
      %dma_start3A_485 = arith.constant 0 : i32
      %dma_start3A_486 = tpu.memref_slice %arg13[%dma_start3A_483, %dma_start3A_484, %dma_start3A_485] : memref<16x16x128xf32, #tpu.memory_space<vmem>> -> memref<1x16x128xf32, #tpu.memory_space<vmem>>
      %dma_start3A_487 = tpu.memref_squeeze %dma_start3A_486 : memref<1x16x128xf32, #tpu.memory_space<vmem>> -> memref<16x128xf32, #tpu.memory_space<vmem>>
      %dma_start3A_488 = arith.constant 0 : i32
      %dma_start3A_489 = tpu.memref_slice %arg7[%dma_start3A_488, %multiple_of3A_469] : memref<16x1000000xf32, #tpu.memory_space<hbm>> -> memref<16x128xf32, #tpu.memory_space<hbm>>
      %dma_start3A_490 = arith.constant 0 : i32
      %dma_start3A_491 = arith.constant 0 : i32
      %dma_start3A_492 = tpu.memref_slice %arg13[%dma_start3A_483, %dma_start3A_490, %dma_start3A_491] : memref<16x16x128xf32, #tpu.memory_space<vmem>> -> memref<1x16x128xf32, #tpu.memory_space<vmem>>
      %dma_start3A_493 = tpu.memref_squeeze %dma_start3A_492 : memref<1x16x128xf32, #tpu.memory_space<vmem>> -> memref<16x128xf32, #tpu.memory_space<vmem>>
      %dma_start3A_494 = arith.constant 0 : i32
      %dma_start3A_495 = tpu.memref_slice %arg7[%dma_start3A_494, %multiple_of3A_469] : memref<16x1000000xf32, #tpu.memory_space<hbm>> -> memref<16x128xf32, #tpu.memory_space<hbm>>
      tpu.enqueue_dma source(%dma_start3A_495 : memref<16x128xf32, #tpu.memory_space<hbm>>) target(%dma_start3A_493 : memref<16x128xf32, #tpu.memory_space<vmem>>) target_semaphore(%arg16 : memref<!tpu.dma_semaphore, #tpu.memory_space<semaphore_mem>>)
      %slice3A_496 = vector.extract_strided_slice %get3A_17 {offsets = [12], sizes = [1], strides = [1]} : vector<16xi32> to vector<1xi32>
      %squeeze3A_497 = vector.extract %slice3A_496[0] : i32 from vector<1xi32>
      %shift_right_logical3A_498 = arith.constant 7 : i32
      %shift_right_logical3A_499 = arith.shrui %squeeze3A_497, %shift_right_logical3A_498 : i32
      %shift_left3A_500 = arith.constant 7 : i32
      %shift_left3A_501 = arith.shli %shift_right_logical3A_499, %shift_left3A_500 : i32
      %multiple_of3A_502 = tpu.assume_multiple %shift_left3A_501, 128 : i32
      %slice3A_503 = vector.extract_strided_slice %get3A_19 {offsets = [12], sizes = [1], strides = [1]} : vector<16xi32> to vector<1xi32>
      %squeeze3A_504 = vector.extract %slice3A_503[0] : i32 from vector<1xi32>
      %shift_right_logical3A_505 = arith.constant 7 : i32
      %shift_right_logical3A_506 = arith.shrui %squeeze3A_504, %shift_right_logical3A_505 : i32
      %shift_left3A_507 = arith.constant 7 : i32
      %shift_left3A_508 = arith.shli %shift_right_logical3A_506, %shift_left3A_507 : i32
      %multiple_of3A_509 = tpu.assume_multiple %shift_left3A_508, 128 : i32
      %dma_start3A_510 = arith.constant 12 : i32
      %dma_start3A_511 = arith.constant 0 : i32
      %dma_start3A_512 = arith.constant 0 : i32
      %dma_start3A_513 = tpu.memref_slice %arg12[%dma_start3A_510, %dma_start3A_511, %dma_start3A_512] : memref<16x16x128xf32, #tpu.memory_space<vmem>> -> memref<1x16x128xf32, #tpu.memory_space<vmem>>
      %dma_start3A_514 = tpu.memref_squeeze %dma_start3A_513 : memref<1x16x128xf32, #tpu.memory_space<vmem>> -> memref<16x128xf32, #tpu.memory_space<vmem>>
      %dma_start3A_515 = arith.constant 0 : i32
      %dma_start3A_516 = tpu.memref_slice %arg6[%dma_start3A_515, %multiple_of3A_502] : memref<16x1000000xf32, #tpu.memory_space<hbm>> -> memref<16x128xf32, #tpu.memory_space<hbm>>
      %dma_start3A_517 = arith.constant 0 : i32
      %dma_start3A_518 = arith.constant 0 : i32
      %dma_start3A_519 = tpu.memref_slice %arg12[%dma_start3A_510, %dma_start3A_517, %dma_start3A_518] : memref<16x16x128xf32, #tpu.memory_space<vmem>> -> memref<1x16x128xf32, #tpu.memory_space<vmem>>
      %dma_start3A_520 = tpu.memref_squeeze %dma_start3A_519 : memref<1x16x128xf32, #tpu.memory_space<vmem>> -> memref<16x128xf32, #tpu.memory_space<vmem>>
      %dma_start3A_521 = arith.constant 0 : i32
      %dma_start3A_522 = tpu.memref_slice %arg6[%dma_start3A_521, %multiple_of3A_502] : memref<16x1000000xf32, #tpu.memory_space<hbm>> -> memref<16x128xf32, #tpu.memory_space<hbm>>
      tpu.enqueue_dma source(%dma_start3A_522 : memref<16x128xf32, #tpu.memory_space<hbm>>) target(%dma_start3A_520 : memref<16x128xf32, #tpu.memory_space<vmem>>) target_semaphore(%arg16 : memref<!tpu.dma_semaphore, #tpu.memory_space<semaphore_mem>>)
      %dma_start3A_523 = arith.constant 12 : i32
      %dma_start3A_524 = arith.constant 0 : i32
      %dma_start3A_525 = arith.constant 0 : i32
      %dma_start3A_526 = tpu.memref_slice %arg13[%dma_start3A_523, %dma_start3A_524, %dma_start3A_525] : memref<16x16x128xf32, #tpu.memory_space<vmem>> -> memref<1x16x128xf32, #tpu.memory_space<vmem>>
      %dma_start3A_527 = tpu.memref_squeeze %dma_start3A_526 : memref<1x16x128xf32, #tpu.memory_space<vmem>> -> memref<16x128xf32, #tpu.memory_space<vmem>>
      %dma_start3A_528 = arith.constant 0 : i32
      %dma_start3A_529 = tpu.memref_slice %arg7[%dma_start3A_528, %multiple_of3A_509] : memref<16x1000000xf32, #tpu.memory_space<hbm>> -> memref<16x128xf32, #tpu.memory_space<hbm>>
      %dma_start3A_530 = arith.constant 0 : i32
      %dma_start3A_531 = arith.constant 0 : i32
      %dma_start3A_532 = tpu.memref_slice %arg13[%dma_start3A_523, %dma_start3A_530, %dma_start3A_531] : memref<16x16x128xf32, #tpu.memory_space<vmem>> -> memref<1x16x128xf32, #tpu.memory_space<vmem>>
      %dma_start3A_533 = tpu.memref_squeeze %dma_start3A_532 : memref<1x16x128xf32, #tpu.memory_space<vmem>> -> memref<16x128xf32, #tpu.memory_space<vmem>>
      %dma_start3A_534 = arith.constant 0 : i32
      %dma_start3A_535 = tpu.memref_slice %arg7[%dma_start3A_534, %multiple_of3A_509] : memref<16x1000000xf32, #tpu.memory_space<hbm>> -> memref<16x128xf32, #tpu.memory_space<hbm>>
      tpu.enqueue_dma source(%dma_start3A_535 : memref<16x128xf32, #tpu.memory_space<hbm>>) target(%dma_start3A_533 : memref<16x128xf32, #tpu.memory_space<vmem>>) target_semaphore(%arg16 : memref<!tpu.dma_semaphore, #tpu.memory_space<semaphore_mem>>)
      %slice3A_536 = vector.extract_strided_slice %get3A_17 {offsets = [13], sizes = [1], strides = [1]} : vector<16xi32> to vector<1xi32>
      %squeeze3A_537 = vector.extract %slice3A_536[0] : i32 from vector<1xi32>
      %shift_right_logical3A_538 = arith.constant 7 : i32
      %shift_right_logical3A_539 = arith.shrui %squeeze3A_537, %shift_right_logical3A_538 : i32
      %shift_left3A_540 = arith.constant 7 : i32
      %shift_left3A_541 = arith.shli %shift_right_logical3A_539, %shift_left3A_540 : i32
      %multiple_of3A_542 = tpu.assume_multiple %shift_left3A_541, 128 : i32
      %slice3A_543 = vector.extract_strided_slice %get3A_19 {offsets = [13], sizes = [1], strides = [1]} : vector<16xi32> to vector<1xi32>
      %squeeze3A_544 = vector.extract %slice3A_543[0] : i32 from vector<1xi32>
      %shift_right_logical3A_545 = arith.constant 7 : i32
      %shift_right_logical3A_546 = arith.shrui %squeeze3A_544, %shift_right_logical3A_545 : i32
      %shift_left3A_547 = arith.constant 7 : i32
      %shift_left3A_548 = arith.shli %shift_right_logical3A_546, %shift_left3A_547 : i32
      %multiple_of3A_549 = tpu.assume_multiple %shift_left3A_548, 128 : i32
      %dma_start3A_550 = arith.constant 13 : i32
      %dma_start3A_551 = arith.constant 0 : i32
      %dma_start3A_552 = arith.constant 0 : i32
      %dma_start3A_553 = tpu.memref_slice %arg12[%dma_start3A_550, %dma_start3A_551, %dma_start3A_552] : memref<16x16x128xf32, #tpu.memory_space<vmem>> -> memref<1x16x128xf32, #tpu.memory_space<vmem>>
      %dma_start3A_554 = tpu.memref_squeeze %dma_start3A_553 : memref<1x16x128xf32, #tpu.memory_space<vmem>> -> memref<16x128xf32, #tpu.memory_space<vmem>>
      %dma_start3A_555 = arith.constant 0 : i32
      %dma_start3A_556 = tpu.memref_slice %arg6[%dma_start3A_555, %multiple_of3A_542] : memref<16x1000000xf32, #tpu.memory_space<hbm>> -> memref<16x128xf32, #tpu.memory_space<hbm>>
      %dma_start3A_557 = arith.constant 0 : i32
      %dma_start3A_558 = arith.constant 0 : i32
      %dma_start3A_559 = tpu.memref_slice %arg12[%dma_start3A_550, %dma_start3A_557, %dma_start3A_558] : memref<16x16x128xf32, #tpu.memory_space<vmem>> -> memref<1x16x128xf32, #tpu.memory_space<vmem>>
      %dma_start3A_560 = tpu.memref_squeeze %dma_start3A_559 : memref<1x16x128xf32, #tpu.memory_space<vmem>> -> memref<16x128xf32, #tpu.memory_space<vmem>>
      %dma_start3A_561 = arith.constant 0 : i32
      %dma_start3A_562 = tpu.memref_slice %arg6[%dma_start3A_561, %multiple_of3A_542] : memref<16x1000000xf32, #tpu.memory_space<hbm>> -> memref<16x128xf32, #tpu.memory_space<hbm>>
      tpu.enqueue_dma source(%dma_start3A_562 : memref<16x128xf32, #tpu.memory_space<hbm>>) target(%dma_start3A_560 : memref<16x128xf32, #tpu.memory_space<vmem>>) target_semaphore(%arg16 : memref<!tpu.dma_semaphore, #tpu.memory_space<semaphore_mem>>)
      %dma_start3A_563 = arith.constant 13 : i32
      %dma_start3A_564 = arith.constant 0 : i32
      %dma_start3A_565 = arith.constant 0 : i32
      %dma_start3A_566 = tpu.memref_slice %arg13[%dma_start3A_563, %dma_start3A_564, %dma_start3A_565] : memref<16x16x128xf32, #tpu.memory_space<vmem>> -> memref<1x16x128xf32, #tpu.memory_space<vmem>>
      %dma_start3A_567 = tpu.memref_squeeze %dma_start3A_566 : memref<1x16x128xf32, #tpu.memory_space<vmem>> -> memref<16x128xf32, #tpu.memory_space<vmem>>
      %dma_start3A_568 = arith.constant 0 : i32
      %dma_start3A_569 = tpu.memref_slice %arg7[%dma_start3A_568, %multiple_of3A_549] : memref<16x1000000xf32, #tpu.memory_space<hbm>> -> memref<16x128xf32, #tpu.memory_space<hbm>>
      %dma_start3A_570 = arith.constant 0 : i32
      %dma_start3A_571 = arith.constant 0 : i32
      %dma_start3A_572 = tpu.memref_slice %arg13[%dma_start3A_563, %dma_start3A_570, %dma_start3A_571] : memref<16x16x128xf32, #tpu.memory_space<vmem>> -> memref<1x16x128xf32, #tpu.memory_space<vmem>>
      %dma_start3A_573 = tpu.memref_squeeze %dma_start3A_572 : memref<1x16x128xf32, #tpu.memory_space<vmem>> -> memref<16x128xf32, #tpu.memory_space<vmem>>
      %dma_start3A_574 = arith.constant 0 : i32
      %dma_start3A_575 = tpu.memref_slice %arg7[%dma_start3A_574, %multiple_of3A_549] : memref<16x1000000xf32, #tpu.memory_space<hbm>> -> memref<16x128xf32, #tpu.memory_space<hbm>>
      tpu.enqueue_dma source(%dma_start3A_575 : memref<16x128xf32, #tpu.memory_space<hbm>>) target(%dma_start3A_573 : memref<16x128xf32, #tpu.memory_space<vmem>>) target_semaphore(%arg16 : memref<!tpu.dma_semaphore, #tpu.memory_space<semaphore_mem>>)
      %slice3A_576 = vector.extract_strided_slice %get3A_17 {offsets = [14], sizes = [1], strides = [1]} : vector<16xi32> to vector<1xi32>
      %squeeze3A_577 = vector.extract %slice3A_576[0] : i32 from vector<1xi32>
      %shift_right_logical3A_578 = arith.constant 7 : i32
      %shift_right_logical3A_579 = arith.shrui %squeeze3A_577, %shift_right_logical3A_578 : i32
      %shift_left3A_580 = arith.constant 7 : i32
      %shift_left3A_581 = arith.shli %shift_right_logical3A_579, %shift_left3A_580 : i32
      %multiple_of3A_582 = tpu.assume_multiple %shift_left3A_581, 128 : i32
      %slice3A_583 = vector.extract_strided_slice %get3A_19 {offsets = [14], sizes = [1], strides = [1]} : vector<16xi32> to vector<1xi32>
      %squeeze3A_584 = vector.extract %slice3A_583[0] : i32 from vector<1xi32>
      %shift_right_logical3A_585 = arith.constant 7 : i32
      %shift_right_logical3A_586 = arith.shrui %squeeze3A_584, %shift_right_logical3A_585 : i32
      %shift_left3A_587 = arith.constant 7 : i32
      %shift_left3A_588 = arith.shli %shift_right_logical3A_586, %shift_left3A_587 : i32
      %multiple_of3A_589 = tpu.assume_multiple %shift_left3A_588, 128 : i32
      %dma_start3A_590 = arith.constant 14 : i32
      %dma_start3A_591 = arith.constant 0 : i32
      %dma_start3A_592 = arith.constant 0 : i32
      %dma_start3A_593 = tpu.memref_slice %arg12[%dma_start3A_590, %dma_start3A_591, %dma_start3A_592] : memref<16x16x128xf32, #tpu.memory_space<vmem>> -> memref<1x16x128xf32, #tpu.memory_space<vmem>>
      %dma_start3A_594 = tpu.memref_squeeze %dma_start3A_593 : memref<1x16x128xf32, #tpu.memory_space<vmem>> -> memref<16x128xf32, #tpu.memory_space<vmem>>
      %dma_start3A_595 = arith.constant 0 : i32
      %dma_start3A_596 = tpu.memref_slice %arg6[%dma_start3A_595, %multiple_of3A_582] : memref<16x1000000xf32, #tpu.memory_space<hbm>> -> memref<16x128xf32, #tpu.memory_space<hbm>>
      %dma_start3A_597 = arith.constant 0 : i32
      %dma_start3A_598 = arith.constant 0 : i32
      %dma_start3A_599 = tpu.memref_slice %arg12[%dma_start3A_590, %dma_start3A_597, %dma_start3A_598] : memref<16x16x128xf32, #tpu.memory_space<vmem>> -> memref<1x16x128xf32, #tpu.memory_space<vmem>>
      %dma_start3A_600 = tpu.memref_squeeze %dma_start3A_599 : memref<1x16x128xf32, #tpu.memory_space<vmem>> -> memref<16x128xf32, #tpu.memory_space<vmem>>
      %dma_start3A_601 = arith.constant 0 : i32
      %dma_start3A_602 = tpu.memref_slice %arg6[%dma_start3A_601, %multiple_of3A_582] : memref<16x1000000xf32, #tpu.memory_space<hbm>> -> memref<16x128xf32, #tpu.memory_space<hbm>>
      tpu.enqueue_dma source(%dma_start3A_602 : memref<16x128xf32, #tpu.memory_space<hbm>>) target(%dma_start3A_600 : memref<16x128xf32, #tpu.memory_space<vmem>>) target_semaphore(%arg16 : memref<!tpu.dma_semaphore, #tpu.memory_space<semaphore_mem>>)
      %dma_start3A_603 = arith.constant 14 : i32
      %dma_start3A_604 = arith.constant 0 : i32
      %dma_start3A_605 = arith.constant 0 : i32
      %dma_start3A_606 = tpu.memref_slice %arg13[%dma_start3A_603, %dma_start3A_604, %dma_start3A_605] : memref<16x16x128xf32, #tpu.memory_space<vmem>> -> memref<1x16x128xf32, #tpu.memory_space<vmem>>
      %dma_start3A_607 = tpu.memref_squeeze %dma_start3A_606 : memref<1x16x128xf32, #tpu.memory_space<vmem>> -> memref<16x128xf32, #tpu.memory_space<vmem>>
      %dma_start3A_608 = arith.constant 0 : i32
      %dma_start3A_609 = tpu.memref_slice %arg7[%dma_start3A_608, %multiple_of3A_589] : memref<16x1000000xf32, #tpu.memory_space<hbm>> -> memref<16x128xf32, #tpu.memory_space<hbm>>
      %dma_start3A_610 = arith.constant 0 : i32
      %dma_start3A_611 = arith.constant 0 : i32
      %dma_start3A_612 = tpu.memref_slice %arg13[%dma_start3A_603, %dma_start3A_610, %dma_start3A_611] : memref<16x16x128xf32, #tpu.memory_space<vmem>> -> memref<1x16x128xf32, #tpu.memory_space<vmem>>
      %dma_start3A_613 = tpu.memref_squeeze %dma_start3A_612 : memref<1x16x128xf32, #tpu.memory_space<vmem>> -> memref<16x128xf32, #tpu.memory_space<vmem>>
      %dma_start3A_614 = arith.constant 0 : i32
      %dma_start3A_615 = tpu.memref_slice %arg7[%dma_start3A_614, %multiple_of3A_589] : memref<16x1000000xf32, #tpu.memory_space<hbm>> -> memref<16x128xf32, #tpu.memory_space<hbm>>
      tpu.enqueue_dma source(%dma_start3A_615 : memref<16x128xf32, #tpu.memory_space<hbm>>) target(%dma_start3A_613 : memref<16x128xf32, #tpu.memory_space<vmem>>) target_semaphore(%arg16 : memref<!tpu.dma_semaphore, #tpu.memory_space<semaphore_mem>>)
      %slice3A_616 = vector.extract_strided_slice %get3A_17 {offsets = [15], sizes = [1], strides = [1]} : vector<16xi32> to vector<1xi32>
      %squeeze3A_617 = vector.extract %slice3A_616[0] : i32 from vector<1xi32>
      %shift_right_logical3A_618 = arith.constant 7 : i32
      %shift_right_logical3A_619 = arith.shrui %squeeze3A_617, %shift_right_logical3A_618 : i32
      %shift_left3A_620 = arith.constant 7 : i32
      %shift_left3A_621 = arith.shli %shift_right_logical3A_619, %shift_left3A_620 : i32
      %multiple_of3A_622 = tpu.assume_multiple %shift_left3A_621, 128 : i32
      %slice3A_623 = vector.extract_strided_slice %get3A_19 {offsets = [15], sizes = [1], strides = [1]} : vector<16xi32> to vector<1xi32>
      %squeeze3A_624 = vector.extract %slice3A_623[0] : i32 from vector<1xi32>
      %shift_right_logical3A_625 = arith.constant 7 : i32
      %shift_right_logical3A_626 = arith.shrui %squeeze3A_624, %shift_right_logical3A_625 : i32
      %shift_left3A_627 = arith.constant 7 : i32
      %shift_left3A_628 = arith.shli %shift_right_logical3A_626, %shift_left3A_627 : i32
      %multiple_of3A_629 = tpu.assume_multiple %shift_left3A_628, 128 : i32
      %dma_start3A_630 = arith.constant 15 : i32
      %dma_start3A_631 = arith.constant 0 : i32
      %dma_start3A_632 = arith.constant 0 : i32
      %dma_start3A_633 = tpu.memref_slice %arg12[%dma_start3A_630, %dma_start3A_631, %dma_start3A_632] : memref<16x16x128xf32, #tpu.memory_space<vmem>> -> memref<1x16x128xf32, #tpu.memory_space<vmem>>
      %dma_start3A_634 = tpu.memref_squeeze %dma_start3A_633 : memref<1x16x128xf32, #tpu.memory_space<vmem>> -> memref<16x128xf32, #tpu.memory_space<vmem>>
      %dma_start3A_635 = arith.constant 0 : i32
      %dma_start3A_636 = tpu.memref_slice %arg6[%dma_start3A_635, %multiple_of3A_622] : memref<16x1000000xf32, #tpu.memory_space<hbm>> -> memref<16x128xf32, #tpu.memory_space<hbm>>
      %dma_start3A_637 = arith.constant 0 : i32
      %dma_start3A_638 = arith.constant 0 : i32
      %dma_start3A_639 = tpu.memref_slice %arg12[%dma_start3A_630, %dma_start3A_637, %dma_start3A_638] : memref<16x16x128xf32, #tpu.memory_space<vmem>> -> memref<1x16x128xf32, #tpu.memory_space<vmem>>
      %dma_start3A_640 = tpu.memref_squeeze %dma_start3A_639 : memref<1x16x128xf32, #tpu.memory_space<vmem>> -> memref<16x128xf32, #tpu.memory_space<vmem>>
      %dma_start3A_641 = arith.constant 0 : i32
      %dma_start3A_642 = tpu.memref_slice %arg6[%dma_start3A_641, %multiple_of3A_622] : memref<16x1000000xf32, #tpu.memory_space<hbm>> -> memref<16x128xf32, #tpu.memory_space<hbm>>
      tpu.enqueue_dma source(%dma_start3A_642 : memref<16x128xf32, #tpu.memory_space<hbm>>) target(%dma_start3A_640 : memref<16x128xf32, #tpu.memory_space<vmem>>) target_semaphore(%arg16 : memref<!tpu.dma_semaphore, #tpu.memory_space<semaphore_mem>>)
      %dma_start3A_643 = arith.constant 15 : i32
      %dma_start3A_644 = arith.constant 0 : i32
      %dma_start3A_645 = arith.constant 0 : i32
      %dma_start3A_646 = tpu.memref_slice %arg13[%dma_start3A_643, %dma_start3A_644, %dma_start3A_645] : memref<16x16x128xf32, #tpu.memory_space<vmem>> -> memref<1x16x128xf32, #tpu.memory_space<vmem>>
      %dma_start3A_647 = tpu.memref_squeeze %dma_start3A_646 : memref<1x16x128xf32, #tpu.memory_space<vmem>> -> memref<16x128xf32, #tpu.memory_space<vmem>>
      %dma_start3A_648 = arith.constant 0 : i32
      %dma_start3A_649 = tpu.memref_slice %arg7[%dma_start3A_648, %multiple_of3A_629] : memref<16x1000000xf32, #tpu.memory_space<hbm>> -> memref<16x128xf32, #tpu.memory_space<hbm>>
      %dma_start3A_650 = arith.constant 0 : i32
      %dma_start3A_651 = arith.constant 0 : i32
      %dma_start3A_652 = tpu.memref_slice %arg13[%dma_start3A_643, %dma_start3A_650, %dma_start3A_651] : memref<16x16x128xf32, #tpu.memory_space<vmem>> -> memref<1x16x128xf32, #tpu.memory_space<vmem>>
      %dma_start3A_653 = tpu.memref_squeeze %dma_start3A_652 : memref<1x16x128xf32, #tpu.memory_space<vmem>> -> memref<16x128xf32, #tpu.memory_space<vmem>>
      %dma_start3A_654 = arith.constant 0 : i32
      %dma_start3A_655 = tpu.memref_slice %arg7[%dma_start3A_654, %multiple_of3A_629] : memref<16x1000000xf32, #tpu.memory_space<hbm>> -> memref<16x128xf32, #tpu.memory_space<hbm>>
      tpu.enqueue_dma source(%dma_start3A_655 : memref<16x128xf32, #tpu.memory_space<hbm>>) target(%dma_start3A_653 : memref<16x128xf32, #tpu.memory_space<vmem>>) target_semaphore(%arg16 : memref<!tpu.dma_semaphore, #tpu.memory_space<semaphore_mem>>)
      %dma_wait3A = arith.constant 0 : i32
      %dma_wait3A_656 = arith.constant 0 : i32
      %dma_wait3A_657 = arith.constant 0 : i32
      %dma_wait3A_658 = tpu.memref_slice %arg12[%dma_wait3A, %dma_wait3A_656, %dma_wait3A_657] : memref<16x16x128xf32, #tpu.memory_space<vmem>> -> memref<1x16x128xf32, #tpu.memory_space<vmem>>
      %dma_wait3A_659 = tpu.memref_squeeze %dma_wait3A_658 : memref<1x16x128xf32, #tpu.memory_space<vmem>> -> memref<16x128xf32, #tpu.memory_space<vmem>>
      %dma_wait3A_660 = arith.constant 0 : i32
      %dma_wait3A_661 = tpu.memref_slice %arg6[%dma_wait3A_660, %multiple_of3A] : memref<16x1000000xf32, #tpu.memory_space<hbm>> -> memref<16x128xf32, #tpu.memory_space<hbm>>
      %dma_wait3A_662 = arith.constant 0 : i32
      %dma_wait3A_663 = arith.constant 0 : i32
      %dma_wait3A_664 = tpu.memref_slice %arg12[%dma_wait3A, %dma_wait3A_662, %dma_wait3A_663] : memref<16x16x128xf32, #tpu.memory_space<vmem>> -> memref<1x16x128xf32, #tpu.memory_space<vmem>>
      %dma_wait3A_665 = tpu.memref_squeeze %dma_wait3A_664 : memref<1x16x128xf32, #tpu.memory_space<vmem>> -> memref<16x128xf32, #tpu.memory_space<vmem>>
      %dma_wait3A_666 = arith.constant 0 : i32
      %dma_wait3A_667 = tpu.memref_slice %arg6[%dma_wait3A_666, %multiple_of3A] : memref<16x1000000xf32, #tpu.memory_space<hbm>> -> memref<16x128xf32, #tpu.memory_space<hbm>>
      tpu.wait_dma2 semaphore(%arg16 : memref<!tpu.dma_semaphore, #tpu.memory_space<semaphore_mem>>) src(%dma_wait3A_667 : memref<16x128xf32, #tpu.memory_space<hbm>>) dst(%dma_wait3A_665 : memref<16x128xf32, #tpu.memory_space<vmem>>)
      %dma_wait3A_668 = arith.constant 0 : i32
      %dma_wait3A_669 = arith.constant 0 : i32
      %dma_wait3A_670 = arith.constant 0 : i32
      %dma_wait3A_671 = tpu.memref_slice %arg13[%dma_wait3A_668, %dma_wait3A_669, %dma_wait3A_670] : memref<16x16x128xf32, #tpu.memory_space<vmem>> -> memref<1x16x128xf32, #tpu.memory_space<vmem>>
      %dma_wait3A_672 = tpu.memref_squeeze %dma_wait3A_671 : memref<1x16x128xf32, #tpu.memory_space<vmem>> -> memref<16x128xf32, #tpu.memory_space<vmem>>
      %dma_wait3A_673 = arith.constant 0 : i32
      %dma_wait3A_674 = tpu.memref_slice %arg7[%dma_wait3A_673, %multiple_of3A_30] : memref<16x1000000xf32, #tpu.memory_space<hbm>> -> memref<16x128xf32, #tpu.memory_space<hbm>>
      %dma_wait3A_675 = arith.constant 0 : i32
      %dma_wait3A_676 = arith.constant 0 : i32
      %dma_wait3A_677 = tpu.memref_slice %arg13[%dma_wait3A_668, %dma_wait3A_675, %dma_wait3A_676] : memref<16x16x128xf32, #tpu.memory_space<vmem>> -> memref<1x16x128xf32, #tpu.memory_space<vmem>>
      %dma_wait3A_678 = tpu.memref_squeeze %dma_wait3A_677 : memref<1x16x128xf32, #tpu.memory_space<vmem>> -> memref<16x128xf32, #tpu.memory_space<vmem>>
      %dma_wait3A_679 = arith.constant 0 : i32
      %dma_wait3A_680 = tpu.memref_slice %arg7[%dma_wait3A_679, %multiple_of3A_30] : memref<16x1000000xf32, #tpu.memory_space<hbm>> -> memref<16x128xf32, #tpu.memory_space<hbm>>
      tpu.wait_dma2 semaphore(%arg16 : memref<!tpu.dma_semaphore, #tpu.memory_space<semaphore_mem>>) src(%dma_wait3A_680 : memref<16x128xf32, #tpu.memory_space<hbm>>) dst(%dma_wait3A_678 : memref<16x128xf32, #tpu.memory_space<vmem>>)
      %dma_wait3A_681 = arith.constant 1 : i32
      %dma_wait3A_682 = arith.constant 0 : i32
      %dma_wait3A_683 = arith.constant 0 : i32
      %dma_wait3A_684 = tpu.memref_slice %arg12[%dma_wait3A_681, %dma_wait3A_682, %dma_wait3A_683] : memref<16x16x128xf32, #tpu.memory_space<vmem>> -> memref<1x16x128xf32, #tpu.memory_space<vmem>>
      %dma_wait3A_685 = tpu.memref_squeeze %dma_wait3A_684 : memref<1x16x128xf32, #tpu.memory_space<vmem>> -> memref<16x128xf32, #tpu.memory_space<vmem>>
      %dma_wait3A_686 = arith.constant 0 : i32
      %dma_wait3A_687 = tpu.memref_slice %arg6[%dma_wait3A_686, %multiple_of3A_62] : memref<16x1000000xf32, #tpu.memory_space<hbm>> -> memref<16x128xf32, #tpu.memory_space<hbm>>
      %dma_wait3A_688 = arith.constant 0 : i32
      %dma_wait3A_689 = arith.constant 0 : i32
      %dma_wait3A_690 = tpu.memref_slice %arg12[%dma_wait3A_681, %dma_wait3A_688, %dma_wait3A_689] : memref<16x16x128xf32, #tpu.memory_space<vmem>> -> memref<1x16x128xf32, #tpu.memory_space<vmem>>
      %dma_wait3A_691 = tpu.memref_squeeze %dma_wait3A_690 : memref<1x16x128xf32, #tpu.memory_space<vmem>> -> memref<16x128xf32, #tpu.memory_space<vmem>>
      %dma_wait3A_692 = arith.constant 0 : i32
      %dma_wait3A_693 = tpu.memref_slice %arg6[%dma_wait3A_692, %multiple_of3A_62] : memref<16x1000000xf32, #tpu.memory_space<hbm>> -> memref<16x128xf32, #tpu.memory_space<hbm>>
      tpu.wait_dma2 semaphore(%arg16 : memref<!tpu.dma_semaphore, #tpu.memory_space<semaphore_mem>>) src(%dma_wait3A_693 : memref<16x128xf32, #tpu.memory_space<hbm>>) dst(%dma_wait3A_691 : memref<16x128xf32, #tpu.memory_space<vmem>>)
      %dma_wait3A_694 = arith.constant 1 : i32
      %dma_wait3A_695 = arith.constant 0 : i32
      %dma_wait3A_696 = arith.constant 0 : i32
      %dma_wait3A_697 = tpu.memref_slice %arg13[%dma_wait3A_694, %dma_wait3A_695, %dma_wait3A_696] : memref<16x16x128xf32, #tpu.memory_space<vmem>> -> memref<1x16x128xf32, #tpu.memory_space<vmem>>
      %dma_wait3A_698 = tpu.memref_squeeze %dma_wait3A_697 : memref<1x16x128xf32, #tpu.memory_space<vmem>> -> memref<16x128xf32, #tpu.memory_space<vmem>>
      %dma_wait3A_699 = arith.constant 0 : i32
      %dma_wait3A_700 = tpu.memref_slice %arg7[%dma_wait3A_699, %multiple_of3A_69] : memref<16x1000000xf32, #tpu.memory_space<hbm>> -> memref<16x128xf32, #tpu.memory_space<hbm>>
      %dma_wait3A_701 = arith.constant 0 : i32
      %dma_wait3A_702 = arith.constant 0 : i32
      %dma_wait3A_703 = tpu.memref_slice %arg13[%dma_wait3A_694, %dma_wait3A_701, %dma_wait3A_702] : memref<16x16x128xf32, #tpu.memory_space<vmem>> -> memref<1x16x128xf32, #tpu.memory_space<vmem>>
      %dma_wait3A_704 = tpu.memref_squeeze %dma_wait3A_703 : memref<1x16x128xf32, #tpu.memory_space<vmem>> -> memref<16x128xf32, #tpu.memory_space<vmem>>
      %dma_wait3A_705 = arith.constant 0 : i32
      %dma_wait3A_706 = tpu.memref_slice %arg7[%dma_wait3A_705, %multiple_of3A_69] : memref<16x1000000xf32, #tpu.memory_space<hbm>> -> memref<16x128xf32, #tpu.memory_space<hbm>>
      tpu.wait_dma2 semaphore(%arg16 : memref<!tpu.dma_semaphore, #tpu.memory_space<semaphore_mem>>) src(%dma_wait3A_706 : memref<16x128xf32, #tpu.memory_space<hbm>>) dst(%dma_wait3A_704 : memref<16x128xf32, #tpu.memory_space<vmem>>)
      %dma_wait3A_707 = arith.constant 2 : i32
      %dma_wait3A_708 = arith.constant 0 : i32
      %dma_wait3A_709 = arith.constant 0 : i32
      %dma_wait3A_710 = tpu.memref_slice %arg12[%dma_wait3A_707, %dma_wait3A_708, %dma_wait3A_709] : memref<16x16x128xf32, #tpu.memory_space<vmem>> -> memref<1x16x128xf32, #tpu.memory_space<vmem>>
      %dma_wait3A_711 = tpu.memref_squeeze %dma_wait3A_710 : memref<1x16x128xf32, #tpu.memory_space<vmem>> -> memref<16x128xf32, #tpu.memory_space<vmem>>
      %dma_wait3A_712 = arith.constant 0 : i32
      %dma_wait3A_713 = tpu.memref_slice %arg6[%dma_wait3A_712, %multiple_of3A_102] : memref<16x1000000xf32, #tpu.memory_space<hbm>> -> memref<16x128xf32, #tpu.memory_space<hbm>>
      %dma_wait3A_714 = arith.constant 0 : i32
      %dma_wait3A_715 = arith.constant 0 : i32
      %dma_wait3A_716 = tpu.memref_slice %arg12[%dma_wait3A_707, %dma_wait3A_714, %dma_wait3A_715] : memref<16x16x128xf32, #tpu.memory_space<vmem>> -> memref<1x16x128xf32, #tpu.memory_space<vmem>>
      %dma_wait3A_717 = tpu.memref_squeeze %dma_wait3A_716 : memref<1x16x128xf32, #tpu.memory_space<vmem>> -> memref<16x128xf32, #tpu.memory_space<vmem>>
      %dma_wait3A_718 = arith.constant 0 : i32
      %dma_wait3A_719 = tpu.memref_slice %arg6[%dma_wait3A_718, %multiple_of3A_102] : memref<16x1000000xf32, #tpu.memory_space<hbm>> -> memref<16x128xf32, #tpu.memory_space<hbm>>
      tpu.wait_dma2 semaphore(%arg16 : memref<!tpu.dma_semaphore, #tpu.memory_space<semaphore_mem>>) src(%dma_wait3A_719 : memref<16x128xf32, #tpu.memory_space<hbm>>) dst(%dma_wait3A_717 : memref<16x128xf32, #tpu.memory_space<vmem>>)
      %dma_wait3A_720 = arith.constant 2 : i32
      %dma_wait3A_721 = arith.constant 0 : i32
      %dma_wait3A_722 = arith.constant 0 : i32
      %dma_wait3A_723 = tpu.memref_slice %arg13[%dma_wait3A_720, %dma_wait3A_721, %dma_wait3A_722] : memref<16x16x128xf32, #tpu.memory_space<vmem>> -> memref<1x16x128xf32, #tpu.memory_space<vmem>>
      %dma_wait3A_724 = tpu.memref_squeeze %dma_wait3A_723 : memref<1x16x128xf32, #tpu.memory_space<vmem>> -> memref<16x128xf32, #tpu.memory_space<vmem>>
      %dma_wait3A_725 = arith.constant 0 : i32
      %dma_wait3A_726 = tpu.memref_slice %arg7[%dma_wait3A_725, %multiple_of3A_109] : memref<16x1000000xf32, #tpu.memory_space<hbm>> -> memref<16x128xf32, #tpu.memory_space<hbm>>
      %dma_wait3A_727 = arith.constant 0 : i32
      %dma_wait3A_728 = arith.constant 0 : i32
      %dma_wait3A_729 = tpu.memref_slice %arg13[%dma_wait3A_720, %dma_wait3A_727, %dma_wait3A_728] : memref<16x16x128xf32, #tpu.memory_space<vmem>> -> memref<1x16x128xf32, #tpu.memory_space<vmem>>
      %dma_wait3A_730 = tpu.memref_squeeze %dma_wait3A_729 : memref<1x16x128xf32, #tpu.memory_space<vmem>> -> memref<16x128xf32, #tpu.memory_space<vmem>>
      %dma_wait3A_731 = arith.constant 0 : i32
      %dma_wait3A_732 = tpu.memref_slice %arg7[%dma_wait3A_731, %multiple_of3A_109] : memref<16x1000000xf32, #tpu.memory_space<hbm>> -> memref<16x128xf32, #tpu.memory_space<hbm>>
      tpu.wait_dma2 semaphore(%arg16 : memref<!tpu.dma_semaphore, #tpu.memory_space<semaphore_mem>>) src(%dma_wait3A_732 : memref<16x128xf32, #tpu.memory_space<hbm>>) dst(%dma_wait3A_730 : memref<16x128xf32, #tpu.memory_space<vmem>>)
      %dma_wait3A_733 = arith.constant 3 : i32
      %dma_wait3A_734 = arith.constant 0 : i32
      %dma_wait3A_735 = arith.constant 0 : i32
      %dma_wait3A_736 = tpu.memref_slice %arg12[%dma_wait3A_733, %dma_wait3A_734, %dma_wait3A_735] : memref<16x16x128xf32, #tpu.memory_space<vmem>> -> memref<1x16x128xf32, #tpu.memory_space<vmem>>
      %dma_wait3A_737 = tpu.memref_squeeze %dma_wait3A_736 : memref<1x16x128xf32, #tpu.memory_space<vmem>> -> memref<16x128xf32, #tpu.memory_space<vmem>>
      %dma_wait3A_738 = arith.constant 0 : i32
      %dma_wait3A_739 = tpu.memref_slice %arg6[%dma_wait3A_738, %multiple_of3A_142] : memref<16x1000000xf32, #tpu.memory_space<hbm>> -> memref<16x128xf32, #tpu.memory_space<hbm>>
      %dma_wait3A_740 = arith.constant 0 : i32
      %dma_wait3A_741 = arith.constant 0 : i32
      %dma_wait3A_742 = tpu.memref_slice %arg12[%dma_wait3A_733, %dma_wait3A_740, %dma_wait3A_741] : memref<16x16x128xf32, #tpu.memory_space<vmem>> -> memref<1x16x128xf32, #tpu.memory_space<vmem>>
      %dma_wait3A_743 = tpu.memref_squeeze %dma_wait3A_742 : memref<1x16x128xf32, #tpu.memory_space<vmem>> -> memref<16x128xf32, #tpu.memory_space<vmem>>
      %dma_wait3A_744 = arith.constant 0 : i32
      %dma_wait3A_745 = tpu.memref_slice %arg6[%dma_wait3A_744, %multiple_of3A_142] : memref<16x1000000xf32, #tpu.memory_space<hbm>> -> memref<16x128xf32, #tpu.memory_space<hbm>>
      tpu.wait_dma2 semaphore(%arg16 : memref<!tpu.dma_semaphore, #tpu.memory_space<semaphore_mem>>) src(%dma_wait3A_745 : memref<16x128xf32, #tpu.memory_space<hbm>>) dst(%dma_wait3A_743 : memref<16x128xf32, #tpu.memory_space<vmem>>)
      %dma_wait3A_746 = arith.constant 3 : i32
      %dma_wait3A_747 = arith.constant 0 : i32
      %dma_wait3A_748 = arith.constant 0 : i32
      %dma_wait3A_749 = tpu.memref_slice %arg13[%dma_wait3A_746, %dma_wait3A_747, %dma_wait3A_748] : memref<16x16x128xf32, #tpu.memory_space<vmem>> -> memref<1x16x128xf32, #tpu.memory_space<vmem>>
      %dma_wait3A_750 = tpu.memref_squeeze %dma_wait3A_749 : memref<1x16x128xf32, #tpu.memory_space<vmem>> -> memref<16x128xf32, #tpu.memory_space<vmem>>
      %dma_wait3A_751 = arith.constant 0 : i32
      %dma_wait3A_752 = tpu.memref_slice %arg7[%dma_wait3A_751, %multiple_of3A_149] : memref<16x1000000xf32, #tpu.memory_space<hbm>> -> memref<16x128xf32, #tpu.memory_space<hbm>>
      %dma_wait3A_753 = arith.constant 0 : i32
      %dma_wait3A_754 = arith.constant 0 : i32
      %dma_wait3A_755 = tpu.memref_slice %arg13[%dma_wait3A_746, %dma_wait3A_753, %dma_wait3A_754] : memref<16x16x128xf32, #tpu.memory_space<vmem>> -> memref<1x16x128xf32, #tpu.memory_space<vmem>>
      %dma_wait3A_756 = tpu.memref_squeeze %dma_wait3A_755 : memref<1x16x128xf32, #tpu.memory_space<vmem>> -> memref<16x128xf32, #tpu.memory_space<vmem>>
      %dma_wait3A_757 = arith.constant 0 : i32
      %dma_wait3A_758 = tpu.memref_slice %arg7[%dma_wait3A_757, %multiple_of3A_149] : memref<16x1000000xf32, #tpu.memory_space<hbm>> -> memref<16x128xf32, #tpu.memory_space<hbm>>
      tpu.wait_dma2 semaphore(%arg16 : memref<!tpu.dma_semaphore, #tpu.memory_space<semaphore_mem>>) src(%dma_wait3A_758 : memref<16x128xf32, #tpu.memory_space<hbm>>) dst(%dma_wait3A_756 : memref<16x128xf32, #tpu.memory_space<vmem>>)
      %dma_wait3A_759 = arith.constant 4 : i32
      %dma_wait3A_760 = arith.constant 0 : i32
      %dma_wait3A_761 = arith.constant 0 : i32
      %dma_wait3A_762 = tpu.memref_slice %arg12[%dma_wait3A_759, %dma_wait3A_760, %dma_wait3A_761] : memref<16x16x128xf32, #tpu.memory_space<vmem>> -> memref<1x16x128xf32, #tpu.memory_space<vmem>>
      %dma_wait3A_763 = tpu.memref_squeeze %dma_wait3A_762 : memref<1x16x128xf32, #tpu.memory_space<vmem>> -> memref<16x128xf32, #tpu.memory_space<vmem>>
      %dma_wait3A_764 = arith.constant 0 : i32
      %dma_wait3A_765 = tpu.memref_slice %arg6[%dma_wait3A_764, %multiple_of3A_182] : memref<16x1000000xf32, #tpu.memory_space<hbm>> -> memref<16x128xf32, #tpu.memory_space<hbm>>
      %dma_wait3A_766 = arith.constant 0 : i32
      %dma_wait3A_767 = arith.constant 0 : i32
      %dma_wait3A_768 = tpu.memref_slice %arg12[%dma_wait3A_759, %dma_wait3A_766, %dma_wait3A_767] : memref<16x16x128xf32, #tpu.memory_space<vmem>> -> memref<1x16x128xf32, #tpu.memory_space<vmem>>
      %dma_wait3A_769 = tpu.memref_squeeze %dma_wait3A_768 : memref<1x16x128xf32, #tpu.memory_space<vmem>> -> memref<16x128xf32, #tpu.memory_space<vmem>>
      %dma_wait3A_770 = arith.constant 0 : i32
      %dma_wait3A_771 = tpu.memref_slice %arg6[%dma_wait3A_770, %multiple_of3A_182] : memref<16x1000000xf32, #tpu.memory_space<hbm>> -> memref<16x128xf32, #tpu.memory_space<hbm>>
      tpu.wait_dma2 semaphore(%arg16 : memref<!tpu.dma_semaphore, #tpu.memory_space<semaphore_mem>>) src(%dma_wait3A_771 : memref<16x128xf32, #tpu.memory_space<hbm>>) dst(%dma_wait3A_769 : memref<16x128xf32, #tpu.memory_space<vmem>>)
      %dma_wait3A_772 = arith.constant 4 : i32
      %dma_wait3A_773 = arith.constant 0 : i32
      %dma_wait3A_774 = arith.constant 0 : i32
      %dma_wait3A_775 = tpu.memref_slice %arg13[%dma_wait3A_772, %dma_wait3A_773, %dma_wait3A_774] : memref<16x16x128xf32, #tpu.memory_space<vmem>> -> memref<1x16x128xf32, #tpu.memory_space<vmem>>
      %dma_wait3A_776 = tpu.memref_squeeze %dma_wait3A_775 : memref<1x16x128xf32, #tpu.memory_space<vmem>> -> memref<16x128xf32, #tpu.memory_space<vmem>>
      %dma_wait3A_777 = arith.constant 0 : i32
      %dma_wait3A_778 = tpu.memref_slice %arg7[%dma_wait3A_777, %multiple_of3A_189] : memref<16x1000000xf32, #tpu.memory_space<hbm>> -> memref<16x128xf32, #tpu.memory_space<hbm>>
      %dma_wait3A_779 = arith.constant 0 : i32
      %dma_wait3A_780 = arith.constant 0 : i32
      %dma_wait3A_781 = tpu.memref_slice %arg13[%dma_wait3A_772, %dma_wait3A_779, %dma_wait3A_780] : memref<16x16x128xf32, #tpu.memory_space<vmem>> -> memref<1x16x128xf32, #tpu.memory_space<vmem>>
      %dma_wait3A_782 = tpu.memref_squeeze %dma_wait3A_781 : memref<1x16x128xf32, #tpu.memory_space<vmem>> -> memref<16x128xf32, #tpu.memory_space<vmem>>
      %dma_wait3A_783 = arith.constant 0 : i32
      %dma_wait3A_784 = tpu.memref_slice %arg7[%dma_wait3A_783, %multiple_of3A_189] : memref<16x1000000xf32, #tpu.memory_space<hbm>> -> memref<16x128xf32, #tpu.memory_space<hbm>>
      tpu.wait_dma2 semaphore(%arg16 : memref<!tpu.dma_semaphore, #tpu.memory_space<semaphore_mem>>) src(%dma_wait3A_784 : memref<16x128xf32, #tpu.memory_space<hbm>>) dst(%dma_wait3A_782 : memref<16x128xf32, #tpu.memory_space<vmem>>)
      %dma_wait3A_785 = arith.constant 5 : i32
      %dma_wait3A_786 = arith.constant 0 : i32
      %dma_wait3A_787 = arith.constant 0 : i32
      %dma_wait3A_788 = tpu.memref_slice %arg12[%dma_wait3A_785, %dma_wait3A_786, %dma_wait3A_787] : memref<16x16x128xf32, #tpu.memory_space<vmem>> -> memref<1x16x128xf32, #tpu.memory_space<vmem>>
      %dma_wait3A_789 = tpu.memref_squeeze %dma_wait3A_788 : memref<1x16x128xf32, #tpu.memory_space<vmem>> -> memref<16x128xf32, #tpu.memory_space<vmem>>
      %dma_wait3A_790 = arith.constant 0 : i32
      %dma_wait3A_791 = tpu.memref_slice %arg6[%dma_wait3A_790, %multiple_of3A_222] : memref<16x1000000xf32, #tpu.memory_space<hbm>> -> memref<16x128xf32, #tpu.memory_space<hbm>>
      %dma_wait3A_792 = arith.constant 0 : i32
      %dma_wait3A_793 = arith.constant 0 : i32
      %dma_wait3A_794 = tpu.memref_slice %arg12[%dma_wait3A_785, %dma_wait3A_792, %dma_wait3A_793] : memref<16x16x128xf32, #tpu.memory_space<vmem>> -> memref<1x16x128xf32, #tpu.memory_space<vmem>>
      %dma_wait3A_795 = tpu.memref_squeeze %dma_wait3A_794 : memref<1x16x128xf32, #tpu.memory_space<vmem>> -> memref<16x128xf32, #tpu.memory_space<vmem>>
      %dma_wait3A_796 = arith.constant 0 : i32
      %dma_wait3A_797 = tpu.memref_slice %arg6[%dma_wait3A_796, %multiple_of3A_222] : memref<16x1000000xf32, #tpu.memory_space<hbm>> -> memref<16x128xf32, #tpu.memory_space<hbm>>
      tpu.wait_dma2 semaphore(%arg16 : memref<!tpu.dma_semaphore, #tpu.memory_space<semaphore_mem>>) src(%dma_wait3A_797 : memref<16x128xf32, #tpu.memory_space<hbm>>) dst(%dma_wait3A_795 : memref<16x128xf32, #tpu.memory_space<vmem>>)
      %dma_wait3A_798 = arith.constant 5 : i32
      %dma_wait3A_799 = arith.constant 0 : i32
      %dma_wait3A_800 = arith.constant 0 : i32
      %dma_wait3A_801 = tpu.memref_slice %arg13[%dma_wait3A_798, %dma_wait3A_799, %dma_wait3A_800] : memref<16x16x128xf32, #tpu.memory_space<vmem>> -> memref<1x16x128xf32, #tpu.memory_space<vmem>>
      %dma_wait3A_802 = tpu.memref_squeeze %dma_wait3A_801 : memref<1x16x128xf32, #tpu.memory_space<vmem>> -> memref<16x128xf32, #tpu.memory_space<vmem>>
      %dma_wait3A_803 = arith.constant 0 : i32
      %dma_wait3A_804 = tpu.memref_slice %arg7[%dma_wait3A_803, %multiple_of3A_229] : memref<16x1000000xf32, #tpu.memory_space<hbm>> -> memref<16x128xf32, #tpu.memory_space<hbm>>
      %dma_wait3A_805 = arith.constant 0 : i32
      %dma_wait3A_806 = arith.constant 0 : i32
      %dma_wait3A_807 = tpu.memref_slice %arg13[%dma_wait3A_798, %dma_wait3A_805, %dma_wait3A_806] : memref<16x16x128xf32, #tpu.memory_space<vmem>> -> memref<1x16x128xf32, #tpu.memory_space<vmem>>
      %dma_wait3A_808 = tpu.memref_squeeze %dma_wait3A_807 : memref<1x16x128xf32, #tpu.memory_space<vmem>> -> memref<16x128xf32, #tpu.memory_space<vmem>>
      %dma_wait3A_809 = arith.constant 0 : i32
      %dma_wait3A_810 = tpu.memref_slice %arg7[%dma_wait3A_809, %multiple_of3A_229] : memref<16x1000000xf32, #tpu.memory_space<hbm>> -> memref<16x128xf32, #tpu.memory_space<hbm>>
      tpu.wait_dma2 semaphore(%arg16 : memref<!tpu.dma_semaphore, #tpu.memory_space<semaphore_mem>>) src(%dma_wait3A_810 : memref<16x128xf32, #tpu.memory_space<hbm>>) dst(%dma_wait3A_808 : memref<16x128xf32, #tpu.memory_space<vmem>>)
      %dma_wait3A_811 = arith.constant 6 : i32
      %dma_wait3A_812 = arith.constant 0 : i32
      %dma_wait3A_813 = arith.constant 0 : i32
      %dma_wait3A_814 = tpu.memref_slice %arg12[%dma_wait3A_811, %dma_wait3A_812, %dma_wait3A_813] : memref<16x16x128xf32, #tpu.memory_space<vmem>> -> memref<1x16x128xf32, #tpu.memory_space<vmem>>
      %dma_wait3A_815 = tpu.memref_squeeze %dma_wait3A_814 : memref<1x16x128xf32, #tpu.memory_space<vmem>> -> memref<16x128xf32, #tpu.memory_space<vmem>>
      %dma_wait3A_816 = arith.constant 0 : i32
      %dma_wait3A_817 = tpu.memref_slice %arg6[%dma_wait3A_816, %multiple_of3A_262] : memref<16x1000000xf32, #tpu.memory_space<hbm>> -> memref<16x128xf32, #tpu.memory_space<hbm>>
      %dma_wait3A_818 = arith.constant 0 : i32
      %dma_wait3A_819 = arith.constant 0 : i32
      %dma_wait3A_820 = tpu.memref_slice %arg12[%dma_wait3A_811, %dma_wait3A_818, %dma_wait3A_819] : memref<16x16x128xf32, #tpu.memory_space<vmem>> -> memref<1x16x128xf32, #tpu.memory_space<vmem>>
      %dma_wait3A_821 = tpu.memref_squeeze %dma_wait3A_820 : memref<1x16x128xf32, #tpu.memory_space<vmem>> -> memref<16x128xf32, #tpu.memory_space<vmem>>
      %dma_wait3A_822 = arith.constant 0 : i32
      %dma_wait3A_823 = tpu.memref_slice %arg6[%dma_wait3A_822, %multiple_of3A_262] : memref<16x1000000xf32, #tpu.memory_space<hbm>> -> memref<16x128xf32, #tpu.memory_space<hbm>>
      tpu.wait_dma2 semaphore(%arg16 : memref<!tpu.dma_semaphore, #tpu.memory_space<semaphore_mem>>) src(%dma_wait3A_823 : memref<16x128xf32, #tpu.memory_space<hbm>>) dst(%dma_wait3A_821 : memref<16x128xf32, #tpu.memory_space<vmem>>)
      %dma_wait3A_824 = arith.constant 6 : i32
      %dma_wait3A_825 = arith.constant 0 : i32
      %dma_wait3A_826 = arith.constant 0 : i32
      %dma_wait3A_827 = tpu.memref_slice %arg13[%dma_wait3A_824, %dma_wait3A_825, %dma_wait3A_826] : memref<16x16x128xf32, #tpu.memory_space<vmem>> -> memref<1x16x128xf32, #tpu.memory_space<vmem>>
      %dma_wait3A_828 = tpu.memref_squeeze %dma_wait3A_827 : memref<1x16x128xf32, #tpu.memory_space<vmem>> -> memref<16x128xf32, #tpu.memory_space<vmem>>
      %dma_wait3A_829 = arith.constant 0 : i32
      %dma_wait3A_830 = tpu.memref_slice %arg7[%dma_wait3A_829, %multiple_of3A_269] : memref<16x1000000xf32, #tpu.memory_space<hbm>> -> memref<16x128xf32, #tpu.memory_space<hbm>>
      %dma_wait3A_831 = arith.constant 0 : i32
      %dma_wait3A_832 = arith.constant 0 : i32
      %dma_wait3A_833 = tpu.memref_slice %arg13[%dma_wait3A_824, %dma_wait3A_831, %dma_wait3A_832] : memref<16x16x128xf32, #tpu.memory_space<vmem>> -> memref<1x16x128xf32, #tpu.memory_space<vmem>>
      %dma_wait3A_834 = tpu.memref_squeeze %dma_wait3A_833 : memref<1x16x128xf32, #tpu.memory_space<vmem>> -> memref<16x128xf32, #tpu.memory_space<vmem>>
      %dma_wait3A_835 = arith.constant 0 : i32
      %dma_wait3A_836 = tpu.memref_slice %arg7[%dma_wait3A_835, %multiple_of3A_269] : memref<16x1000000xf32, #tpu.memory_space<hbm>> -> memref<16x128xf32, #tpu.memory_space<hbm>>
      tpu.wait_dma2 semaphore(%arg16 : memref<!tpu.dma_semaphore, #tpu.memory_space<semaphore_mem>>) src(%dma_wait3A_836 : memref<16x128xf32, #tpu.memory_space<hbm>>) dst(%dma_wait3A_834 : memref<16x128xf32, #tpu.memory_space<vmem>>)
      %dma_wait3A_837 = arith.constant 7 : i32
      %dma_wait3A_838 = arith.constant 0 : i32
      %dma_wait3A_839 = arith.constant 0 : i32
      %dma_wait3A_840 = tpu.memref_slice %arg12[%dma_wait3A_837, %dma_wait3A_838, %dma_wait3A_839] : memref<16x16x128xf32, #tpu.memory_space<vmem>> -> memref<1x16x128xf32, #tpu.memory_space<vmem>>
      %dma_wait3A_841 = tpu.memref_squeeze %dma_wait3A_840 : memref<1x16x128xf32, #tpu.memory_space<vmem>> -> memref<16x128xf32, #tpu.memory_space<vmem>>
      %dma_wait3A_842 = arith.constant 0 : i32
      %dma_wait3A_843 = tpu.memref_slice %arg6[%dma_wait3A_842, %multiple_of3A_302] : memref<16x1000000xf32, #tpu.memory_space<hbm>> -> memref<16x128xf32, #tpu.memory_space<hbm>>
      %dma_wait3A_844 = arith.constant 0 : i32
      %dma_wait3A_845 = arith.constant 0 : i32
      %dma_wait3A_846 = tpu.memref_slice %arg12[%dma_wait3A_837, %dma_wait3A_844, %dma_wait3A_845] : memref<16x16x128xf32, #tpu.memory_space<vmem>> -> memref<1x16x128xf32, #tpu.memory_space<vmem>>
      %dma_wait3A_847 = tpu.memref_squeeze %dma_wait3A_846 : memref<1x16x128xf32, #tpu.memory_space<vmem>> -> memref<16x128xf32, #tpu.memory_space<vmem>>
      %dma_wait3A_848 = arith.constant 0 : i32
      %dma_wait3A_849 = tpu.memref_slice %arg6[%dma_wait3A_848, %multiple_of3A_302] : memref<16x1000000xf32, #tpu.memory_space<hbm>> -> memref<16x128xf32, #tpu.memory_space<hbm>>
      tpu.wait_dma2 semaphore(%arg16 : memref<!tpu.dma_semaphore, #tpu.memory_space<semaphore_mem>>) src(%dma_wait3A_849 : memref<16x128xf32, #tpu.memory_space<hbm>>) dst(%dma_wait3A_847 : memref<16x128xf32, #tpu.memory_space<vmem>>)
      %dma_wait3A_850 = arith.constant 7 : i32
      %dma_wait3A_851 = arith.constant 0 : i32
      %dma_wait3A_852 = arith.constant 0 : i32
      %dma_wait3A_853 = tpu.memref_slice %arg13[%dma_wait3A_850, %dma_wait3A_851, %dma_wait3A_852] : memref<16x16x128xf32, #tpu.memory_space<vmem>> -> memref<1x16x128xf32, #tpu.memory_space<vmem>>
      %dma_wait3A_854 = tpu.memref_squeeze %dma_wait3A_853 : memref<1x16x128xf32, #tpu.memory_space<vmem>> -> memref<16x128xf32, #tpu.memory_space<vmem>>
      %dma_wait3A_855 = arith.constant 0 : i32
      %dma_wait3A_856 = tpu.memref_slice %arg7[%dma_wait3A_855, %multiple_of3A_309] : memref<16x1000000xf32, #tpu.memory_space<hbm>> -> memref<16x128xf32, #tpu.memory_space<hbm>>
      %dma_wait3A_857 = arith.constant 0 : i32
      %dma_wait3A_858 = arith.constant 0 : i32
      %dma_wait3A_859 = tpu.memref_slice %arg13[%dma_wait3A_850, %dma_wait3A_857, %dma_wait3A_858] : memref<16x16x128xf32, #tpu.memory_space<vmem>> -> memref<1x16x128xf32, #tpu.memory_space<vmem>>
      %dma_wait3A_860 = tpu.memref_squeeze %dma_wait3A_859 : memref<1x16x128xf32, #tpu.memory_space<vmem>> -> memref<16x128xf32, #tpu.memory_space<vmem>>
      %dma_wait3A_861 = arith.constant 0 : i32
      %dma_wait3A_862 = tpu.memref_slice %arg7[%dma_wait3A_861, %multiple_of3A_309] : memref<16x1000000xf32, #tpu.memory_space<hbm>> -> memref<16x128xf32, #tpu.memory_space<hbm>>
      tpu.wait_dma2 semaphore(%arg16 : memref<!tpu.dma_semaphore, #tpu.memory_space<semaphore_mem>>) src(%dma_wait3A_862 : memref<16x128xf32, #tpu.memory_space<hbm>>) dst(%dma_wait3A_860 : memref<16x128xf32, #tpu.memory_space<vmem>>)
      %dma_wait3A_863 = arith.constant 8 : i32
      %dma_wait3A_864 = arith.constant 0 : i32
      %dma_wait3A_865 = arith.constant 0 : i32
      %dma_wait3A_866 = tpu.memref_slice %arg12[%dma_wait3A_863, %dma_wait3A_864, %dma_wait3A_865] : memref<16x16x128xf32, #tpu.memory_space<vmem>> -> memref<1x16x128xf32, #tpu.memory_space<vmem>>
      %dma_wait3A_867 = tpu.memref_squeeze %dma_wait3A_866 : memref<1x16x128xf32, #tpu.memory_space<vmem>> -> memref<16x128xf32, #tpu.memory_space<vmem>>
      %dma_wait3A_868 = arith.constant 0 : i32
      %dma_wait3A_869 = tpu.memref_slice %arg6[%dma_wait3A_868, %multiple_of3A_342] : memref<16x1000000xf32, #tpu.memory_space<hbm>> -> memref<16x128xf32, #tpu.memory_space<hbm>>
      %dma_wait3A_870 = arith.constant 0 : i32
      %dma_wait3A_871 = arith.constant 0 : i32
      %dma_wait3A_872 = tpu.memref_slice %arg12[%dma_wait3A_863, %dma_wait3A_870, %dma_wait3A_871] : memref<16x16x128xf32, #tpu.memory_space<vmem>> -> memref<1x16x128xf32, #tpu.memory_space<vmem>>
      %dma_wait3A_873 = tpu.memref_squeeze %dma_wait3A_872 : memref<1x16x128xf32, #tpu.memory_space<vmem>> -> memref<16x128xf32, #tpu.memory_space<vmem>>
      %dma_wait3A_874 = arith.constant 0 : i32
      %dma_wait3A_875 = tpu.memref_slice %arg6[%dma_wait3A_874, %multiple_of3A_342] : memref<16x1000000xf32, #tpu.memory_space<hbm>> -> memref<16x128xf32, #tpu.memory_space<hbm>>
      tpu.wait_dma2 semaphore(%arg16 : memref<!tpu.dma_semaphore, #tpu.memory_space<semaphore_mem>>) src(%dma_wait3A_875 : memref<16x128xf32, #tpu.memory_space<hbm>>) dst(%dma_wait3A_873 : memref<16x128xf32, #tpu.memory_space<vmem>>)
      %dma_wait3A_876 = arith.constant 8 : i32
      %dma_wait3A_877 = arith.constant 0 : i32
      %dma_wait3A_878 = arith.constant 0 : i32
      %dma_wait3A_879 = tpu.memref_slice %arg13[%dma_wait3A_876, %dma_wait3A_877, %dma_wait3A_878] : memref<16x16x128xf32, #tpu.memory_space<vmem>> -> memref<1x16x128xf32, #tpu.memory_space<vmem>>
      %dma_wait3A_880 = tpu.memref_squeeze %dma_wait3A_879 : memref<1x16x128xf32, #tpu.memory_space<vmem>> -> memref<16x128xf32, #tpu.memory_space<vmem>>
      %dma_wait3A_881 = arith.constant 0 : i32
      %dma_wait3A_882 = tpu.memref_slice %arg7[%dma_wait3A_881, %multiple_of3A_349] : memref<16x1000000xf32, #tpu.memory_space<hbm>> -> memref<16x128xf32, #tpu.memory_space<hbm>>
      %dma_wait3A_883 = arith.constant 0 : i32
      %dma_wait3A_884 = arith.constant 0 : i32
      %dma_wait3A_885 = tpu.memref_slice %arg13[%dma_wait3A_876, %dma_wait3A_883, %dma_wait3A_884] : memref<16x16x128xf32, #tpu.memory_space<vmem>> -> memref<1x16x128xf32, #tpu.memory_space<vmem>>
      %dma_wait3A_886 = tpu.memref_squeeze %dma_wait3A_885 : memref<1x16x128xf32, #tpu.memory_space<vmem>> -> memref<16x128xf32, #tpu.memory_space<vmem>>
      %dma_wait3A_887 = arith.constant 0 : i32
      %dma_wait3A_888 = tpu.memref_slice %arg7[%dma_wait3A_887, %multiple_of3A_349] : memref<16x1000000xf32, #tpu.memory_space<hbm>> -> memref<16x128xf32, #tpu.memory_space<hbm>>
      tpu.wait_dma2 semaphore(%arg16 : memref<!tpu.dma_semaphore, #tpu.memory_space<semaphore_mem>>) src(%dma_wait3A_888 : memref<16x128xf32, #tpu.memory_space<hbm>>) dst(%dma_wait3A_886 : memref<16x128xf32, #tpu.memory_space<vmem>>)
      %dma_wait3A_889 = arith.constant 9 : i32
      %dma_wait3A_890 = arith.constant 0 : i32
      %dma_wait3A_891 = arith.constant 0 : i32
      %dma_wait3A_892 = tpu.memref_slice %arg12[%dma_wait3A_889, %dma_wait3A_890, %dma_wait3A_891] : memref<16x16x128xf32, #tpu.memory_space<vmem>> -> memref<1x16x128xf32, #tpu.memory_space<vmem>>
      %dma_wait3A_893 = tpu.memref_squeeze %dma_wait3A_892 : memref<1x16x128xf32, #tpu.memory_space<vmem>> -> memref<16x128xf32, #tpu.memory_space<vmem>>
      %dma_wait3A_894 = arith.constant 0 : i32
      %dma_wait3A_895 = tpu.memref_slice %arg6[%dma_wait3A_894, %multiple_of3A_382] : memref<16x1000000xf32, #tpu.memory_space<hbm>> -> memref<16x128xf32, #tpu.memory_space<hbm>>
      %dma_wait3A_896 = arith.constant 0 : i32
      %dma_wait3A_897 = arith.constant 0 : i32
      %dma_wait3A_898 = tpu.memref_slice %arg12[%dma_wait3A_889, %dma_wait3A_896, %dma_wait3A_897] : memref<16x16x128xf32, #tpu.memory_space<vmem>> -> memref<1x16x128xf32, #tpu.memory_space<vmem>>
      %dma_wait3A_899 = tpu.memref_squeeze %dma_wait3A_898 : memref<1x16x128xf32, #tpu.memory_space<vmem>> -> memref<16x128xf32, #tpu.memory_space<vmem>>
      %dma_wait3A_900 = arith.constant 0 : i32
      %dma_wait3A_901 = tpu.memref_slice %arg6[%dma_wait3A_900, %multiple_of3A_382] : memref<16x1000000xf32, #tpu.memory_space<hbm>> -> memref<16x128xf32, #tpu.memory_space<hbm>>
      tpu.wait_dma2 semaphore(%arg16 : memref<!tpu.dma_semaphore, #tpu.memory_space<semaphore_mem>>) src(%dma_wait3A_901 : memref<16x128xf32, #tpu.memory_space<hbm>>) dst(%dma_wait3A_899 : memref<16x128xf32, #tpu.memory_space<vmem>>)
      %dma_wait3A_902 = arith.constant 9 : i32
      %dma_wait3A_903 = arith.constant 0 : i32
      %dma_wait3A_904 = arith.constant 0 : i32
      %dma_wait3A_905 = tpu.memref_slice %arg13[%dma_wait3A_902, %dma_wait3A_903, %dma_wait3A_904] : memref<16x16x128xf32, #tpu.memory_space<vmem>> -> memref<1x16x128xf32, #tpu.memory_space<vmem>>
      %dma_wait3A_906 = tpu.memref_squeeze %dma_wait3A_905 : memref<1x16x128xf32, #tpu.memory_space<vmem>> -> memref<16x128xf32, #tpu.memory_space<vmem>>
      %dma_wait3A_907 = arith.constant 0 : i32
      %dma_wait3A_908 = tpu.memref_slice %arg7[%dma_wait3A_907, %multiple_of3A_389] : memref<16x1000000xf32, #tpu.memory_space<hbm>> -> memref<16x128xf32, #tpu.memory_space<hbm>>
      %dma_wait3A_909 = arith.constant 0 : i32
      %dma_wait3A_910 = arith.constant 0 : i32
      %dma_wait3A_911 = tpu.memref_slice %arg13[%dma_wait3A_902, %dma_wait3A_909, %dma_wait3A_910] : memref<16x16x128xf32, #tpu.memory_space<vmem>> -> memref<1x16x128xf32, #tpu.memory_space<vmem>>
      %dma_wait3A_912 = tpu.memref_squeeze %dma_wait3A_911 : memref<1x16x128xf32, #tpu.memory_space<vmem>> -> memref<16x128xf32, #tpu.memory_space<vmem>>
      %dma_wait3A_913 = arith.constant 0 : i32
      %dma_wait3A_914 = tpu.memref_slice %arg7[%dma_wait3A_913, %multiple_of3A_389] : memref<16x1000000xf32, #tpu.memory_space<hbm>> -> memref<16x128xf32, #tpu.memory_space<hbm>>
      tpu.wait_dma2 semaphore(%arg16 : memref<!tpu.dma_semaphore, #tpu.memory_space<semaphore_mem>>) src(%dma_wait3A_914 : memref<16x128xf32, #tpu.memory_space<hbm>>) dst(%dma_wait3A_912 : memref<16x128xf32, #tpu.memory_space<vmem>>)
      %dma_wait3A_915 = arith.constant 10 : i32
      %dma_wait3A_916 = arith.constant 0 : i32
      %dma_wait3A_917 = arith.constant 0 : i32
      %dma_wait3A_918 = tpu.memref_slice %arg12[%dma_wait3A_915, %dma_wait3A_916, %dma_wait3A_917] : memref<16x16x128xf32, #tpu.memory_space<vmem>> -> memref<1x16x128xf32, #tpu.memory_space<vmem>>
      %dma_wait3A_919 = tpu.memref_squeeze %dma_wait3A_918 : memref<1x16x128xf32, #tpu.memory_space<vmem>> -> memref<16x128xf32, #tpu.memory_space<vmem>>
      %dma_wait3A_920 = arith.constant 0 : i32
      %dma_wait3A_921 = tpu.memref_slice %arg6[%dma_wait3A_920, %multiple_of3A_422] : memref<16x1000000xf32, #tpu.memory_space<hbm>> -> memref<16x128xf32, #tpu.memory_space<hbm>>
      %dma_wait3A_922 = arith.constant 0 : i32
      %dma_wait3A_923 = arith.constant 0 : i32
      %dma_wait3A_924 = tpu.memref_slice %arg12[%dma_wait3A_915, %dma_wait3A_922, %dma_wait3A_923] : memref<16x16x128xf32, #tpu.memory_space<vmem>> -> memref<1x16x128xf32, #tpu.memory_space<vmem>>
      %dma_wait3A_925 = tpu.memref_squeeze %dma_wait3A_924 : memref<1x16x128xf32, #tpu.memory_space<vmem>> -> memref<16x128xf32, #tpu.memory_space<vmem>>
      %dma_wait3A_926 = arith.constant 0 : i32
      %dma_wait3A_927 = tpu.memref_slice %arg6[%dma_wait3A_926, %multiple_of3A_422] : memref<16x1000000xf32, #tpu.memory_space<hbm>> -> memref<16x128xf32, #tpu.memory_space<hbm>>
      tpu.wait_dma2 semaphore(%arg16 : memref<!tpu.dma_semaphore, #tpu.memory_space<semaphore_mem>>) src(%dma_wait3A_927 : memref<16x128xf32, #tpu.memory_space<hbm>>) dst(%dma_wait3A_925 : memref<16x128xf32, #tpu.memory_space<vmem>>)
      %dma_wait3A_928 = arith.constant 10 : i32
      %dma_wait3A_929 = arith.constant 0 : i32
      %dma_wait3A_930 = arith.constant 0 : i32
      %dma_wait3A_931 = tpu.memref_slice %arg13[%dma_wait3A_928, %dma_wait3A_929, %dma_wait3A_930] : memref<16x16x128xf32, #tpu.memory_space<vmem>> -> memref<1x16x128xf32, #tpu.memory_space<vmem>>
      %dma_wait3A_932 = tpu.memref_squeeze %dma_wait3A_931 : memref<1x16x128xf32, #tpu.memory_space<vmem>> -> memref<16x128xf32, #tpu.memory_space<vmem>>
      %dma_wait3A_933 = arith.constant 0 : i32
      %dma_wait3A_934 = tpu.memref_slice %arg7[%dma_wait3A_933, %multiple_of3A_429] : memref<16x1000000xf32, #tpu.memory_space<hbm>> -> memref<16x128xf32, #tpu.memory_space<hbm>>
      %dma_wait3A_935 = arith.constant 0 : i32
      %dma_wait3A_936 = arith.constant 0 : i32
      %dma_wait3A_937 = tpu.memref_slice %arg13[%dma_wait3A_928, %dma_wait3A_935, %dma_wait3A_936] : memref<16x16x128xf32, #tpu.memory_space<vmem>> -> memref<1x16x128xf32, #tpu.memory_space<vmem>>
      %dma_wait3A_938 = tpu.memref_squeeze %dma_wait3A_937 : memref<1x16x128xf32, #tpu.memory_space<vmem>> -> memref<16x128xf32, #tpu.memory_space<vmem>>
      %dma_wait3A_939 = arith.constant 0 : i32
      %dma_wait3A_940 = tpu.memref_slice %arg7[%dma_wait3A_939, %multiple_of3A_429] : memref<16x1000000xf32, #tpu.memory_space<hbm>> -> memref<16x128xf32, #tpu.memory_space<hbm>>
      tpu.wait_dma2 semaphore(%arg16 : memref<!tpu.dma_semaphore, #tpu.memory_space<semaphore_mem>>) src(%dma_wait3A_940 : memref<16x128xf32, #tpu.memory_space<hbm>>) dst(%dma_wait3A_938 : memref<16x128xf32, #tpu.memory_space<vmem>>)
      %dma_wait3A_941 = arith.constant 11 : i32
      %dma_wait3A_942 = arith.constant 0 : i32
      %dma_wait3A_943 = arith.constant 0 : i32
      %dma_wait3A_944 = tpu.memref_slice %arg12[%dma_wait3A_941, %dma_wait3A_942, %dma_wait3A_943] : memref<16x16x128xf32, #tpu.memory_space<vmem>> -> memref<1x16x128xf32, #tpu.memory_space<vmem>>
      %dma_wait3A_945 = tpu.memref_squeeze %dma_wait3A_944 : memref<1x16x128xf32, #tpu.memory_space<vmem>> -> memref<16x128xf32, #tpu.memory_space<vmem>>
      %dma_wait3A_946 = arith.constant 0 : i32
      %dma_wait3A_947 = tpu.memref_slice %arg6[%dma_wait3A_946, %multiple_of3A_462] : memref<16x1000000xf32, #tpu.memory_space<hbm>> -> memref<16x128xf32, #tpu.memory_space<hbm>>
      %dma_wait3A_948 = arith.constant 0 : i32
      %dma_wait3A_949 = arith.constant 0 : i32
      %dma_wait3A_950 = tpu.memref_slice %arg12[%dma_wait3A_941, %dma_wait3A_948, %dma_wait3A_949] : memref<16x16x128xf32, #tpu.memory_space<vmem>> -> memref<1x16x128xf32, #tpu.memory_space<vmem>>
      %dma_wait3A_951 = tpu.memref_squeeze %dma_wait3A_950 : memref<1x16x128xf32, #tpu.memory_space<vmem>> -> memref<16x128xf32, #tpu.memory_space<vmem>>
      %dma_wait3A_952 = arith.constant 0 : i32
      %dma_wait3A_953 = tpu.memref_slice %arg6[%dma_wait3A_952, %multiple_of3A_462] : memref<16x1000000xf32, #tpu.memory_space<hbm>> -> memref<16x128xf32, #tpu.memory_space<hbm>>
      tpu.wait_dma2 semaphore(%arg16 : memref<!tpu.dma_semaphore, #tpu.memory_space<semaphore_mem>>) src(%dma_wait3A_953 : memref<16x128xf32, #tpu.memory_space<hbm>>) dst(%dma_wait3A_951 : memref<16x128xf32, #tpu.memory_space<vmem>>)
      %dma_wait3A_954 = arith.constant 11 : i32
      %dma_wait3A_955 = arith.constant 0 : i32
      %dma_wait3A_956 = arith.constant 0 : i32
      %dma_wait3A_957 = tpu.memref_slice %arg13[%dma_wait3A_954, %dma_wait3A_955, %dma_wait3A_956] : memref<16x16x128xf32, #tpu.memory_space<vmem>> -> memref<1x16x128xf32, #tpu.memory_space<vmem>>
      %dma_wait3A_958 = tpu.memref_squeeze %dma_wait3A_957 : memref<1x16x128xf32, #tpu.memory_space<vmem>> -> memref<16x128xf32, #tpu.memory_space<vmem>>
      %dma_wait3A_959 = arith.constant 0 : i32
      %dma_wait3A_960 = tpu.memref_slice %arg7[%dma_wait3A_959, %multiple_of3A_469] : memref<16x1000000xf32, #tpu.memory_space<hbm>> -> memref<16x128xf32, #tpu.memory_space<hbm>>
      %dma_wait3A_961 = arith.constant 0 : i32
      %dma_wait3A_962 = arith.constant 0 : i32
      %dma_wait3A_963 = tpu.memref_slice %arg13[%dma_wait3A_954, %dma_wait3A_961, %dma_wait3A_962] : memref<16x16x128xf32, #tpu.memory_space<vmem>> -> memref<1x16x128xf32, #tpu.memory_space<vmem>>
      %dma_wait3A_964 = tpu.memref_squeeze %dma_wait3A_963 : memref<1x16x128xf32, #tpu.memory_space<vmem>> -> memref<16x128xf32, #tpu.memory_space<vmem>>
      %dma_wait3A_965 = arith.constant 0 : i32
      %dma_wait3A_966 = tpu.memref_slice %arg7[%dma_wait3A_965, %multiple_of3A_469] : memref<16x1000000xf32, #tpu.memory_space<hbm>> -> memref<16x128xf32, #tpu.memory_space<hbm>>
      tpu.wait_dma2 semaphore(%arg16 : memref<!tpu.dma_semaphore, #tpu.memory_space<semaphore_mem>>) src(%dma_wait3A_966 : memref<16x128xf32, #tpu.memory_space<hbm>>) dst(%dma_wait3A_964 : memref<16x128xf32, #tpu.memory_space<vmem>>)
      %dma_wait3A_967 = arith.constant 12 : i32
      %dma_wait3A_968 = arith.constant 0 : i32
      %dma_wait3A_969 = arith.constant 0 : i32
      %dma_wait3A_970 = tpu.memref_slice %arg12[%dma_wait3A_967, %dma_wait3A_968, %dma_wait3A_969] : memref<16x16x128xf32, #tpu.memory_space<vmem>> -> memref<1x16x128xf32, #tpu.memory_space<vmem>>
      %dma_wait3A_971 = tpu.memref_squeeze %dma_wait3A_970 : memref<1x16x128xf32, #tpu.memory_space<vmem>> -> memref<16x128xf32, #tpu.memory_space<vmem>>
      %dma_wait3A_972 = arith.constant 0 : i32
      %dma_wait3A_973 = tpu.memref_slice %arg6[%dma_wait3A_972, %multiple_of3A_502] : memref<16x1000000xf32, #tpu.memory_space<hbm>> -> memref<16x128xf32, #tpu.memory_space<hbm>>
      %dma_wait3A_974 = arith.constant 0 : i32
      %dma_wait3A_975 = arith.constant 0 : i32
      %dma_wait3A_976 = tpu.memref_slice %arg12[%dma_wait3A_967, %dma_wait3A_974, %dma_wait3A_975] : memref<16x16x128xf32, #tpu.memory_space<vmem>> -> memref<1x16x128xf32, #tpu.memory_space<vmem>>
      %dma_wait3A_977 = tpu.memref_squeeze %dma_wait3A_976 : memref<1x16x128xf32, #tpu.memory_space<vmem>> -> memref<16x128xf32, #tpu.memory_space<vmem>>
      %dma_wait3A_978 = arith.constant 0 : i32
      %dma_wait3A_979 = tpu.memref_slice %arg6[%dma_wait3A_978, %multiple_of3A_502] : memref<16x1000000xf32, #tpu.memory_space<hbm>> -> memref<16x128xf32, #tpu.memory_space<hbm>>
      tpu.wait_dma2 semaphore(%arg16 : memref<!tpu.dma_semaphore, #tpu.memory_space<semaphore_mem>>) src(%dma_wait3A_979 : memref<16x128xf32, #tpu.memory_space<hbm>>) dst(%dma_wait3A_977 : memref<16x128xf32, #tpu.memory_space<vmem>>)
      %dma_wait3A_980 = arith.constant 12 : i32
      %dma_wait3A_981 = arith.constant 0 : i32
      %dma_wait3A_982 = arith.constant 0 : i32
      %dma_wait3A_983 = tpu.memref_slice %arg13[%dma_wait3A_980, %dma_wait3A_981, %dma_wait3A_982] : memref<16x16x128xf32, #tpu.memory_space<vmem>> -> memref<1x16x128xf32, #tpu.memory_space<vmem>>
      %dma_wait3A_984 = tpu.memref_squeeze %dma_wait3A_983 : memref<1x16x128xf32, #tpu.memory_space<vmem>> -> memref<16x128xf32, #tpu.memory_space<vmem>>
      %dma_wait3A_985 = arith.constant 0 : i32
      %dma_wait3A_986 = tpu.memref_slice %arg7[%dma_wait3A_985, %multiple_of3A_509] : memref<16x1000000xf32, #tpu.memory_space<hbm>> -> memref<16x128xf32, #tpu.memory_space<hbm>>
      %dma_wait3A_987 = arith.constant 0 : i32
      %dma_wait3A_988 = arith.constant 0 : i32
      %dma_wait3A_989 = tpu.memref_slice %arg13[%dma_wait3A_980, %dma_wait3A_987, %dma_wait3A_988] : memref<16x16x128xf32, #tpu.memory_space<vmem>> -> memref<1x16x128xf32, #tpu.memory_space<vmem>>
      %dma_wait3A_990 = tpu.memref_squeeze %dma_wait3A_989 : memref<1x16x128xf32, #tpu.memory_space<vmem>> -> memref<16x128xf32, #tpu.memory_space<vmem>>
      %dma_wait3A_991 = arith.constant 0 : i32
      %dma_wait3A_992 = tpu.memref_slice %arg7[%dma_wait3A_991, %multiple_of3A_509] : memref<16x1000000xf32, #tpu.memory_space<hbm>> -> memref<16x128xf32, #tpu.memory_space<hbm>>
      tpu.wait_dma2 semaphore(%arg16 : memref<!tpu.dma_semaphore, #tpu.memory_space<semaphore_mem>>) src(%dma_wait3A_992 : memref<16x128xf32, #tpu.memory_space<hbm>>) dst(%dma_wait3A_990 : memref<16x128xf32, #tpu.memory_space<vmem>>)
      %dma_wait3A_993 = arith.constant 13 : i32
      %dma_wait3A_994 = arith.constant 0 : i32
      %dma_wait3A_995 = arith.constant 0 : i32
      %dma_wait3A_996 = tpu.memref_slice %arg12[%dma_wait3A_993, %dma_wait3A_994, %dma_wait3A_995] : memref<16x16x128xf32, #tpu.memory_space<vmem>> -> memref<1x16x128xf32, #tpu.memory_space<vmem>>
      %dma_wait3A_997 = tpu.memref_squeeze %dma_wait3A_996 : memref<1x16x128xf32, #tpu.memory_space<vmem>> -> memref<16x128xf32, #tpu.memory_space<vmem>>
      %dma_wait3A_998 = arith.constant 0 : i32
      %dma_wait3A_999 = tpu.memref_slice %arg6[%dma_wait3A_998, %multiple_of3A_542] : memref<16x1000000xf32, #tpu.memory_space<hbm>> -> memref<16x128xf32, #tpu.memory_space<hbm>>
      %dma_wait3A_1000 = arith.constant 0 : i32
      %dma_wait3A_1001 = arith.constant 0 : i32
      %dma_wait3A_1002 = tpu.memref_slice %arg12[%dma_wait3A_993, %dma_wait3A_1000, %dma_wait3A_1001] : memref<16x16x128xf32, #tpu.memory_space<vmem>> -> memref<1x16x128xf32, #tpu.memory_space<vmem>>
      %dma_wait3A_1003 = tpu.memref_squeeze %dma_wait3A_1002 : memref<1x16x128xf32, #tpu.memory_space<vmem>> -> memref<16x128xf32, #tpu.memory_space<vmem>>
      %dma_wait3A_1004 = arith.constant 0 : i32
      %dma_wait3A_1005 = tpu.memref_slice %arg6[%dma_wait3A_1004, %multiple_of3A_542] : memref<16x1000000xf32, #tpu.memory_space<hbm>> -> memref<16x128xf32, #tpu.memory_space<hbm>>
      tpu.wait_dma2 semaphore(%arg16 : memref<!tpu.dma_semaphore, #tpu.memory_space<semaphore_mem>>) src(%dma_wait3A_1005 : memref<16x128xf32, #tpu.memory_space<hbm>>) dst(%dma_wait3A_1003 : memref<16x128xf32, #tpu.memory_space<vmem>>)
      %dma_wait3A_1006 = arith.constant 13 : i32
      %dma_wait3A_1007 = arith.constant 0 : i32
      %dma_wait3A_1008 = arith.constant 0 : i32
      %dma_wait3A_1009 = tpu.memref_slice %arg13[%dma_wait3A_1006, %dma_wait3A_1007, %dma_wait3A_1008] : memref<16x16x128xf32, #tpu.memory_space<vmem>> -> memref<1x16x128xf32, #tpu.memory_space<vmem>>
      %dma_wait3A_1010 = tpu.memref_squeeze %dma_wait3A_1009 : memref<1x16x128xf32, #tpu.memory_space<vmem>> -> memref<16x128xf32, #tpu.memory_space<vmem>>
      %dma_wait3A_1011 = arith.constant 0 : i32
      %dma_wait3A_1012 = tpu.memref_slice %arg7[%dma_wait3A_1011, %multiple_of3A_549] : memref<16x1000000xf32, #tpu.memory_space<hbm>> -> memref<16x128xf32, #tpu.memory_space<hbm>>
      %dma_wait3A_1013 = arith.constant 0 : i32
      %dma_wait3A_1014 = arith.constant 0 : i32
      %dma_wait3A_1015 = tpu.memref_slice %arg13[%dma_wait3A_1006, %dma_wait3A_1013, %dma_wait3A_1014] : memref<16x16x128xf32, #tpu.memory_space<vmem>> -> memref<1x16x128xf32, #tpu.memory_space<vmem>>
      %dma_wait3A_1016 = tpu.memref_squeeze %dma_wait3A_1015 : memref<1x16x128xf32, #tpu.memory_space<vmem>> -> memref<16x128xf32, #tpu.memory_space<vmem>>
      %dma_wait3A_1017 = arith.constant 0 : i32
      %dma_wait3A_1018 = tpu.memref_slice %arg7[%dma_wait3A_1017, %multiple_of3A_549] : memref<16x1000000xf32, #tpu.memory_space<hbm>> -> memref<16x128xf32, #tpu.memory_space<hbm>>
      tpu.wait_dma2 semaphore(%arg16 : memref<!tpu.dma_semaphore, #tpu.memory_space<semaphore_mem>>) src(%dma_wait3A_1018 : memref<16x128xf32, #tpu.memory_space<hbm>>) dst(%dma_wait3A_1016 : memref<16x128xf32, #tpu.memory_space<vmem>>)
      %dma_wait3A_1019 = arith.constant 14 : i32
      %dma_wait3A_1020 = arith.constant 0 : i32
      %dma_wait3A_1021 = arith.constant 0 : i32
      %dma_wait3A_1022 = tpu.memref_slice %arg12[%dma_wait3A_1019, %dma_wait3A_1020, %dma_wait3A_1021] : memref<16x16x128xf32, #tpu.memory_space<vmem>> -> memref<1x16x128xf32, #tpu.memory_space<vmem>>
      %dma_wait3A_1023 = tpu.memref_squeeze %dma_wait3A_1022 : memref<1x16x128xf32, #tpu.memory_space<vmem>> -> memref<16x128xf32, #tpu.memory_space<vmem>>
      %dma_wait3A_1024 = arith.constant 0 : i32
      %dma_wait3A_1025 = tpu.memref_slice %arg6[%dma_wait3A_1024, %multiple_of3A_582] : memref<16x1000000xf32, #tpu.memory_space<hbm>> -> memref<16x128xf32, #tpu.memory_space<hbm>>
      %dma_wait3A_1026 = arith.constant 0 : i32
      %dma_wait3A_1027 = arith.constant 0 : i32
      %dma_wait3A_1028 = tpu.memref_slice %arg12[%dma_wait3A_1019, %dma_wait3A_1026, %dma_wait3A_1027] : memref<16x16x128xf32, #tpu.memory_space<vmem>> -> memref<1x16x128xf32, #tpu.memory_space<vmem>>
      %dma_wait3A_1029 = tpu.memref_squeeze %dma_wait3A_1028 : memref<1x16x128xf32, #tpu.memory_space<vmem>> -> memref<16x128xf32, #tpu.memory_space<vmem>>
      %dma_wait3A_1030 = arith.constant 0 : i32
      %dma_wait3A_1031 = tpu.memref_slice %arg6[%dma_wait3A_1030, %multiple_of3A_582] : memref<16x1000000xf32, #tpu.memory_space<hbm>> -> memref<16x128xf32, #tpu.memory_space<hbm>>
      tpu.wait_dma2 semaphore(%arg16 : memref<!tpu.dma_semaphore, #tpu.memory_space<semaphore_mem>>) src(%dma_wait3A_1031 : memref<16x128xf32, #tpu.memory_space<hbm>>) dst(%dma_wait3A_1029 : memref<16x128xf32, #tpu.memory_space<vmem>>)
      %dma_wait3A_1032 = arith.constant 14 : i32
      %dma_wait3A_1033 = arith.constant 0 : i32
      %dma_wait3A_1034 = arith.constant 0 : i32
      %dma_wait3A_1035 = tpu.memref_slice %arg13[%dma_wait3A_1032, %dma_wait3A_1033, %dma_wait3A_1034] : memref<16x16x128xf32, #tpu.memory_space<vmem>> -> memref<1x16x128xf32, #tpu.memory_space<vmem>>
      %dma_wait3A_1036 = tpu.memref_squeeze %dma_wait3A_1035 : memref<1x16x128xf32, #tpu.memory_space<vmem>> -> memref<16x128xf32, #tpu.memory_space<vmem>>
      %dma_wait3A_1037 = arith.constant 0 : i32
      %dma_wait3A_1038 = tpu.memref_slice %arg7[%dma_wait3A_1037, %multiple_of3A_589] : memref<16x1000000xf32, #tpu.memory_space<hbm>> -> memref<16x128xf32, #tpu.memory_space<hbm>>
      %dma_wait3A_1039 = arith.constant 0 : i32
      %dma_wait3A_1040 = arith.constant 0 : i32
      %dma_wait3A_1041 = tpu.memref_slice %arg13[%dma_wait3A_1032, %dma_wait3A_1039, %dma_wait3A_1040] : memref<16x16x128xf32, #tpu.memory_space<vmem>> -> memref<1x16x128xf32, #tpu.memory_space<vmem>>
      %dma_wait3A_1042 = tpu.memref_squeeze %dma_wait3A_1041 : memref<1x16x128xf32, #tpu.memory_space<vmem>> -> memref<16x128xf32, #tpu.memory_space<vmem>>
      %dma_wait3A_1043 = arith.constant 0 : i32
      %dma_wait3A_1044 = tpu.memref_slice %arg7[%dma_wait3A_1043, %multiple_of3A_589] : memref<16x1000000xf32, #tpu.memory_space<hbm>> -> memref<16x128xf32, #tpu.memory_space<hbm>>
      tpu.wait_dma2 semaphore(%arg16 : memref<!tpu.dma_semaphore, #tpu.memory_space<semaphore_mem>>) src(%dma_wait3A_1044 : memref<16x128xf32, #tpu.memory_space<hbm>>) dst(%dma_wait3A_1042 : memref<16x128xf32, #tpu.memory_space<vmem>>)
      %dma_wait3A_1045 = arith.constant 15 : i32
      %dma_wait3A_1046 = arith.constant 0 : i32
      %dma_wait3A_1047 = arith.constant 0 : i32
      %dma_wait3A_1048 = tpu.memref_slice %arg12[%dma_wait3A_1045, %dma_wait3A_1046, %dma_wait3A_1047] : memref<16x16x128xf32, #tpu.memory_space<vmem>> -> memref<1x16x128xf32, #tpu.memory_space<vmem>>
      %dma_wait3A_1049 = tpu.memref_squeeze %dma_wait3A_1048 : memref<1x16x128xf32, #tpu.memory_space<vmem>> -> memref<16x128xf32, #tpu.memory_space<vmem>>
      %dma_wait3A_1050 = arith.constant 0 : i32
      %dma_wait3A_1051 = tpu.memref_slice %arg6[%dma_wait3A_1050, %multiple_of3A_622] : memref<16x1000000xf32, #tpu.memory_space<hbm>> -> memref<16x128xf32, #tpu.memory_space<hbm>>
      %dma_wait3A_1052 = arith.constant 0 : i32
      %dma_wait3A_1053 = arith.constant 0 : i32
      %dma_wait3A_1054 = tpu.memref_slice %arg12[%dma_wait3A_1045, %dma_wait3A_1052, %dma_wait3A_1053] : memref<16x16x128xf32, #tpu.memory_space<vmem>> -> memref<1x16x128xf32, #tpu.memory_space<vmem>>
      %dma_wait3A_1055 = tpu.memref_squeeze %dma_wait3A_1054 : memref<1x16x128xf32, #tpu.memory_space<vmem>> -> memref<16x128xf32, #tpu.memory_space<vmem>>
      %dma_wait3A_1056 = arith.constant 0 : i32
      %dma_wait3A_1057 = tpu.memref_slice %arg6[%dma_wait3A_1056, %multiple_of3A_622] : memref<16x1000000xf32, #tpu.memory_space<hbm>> -> memref<16x128xf32, #tpu.memory_space<hbm>>
      tpu.wait_dma2 semaphore(%arg16 : memref<!tpu.dma_semaphore, #tpu.memory_space<semaphore_mem>>) src(%dma_wait3A_1057 : memref<16x128xf32, #tpu.memory_space<hbm>>) dst(%dma_wait3A_1055 : memref<16x128xf32, #tpu.memory_space<vmem>>)
      %dma_wait3A_1058 = arith.constant 15 : i32
      %dma_wait3A_1059 = arith.constant 0 : i32
      %dma_wait3A_1060 = arith.constant 0 : i32
      %dma_wait3A_1061 = tpu.memref_slice %arg13[%dma_wait3A_1058, %dma_wait3A_1059, %dma_wait3A_1060] : memref<16x16x128xf32, #tpu.memory_space<vmem>> -> memref<1x16x128xf32, #tpu.memory_space<vmem>>
      %dma_wait3A_1062 = tpu.memref_squeeze %dma_wait3A_1061 : memref<1x16x128xf32, #tpu.memory_space<vmem>> -> memref<16x128xf32, #tpu.memory_space<vmem>>
      %dma_wait3A_1063 = arith.constant 0 : i32
      %dma_wait3A_1064 = tpu.memref_slice %arg7[%dma_wait3A_1063, %multiple_of3A_629] : memref<16x1000000xf32, #tpu.memory_space<hbm>> -> memref<16x128xf32, #tpu.memory_space<hbm>>
      %dma_wait3A_1065 = arith.constant 0 : i32
      %dma_wait3A_1066 = arith.constant 0 : i32
      %dma_wait3A_1067 = tpu.memref_slice %arg13[%dma_wait3A_1058, %dma_wait3A_1065, %dma_wait3A_1066] : memref<16x16x128xf32, #tpu.memory_space<vmem>> -> memref<1x16x128xf32, #tpu.memory_space<vmem>>
      %dma_wait3A_1068 = tpu.memref_squeeze %dma_wait3A_1067 : memref<1x16x128xf32, #tpu.memory_space<vmem>> -> memref<16x128xf32, #tpu.memory_space<vmem>>
      %dma_wait3A_1069 = arith.constant 0 : i32
      %dma_wait3A_1070 = tpu.memref_slice %arg7[%dma_wait3A_1069, %multiple_of3A_629] : memref<16x1000000xf32, #tpu.memory_space<hbm>> -> memref<16x128xf32, #tpu.memory_space<hbm>>
      tpu.wait_dma2 semaphore(%arg16 : memref<!tpu.dma_semaphore, #tpu.memory_space<semaphore_mem>>) src(%dma_wait3A_1070 : memref<16x128xf32, #tpu.memory_space<hbm>>) dst(%dma_wait3A_1068 : memref<16x128xf32, #tpu.memory_space<vmem>>)
      %and3A = arith.constant 127 : i32
      %and3A_1071 = vector.broadcast %and3A : i32 to vector<16xi32>
      %and3A_1072 = arith.andi %get3A_17, %and3A_1071 : vector<16xi32>
      %and3A_1073 = arith.constant 127 : i32
      %and3A_1074 = vector.broadcast %and3A_1073 : i32 to vector<16xi32>
      %and3A_1075 = arith.andi %get3A_19, %and3A_1074 : vector<16xi32>
      %broadcast_in_dim3A_1076 = arith.constant 0 : i32
      %broadcast_in_dim3A_1077 = vector.broadcast %broadcast_in_dim3A_1076 : i32 to vector<16xi32>
      %gather3A = tpu.vector_load_idx %arg12[%iota3A, %broadcast_in_dim3A_1077, %and3A_1072] : memref<16x16x128xf32, #tpu.memory_space<vmem>>[vector<16xi32>, vector<16xi32>, vector<16xi32>], vector<16xf32>,
      %gather3A_1078 = tpu.vector_load_idx %arg13[%iota3A, %broadcast_in_dim3A_1077, %and3A_1075] : memref<16x16x128xf32, #tpu.memory_space<vmem>>[vector<16xi32>, vector<16xi32>, vector<16xi32>], vector<16xf32>,
      %mul3A_1079 = arith.mulf %gather3A, %gather3A_1078 : vector<16xf32>
      %slice3A_1080 = vector.extract_strided_slice %get3A_3 {offsets = [0], sizes = [1], strides = [1]} : vector<16xf32> to vector<1xf32>
      %squeeze3A_1081 = vector.extract %slice3A_1080[0] : f32 from vector<1xf32>
      %mul3A_1082 = vector.broadcast %squeeze3A_1081 : f32 to vector<16xf32>
      %mul3A_1083 = arith.mulf %mul3A_1079, %mul3A_1082 : vector<16xf32>
      %add3A_1084 = arith.addf %broadcast_in_dim3A, %mul3A_1083 : vector<16xf32>
      %broadcast_in_dim3A_1085 = arith.constant 1 : i32
      %broadcast_in_dim3A_1086 = vector.broadcast %broadcast_in_dim3A_1085 : i32 to vector<16xi32>
      %gather3A_1087 = tpu.vector_load_idx %arg12[%iota3A, %broadcast_in_dim3A_1086, %and3A_1072] : memref<16x16x128xf32, #tpu.memory_space<vmem>>[vector<16xi32>, vector<16xi32>, vector<16xi32>], vector<16xf32>,
      %gather3A_1088 = tpu.vector_load_idx %arg13[%iota3A, %broadcast_in_dim3A_1086, %and3A_1075] : memref<16x16x128xf32, #tpu.memory_space<vmem>>[vector<16xi32>, vector<16xi32>, vector<16xi32>], vector<16xf32>,
      %mul3A_1089 = arith.mulf %gather3A_1087, %gather3A_1088 : vector<16xf32>
      %slice3A_1090 = vector.extract_strided_slice %get3A_3 {offsets = [1], sizes = [1], strides = [1]} : vector<16xf32> to vector<1xf32>
      %squeeze3A_1091 = vector.extract %slice3A_1090[0] : f32 from vector<1xf32>
      %mul3A_1092 = vector.broadcast %squeeze3A_1091 : f32 to vector<16xf32>
      %mul3A_1093 = arith.mulf %mul3A_1089, %mul3A_1092 : vector<16xf32>
      %add3A_1094 = arith.addf %add3A_1084, %mul3A_1093 : vector<16xf32>
      %broadcast_in_dim3A_1095 = arith.constant 2 : i32
      %broadcast_in_dim3A_1096 = vector.broadcast %broadcast_in_dim3A_1095 : i32 to vector<16xi32>
      %gather3A_1097 = tpu.vector_load_idx %arg12[%iota3A, %broadcast_in_dim3A_1096, %and3A_1072] : memref<16x16x128xf32, #tpu.memory_space<vmem>>[vector<16xi32>, vector<16xi32>, vector<16xi32>], vector<16xf32>,
      %gather3A_1098 = tpu.vector_load_idx %arg13[%iota3A, %broadcast_in_dim3A_1096, %and3A_1075] : memref<16x16x128xf32, #tpu.memory_space<vmem>>[vector<16xi32>, vector<16xi32>, vector<16xi32>], vector<16xf32>,
      %mul3A_1099 = arith.mulf %gather3A_1097, %gather3A_1098 : vector<16xf32>
      %slice3A_1100 = vector.extract_strided_slice %get3A_3 {offsets = [2], sizes = [1], strides = [1]} : vector<16xf32> to vector<1xf32>
      %squeeze3A_1101 = vector.extract %slice3A_1100[0] : f32 from vector<1xf32>
      %mul3A_1102 = vector.broadcast %squeeze3A_1101 : f32 to vector<16xf32>
      %mul3A_1103 = arith.mulf %mul3A_1099, %mul3A_1102 : vector<16xf32>
      %add3A_1104 = arith.addf %add3A_1094, %mul3A_1103 : vector<16xf32>
      %broadcast_in_dim3A_1105 = arith.constant 3 : i32
      %broadcast_in_dim3A_1106 = vector.broadcast %broadcast_in_dim3A_1105 : i32 to vector<16xi32>
      %gather3A_1107 = tpu.vector_load_idx %arg12[%iota3A, %broadcast_in_dim3A_1106, %and3A_1072] : memref<16x16x128xf32, #tpu.memory_space<vmem>>[vector<16xi32>, vector<16xi32>, vector<16xi32>], vector<16xf32>,
      %gather3A_1108 = tpu.vector_load_idx %arg13[%iota3A, %broadcast_in_dim3A_1106, %and3A_1075] : memref<16x16x128xf32, #tpu.memory_space<vmem>>[vector<16xi32>, vector<16xi32>, vector<16xi32>], vector<16xf32>,
      %mul3A_1109 = arith.mulf %gather3A_1107, %gather3A_1108 : vector<16xf32>
      %slice3A_1110 = vector.extract_strided_slice %get3A_3 {offsets = [3], sizes = [1], strides = [1]} : vector<16xf32> to vector<1xf32>
      %squeeze3A_1111 = vector.extract %slice3A_1110[0] : f32 from vector<1xf32>
      %mul3A_1112 = vector.broadcast %squeeze3A_1111 : f32 to vector<16xf32>
      %mul3A_1113 = arith.mulf %mul3A_1109, %mul3A_1112 : vector<16xf32>
      %add3A_1114 = arith.addf %add3A_1104, %mul3A_1113 : vector<16xf32>
      %broadcast_in_dim3A_1115 = arith.constant 4 : i32
      %broadcast_in_dim3A_1116 = vector.broadcast %broadcast_in_dim3A_1115 : i32 to vector<16xi32>
      %gather3A_1117 = tpu.vector_load_idx %arg12[%iota3A, %broadcast_in_dim3A_1116, %and3A_1072] : memref<16x16x128xf32, #tpu.memory_space<vmem>>[vector<16xi32>, vector<16xi32>, vector<16xi32>], vector<16xf32>,
      %gather3A_1118 = tpu.vector_load_idx %arg13[%iota3A, %broadcast_in_dim3A_1116, %and3A_1075] : memref<16x16x128xf32, #tpu.memory_space<vmem>>[vector<16xi32>, vector<16xi32>, vector<16xi32>], vector<16xf32>,
      %mul3A_1119 = arith.mulf %gather3A_1117, %gather3A_1118 : vector<16xf32>
      %slice3A_1120 = vector.extract_strided_slice %get3A_3 {offsets = [4], sizes = [1], strides = [1]} : vector<16xf32> to vector<1xf32>
      %squeeze3A_1121 = vector.extract %slice3A_1120[0] : f32 from vector<1xf32>
      %mul3A_1122 = vector.broadcast %squeeze3A_1121 : f32 to vector<16xf32>
      %mul3A_1123 = arith.mulf %mul3A_1119, %mul3A_1122 : vector<16xf32>
      %add3A_1124 = arith.addf %add3A_1114, %mul3A_1123 : vector<16xf32>
      %broadcast_in_dim3A_1125 = arith.constant 5 : i32
      %broadcast_in_dim3A_1126 = vector.broadcast %broadcast_in_dim3A_1125 : i32 to vector<16xi32>
      %gather3A_1127 = tpu.vector_load_idx %arg12[%iota3A, %broadcast_in_dim3A_1126, %and3A_1072] : memref<16x16x128xf32, #tpu.memory_space<vmem>>[vector<16xi32>, vector<16xi32>, vector<16xi32>], vector<16xf32>,
      %gather3A_1128 = tpu.vector_load_idx %arg13[%iota3A, %broadcast_in_dim3A_1126, %and3A_1075] : memref<16x16x128xf32, #tpu.memory_space<vmem>>[vector<16xi32>, vector<16xi32>, vector<16xi32>], vector<16xf32>,
      %mul3A_1129 = arith.mulf %gather3A_1127, %gather3A_1128 : vector<16xf32>
      %slice3A_1130 = vector.extract_strided_slice %get3A_3 {offsets = [5], sizes = [1], strides = [1]} : vector<16xf32> to vector<1xf32>
      %squeeze3A_1131 = vector.extract %slice3A_1130[0] : f32 from vector<1xf32>
      %mul3A_1132 = vector.broadcast %squeeze3A_1131 : f32 to vector<16xf32>
      %mul3A_1133 = arith.mulf %mul3A_1129, %mul3A_1132 : vector<16xf32>
      %add3A_1134 = arith.addf %add3A_1124, %mul3A_1133 : vector<16xf32>
      %broadcast_in_dim3A_1135 = arith.constant 6 : i32
      %broadcast_in_dim3A_1136 = vector.broadcast %broadcast_in_dim3A_1135 : i32 to vector<16xi32>
      %gather3A_1137 = tpu.vector_load_idx %arg12[%iota3A, %broadcast_in_dim3A_1136, %and3A_1072] : memref<16x16x128xf32, #tpu.memory_space<vmem>>[vector<16xi32>, vector<16xi32>, vector<16xi32>], vector<16xf32>,
      %gather3A_1138 = tpu.vector_load_idx %arg13[%iota3A, %broadcast_in_dim3A_1136, %and3A_1075] : memref<16x16x128xf32, #tpu.memory_space<vmem>>[vector<16xi32>, vector<16xi32>, vector<16xi32>], vector<16xf32>,
      %mul3A_1139 = arith.mulf %gather3A_1137, %gather3A_1138 : vector<16xf32>
      %slice3A_1140 = vector.extract_strided_slice %get3A_3 {offsets = [6], sizes = [1], strides = [1]} : vector<16xf32> to vector<1xf32>
      %squeeze3A_1141 = vector.extract %slice3A_1140[0] : f32 from vector<1xf32>
      %mul3A_1142 = vector.broadcast %squeeze3A_1141 : f32 to vector<16xf32>
      %mul3A_1143 = arith.mulf %mul3A_1139, %mul3A_1142 : vector<16xf32>
      %add3A_1144 = arith.addf %add3A_1134, %mul3A_1143 : vector<16xf32>
      %broadcast_in_dim3A_1145 = arith.constant 7 : i32
      %broadcast_in_dim3A_1146 = vector.broadcast %broadcast_in_dim3A_1145 : i32 to vector<16xi32>
      %gather3A_1147 = tpu.vector_load_idx %arg12[%iota3A, %broadcast_in_dim3A_1146, %and3A_1072] : memref<16x16x128xf32, #tpu.memory_space<vmem>>[vector<16xi32>, vector<16xi32>, vector<16xi32>], vector<16xf32>,
      %gather3A_1148 = tpu.vector_load_idx %arg13[%iota3A, %broadcast_in_dim3A_1146, %and3A_1075] : memref<16x16x128xf32, #tpu.memory_space<vmem>>[vector<16xi32>, vector<16xi32>, vector<16xi32>], vector<16xf32>,
      %mul3A_1149 = arith.mulf %gather3A_1147, %gather3A_1148 : vector<16xf32>
      %slice3A_1150 = vector.extract_strided_slice %get3A_3 {offsets = [7], sizes = [1], strides = [1]} : vector<16xf32> to vector<1xf32>
      %squeeze3A_1151 = vector.extract %slice3A_1150[0] : f32 from vector<1xf32>
      %mul3A_1152 = vector.broadcast %squeeze3A_1151 : f32 to vector<16xf32>
      %mul3A_1153 = arith.mulf %mul3A_1149, %mul3A_1152 : vector<16xf32>
      %add3A_1154 = arith.addf %add3A_1144, %mul3A_1153 : vector<16xf32>
      %broadcast_in_dim3A_1155 = arith.constant 8 : i32
      %broadcast_in_dim3A_1156 = vector.broadcast %broadcast_in_dim3A_1155 : i32 to vector<16xi32>
      %gather3A_1157 = tpu.vector_load_idx %arg12[%iota3A, %broadcast_in_dim3A_1156, %and3A_1072] : memref<16x16x128xf32, #tpu.memory_space<vmem>>[vector<16xi32>, vector<16xi32>, vector<16xi32>], vector<16xf32>,
      %gather3A_1158 = tpu.vector_load_idx %arg13[%iota3A, %broadcast_in_dim3A_1156, %and3A_1075] : memref<16x16x128xf32, #tpu.memory_space<vmem>>[vector<16xi32>, vector<16xi32>, vector<16xi32>], vector<16xf32>,
      %mul3A_1159 = arith.mulf %gather3A_1157, %gather3A_1158 : vector<16xf32>
      %slice3A_1160 = vector.extract_strided_slice %get3A_3 {offsets = [8], sizes = [1], strides = [1]} : vector<16xf32> to vector<1xf32>
      %squeeze3A_1161 = vector.extract %slice3A_1160[0] : f32 from vector<1xf32>
      %mul3A_1162 = vector.broadcast %squeeze3A_1161 : f32 to vector<16xf32>
      %mul3A_1163 = arith.mulf %mul3A_1159, %mul3A_1162 : vector<16xf32>
      %add3A_1164 = arith.addf %add3A_1154, %mul3A_1163 : vector<16xf32>
      %broadcast_in_dim3A_1165 = arith.constant 9 : i32
      %broadcast_in_dim3A_1166 = vector.broadcast %broadcast_in_dim3A_1165 : i32 to vector<16xi32>
      %gather3A_1167 = tpu.vector_load_idx %arg12[%iota3A, %broadcast_in_dim3A_1166, %and3A_1072] : memref<16x16x128xf32, #tpu.memory_space<vmem>>[vector<16xi32>, vector<16xi32>, vector<16xi32>], vector<16xf32>,
      %gather3A_1168 = tpu.vector_load_idx %arg13[%iota3A, %broadcast_in_dim3A_1166, %and3A_1075] : memref<16x16x128xf32, #tpu.memory_space<vmem>>[vector<16xi32>, vector<16xi32>, vector<16xi32>], vector<16xf32>,
      %mul3A_1169 = arith.mulf %gather3A_1167, %gather3A_1168 : vector<16xf32>
      %slice3A_1170 = vector.extract_strided_slice %get3A_3 {offsets = [9], sizes = [1], strides = [1]} : vector<16xf32> to vector<1xf32>
      %squeeze3A_1171 = vector.extract %slice3A_1170[0] : f32 from vector<1xf32>
      %mul3A_1172 = vector.broadcast %squeeze3A_1171 : f32 to vector<16xf32>
      %mul3A_1173 = arith.mulf %mul3A_1169, %mul3A_1172 : vector<16xf32>
      %add3A_1174 = arith.addf %add3A_1164, %mul3A_1173 : vector<16xf32>
      %broadcast_in_dim3A_1175 = arith.constant 10 : i32
      %broadcast_in_dim3A_1176 = vector.broadcast %broadcast_in_dim3A_1175 : i32 to vector<16xi32>
      %gather3A_1177 = tpu.vector_load_idx %arg12[%iota3A, %broadcast_in_dim3A_1176, %and3A_1072] : memref<16x16x128xf32, #tpu.memory_space<vmem>>[vector<16xi32>, vector<16xi32>, vector<16xi32>], vector<16xf32>,
      %gather3A_1178 = tpu.vector_load_idx %arg13[%iota3A, %broadcast_in_dim3A_1176, %and3A_1075] : memref<16x16x128xf32, #tpu.memory_space<vmem>>[vector<16xi32>, vector<16xi32>, vector<16xi32>], vector<16xf32>,
      %mul3A_1179 = arith.mulf %gather3A_1177, %gather3A_1178 : vector<16xf32>
      %slice3A_1180 = vector.extract_strided_slice %get3A_3 {offsets = [10], sizes = [1], strides = [1]} : vector<16xf32> to vector<1xf32>
      %squeeze3A_1181 = vector.extract %slice3A_1180[0] : f32 from vector<1xf32>
      %mul3A_1182 = vector.broadcast %squeeze3A_1181 : f32 to vector<16xf32>
      %mul3A_1183 = arith.mulf %mul3A_1179, %mul3A_1182 : vector<16xf32>
      %add3A_1184 = arith.addf %add3A_1174, %mul3A_1183 : vector<16xf32>
      %broadcast_in_dim3A_1185 = arith.constant 11 : i32
      %broadcast_in_dim3A_1186 = vector.broadcast %broadcast_in_dim3A_1185 : i32 to vector<16xi32>
      %gather3A_1187 = tpu.vector_load_idx %arg12[%iota3A, %broadcast_in_dim3A_1186, %and3A_1072] : memref<16x16x128xf32, #tpu.memory_space<vmem>>[vector<16xi32>, vector<16xi32>, vector<16xi32>], vector<16xf32>,
      %gather3A_1188 = tpu.vector_load_idx %arg13[%iota3A, %broadcast_in_dim3A_1186, %and3A_1075] : memref<16x16x128xf32, #tpu.memory_space<vmem>>[vector<16xi32>, vector<16xi32>, vector<16xi32>], vector<16xf32>,
      %mul3A_1189 = arith.mulf %gather3A_1187, %gather3A_1188 : vector<16xf32>
      %slice3A_1190 = vector.extract_strided_slice %get3A_3 {offsets = [11], sizes = [1], strides = [1]} : vector<16xf32> to vector<1xf32>
      %squeeze3A_1191 = vector.extract %slice3A_1190[0] : f32 from vector<1xf32>
      %mul3A_1192 = vector.broadcast %squeeze3A_1191 : f32 to vector<16xf32>
      %mul3A_1193 = arith.mulf %mul3A_1189, %mul3A_1192 : vector<16xf32>
      %add3A_1194 = arith.addf %add3A_1184, %mul3A_1193 : vector<16xf32>
      %broadcast_in_dim3A_1195 = arith.constant 12 : i32
      %broadcast_in_dim3A_1196 = vector.broadcast %broadcast_in_dim3A_1195 : i32 to vector<16xi32>
      %gather3A_1197 = tpu.vector_load_idx %arg12[%iota3A, %broadcast_in_dim3A_1196, %and3A_1072] : memref<16x16x128xf32, #tpu.memory_space<vmem>>[vector<16xi32>, vector<16xi32>, vector<16xi32>], vector<16xf32>,
      %gather3A_1198 = tpu.vector_load_idx %arg13[%iota3A, %broadcast_in_dim3A_1196, %and3A_1075] : memref<16x16x128xf32, #tpu.memory_space<vmem>>[vector<16xi32>, vector<16xi32>, vector<16xi32>], vector<16xf32>,
      %mul3A_1199 = arith.mulf %gather3A_1197, %gather3A_1198 : vector<16xf32>
      %slice3A_1200 = vector.extract_strided_slice %get3A_3 {offsets = [12], sizes = [1], strides = [1]} : vector<16xf32> to vector<1xf32>
      %squeeze3A_1201 = vector.extract %slice3A_1200[0] : f32 from vector<1xf32>
      %mul3A_1202 = vector.broadcast %squeeze3A_1201 : f32 to vector<16xf32>
      %mul3A_1203 = arith.mulf %mul3A_1199, %mul3A_1202 : vector<16xf32>
      %add3A_1204 = arith.addf %add3A_1194, %mul3A_1203 : vector<16xf32>
      %broadcast_in_dim3A_1205 = arith.constant 13 : i32
      %broadcast_in_dim3A_1206 = vector.broadcast %broadcast_in_dim3A_1205 : i32 to vector<16xi32>
      %gather3A_1207 = tpu.vector_load_idx %arg12[%iota3A, %broadcast_in_dim3A_1206, %and3A_1072] : memref<16x16x128xf32, #tpu.memory_space<vmem>>[vector<16xi32>, vector<16xi32>, vector<16xi32>], vector<16xf32>,
      %gather3A_1208 = tpu.vector_load_idx %arg13[%iota3A, %broadcast_in_dim3A_1206, %and3A_1075] : memref<16x16x128xf32, #tpu.memory_space<vmem>>[vector<16xi32>, vector<16xi32>, vector<16xi32>], vector<16xf32>,
      %mul3A_1209 = arith.mulf %gather3A_1207, %gather3A_1208 : vector<16xf32>
      %slice3A_1210 = vector.extract_strided_slice %get3A_3 {offsets = [13], sizes = [1], strides = [1]} : vector<16xf32> to vector<1xf32>
      %squeeze3A_1211 = vector.extract %slice3A_1210[0] : f32 from vector<1xf32>
      %mul3A_1212 = vector.broadcast %squeeze3A_1211 : f32 to vector<16xf32>
      %mul3A_1213 = arith.mulf %mul3A_1209, %mul3A_1212 : vector<16xf32>
      %add3A_1214 = arith.addf %add3A_1204, %mul3A_1213 : vector<16xf32>
      %broadcast_in_dim3A_1215 = arith.constant 14 : i32
      %broadcast_in_dim3A_1216 = vector.broadcast %broadcast_in_dim3A_1215 : i32 to vector<16xi32>
      %gather3A_1217 = tpu.vector_load_idx %arg12[%iota3A, %broadcast_in_dim3A_1216, %and3A_1072] : memref<16x16x128xf32, #tpu.memory_space<vmem>>[vector<16xi32>, vector<16xi32>, vector<16xi32>], vector<16xf32>,
      %gather3A_1218 = tpu.vector_load_idx %arg13[%iota3A, %broadcast_in_dim3A_1216, %and3A_1075] : memref<16x16x128xf32, #tpu.memory_space<vmem>>[vector<16xi32>, vector<16xi32>, vector<16xi32>], vector<16xf32>,
      %mul3A_1219 = arith.mulf %gather3A_1217, %gather3A_1218 : vector<16xf32>
      %slice3A_1220 = vector.extract_strided_slice %get3A_3 {offsets = [14], sizes = [1], strides = [1]} : vector<16xf32> to vector<1xf32>
      %squeeze3A_1221 = vector.extract %slice3A_1220[0] : f32 from vector<1xf32>
      %mul3A_1222 = vector.broadcast %squeeze3A_1221 : f32 to vector<16xf32>
      %mul3A_1223 = arith.mulf %mul3A_1219, %mul3A_1222 : vector<16xf32>
      %add3A_1224 = arith.addf %add3A_1214, %mul3A_1223 : vector<16xf32>
      %broadcast_in_dim3A_1225 = arith.constant 15 : i32
      %broadcast_in_dim3A_1226 = vector.broadcast %broadcast_in_dim3A_1225 : i32 to vector<16xi32>
      %gather3A_1227 = tpu.vector_load_idx %arg12[%iota3A, %broadcast_in_dim3A_1226, %and3A_1072] : memref<16x16x128xf32, #tpu.memory_space<vmem>>[vector<16xi32>, vector<16xi32>, vector<16xi32>], vector<16xf32>,
      %gather3A_1228 = tpu.vector_load_idx %arg13[%iota3A, %broadcast_in_dim3A_1226, %and3A_1075] : memref<16x16x128xf32, #tpu.memory_space<vmem>>[vector<16xi32>, vector<16xi32>, vector<16xi32>], vector<16xf32>,
      %mul3A_1229 = arith.mulf %gather3A_1227, %gather3A_1228 : vector<16xf32>
      %slice3A_1230 = vector.extract_strided_slice %get3A_3 {offsets = [15], sizes = [1], strides = [1]} : vector<16xf32> to vector<1xf32>
      %squeeze3A_1231 = vector.extract %slice3A_1230[0] : f32 from vector<1xf32>
      %mul3A_1232 = vector.broadcast %squeeze3A_1231 : f32 to vector<16xf32>
      %mul3A_1233 = arith.mulf %mul3A_1229, %mul3A_1232 : vector<16xf32>
      %add3A_1234 = arith.addf %add3A_1224, %mul3A_1233 : vector<16xf32>
      %slice3A_1235 = vector.extract_strided_slice %get3A_17 {offsets = [0], sizes = [1], strides = [1]} : vector<16xi32> to vector<1xi32>
      %squeeze3A_1236 = vector.extract %slice3A_1235[0] : i32 from vector<1xi32>
      %shift_right_logical3A_1237 = arith.constant 7 : i32
      %shift_right_logical3A_1238 = arith.shrui %squeeze3A_1236, %shift_right_logical3A_1237 : i32
      %shift_left3A_1239 = arith.constant 7 : i32
      %shift_left3A_1240 = arith.shli %shift_right_logical3A_1238, %shift_left3A_1239 : i32
      %multiple_of3A_1241 = tpu.assume_multiple %shift_left3A_1240, 128 : i32
      %slice3A_1242 = vector.extract_strided_slice %get3A_19 {offsets = [0], sizes = [1], strides = [1]} : vector<16xi32> to vector<1xi32>
      %squeeze3A_1243 = vector.extract %slice3A_1242[0] : i32 from vector<1xi32>
      %shift_right_logical3A_1244 = arith.constant 7 : i32
      %shift_right_logical3A_1245 = arith.shrui %squeeze3A_1243, %shift_right_logical3A_1244 : i32
      %shift_left3A_1246 = arith.constant 7 : i32
      %shift_left3A_1247 = arith.shli %shift_right_logical3A_1245, %shift_left3A_1246 : i32
      %multiple_of3A_1248 = tpu.assume_multiple %shift_left3A_1247, 128 : i32
      %dma_start3A_1249 = arith.constant 0 : i32
      %dma_start3A_1250 = arith.constant 0 : i32
      %dma_start3A_1251 = arith.constant 0 : i32
      %dma_start3A_1252 = tpu.memref_slice %arg12[%dma_start3A_1249, %dma_start3A_1250, %dma_start3A_1251] : memref<16x16x128xf32, #tpu.memory_space<vmem>> -> memref<1x16x128xf32, #tpu.memory_space<vmem>>
      %dma_start3A_1253 = tpu.memref_squeeze %dma_start3A_1252 : memref<1x16x128xf32, #tpu.memory_space<vmem>> -> memref<16x128xf32, #tpu.memory_space<vmem>>
      %dma_start3A_1254 = arith.constant 0 : i32
      %dma_start3A_1255 = tpu.memref_slice %arg4[%dma_start3A_1254, %multiple_of3A_1241] : memref<16x1000000xf32, #tpu.memory_space<hbm>> -> memref<16x128xf32, #tpu.memory_space<hbm>>
      %dma_start3A_1256 = arith.constant 0 : i32
      %dma_start3A_1257 = arith.constant 0 : i32
      %dma_start3A_1258 = tpu.memref_slice %arg12[%dma_start3A_1249, %dma_start3A_1256, %dma_start3A_1257] : memref<16x16x128xf32, #tpu.memory_space<vmem>> -> memref<1x16x128xf32, #tpu.memory_space<vmem>>
      %dma_start3A_1259 = tpu.memref_squeeze %dma_start3A_1258 : memref<1x16x128xf32, #tpu.memory_space<vmem>> -> memref<16x128xf32, #tpu.memory_space<vmem>>
      %dma_start3A_1260 = arith.constant 0 : i32
      %dma_start3A_1261 = tpu.memref_slice %arg4[%dma_start3A_1260, %multiple_of3A_1241] : memref<16x1000000xf32, #tpu.memory_space<hbm>> -> memref<16x128xf32, #tpu.memory_space<hbm>>
      tpu.enqueue_dma source(%dma_start3A_1261 : memref<16x128xf32, #tpu.memory_space<hbm>>) target(%dma_start3A_1259 : memref<16x128xf32, #tpu.memory_space<vmem>>) target_semaphore(%arg16 : memref<!tpu.dma_semaphore, #tpu.memory_space<semaphore_mem>>)
      %dma_start3A_1262 = arith.constant 0 : i32
      %dma_start3A_1263 = arith.constant 0 : i32
      %dma_start3A_1264 = arith.constant 0 : i32
      %dma_start3A_1265 = tpu.memref_slice %arg13[%dma_start3A_1262, %dma_start3A_1263, %dma_start3A_1264] : memref<16x16x128xf32, #tpu.memory_space<vmem>> -> memref<1x16x128xf32, #tpu.memory_space<vmem>>
      %dma_start3A_1266 = tpu.memref_squeeze %dma_start3A_1265 : memref<1x16x128xf32, #tpu.memory_space<vmem>> -> memref<16x128xf32, #tpu.memory_space<vmem>>
      %dma_start3A_1267 = arith.constant 0 : i32
      %dma_start3A_1268 = tpu.memref_slice %arg5[%dma_start3A_1267, %multiple_of3A_1248] : memref<16x1000000xf32, #tpu.memory_space<hbm>> -> memref<16x128xf32, #tpu.memory_space<hbm>>
      %dma_start3A_1269 = arith.constant 0 : i32
      %dma_start3A_1270 = arith.constant 0 : i32
      %dma_start3A_1271 = tpu.memref_slice %arg13[%dma_start3A_1262, %dma_start3A_1269, %dma_start3A_1270] : memref<16x16x128xf32, #tpu.memory_space<vmem>> -> memref<1x16x128xf32, #tpu.memory_space<vmem>>
      %dma_start3A_1272 = tpu.memref_squeeze %dma_start3A_1271 : memref<1x16x128xf32, #tpu.memory_space<vmem>> -> memref<16x128xf32, #tpu.memory_space<vmem>>
      %dma_start3A_1273 = arith.constant 0 : i32
      %dma_start3A_1274 = tpu.memref_slice %arg5[%dma_start3A_1273, %multiple_of3A_1248] : memref<16x1000000xf32, #tpu.memory_space<hbm>> -> memref<16x128xf32, #tpu.memory_space<hbm>>
      tpu.enqueue_dma source(%dma_start3A_1274 : memref<16x128xf32, #tpu.memory_space<hbm>>) target(%dma_start3A_1272 : memref<16x128xf32, #tpu.memory_space<vmem>>) target_semaphore(%arg16 : memref<!tpu.dma_semaphore, #tpu.memory_space<semaphore_mem>>)
      %slice3A_1275 = vector.extract_strided_slice %get3A_17 {offsets = [1], sizes = [1], strides = [1]} : vector<16xi32> to vector<1xi32>
      %squeeze3A_1276 = vector.extract %slice3A_1275[0] : i32 from vector<1xi32>
      %shift_right_logical3A_1277 = arith.constant 7 : i32
      %shift_right_logical3A_1278 = arith.shrui %squeeze3A_1276, %shift_right_logical3A_1277 : i32
      %shift_left3A_1279 = arith.constant 7 : i32
      %shift_left3A_1280 = arith.shli %shift_right_logical3A_1278, %shift_left3A_1279 : i32
      %multiple_of3A_1281 = tpu.assume_multiple %shift_left3A_1280, 128 : i32
      %slice3A_1282 = vector.extract_strided_slice %get3A_19 {offsets = [1], sizes = [1], strides = [1]} : vector<16xi32> to vector<1xi32>
      %squeeze3A_1283 = vector.extract %slice3A_1282[0] : i32 from vector<1xi32>
      %shift_right_logical3A_1284 = arith.constant 7 : i32
      %shift_right_logical3A_1285 = arith.shrui %squeeze3A_1283, %shift_right_logical3A_1284 : i32
      %shift_left3A_1286 = arith.constant 7 : i32
      %shift_left3A_1287 = arith.shli %shift_right_logical3A_1285, %shift_left3A_1286 : i32
      %multiple_of3A_1288 = tpu.assume_multiple %shift_left3A_1287, 128 : i32
      %dma_start3A_1289 = arith.constant 1 : i32
      %dma_start3A_1290 = arith.constant 0 : i32
      %dma_start3A_1291 = arith.constant 0 : i32
      %dma_start3A_1292 = tpu.memref_slice %arg12[%dma_start3A_1289, %dma_start3A_1290, %dma_start3A_1291] : memref<16x16x128xf32, #tpu.memory_space<vmem>> -> memref<1x16x128xf32, #tpu.memory_space<vmem>>
      %dma_start3A_1293 = tpu.memref_squeeze %dma_start3A_1292 : memref<1x16x128xf32, #tpu.memory_space<vmem>> -> memref<16x128xf32, #tpu.memory_space<vmem>>
      %dma_start3A_1294 = arith.constant 0 : i32
      %dma_start3A_1295 = tpu.memref_slice %arg4[%dma_start3A_1294, %multiple_of3A_1281] : memref<16x1000000xf32, #tpu.memory_space<hbm>> -> memref<16x128xf32, #tpu.memory_space<hbm>>
      %dma_start3A_1296 = arith.constant 0 : i32
      %dma_start3A_1297 = arith.constant 0 : i32
      %dma_start3A_1298 = tpu.memref_slice %arg12[%dma_start3A_1289, %dma_start3A_1296, %dma_start3A_1297] : memref<16x16x128xf32, #tpu.memory_space<vmem>> -> memref<1x16x128xf32, #tpu.memory_space<vmem>>
      %dma_start3A_1299 = tpu.memref_squeeze %dma_start3A_1298 : memref<1x16x128xf32, #tpu.memory_space<vmem>> -> memref<16x128xf32, #tpu.memory_space<vmem>>
      %dma_start3A_1300 = arith.constant 0 : i32
      %dma_start3A_1301 = tpu.memref_slice %arg4[%dma_start3A_1300, %multiple_of3A_1281] : memref<16x1000000xf32, #tpu.memory_space<hbm>> -> memref<16x128xf32, #tpu.memory_space<hbm>>
      tpu.enqueue_dma source(%dma_start3A_1301 : memref<16x128xf32, #tpu.memory_space<hbm>>) target(%dma_start3A_1299 : memref<16x128xf32, #tpu.memory_space<vmem>>) target_semaphore(%arg16 : memref<!tpu.dma_semaphore, #tpu.memory_space<semaphore_mem>>)
      %dma_start3A_1302 = arith.constant 1 : i32
      %dma_start3A_1303 = arith.constant 0 : i32
      %dma_start3A_1304 = arith.constant 0 : i32
      %dma_start3A_1305 = tpu.memref_slice %arg13[%dma_start3A_1302, %dma_start3A_1303, %dma_start3A_1304] : memref<16x16x128xf32, #tpu.memory_space<vmem>> -> memref<1x16x128xf32, #tpu.memory_space<vmem>>
      %dma_start3A_1306 = tpu.memref_squeeze %dma_start3A_1305 : memref<1x16x128xf32, #tpu.memory_space<vmem>> -> memref<16x128xf32, #tpu.memory_space<vmem>>
      %dma_start3A_1307 = arith.constant 0 : i32
      %dma_start3A_1308 = tpu.memref_slice %arg5[%dma_start3A_1307, %multiple_of3A_1288] : memref<16x1000000xf32, #tpu.memory_space<hbm>> -> memref<16x128xf32, #tpu.memory_space<hbm>>
      %dma_start3A_1309 = arith.constant 0 : i32
      %dma_start3A_1310 = arith.constant 0 : i32
      %dma_start3A_1311 = tpu.memref_slice %arg13[%dma_start3A_1302, %dma_start3A_1309, %dma_start3A_1310] : memref<16x16x128xf32, #tpu.memory_space<vmem>> -> memref<1x16x128xf32, #tpu.memory_space<vmem>>
      %dma_start3A_1312 = tpu.memref_squeeze %dma_start3A_1311 : memref<1x16x128xf32, #tpu.memory_space<vmem>> -> memref<16x128xf32, #tpu.memory_space<vmem>>
      %dma_start3A_1313 = arith.constant 0 : i32
      %dma_start3A_1314 = tpu.memref_slice %arg5[%dma_start3A_1313, %multiple_of3A_1288] : memref<16x1000000xf32, #tpu.memory_space<hbm>> -> memref<16x128xf32, #tpu.memory_space<hbm>>
      tpu.enqueue_dma source(%dma_start3A_1314 : memref<16x128xf32, #tpu.memory_space<hbm>>) target(%dma_start3A_1312 : memref<16x128xf32, #tpu.memory_space<vmem>>) target_semaphore(%arg16 : memref<!tpu.dma_semaphore, #tpu.memory_space<semaphore_mem>>)
      %slice3A_1315 = vector.extract_strided_slice %get3A_17 {offsets = [2], sizes = [1], strides = [1]} : vector<16xi32> to vector<1xi32>
      %squeeze3A_1316 = vector.extract %slice3A_1315[0] : i32 from vector<1xi32>
      %shift_right_logical3A_1317 = arith.constant 7 : i32
      %shift_right_logical3A_1318 = arith.shrui %squeeze3A_1316, %shift_right_logical3A_1317 : i32
      %shift_left3A_1319 = arith.constant 7 : i32
      %shift_left3A_1320 = arith.shli %shift_right_logical3A_1318, %shift_left3A_1319 : i32
      %multiple_of3A_1321 = tpu.assume_multiple %shift_left3A_1320, 128 : i32
      %slice3A_1322 = vector.extract_strided_slice %get3A_19 {offsets = [2], sizes = [1], strides = [1]} : vector<16xi32> to vector<1xi32>
      %squeeze3A_1323 = vector.extract %slice3A_1322[0] : i32 from vector<1xi32>
      %shift_right_logical3A_1324 = arith.constant 7 : i32
      %shift_right_logical3A_1325 = arith.shrui %squeeze3A_1323, %shift_right_logical3A_1324 : i32
      %shift_left3A_1326 = arith.constant 7 : i32
      %shift_left3A_1327 = arith.shli %shift_right_logical3A_1325, %shift_left3A_1326 : i32
      %multiple_of3A_1328 = tpu.assume_multiple %shift_left3A_1327, 128 : i32
      %dma_start3A_1329 = arith.constant 2 : i32
      %dma_start3A_1330 = arith.constant 0 : i32
      %dma_start3A_1331 = arith.constant 0 : i32
      %dma_start3A_1332 = tpu.memref_slice %arg12[%dma_start3A_1329, %dma_start3A_1330, %dma_start3A_1331] : memref<16x16x128xf32, #tpu.memory_space<vmem>> -> memref<1x16x128xf32, #tpu.memory_space<vmem>>
      %dma_start3A_1333 = tpu.memref_squeeze %dma_start3A_1332 : memref<1x16x128xf32, #tpu.memory_space<vmem>> -> memref<16x128xf32, #tpu.memory_space<vmem>>
      %dma_start3A_1334 = arith.constant 0 : i32
      %dma_start3A_1335 = tpu.memref_slice %arg4[%dma_start3A_1334, %multiple_of3A_1321] : memref<16x1000000xf32, #tpu.memory_space<hbm>> -> memref<16x128xf32, #tpu.memory_space<hbm>>
      %dma_start3A_1336 = arith.constant 0 : i32
      %dma_start3A_1337 = arith.constant 0 : i32
      %dma_start3A_1338 = tpu.memref_slice %arg12[%dma_start3A_1329, %dma_start3A_1336, %dma_start3A_1337] : memref<16x16x128xf32, #tpu.memory_space<vmem>> -> memref<1x16x128xf32, #tpu.memory_space<vmem>>
      %dma_start3A_1339 = tpu.memref_squeeze %dma_start3A_1338 : memref<1x16x128xf32, #tpu.memory_space<vmem>> -> memref<16x128xf32, #tpu.memory_space<vmem>>
      %dma_start3A_1340 = arith.constant 0 : i32
      %dma_start3A_1341 = tpu.memref_slice %arg4[%dma_start3A_1340, %multiple_of3A_1321] : memref<16x1000000xf32, #tpu.memory_space<hbm>> -> memref<16x128xf32, #tpu.memory_space<hbm>>
      tpu.enqueue_dma source(%dma_start3A_1341 : memref<16x128xf32, #tpu.memory_space<hbm>>) target(%dma_start3A_1339 : memref<16x128xf32, #tpu.memory_space<vmem>>) target_semaphore(%arg16 : memref<!tpu.dma_semaphore, #tpu.memory_space<semaphore_mem>>)
      %dma_start3A_1342 = arith.constant 2 : i32
      %dma_start3A_1343 = arith.constant 0 : i32
      %dma_start3A_1344 = arith.constant 0 : i32
      %dma_start3A_1345 = tpu.memref_slice %arg13[%dma_start3A_1342, %dma_start3A_1343, %dma_start3A_1344] : memref<16x16x128xf32, #tpu.memory_space<vmem>> -> memref<1x16x128xf32, #tpu.memory_space<vmem>>
      %dma_start3A_1346 = tpu.memref_squeeze %dma_start3A_1345 : memref<1x16x128xf32, #tpu.memory_space<vmem>> -> memref<16x128xf32, #tpu.memory_space<vmem>>
      %dma_start3A_1347 = arith.constant 0 : i32
      %dma_start3A_1348 = tpu.memref_slice %arg5[%dma_start3A_1347, %multiple_of3A_1328] : memref<16x1000000xf32, #tpu.memory_space<hbm>> -> memref<16x128xf32, #tpu.memory_space<hbm>>
      %dma_start3A_1349 = arith.constant 0 : i32
      %dma_start3A_1350 = arith.constant 0 : i32
      %dma_start3A_1351 = tpu.memref_slice %arg13[%dma_start3A_1342, %dma_start3A_1349, %dma_start3A_1350] : memref<16x16x128xf32, #tpu.memory_space<vmem>> -> memref<1x16x128xf32, #tpu.memory_space<vmem>>
      %dma_start3A_1352 = tpu.memref_squeeze %dma_start3A_1351 : memref<1x16x128xf32, #tpu.memory_space<vmem>> -> memref<16x128xf32, #tpu.memory_space<vmem>>
      %dma_start3A_1353 = arith.constant 0 : i32
      %dma_start3A_1354 = tpu.memref_slice %arg5[%dma_start3A_1353, %multiple_of3A_1328] : memref<16x1000000xf32, #tpu.memory_space<hbm>> -> memref<16x128xf32, #tpu.memory_space<hbm>>
      tpu.enqueue_dma source(%dma_start3A_1354 : memref<16x128xf32, #tpu.memory_space<hbm>>) target(%dma_start3A_1352 : memref<16x128xf32, #tpu.memory_space<vmem>>) target_semaphore(%arg16 : memref<!tpu.dma_semaphore, #tpu.memory_space<semaphore_mem>>)
      %slice3A_1355 = vector.extract_strided_slice %get3A_17 {offsets = [3], sizes = [1], strides = [1]} : vector<16xi32> to vector<1xi32>
      %squeeze3A_1356 = vector.extract %slice3A_1355[0] : i32 from vector<1xi32>
      %shift_right_logical3A_1357 = arith.constant 7 : i32
      %shift_right_logical3A_1358 = arith.shrui %squeeze3A_1356, %shift_right_logical3A_1357 : i32
      %shift_left3A_1359 = arith.constant 7 : i32
      %shift_left3A_1360 = arith.shli %shift_right_logical3A_1358, %shift_left3A_1359 : i32
      %multiple_of3A_1361 = tpu.assume_multiple %shift_left3A_1360, 128 : i32
      %slice3A_1362 = vector.extract_strided_slice %get3A_19 {offsets = [3], sizes = [1], strides = [1]} : vector<16xi32> to vector<1xi32>
      %squeeze3A_1363 = vector.extract %slice3A_1362[0] : i32 from vector<1xi32>
      %shift_right_logical3A_1364 = arith.constant 7 : i32
      %shift_right_logical3A_1365 = arith.shrui %squeeze3A_1363, %shift_right_logical3A_1364 : i32
      %shift_left3A_1366 = arith.constant 7 : i32
      %shift_left3A_1367 = arith.shli %shift_right_logical3A_1365, %shift_left3A_1366 : i32
      %multiple_of3A_1368 = tpu.assume_multiple %shift_left3A_1367, 128 : i32
      %dma_start3A_1369 = arith.constant 3 : i32
      %dma_start3A_1370 = arith.constant 0 : i32
      %dma_start3A_1371 = arith.constant 0 : i32
      %dma_start3A_1372 = tpu.memref_slice %arg12[%dma_start3A_1369, %dma_start3A_1370, %dma_start3A_1371] : memref<16x16x128xf32, #tpu.memory_space<vmem>> -> memref<1x16x128xf32, #tpu.memory_space<vmem>>
      %dma_start3A_1373 = tpu.memref_squeeze %dma_start3A_1372 : memref<1x16x128xf32, #tpu.memory_space<vmem>> -> memref<16x128xf32, #tpu.memory_space<vmem>>
      %dma_start3A_1374 = arith.constant 0 : i32
      %dma_start3A_1375 = tpu.memref_slice %arg4[%dma_start3A_1374, %multiple_of3A_1361] : memref<16x1000000xf32, #tpu.memory_space<hbm>> -> memref<16x128xf32, #tpu.memory_space<hbm>>
      %dma_start3A_1376 = arith.constant 0 : i32
      %dma_start3A_1377 = arith.constant 0 : i32
      %dma_start3A_1378 = tpu.memref_slice %arg12[%dma_start3A_1369, %dma_start3A_1376, %dma_start3A_1377] : memref<16x16x128xf32, #tpu.memory_space<vmem>> -> memref<1x16x128xf32, #tpu.memory_space<vmem>>
      %dma_start3A_1379 = tpu.memref_squeeze %dma_start3A_1378 : memref<1x16x128xf32, #tpu.memory_space<vmem>> -> memref<16x128xf32, #tpu.memory_space<vmem>>
      %dma_start3A_1380 = arith.constant 0 : i32
      %dma_start3A_1381 = tpu.memref_slice %arg4[%dma_start3A_1380, %multiple_of3A_1361] : memref<16x1000000xf32, #tpu.memory_space<hbm>> -> memref<16x128xf32, #tpu.memory_space<hbm>>
      tpu.enqueue_dma source(%dma_start3A_1381 : memref<16x128xf32, #tpu.memory_space<hbm>>) target(%dma_start3A_1379 : memref<16x128xf32, #tpu.memory_space<vmem>>) target_semaphore(%arg16 : memref<!tpu.dma_semaphore, #tpu.memory_space<semaphore_mem>>)
      %dma_start3A_1382 = arith.constant 3 : i32
      %dma_start3A_1383 = arith.constant 0 : i32
      %dma_start3A_1384 = arith.constant 0 : i32
      %dma_start3A_1385 = tpu.memref_slice %arg13[%dma_start3A_1382, %dma_start3A_1383, %dma_start3A_1384] : memref<16x16x128xf32, #tpu.memory_space<vmem>> -> memref<1x16x128xf32, #tpu.memory_space<vmem>>
      %dma_start3A_1386 = tpu.memref_squeeze %dma_start3A_1385 : memref<1x16x128xf32, #tpu.memory_space<vmem>> -> memref<16x128xf32, #tpu.memory_space<vmem>>
      %dma_start3A_1387 = arith.constant 0 : i32
      %dma_start3A_1388 = tpu.memref_slice %arg5[%dma_start3A_1387, %multiple_of3A_1368] : memref<16x1000000xf32, #tpu.memory_space<hbm>> -> memref<16x128xf32, #tpu.memory_space<hbm>>
      %dma_start3A_1389 = arith.constant 0 : i32
      %dma_start3A_1390 = arith.constant 0 : i32
      %dma_start3A_1391 = tpu.memref_slice %arg13[%dma_start3A_1382, %dma_start3A_1389, %dma_start3A_1390] : memref<16x16x128xf32, #tpu.memory_space<vmem>> -> memref<1x16x128xf32, #tpu.memory_space<vmem>>
      %dma_start3A_1392 = tpu.memref_squeeze %dma_start3A_1391 : memref<1x16x128xf32, #tpu.memory_space<vmem>> -> memref<16x128xf32, #tpu.memory_space<vmem>>
      %dma_start3A_1393 = arith.constant 0 : i32
      %dma_start3A_1394 = tpu.memref_slice %arg5[%dma_start3A_1393, %multiple_of3A_1368] : memref<16x1000000xf32, #tpu.memory_space<hbm>> -> memref<16x128xf32, #tpu.memory_space<hbm>>
      tpu.enqueue_dma source(%dma_start3A_1394 : memref<16x128xf32, #tpu.memory_space<hbm>>) target(%dma_start3A_1392 : memref<16x128xf32, #tpu.memory_space<vmem>>) target_semaphore(%arg16 : memref<!tpu.dma_semaphore, #tpu.memory_space<semaphore_mem>>)
      %slice3A_1395 = vector.extract_strided_slice %get3A_17 {offsets = [4], sizes = [1], strides = [1]} : vector<16xi32> to vector<1xi32>
      %squeeze3A_1396 = vector.extract %slice3A_1395[0] : i32 from vector<1xi32>
      %shift_right_logical3A_1397 = arith.constant 7 : i32
      %shift_right_logical3A_1398 = arith.shrui %squeeze3A_1396, %shift_right_logical3A_1397 : i32
      %shift_left3A_1399 = arith.constant 7 : i32
      %shift_left3A_1400 = arith.shli %shift_right_logical3A_1398, %shift_left3A_1399 : i32
      %multiple_of3A_1401 = tpu.assume_multiple %shift_left3A_1400, 128 : i32
      %slice3A_1402 = vector.extract_strided_slice %get3A_19 {offsets = [4], sizes = [1], strides = [1]} : vector<16xi32> to vector<1xi32>
      %squeeze3A_1403 = vector.extract %slice3A_1402[0] : i32 from vector<1xi32>
      %shift_right_logical3A_1404 = arith.constant 7 : i32
      %shift_right_logical3A_1405 = arith.shrui %squeeze3A_1403, %shift_right_logical3A_1404 : i32
      %shift_left3A_1406 = arith.constant 7 : i32
      %shift_left3A_1407 = arith.shli %shift_right_logical3A_1405, %shift_left3A_1406 : i32
      %multiple_of3A_1408 = tpu.assume_multiple %shift_left3A_1407, 128 : i32
      %dma_start3A_1409 = arith.constant 4 : i32
      %dma_start3A_1410 = arith.constant 0 : i32
      %dma_start3A_1411 = arith.constant 0 : i32
      %dma_start3A_1412 = tpu.memref_slice %arg12[%dma_start3A_1409, %dma_start3A_1410, %dma_start3A_1411] : memref<16x16x128xf32, #tpu.memory_space<vmem>> -> memref<1x16x128xf32, #tpu.memory_space<vmem>>
      %dma_start3A_1413 = tpu.memref_squeeze %dma_start3A_1412 : memref<1x16x128xf32, #tpu.memory_space<vmem>> -> memref<16x128xf32, #tpu.memory_space<vmem>>
      %dma_start3A_1414 = arith.constant 0 : i32
      %dma_start3A_1415 = tpu.memref_slice %arg4[%dma_start3A_1414, %multiple_of3A_1401] : memref<16x1000000xf32, #tpu.memory_space<hbm>> -> memref<16x128xf32, #tpu.memory_space<hbm>>
      %dma_start3A_1416 = arith.constant 0 : i32
      %dma_start3A_1417 = arith.constant 0 : i32
      %dma_start3A_1418 = tpu.memref_slice %arg12[%dma_start3A_1409, %dma_start3A_1416, %dma_start3A_1417] : memref<16x16x128xf32, #tpu.memory_space<vmem>> -> memref<1x16x128xf32, #tpu.memory_space<vmem>>
      %dma_start3A_1419 = tpu.memref_squeeze %dma_start3A_1418 : memref<1x16x128xf32, #tpu.memory_space<vmem>> -> memref<16x128xf32, #tpu.memory_space<vmem>>
      %dma_start3A_1420 = arith.constant 0 : i32
      %dma_start3A_1421 = tpu.memref_slice %arg4[%dma_start3A_1420, %multiple_of3A_1401] : memref<16x1000000xf32, #tpu.memory_space<hbm>> -> memref<16x128xf32, #tpu.memory_space<hbm>>
      tpu.enqueue_dma source(%dma_start3A_1421 : memref<16x128xf32, #tpu.memory_space<hbm>>) target(%dma_start3A_1419 : memref<16x128xf32, #tpu.memory_space<vmem>>) target_semaphore(%arg16 : memref<!tpu.dma_semaphore, #tpu.memory_space<semaphore_mem>>)
      %dma_start3A_1422 = arith.constant 4 : i32
      %dma_start3A_1423 = arith.constant 0 : i32
      %dma_start3A_1424 = arith.constant 0 : i32
      %dma_start3A_1425 = tpu.memref_slice %arg13[%dma_start3A_1422, %dma_start3A_1423, %dma_start3A_1424] : memref<16x16x128xf32, #tpu.memory_space<vmem>> -> memref<1x16x128xf32, #tpu.memory_space<vmem>>
      %dma_start3A_1426 = tpu.memref_squeeze %dma_start3A_1425 : memref<1x16x128xf32, #tpu.memory_space<vmem>> -> memref<16x128xf32, #tpu.memory_space<vmem>>
      %dma_start3A_1427 = arith.constant 0 : i32
      %dma_start3A_1428 = tpu.memref_slice %arg5[%dma_start3A_1427, %multiple_of3A_1408] : memref<16x1000000xf32, #tpu.memory_space<hbm>> -> memref<16x128xf32, #tpu.memory_space<hbm>>
      %dma_start3A_1429 = arith.constant 0 : i32
      %dma_start3A_1430 = arith.constant 0 : i32
      %dma_start3A_1431 = tpu.memref_slice %arg13[%dma_start3A_1422, %dma_start3A_1429, %dma_start3A_1430] : memref<16x16x128xf32, #tpu.memory_space<vmem>> -> memref<1x16x128xf32, #tpu.memory_space<vmem>>
      %dma_start3A_1432 = tpu.memref_squeeze %dma_start3A_1431 : memref<1x16x128xf32, #tpu.memory_space<vmem>> -> memref<16x128xf32, #tpu.memory_space<vmem>>
      %dma_start3A_1433 = arith.constant 0 : i32
      %dma_start3A_1434 = tpu.memref_slice %arg5[%dma_start3A_1433, %multiple_of3A_1408] : memref<16x1000000xf32, #tpu.memory_space<hbm>> -> memref<16x128xf32, #tpu.memory_space<hbm>>
      tpu.enqueue_dma source(%dma_start3A_1434 : memref<16x128xf32, #tpu.memory_space<hbm>>) target(%dma_start3A_1432 : memref<16x128xf32, #tpu.memory_space<vmem>>) target_semaphore(%arg16 : memref<!tpu.dma_semaphore, #tpu.memory_space<semaphore_mem>>)
      %slice3A_1435 = vector.extract_strided_slice %get3A_17 {offsets = [5], sizes = [1], strides = [1]} : vector<16xi32> to vector<1xi32>
      %squeeze3A_1436 = vector.extract %slice3A_1435[0] : i32 from vector<1xi32>
      %shift_right_logical3A_1437 = arith.constant 7 : i32
      %shift_right_logical3A_1438 = arith.shrui %squeeze3A_1436, %shift_right_logical3A_1437 : i32
      %shift_left3A_1439 = arith.constant 7 : i32
      %shift_left3A_1440 = arith.shli %shift_right_logical3A_1438, %shift_left3A_1439 : i32
      %multiple_of3A_1441 = tpu.assume_multiple %shift_left3A_1440, 128 : i32
      %slice3A_1442 = vector.extract_strided_slice %get3A_19 {offsets = [5], sizes = [1], strides = [1]} : vector<16xi32> to vector<1xi32>
      %squeeze3A_1443 = vector.extract %slice3A_1442[0] : i32 from vector<1xi32>
      %shift_right_logical3A_1444 = arith.constant 7 : i32
      %shift_right_logical3A_1445 = arith.shrui %squeeze3A_1443, %shift_right_logical3A_1444 : i32
      %shift_left3A_1446 = arith.constant 7 : i32
      %shift_left3A_1447 = arith.shli %shift_right_logical3A_1445, %shift_left3A_1446 : i32
      %multiple_of3A_1448 = tpu.assume_multiple %shift_left3A_1447, 128 : i32
      %dma_start3A_1449 = arith.constant 5 : i32
      %dma_start3A_1450 = arith.constant 0 : i32
      %dma_start3A_1451 = arith.constant 0 : i32
      %dma_start3A_1452 = tpu.memref_slice %arg12[%dma_start3A_1449, %dma_start3A_1450, %dma_start3A_1451] : memref<16x16x128xf32, #tpu.memory_space<vmem>> -> memref<1x16x128xf32, #tpu.memory_space<vmem>>
      %dma_start3A_1453 = tpu.memref_squeeze %dma_start3A_1452 : memref<1x16x128xf32, #tpu.memory_space<vmem>> -> memref<16x128xf32, #tpu.memory_space<vmem>>
      %dma_start3A_1454 = arith.constant 0 : i32
      %dma_start3A_1455 = tpu.memref_slice %arg4[%dma_start3A_1454, %multiple_of3A_1441] : memref<16x1000000xf32, #tpu.memory_space<hbm>> -> memref<16x128xf32, #tpu.memory_space<hbm>>
      %dma_start3A_1456 = arith.constant 0 : i32
      %dma_start3A_1457 = arith.constant 0 : i32
      %dma_start3A_1458 = tpu.memref_slice %arg12[%dma_start3A_1449, %dma_start3A_1456, %dma_start3A_1457] : memref<16x16x128xf32, #tpu.memory_space<vmem>> -> memref<1x16x128xf32, #tpu.memory_space<vmem>>
      %dma_start3A_1459 = tpu.memref_squeeze %dma_start3A_1458 : memref<1x16x128xf32, #tpu.memory_space<vmem>> -> memref<16x128xf32, #tpu.memory_space<vmem>>
      %dma_start3A_1460 = arith.constant 0 : i32
      %dma_start3A_1461 = tpu.memref_slice %arg4[%dma_start3A_1460, %multiple_of3A_1441] : memref<16x1000000xf32, #tpu.memory_space<hbm>> -> memref<16x128xf32, #tpu.memory_space<hbm>>
      tpu.enqueue_dma source(%dma_start3A_1461 : memref<16x128xf32, #tpu.memory_space<hbm>>) target(%dma_start3A_1459 : memref<16x128xf32, #tpu.memory_space<vmem>>) target_semaphore(%arg16 : memref<!tpu.dma_semaphore, #tpu.memory_space<semaphore_mem>>)
      %dma_start3A_1462 = arith.constant 5 : i32
      %dma_start3A_1463 = arith.constant 0 : i32
      %dma_start3A_1464 = arith.constant 0 : i32
      %dma_start3A_1465 = tpu.memref_slice %arg13[%dma_start3A_1462, %dma_start3A_1463, %dma_start3A_1464] : memref<16x16x128xf32, #tpu.memory_space<vmem>> -> memref<1x16x128xf32, #tpu.memory_space<vmem>>
      %dma_start3A_1466 = tpu.memref_squeeze %dma_start3A_1465 : memref<1x16x128xf32, #tpu.memory_space<vmem>> -> memref<16x128xf32, #tpu.memory_space<vmem>>
      %dma_start3A_1467 = arith.constant 0 : i32
      %dma_start3A_1468 = tpu.memref_slice %arg5[%dma_start3A_1467, %multiple_of3A_1448] : memref<16x1000000xf32, #tpu.memory_space<hbm>> -> memref<16x128xf32, #tpu.memory_space<hbm>>
      %dma_start3A_1469 = arith.constant 0 : i32
      %dma_start3A_1470 = arith.constant 0 : i32
      %dma_start3A_1471 = tpu.memref_slice %arg13[%dma_start3A_1462, %dma_start3A_1469, %dma_start3A_1470] : memref<16x16x128xf32, #tpu.memory_space<vmem>> -> memref<1x16x128xf32, #tpu.memory_space<vmem>>
      %dma_start3A_1472 = tpu.memref_squeeze %dma_start3A_1471 : memref<1x16x128xf32, #tpu.memory_space<vmem>> -> memref<16x128xf32, #tpu.memory_space<vmem>>
      %dma_start3A_1473 = arith.constant 0 : i32
      %dma_start3A_1474 = tpu.memref_slice %arg5[%dma_start3A_1473, %multiple_of3A_1448] : memref<16x1000000xf32, #tpu.memory_space<hbm>> -> memref<16x128xf32, #tpu.memory_space<hbm>>
      tpu.enqueue_dma source(%dma_start3A_1474 : memref<16x128xf32, #tpu.memory_space<hbm>>) target(%dma_start3A_1472 : memref<16x128xf32, #tpu.memory_space<vmem>>) target_semaphore(%arg16 : memref<!tpu.dma_semaphore, #tpu.memory_space<semaphore_mem>>)
      %slice3A_1475 = vector.extract_strided_slice %get3A_17 {offsets = [6], sizes = [1], strides = [1]} : vector<16xi32> to vector<1xi32>
      %squeeze3A_1476 = vector.extract %slice3A_1475[0] : i32 from vector<1xi32>
      %shift_right_logical3A_1477 = arith.constant 7 : i32
      %shift_right_logical3A_1478 = arith.shrui %squeeze3A_1476, %shift_right_logical3A_1477 : i32
      %shift_left3A_1479 = arith.constant 7 : i32
      %shift_left3A_1480 = arith.shli %shift_right_logical3A_1478, %shift_left3A_1479 : i32
      %multiple_of3A_1481 = tpu.assume_multiple %shift_left3A_1480, 128 : i32
      %slice3A_1482 = vector.extract_strided_slice %get3A_19 {offsets = [6], sizes = [1], strides = [1]} : vector<16xi32> to vector<1xi32>
      %squeeze3A_1483 = vector.extract %slice3A_1482[0] : i32 from vector<1xi32>
      %shift_right_logical3A_1484 = arith.constant 7 : i32
      %shift_right_logical3A_1485 = arith.shrui %squeeze3A_1483, %shift_right_logical3A_1484 : i32
      %shift_left3A_1486 = arith.constant 7 : i32
      %shift_left3A_1487 = arith.shli %shift_right_logical3A_1485, %shift_left3A_1486 : i32
      %multiple_of3A_1488 = tpu.assume_multiple %shift_left3A_1487, 128 : i32
      %dma_start3A_1489 = arith.constant 6 : i32
      %dma_start3A_1490 = arith.constant 0 : i32
      %dma_start3A_1491 = arith.constant 0 : i32
      %dma_start3A_1492 = tpu.memref_slice %arg12[%dma_start3A_1489, %dma_start3A_1490, %dma_start3A_1491] : memref<16x16x128xf32, #tpu.memory_space<vmem>> -> memref<1x16x128xf32, #tpu.memory_space<vmem>>
      %dma_start3A_1493 = tpu.memref_squeeze %dma_start3A_1492 : memref<1x16x128xf32, #tpu.memory_space<vmem>> -> memref<16x128xf32, #tpu.memory_space<vmem>>
      %dma_start3A_1494 = arith.constant 0 : i32
      %dma_start3A_1495 = tpu.memref_slice %arg4[%dma_start3A_1494, %multiple_of3A_1481] : memref<16x1000000xf32, #tpu.memory_space<hbm>> -> memref<16x128xf32, #tpu.memory_space<hbm>>
      %dma_start3A_1496 = arith.constant 0 : i32
      %dma_start3A_1497 = arith.constant 0 : i32
      %dma_start3A_1498 = tpu.memref_slice %arg12[%dma_start3A_1489, %dma_start3A_1496, %dma_start3A_1497] : memref<16x16x128xf32, #tpu.memory_space<vmem>> -> memref<1x16x128xf32, #tpu.memory_space<vmem>>
      %dma_start3A_1499 = tpu.memref_squeeze %dma_start3A_1498 : memref<1x16x128xf32, #tpu.memory_space<vmem>> -> memref<16x128xf32, #tpu.memory_space<vmem>>
      %dma_start3A_1500 = arith.constant 0 : i32
      %dma_start3A_1501 = tpu.memref_slice %arg4[%dma_start3A_1500, %multiple_of3A_1481] : memref<16x1000000xf32, #tpu.memory_space<hbm>> -> memref<16x128xf32, #tpu.memory_space<hbm>>
      tpu.enqueue_dma source(%dma_start3A_1501 : memref<16x128xf32, #tpu.memory_space<hbm>>) target(%dma_start3A_1499 : memref<16x128xf32, #tpu.memory_space<vmem>>) target_semaphore(%arg16 : memref<!tpu.dma_semaphore, #tpu.memory_space<semaphore_mem>>)
      %dma_start3A_1502 = arith.constant 6 : i32
      %dma_start3A_1503 = arith.constant 0 : i32
      %dma_start3A_1504 = arith.constant 0 : i32
      %dma_start3A_1505 = tpu.memref_slice %arg13[%dma_start3A_1502, %dma_start3A_1503, %dma_start3A_1504] : memref<16x16x128xf32, #tpu.memory_space<vmem>> -> memref<1x16x128xf32, #tpu.memory_space<vmem>>
      %dma_start3A_1506 = tpu.memref_squeeze %dma_start3A_1505 : memref<1x16x128xf32, #tpu.memory_space<vmem>> -> memref<16x128xf32, #tpu.memory_space<vmem>>
      %dma_start3A_1507 = arith.constant 0 : i32
      %dma_start3A_1508 = tpu.memref_slice %arg5[%dma_start3A_1507, %multiple_of3A_1488] : memref<16x1000000xf32, #tpu.memory_space<hbm>> -> memref<16x128xf32, #tpu.memory_space<hbm>>
      %dma_start3A_1509 = arith.constant 0 : i32
      %dma_start3A_1510 = arith.constant 0 : i32
      %dma_start3A_1511 = tpu.memref_slice %arg13[%dma_start3A_1502, %dma_start3A_1509, %dma_start3A_1510] : memref<16x16x128xf32, #tpu.memory_space<vmem>> -> memref<1x16x128xf32, #tpu.memory_space<vmem>>
      %dma_start3A_1512 = tpu.memref_squeeze %dma_start3A_1511 : memref<1x16x128xf32, #tpu.memory_space<vmem>> -> memref<16x128xf32, #tpu.memory_space<vmem>>
      %dma_start3A_1513 = arith.constant 0 : i32
      %dma_start3A_1514 = tpu.memref_slice %arg5[%dma_start3A_1513, %multiple_of3A_1488] : memref<16x1000000xf32, #tpu.memory_space<hbm>> -> memref<16x128xf32, #tpu.memory_space<hbm>>
      tpu.enqueue_dma source(%dma_start3A_1514 : memref<16x128xf32, #tpu.memory_space<hbm>>) target(%dma_start3A_1512 : memref<16x128xf32, #tpu.memory_space<vmem>>) target_semaphore(%arg16 : memref<!tpu.dma_semaphore, #tpu.memory_space<semaphore_mem>>)
      %slice3A_1515 = vector.extract_strided_slice %get3A_17 {offsets = [7], sizes = [1], strides = [1]} : vector<16xi32> to vector<1xi32>
      %squeeze3A_1516 = vector.extract %slice3A_1515[0] : i32 from vector<1xi32>
      %shift_right_logical3A_1517 = arith.constant 7 : i32
      %shift_right_logical3A_1518 = arith.shrui %squeeze3A_1516, %shift_right_logical3A_1517 : i32
      %shift_left3A_1519 = arith.constant 7 : i32
      %shift_left3A_1520 = arith.shli %shift_right_logical3A_1518, %shift_left3A_1519 : i32
      %multiple_of3A_1521 = tpu.assume_multiple %shift_left3A_1520, 128 : i32
      %slice3A_1522 = vector.extract_strided_slice %get3A_19 {offsets = [7], sizes = [1], strides = [1]} : vector<16xi32> to vector<1xi32>
      %squeeze3A_1523 = vector.extract %slice3A_1522[0] : i32 from vector<1xi32>
      %shift_right_logical3A_1524 = arith.constant 7 : i32
      %shift_right_logical3A_1525 = arith.shrui %squeeze3A_1523, %shift_right_logical3A_1524 : i32
      %shift_left3A_1526 = arith.constant 7 : i32
      %shift_left3A_1527 = arith.shli %shift_right_logical3A_1525, %shift_left3A_1526 : i32
      %multiple_of3A_1528 = tpu.assume_multiple %shift_left3A_1527, 128 : i32
      %dma_start3A_1529 = arith.constant 7 : i32
      %dma_start3A_1530 = arith.constant 0 : i32
      %dma_start3A_1531 = arith.constant 0 : i32
      %dma_start3A_1532 = tpu.memref_slice %arg12[%dma_start3A_1529, %dma_start3A_1530, %dma_start3A_1531] : memref<16x16x128xf32, #tpu.memory_space<vmem>> -> memref<1x16x128xf32, #tpu.memory_space<vmem>>
      %dma_start3A_1533 = tpu.memref_squeeze %dma_start3A_1532 : memref<1x16x128xf32, #tpu.memory_space<vmem>> -> memref<16x128xf32, #tpu.memory_space<vmem>>
      %dma_start3A_1534 = arith.constant 0 : i32
      %dma_start3A_1535 = tpu.memref_slice %arg4[%dma_start3A_1534, %multiple_of3A_1521] : memref<16x1000000xf32, #tpu.memory_space<hbm>> -> memref<16x128xf32, #tpu.memory_space<hbm>>
      %dma_start3A_1536 = arith.constant 0 : i32
      %dma_start3A_1537 = arith.constant 0 : i32
      %dma_start3A_1538 = tpu.memref_slice %arg12[%dma_start3A_1529, %dma_start3A_1536, %dma_start3A_1537] : memref<16x16x128xf32, #tpu.memory_space<vmem>> -> memref<1x16x128xf32, #tpu.memory_space<vmem>>
      %dma_start3A_1539 = tpu.memref_squeeze %dma_start3A_1538 : memref<1x16x128xf32, #tpu.memory_space<vmem>> -> memref<16x128xf32, #tpu.memory_space<vmem>>
      %dma_start3A_1540 = arith.constant 0 : i32
      %dma_start3A_1541 = tpu.memref_slice %arg4[%dma_start3A_1540, %multiple_of3A_1521] : memref<16x1000000xf32, #tpu.memory_space<hbm>> -> memref<16x128xf32, #tpu.memory_space<hbm>>
      tpu.enqueue_dma source(%dma_start3A_1541 : memref<16x128xf32, #tpu.memory_space<hbm>>) target(%dma_start3A_1539 : memref<16x128xf32, #tpu.memory_space<vmem>>) target_semaphore(%arg16 : memref<!tpu.dma_semaphore, #tpu.memory_space<semaphore_mem>>)
      %dma_start3A_1542 = arith.constant 7 : i32
      %dma_start3A_1543 = arith.constant 0 : i32
      %dma_start3A_1544 = arith.constant 0 : i32
      %dma_start3A_1545 = tpu.memref_slice %arg13[%dma_start3A_1542, %dma_start3A_1543, %dma_start3A_1544] : memref<16x16x128xf32, #tpu.memory_space<vmem>> -> memref<1x16x128xf32, #tpu.memory_space<vmem>>
      %dma_start3A_1546 = tpu.memref_squeeze %dma_start3A_1545 : memref<1x16x128xf32, #tpu.memory_space<vmem>> -> memref<16x128xf32, #tpu.memory_space<vmem>>
      %dma_start3A_1547 = arith.constant 0 : i32
      %dma_start3A_1548 = tpu.memref_slice %arg5[%dma_start3A_1547, %multiple_of3A_1528] : memref<16x1000000xf32, #tpu.memory_space<hbm>> -> memref<16x128xf32, #tpu.memory_space<hbm>>
      %dma_start3A_1549 = arith.constant 0 : i32
      %dma_start3A_1550 = arith.constant 0 : i32
      %dma_start3A_1551 = tpu.memref_slice %arg13[%dma_start3A_1542, %dma_start3A_1549, %dma_start3A_1550] : memref<16x16x128xf32, #tpu.memory_space<vmem>> -> memref<1x16x128xf32, #tpu.memory_space<vmem>>
      %dma_start3A_1552 = tpu.memref_squeeze %dma_start3A_1551 : memref<1x16x128xf32, #tpu.memory_space<vmem>> -> memref<16x128xf32, #tpu.memory_space<vmem>>
      %dma_start3A_1553 = arith.constant 0 : i32
      %dma_start3A_1554 = tpu.memref_slice %arg5[%dma_start3A_1553, %multiple_of3A_1528] : memref<16x1000000xf32, #tpu.memory_space<hbm>> -> memref<16x128xf32, #tpu.memory_space<hbm>>
      tpu.enqueue_dma source(%dma_start3A_1554 : memref<16x128xf32, #tpu.memory_space<hbm>>) target(%dma_start3A_1552 : memref<16x128xf32, #tpu.memory_space<vmem>>) target_semaphore(%arg16 : memref<!tpu.dma_semaphore, #tpu.memory_space<semaphore_mem>>)
      %slice3A_1555 = vector.extract_strided_slice %get3A_17 {offsets = [8], sizes = [1], strides = [1]} : vector<16xi32> to vector<1xi32>
      %squeeze3A_1556 = vector.extract %slice3A_1555[0] : i32 from vector<1xi32>
      %shift_right_logical3A_1557 = arith.constant 7 : i32
      %shift_right_logical3A_1558 = arith.shrui %squeeze3A_1556, %shift_right_logical3A_1557 : i32
      %shift_left3A_1559 = arith.constant 7 : i32
      %shift_left3A_1560 = arith.shli %shift_right_logical3A_1558, %shift_left3A_1559 : i32
      %multiple_of3A_1561 = tpu.assume_multiple %shift_left3A_1560, 128 : i32
      %slice3A_1562 = vector.extract_strided_slice %get3A_19 {offsets = [8], sizes = [1], strides = [1]} : vector<16xi32> to vector<1xi32>
      %squeeze3A_1563 = vector.extract %slice3A_1562[0] : i32 from vector<1xi32>
      %shift_right_logical3A_1564 = arith.constant 7 : i32
      %shift_right_logical3A_1565 = arith.shrui %squeeze3A_1563, %shift_right_logical3A_1564 : i32
      %shift_left3A_1566 = arith.constant 7 : i32
      %shift_left3A_1567 = arith.shli %shift_right_logical3A_1565, %shift_left3A_1566 : i32
      %multiple_of3A_1568 = tpu.assume_multiple %shift_left3A_1567, 128 : i32
      %dma_start3A_1569 = arith.constant 8 : i32
      %dma_start3A_1570 = arith.constant 0 : i32
      %dma_start3A_1571 = arith.constant 0 : i32
      %dma_start3A_1572 = tpu.memref_slice %arg12[%dma_start3A_1569, %dma_start3A_1570, %dma_start3A_1571] : memref<16x16x128xf32, #tpu.memory_space<vmem>> -> memref<1x16x128xf32, #tpu.memory_space<vmem>>
      %dma_start3A_1573 = tpu.memref_squeeze %dma_start3A_1572 : memref<1x16x128xf32, #tpu.memory_space<vmem>> -> memref<16x128xf32, #tpu.memory_space<vmem>>
      %dma_start3A_1574 = arith.constant 0 : i32
      %dma_start3A_1575 = tpu.memref_slice %arg4[%dma_start3A_1574, %multiple_of3A_1561] : memref<16x1000000xf32, #tpu.memory_space<hbm>> -> memref<16x128xf32, #tpu.memory_space<hbm>>
      %dma_start3A_1576 = arith.constant 0 : i32
      %dma_start3A_1577 = arith.constant 0 : i32
      %dma_start3A_1578 = tpu.memref_slice %arg12[%dma_start3A_1569, %dma_start3A_1576, %dma_start3A_1577] : memref<16x16x128xf32, #tpu.memory_space<vmem>> -> memref<1x16x128xf32, #tpu.memory_space<vmem>>
      %dma_start3A_1579 = tpu.memref_squeeze %dma_start3A_1578 : memref<1x16x128xf32, #tpu.memory_space<vmem>> -> memref<16x128xf32, #tpu.memory_space<vmem>>
      %dma_start3A_1580 = arith.constant 0 : i32
      %dma_start3A_1581 = tpu.memref_slice %arg4[%dma_start3A_1580, %multiple_of3A_1561] : memref<16x1000000xf32, #tpu.memory_space<hbm>> -> memref<16x128xf32, #tpu.memory_space<hbm>>
      tpu.enqueue_dma source(%dma_start3A_1581 : memref<16x128xf32, #tpu.memory_space<hbm>>) target(%dma_start3A_1579 : memref<16x128xf32, #tpu.memory_space<vmem>>) target_semaphore(%arg16 : memref<!tpu.dma_semaphore, #tpu.memory_space<semaphore_mem>>)
      %dma_start3A_1582 = arith.constant 8 : i32
      %dma_start3A_1583 = arith.constant 0 : i32
      %dma_start3A_1584 = arith.constant 0 : i32
      %dma_start3A_1585 = tpu.memref_slice %arg13[%dma_start3A_1582, %dma_start3A_1583, %dma_start3A_1584] : memref<16x16x128xf32, #tpu.memory_space<vmem>> -> memref<1x16x128xf32, #tpu.memory_space<vmem>>
      %dma_start3A_1586 = tpu.memref_squeeze %dma_start3A_1585 : memref<1x16x128xf32, #tpu.memory_space<vmem>> -> memref<16x128xf32, #tpu.memory_space<vmem>>
      %dma_start3A_1587 = arith.constant 0 : i32
      %dma_start3A_1588 = tpu.memref_slice %arg5[%dma_start3A_1587, %multiple_of3A_1568] : memref<16x1000000xf32, #tpu.memory_space<hbm>> -> memref<16x128xf32, #tpu.memory_space<hbm>>
      %dma_start3A_1589 = arith.constant 0 : i32
      %dma_start3A_1590 = arith.constant 0 : i32
      %dma_start3A_1591 = tpu.memref_slice %arg13[%dma_start3A_1582, %dma_start3A_1589, %dma_start3A_1590] : memref<16x16x128xf32, #tpu.memory_space<vmem>> -> memref<1x16x128xf32, #tpu.memory_space<vmem>>
      %dma_start3A_1592 = tpu.memref_squeeze %dma_start3A_1591 : memref<1x16x128xf32, #tpu.memory_space<vmem>> -> memref<16x128xf32, #tpu.memory_space<vmem>>
      %dma_start3A_1593 = arith.constant 0 : i32
      %dma_start3A_1594 = tpu.memref_slice %arg5[%dma_start3A_1593, %multiple_of3A_1568] : memref<16x1000000xf32, #tpu.memory_space<hbm>> -> memref<16x128xf32, #tpu.memory_space<hbm>>
      tpu.enqueue_dma source(%dma_start3A_1594 : memref<16x128xf32, #tpu.memory_space<hbm>>) target(%dma_start3A_1592 : memref<16x128xf32, #tpu.memory_space<vmem>>) target_semaphore(%arg16 : memref<!tpu.dma_semaphore, #tpu.memory_space<semaphore_mem>>)
      %slice3A_1595 = vector.extract_strided_slice %get3A_17 {offsets = [9], sizes = [1], strides = [1]} : vector<16xi32> to vector<1xi32>
      %squeeze3A_1596 = vector.extract %slice3A_1595[0] : i32 from vector<1xi32>
      %shift_right_logical3A_1597 = arith.constant 7 : i32
      %shift_right_logical3A_1598 = arith.shrui %squeeze3A_1596, %shift_right_logical3A_1597 : i32
      %shift_left3A_1599 = arith.constant 7 : i32
      %shift_left3A_1600 = arith.shli %shift_right_logical3A_1598, %shift_left3A_1599 : i32
      %multiple_of3A_1601 = tpu.assume_multiple %shift_left3A_1600, 128 : i32
      %slice3A_1602 = vector.extract_strided_slice %get3A_19 {offsets = [9], sizes = [1], strides = [1]} : vector<16xi32> to vector<1xi32>
      %squeeze3A_1603 = vector.extract %slice3A_1602[0] : i32 from vector<1xi32>
      %shift_right_logical3A_1604 = arith.constant 7 : i32
      %shift_right_logical3A_1605 = arith.shrui %squeeze3A_1603, %shift_right_logical3A_1604 : i32
      %shift_left3A_1606 = arith.constant 7 : i32
      %shift_left3A_1607 = arith.shli %shift_right_logical3A_1605, %shift_left3A_1606 : i32
      %multiple_of3A_1608 = tpu.assume_multiple %shift_left3A_1607, 128 : i32
      %dma_start3A_1609 = arith.constant 9 : i32
      %dma_start3A_1610 = arith.constant 0 : i32
      %dma_start3A_1611 = arith.constant 0 : i32
      %dma_start3A_1612 = tpu.memref_slice %arg12[%dma_start3A_1609, %dma_start3A_1610, %dma_start3A_1611] : memref<16x16x128xf32, #tpu.memory_space<vmem>> -> memref<1x16x128xf32, #tpu.memory_space<vmem>>
      %dma_start3A_1613 = tpu.memref_squeeze %dma_start3A_1612 : memref<1x16x128xf32, #tpu.memory_space<vmem>> -> memref<16x128xf32, #tpu.memory_space<vmem>>
      %dma_start3A_1614 = arith.constant 0 : i32
      %dma_start3A_1615 = tpu.memref_slice %arg4[%dma_start3A_1614, %multiple_of3A_1601] : memref<16x1000000xf32, #tpu.memory_space<hbm>> -> memref<16x128xf32, #tpu.memory_space<hbm>>
      %dma_start3A_1616 = arith.constant 0 : i32
      %dma_start3A_1617 = arith.constant 0 : i32
      %dma_start3A_1618 = tpu.memref_slice %arg12[%dma_start3A_1609, %dma_start3A_1616, %dma_start3A_1617] : memref<16x16x128xf32, #tpu.memory_space<vmem>> -> memref<1x16x128xf32, #tpu.memory_space<vmem>>
      %dma_start3A_1619 = tpu.memref_squeeze %dma_start3A_1618 : memref<1x16x128xf32, #tpu.memory_space<vmem>> -> memref<16x128xf32, #tpu.memory_space<vmem>>
      %dma_start3A_1620 = arith.constant 0 : i32
      %dma_start3A_1621 = tpu.memref_slice %arg4[%dma_start3A_1620, %multiple_of3A_1601] : memref<16x1000000xf32, #tpu.memory_space<hbm>> -> memref<16x128xf32, #tpu.memory_space<hbm>>
      tpu.enqueue_dma source(%dma_start3A_1621 : memref<16x128xf32, #tpu.memory_space<hbm>>) target(%dma_start3A_1619 : memref<16x128xf32, #tpu.memory_space<vmem>>) target_semaphore(%arg16 : memref<!tpu.dma_semaphore, #tpu.memory_space<semaphore_mem>>)
      %dma_start3A_1622 = arith.constant 9 : i32
      %dma_start3A_1623 = arith.constant 0 : i32
      %dma_start3A_1624 = arith.constant 0 : i32
      %dma_start3A_1625 = tpu.memref_slice %arg13[%dma_start3A_1622, %dma_start3A_1623, %dma_start3A_1624] : memref<16x16x128xf32, #tpu.memory_space<vmem>> -> memref<1x16x128xf32, #tpu.memory_space<vmem>>
      %dma_start3A_1626 = tpu.memref_squeeze %dma_start3A_1625 : memref<1x16x128xf32, #tpu.memory_space<vmem>> -> memref<16x128xf32, #tpu.memory_space<vmem>>
      %dma_start3A_1627 = arith.constant 0 : i32
      %dma_start3A_1628 = tpu.memref_slice %arg5[%dma_start3A_1627, %multiple_of3A_1608] : memref<16x1000000xf32, #tpu.memory_space<hbm>> -> memref<16x128xf32, #tpu.memory_space<hbm>>
      %dma_start3A_1629 = arith.constant 0 : i32
      %dma_start3A_1630 = arith.constant 0 : i32
      %dma_start3A_1631 = tpu.memref_slice %arg13[%dma_start3A_1622, %dma_start3A_1629, %dma_start3A_1630] : memref<16x16x128xf32, #tpu.memory_space<vmem>> -> memref<1x16x128xf32, #tpu.memory_space<vmem>>
      %dma_start3A_1632 = tpu.memref_squeeze %dma_start3A_1631 : memref<1x16x128xf32, #tpu.memory_space<vmem>> -> memref<16x128xf32, #tpu.memory_space<vmem>>
      %dma_start3A_1633 = arith.constant 0 : i32
      %dma_start3A_1634 = tpu.memref_slice %arg5[%dma_start3A_1633, %multiple_of3A_1608] : memref<16x1000000xf32, #tpu.memory_space<hbm>> -> memref<16x128xf32, #tpu.memory_space<hbm>>
      tpu.enqueue_dma source(%dma_start3A_1634 : memref<16x128xf32, #tpu.memory_space<hbm>>) target(%dma_start3A_1632 : memref<16x128xf32, #tpu.memory_space<vmem>>) target_semaphore(%arg16 : memref<!tpu.dma_semaphore, #tpu.memory_space<semaphore_mem>>)
      %slice3A_1635 = vector.extract_strided_slice %get3A_17 {offsets = [10], sizes = [1], strides = [1]} : vector<16xi32> to vector<1xi32>
      %squeeze3A_1636 = vector.extract %slice3A_1635[0] : i32 from vector<1xi32>
      %shift_right_logical3A_1637 = arith.constant 7 : i32
      %shift_right_logical3A_1638 = arith.shrui %squeeze3A_1636, %shift_right_logical3A_1637 : i32
      %shift_left3A_1639 = arith.constant 7 : i32
      %shift_left3A_1640 = arith.shli %shift_right_logical3A_1638, %shift_left3A_1639 : i32
      %multiple_of3A_1641 = tpu.assume_multiple %shift_left3A_1640, 128 : i32
      %slice3A_1642 = vector.extract_strided_slice %get3A_19 {offsets = [10], sizes = [1], strides = [1]} : vector<16xi32> to vector<1xi32>
      %squeeze3A_1643 = vector.extract %slice3A_1642[0] : i32 from vector<1xi32>
      %shift_right_logical3A_1644 = arith.constant 7 : i32
      %shift_right_logical3A_1645 = arith.shrui %squeeze3A_1643, %shift_right_logical3A_1644 : i32
      %shift_left3A_1646 = arith.constant 7 : i32
      %shift_left3A_1647 = arith.shli %shift_right_logical3A_1645, %shift_left3A_1646 : i32
      %multiple_of3A_1648 = tpu.assume_multiple %shift_left3A_1647, 128 : i32
      %dma_start3A_1649 = arith.constant 10 : i32
      %dma_start3A_1650 = arith.constant 0 : i32
      %dma_start3A_1651 = arith.constant 0 : i32
      %dma_start3A_1652 = tpu.memref_slice %arg12[%dma_start3A_1649, %dma_start3A_1650, %dma_start3A_1651] : memref<16x16x128xf32, #tpu.memory_space<vmem>> -> memref<1x16x128xf32, #tpu.memory_space<vmem>>
      %dma_start3A_1653 = tpu.memref_squeeze %dma_start3A_1652 : memref<1x16x128xf32, #tpu.memory_space<vmem>> -> memref<16x128xf32, #tpu.memory_space<vmem>>
      %dma_start3A_1654 = arith.constant 0 : i32
      %dma_start3A_1655 = tpu.memref_slice %arg4[%dma_start3A_1654, %multiple_of3A_1641] : memref<16x1000000xf32, #tpu.memory_space<hbm>> -> memref<16x128xf32, #tpu.memory_space<hbm>>
      %dma_start3A_1656 = arith.constant 0 : i32
      %dma_start3A_1657 = arith.constant 0 : i32
      %dma_start3A_1658 = tpu.memref_slice %arg12[%dma_start3A_1649, %dma_start3A_1656, %dma_start3A_1657] : memref<16x16x128xf32, #tpu.memory_space<vmem>> -> memref<1x16x128xf32, #tpu.memory_space<vmem>>
      %dma_start3A_1659 = tpu.memref_squeeze %dma_start3A_1658 : memref<1x16x128xf32, #tpu.memory_space<vmem>> -> memref<16x128xf32, #tpu.memory_space<vmem>>
      %dma_start3A_1660 = arith.constant 0 : i32
      %dma_start3A_1661 = tpu.memref_slice %arg4[%dma_start3A_1660, %multiple_of3A_1641] : memref<16x1000000xf32, #tpu.memory_space<hbm>> -> memref<16x128xf32, #tpu.memory_space<hbm>>
      tpu.enqueue_dma source(%dma_start3A_1661 : memref<16x128xf32, #tpu.memory_space<hbm>>) target(%dma_start3A_1659 : memref<16x128xf32, #tpu.memory_space<vmem>>) target_semaphore(%arg16 : memref<!tpu.dma_semaphore, #tpu.memory_space<semaphore_mem>>)
      %dma_start3A_1662 = arith.constant 10 : i32
      %dma_start3A_1663 = arith.constant 0 : i32
      %dma_start3A_1664 = arith.constant 0 : i32
      %dma_start3A_1665 = tpu.memref_slice %arg13[%dma_start3A_1662, %dma_start3A_1663, %dma_start3A_1664] : memref<16x16x128xf32, #tpu.memory_space<vmem>> -> memref<1x16x128xf32, #tpu.memory_space<vmem>>
      %dma_start3A_1666 = tpu.memref_squeeze %dma_start3A_1665 : memref<1x16x128xf32, #tpu.memory_space<vmem>> -> memref<16x128xf32, #tpu.memory_space<vmem>>
      %dma_start3A_1667 = arith.constant 0 : i32
      %dma_start3A_1668 = tpu.memref_slice %arg5[%dma_start3A_1667, %multiple_of3A_1648] : memref<16x1000000xf32, #tpu.memory_space<hbm>> -> memref<16x128xf32, #tpu.memory_space<hbm>>
      %dma_start3A_1669 = arith.constant 0 : i32
      %dma_start3A_1670 = arith.constant 0 : i32
      %dma_start3A_1671 = tpu.memref_slice %arg13[%dma_start3A_1662, %dma_start3A_1669, %dma_start3A_1670] : memref<16x16x128xf32, #tpu.memory_space<vmem>> -> memref<1x16x128xf32, #tpu.memory_space<vmem>>
      %dma_start3A_1672 = tpu.memref_squeeze %dma_start3A_1671 : memref<1x16x128xf32, #tpu.memory_space<vmem>> -> memref<16x128xf32, #tpu.memory_space<vmem>>
      %dma_start3A_1673 = arith.constant 0 : i32
      %dma_start3A_1674 = tpu.memref_slice %arg5[%dma_start3A_1673, %multiple_of3A_1648] : memref<16x1000000xf32, #tpu.memory_space<hbm>> -> memref<16x128xf32, #tpu.memory_space<hbm>>
      tpu.enqueue_dma source(%dma_start3A_1674 : memref<16x128xf32, #tpu.memory_space<hbm>>) target(%dma_start3A_1672 : memref<16x128xf32, #tpu.memory_space<vmem>>) target_semaphore(%arg16 : memref<!tpu.dma_semaphore, #tpu.memory_space<semaphore_mem>>)
      %slice3A_1675 = vector.extract_strided_slice %get3A_17 {offsets = [11], sizes = [1], strides = [1]} : vector<16xi32> to vector<1xi32>
      %squeeze3A_1676 = vector.extract %slice3A_1675[0] : i32 from vector<1xi32>
      %shift_right_logical3A_1677 = arith.constant 7 : i32
      %shift_right_logical3A_1678 = arith.shrui %squeeze3A_1676, %shift_right_logical3A_1677 : i32
      %shift_left3A_1679 = arith.constant 7 : i32
      %shift_left3A_1680 = arith.shli %shift_right_logical3A_1678, %shift_left3A_1679 : i32
      %multiple_of3A_1681 = tpu.assume_multiple %shift_left3A_1680, 128 : i32
      %slice3A_1682 = vector.extract_strided_slice %get3A_19 {offsets = [11], sizes = [1], strides = [1]} : vector<16xi32> to vector<1xi32>
      %squeeze3A_1683 = vector.extract %slice3A_1682[0] : i32 from vector<1xi32>
      %shift_right_logical3A_1684 = arith.constant 7 : i32
      %shift_right_logical3A_1685 = arith.shrui %squeeze3A_1683, %shift_right_logical3A_1684 : i32
      %shift_left3A_1686 = arith.constant 7 : i32
      %shift_left3A_1687 = arith.shli %shift_right_logical3A_1685, %shift_left3A_1686 : i32
      %multiple_of3A_1688 = tpu.assume_multiple %shift_left3A_1687, 128 : i32
      %dma_start3A_1689 = arith.constant 11 : i32
      %dma_start3A_1690 = arith.constant 0 : i32
      %dma_start3A_1691 = arith.constant 0 : i32
      %dma_start3A_1692 = tpu.memref_slice %arg12[%dma_start3A_1689, %dma_start3A_1690, %dma_start3A_1691] : memref<16x16x128xf32, #tpu.memory_space<vmem>> -> memref<1x16x128xf32, #tpu.memory_space<vmem>>
      %dma_start3A_1693 = tpu.memref_squeeze %dma_start3A_1692 : memref<1x16x128xf32, #tpu.memory_space<vmem>> -> memref<16x128xf32, #tpu.memory_space<vmem>>
      %dma_start3A_1694 = arith.constant 0 : i32
      %dma_start3A_1695 = tpu.memref_slice %arg4[%dma_start3A_1694, %multiple_of3A_1681] : memref<16x1000000xf32, #tpu.memory_space<hbm>> -> memref<16x128xf32, #tpu.memory_space<hbm>>
      %dma_start3A_1696 = arith.constant 0 : i32
      %dma_start3A_1697 = arith.constant 0 : i32
      %dma_start3A_1698 = tpu.memref_slice %arg12[%dma_start3A_1689, %dma_start3A_1696, %dma_start3A_1697] : memref<16x16x128xf32, #tpu.memory_space<vmem>> -> memref<1x16x128xf32, #tpu.memory_space<vmem>>
      %dma_start3A_1699 = tpu.memref_squeeze %dma_start3A_1698 : memref<1x16x128xf32, #tpu.memory_space<vmem>> -> memref<16x128xf32, #tpu.memory_space<vmem>>
      %dma_start3A_1700 = arith.constant 0 : i32
      %dma_start3A_1701 = tpu.memref_slice %arg4[%dma_start3A_1700, %multiple_of3A_1681] : memref<16x1000000xf32, #tpu.memory_space<hbm>> -> memref<16x128xf32, #tpu.memory_space<hbm>>
      tpu.enqueue_dma source(%dma_start3A_1701 : memref<16x128xf32, #tpu.memory_space<hbm>>) target(%dma_start3A_1699 : memref<16x128xf32, #tpu.memory_space<vmem>>) target_semaphore(%arg16 : memref<!tpu.dma_semaphore, #tpu.memory_space<semaphore_mem>>)
      %dma_start3A_1702 = arith.constant 11 : i32
      %dma_start3A_1703 = arith.constant 0 : i32
      %dma_start3A_1704 = arith.constant 0 : i32
      %dma_start3A_1705 = tpu.memref_slice %arg13[%dma_start3A_1702, %dma_start3A_1703, %dma_start3A_1704] : memref<16x16x128xf32, #tpu.memory_space<vmem>> -> memref<1x16x128xf32, #tpu.memory_space<vmem>>
      %dma_start3A_1706 = tpu.memref_squeeze %dma_start3A_1705 : memref<1x16x128xf32, #tpu.memory_space<vmem>> -> memref<16x128xf32, #tpu.memory_space<vmem>>
      %dma_start3A_1707 = arith.constant 0 : i32
      %dma_start3A_1708 = tpu.memref_slice %arg5[%dma_start3A_1707, %multiple_of3A_1688] : memref<16x1000000xf32, #tpu.memory_space<hbm>> -> memref<16x128xf32, #tpu.memory_space<hbm>>
      %dma_start3A_1709 = arith.constant 0 : i32
      %dma_start3A_1710 = arith.constant 0 : i32
      %dma_start3A_1711 = tpu.memref_slice %arg13[%dma_start3A_1702, %dma_start3A_1709, %dma_start3A_1710] : memref<16x16x128xf32, #tpu.memory_space<vmem>> -> memref<1x16x128xf32, #tpu.memory_space<vmem>>
      %dma_start3A_1712 = tpu.memref_squeeze %dma_start3A_1711 : memref<1x16x128xf32, #tpu.memory_space<vmem>> -> memref<16x128xf32, #tpu.memory_space<vmem>>
      %dma_start3A_1713 = arith.constant 0 : i32
      %dma_start3A_1714 = tpu.memref_slice %arg5[%dma_start3A_1713, %multiple_of3A_1688] : memref<16x1000000xf32, #tpu.memory_space<hbm>> -> memref<16x128xf32, #tpu.memory_space<hbm>>
      tpu.enqueue_dma source(%dma_start3A_1714 : memref<16x128xf32, #tpu.memory_space<hbm>>) target(%dma_start3A_1712 : memref<16x128xf32, #tpu.memory_space<vmem>>) target_semaphore(%arg16 : memref<!tpu.dma_semaphore, #tpu.memory_space<semaphore_mem>>)
      %slice3A_1715 = vector.extract_strided_slice %get3A_17 {offsets = [12], sizes = [1], strides = [1]} : vector<16xi32> to vector<1xi32>
      %squeeze3A_1716 = vector.extract %slice3A_1715[0] : i32 from vector<1xi32>
      %shift_right_logical3A_1717 = arith.constant 7 : i32
      %shift_right_logical3A_1718 = arith.shrui %squeeze3A_1716, %shift_right_logical3A_1717 : i32
      %shift_left3A_1719 = arith.constant 7 : i32
      %shift_left3A_1720 = arith.shli %shift_right_logical3A_1718, %shift_left3A_1719 : i32
      %multiple_of3A_1721 = tpu.assume_multiple %shift_left3A_1720, 128 : i32
      %slice3A_1722 = vector.extract_strided_slice %get3A_19 {offsets = [12], sizes = [1], strides = [1]} : vector<16xi32> to vector<1xi32>
      %squeeze3A_1723 = vector.extract %slice3A_1722[0] : i32 from vector<1xi32>
      %shift_right_logical3A_1724 = arith.constant 7 : i32
      %shift_right_logical3A_1725 = arith.shrui %squeeze3A_1723, %shift_right_logical3A_1724 : i32
      %shift_left3A_1726 = arith.constant 7 : i32
      %shift_left3A_1727 = arith.shli %shift_right_logical3A_1725, %shift_left3A_1726 : i32
      %multiple_of3A_1728 = tpu.assume_multiple %shift_left3A_1727, 128 : i32
      %dma_start3A_1729 = arith.constant 12 : i32
      %dma_start3A_1730 = arith.constant 0 : i32
      %dma_start3A_1731 = arith.constant 0 : i32
      %dma_start3A_1732 = tpu.memref_slice %arg12[%dma_start3A_1729, %dma_start3A_1730, %dma_start3A_1731] : memref<16x16x128xf32, #tpu.memory_space<vmem>> -> memref<1x16x128xf32, #tpu.memory_space<vmem>>
      %dma_start3A_1733 = tpu.memref_squeeze %dma_start3A_1732 : memref<1x16x128xf32, #tpu.memory_space<vmem>> -> memref<16x128xf32, #tpu.memory_space<vmem>>
      %dma_start3A_1734 = arith.constant 0 : i32
      %dma_start3A_1735 = tpu.memref_slice %arg4[%dma_start3A_1734, %multiple_of3A_1721] : memref<16x1000000xf32, #tpu.memory_space<hbm>> -> memref<16x128xf32, #tpu.memory_space<hbm>>
      %dma_start3A_1736 = arith.constant 0 : i32
      %dma_start3A_1737 = arith.constant 0 : i32
      %dma_start3A_1738 = tpu.memref_slice %arg12[%dma_start3A_1729, %dma_start3A_1736, %dma_start3A_1737] : memref<16x16x128xf32, #tpu.memory_space<vmem>> -> memref<1x16x128xf32, #tpu.memory_space<vmem>>
      %dma_start3A_1739 = tpu.memref_squeeze %dma_start3A_1738 : memref<1x16x128xf32, #tpu.memory_space<vmem>> -> memref<16x128xf32, #tpu.memory_space<vmem>>
      %dma_start3A_1740 = arith.constant 0 : i32
      %dma_start3A_1741 = tpu.memref_slice %arg4[%dma_start3A_1740, %multiple_of3A_1721] : memref<16x1000000xf32, #tpu.memory_space<hbm>> -> memref<16x128xf32, #tpu.memory_space<hbm>>
      tpu.enqueue_dma source(%dma_start3A_1741 : memref<16x128xf32, #tpu.memory_space<hbm>>) target(%dma_start3A_1739 : memref<16x128xf32, #tpu.memory_space<vmem>>) target_semaphore(%arg16 : memref<!tpu.dma_semaphore, #tpu.memory_space<semaphore_mem>>)
      %dma_start3A_1742 = arith.constant 12 : i32
      %dma_start3A_1743 = arith.constant 0 : i32
      %dma_start3A_1744 = arith.constant 0 : i32
      %dma_start3A_1745 = tpu.memref_slice %arg13[%dma_start3A_1742, %dma_start3A_1743, %dma_start3A_1744] : memref<16x16x128xf32, #tpu.memory_space<vmem>> -> memref<1x16x128xf32, #tpu.memory_space<vmem>>
      %dma_start3A_1746 = tpu.memref_squeeze %dma_start3A_1745 : memref<1x16x128xf32, #tpu.memory_space<vmem>> -> memref<16x128xf32, #tpu.memory_space<vmem>>
      %dma_start3A_1747 = arith.constant 0 : i32
      %dma_start3A_1748 = tpu.memref_slice %arg5[%dma_start3A_1747, %multiple_of3A_1728] : memref<16x1000000xf32, #tpu.memory_space<hbm>> -> memref<16x128xf32, #tpu.memory_space<hbm>>
      %dma_start3A_1749 = arith.constant 0 : i32
      %dma_start3A_1750 = arith.constant 0 : i32
      %dma_start3A_1751 = tpu.memref_slice %arg13[%dma_start3A_1742, %dma_start3A_1749, %dma_start3A_1750] : memref<16x16x128xf32, #tpu.memory_space<vmem>> -> memref<1x16x128xf32, #tpu.memory_space<vmem>>
      %dma_start3A_1752 = tpu.memref_squeeze %dma_start3A_1751 : memref<1x16x128xf32, #tpu.memory_space<vmem>> -> memref<16x128xf32, #tpu.memory_space<vmem>>
      %dma_start3A_1753 = arith.constant 0 : i32
      %dma_start3A_1754 = tpu.memref_slice %arg5[%dma_start3A_1753, %multiple_of3A_1728] : memref<16x1000000xf32, #tpu.memory_space<hbm>> -> memref<16x128xf32, #tpu.memory_space<hbm>>
      tpu.enqueue_dma source(%dma_start3A_1754 : memref<16x128xf32, #tpu.memory_space<hbm>>) target(%dma_start3A_1752 : memref<16x128xf32, #tpu.memory_space<vmem>>) target_semaphore(%arg16 : memref<!tpu.dma_semaphore, #tpu.memory_space<semaphore_mem>>)
      %slice3A_1755 = vector.extract_strided_slice %get3A_17 {offsets = [13], sizes = [1], strides = [1]} : vector<16xi32> to vector<1xi32>
      %squeeze3A_1756 = vector.extract %slice3A_1755[0] : i32 from vector<1xi32>
      %shift_right_logical3A_1757 = arith.constant 7 : i32
      %shift_right_logical3A_1758 = arith.shrui %squeeze3A_1756, %shift_right_logical3A_1757 : i32
      %shift_left3A_1759 = arith.constant 7 : i32
      %shift_left3A_1760 = arith.shli %shift_right_logical3A_1758, %shift_left3A_1759 : i32
      %multiple_of3A_1761 = tpu.assume_multiple %shift_left3A_1760, 128 : i32
      %slice3A_1762 = vector.extract_strided_slice %get3A_19 {offsets = [13], sizes = [1], strides = [1]} : vector<16xi32> to vector<1xi32>
      %squeeze3A_1763 = vector.extract %slice3A_1762[0] : i32 from vector<1xi32>
      %shift_right_logical3A_1764 = arith.constant 7 : i32
      %shift_right_logical3A_1765 = arith.shrui %squeeze3A_1763, %shift_right_logical3A_1764 : i32
      %shift_left3A_1766 = arith.constant 7 : i32
      %shift_left3A_1767 = arith.shli %shift_right_logical3A_1765, %shift_left3A_1766 : i32
      %multiple_of3A_1768 = tpu.assume_multiple %shift_left3A_1767, 128 : i32
      %dma_start3A_1769 = arith.constant 13 : i32
      %dma_start3A_1770 = arith.constant 0 : i32
      %dma_start3A_1771 = arith.constant 0 : i32
      %dma_start3A_1772 = tpu.memref_slice %arg12[%dma_start3A_1769, %dma_start3A_1770, %dma_start3A_1771] : memref<16x16x128xf32, #tpu.memory_space<vmem>> -> memref<1x16x128xf32, #tpu.memory_space<vmem>>
      %dma_start3A_1773 = tpu.memref_squeeze %dma_start3A_1772 : memref<1x16x128xf32, #tpu.memory_space<vmem>> -> memref<16x128xf32, #tpu.memory_space<vmem>>
      %dma_start3A_1774 = arith.constant 0 : i32
      %dma_start3A_1775 = tpu.memref_slice %arg4[%dma_start3A_1774, %multiple_of3A_1761] : memref<16x1000000xf32, #tpu.memory_space<hbm>> -> memref<16x128xf32, #tpu.memory_space<hbm>>
      %dma_start3A_1776 = arith.constant 0 : i32
      %dma_start3A_1777 = arith.constant 0 : i32
      %dma_start3A_1778 = tpu.memref_slice %arg12[%dma_start3A_1769, %dma_start3A_1776, %dma_start3A_1777] : memref<16x16x128xf32, #tpu.memory_space<vmem>> -> memref<1x16x128xf32, #tpu.memory_space<vmem>>
      %dma_start3A_1779 = tpu.memref_squeeze %dma_start3A_1778 : memref<1x16x128xf32, #tpu.memory_space<vmem>> -> memref<16x128xf32, #tpu.memory_space<vmem>>
      %dma_start3A_1780 = arith.constant 0 : i32
      %dma_start3A_1781 = tpu.memref_slice %arg4[%dma_start3A_1780, %multiple_of3A_1761] : memref<16x1000000xf32, #tpu.memory_space<hbm>> -> memref<16x128xf32, #tpu.memory_space<hbm>>
      tpu.enqueue_dma source(%dma_start3A_1781 : memref<16x128xf32, #tpu.memory_space<hbm>>) target(%dma_start3A_1779 : memref<16x128xf32, #tpu.memory_space<vmem>>) target_semaphore(%arg16 : memref<!tpu.dma_semaphore, #tpu.memory_space<semaphore_mem>>)
      %dma_start3A_1782 = arith.constant 13 : i32
      %dma_start3A_1783 = arith.constant 0 : i32
      %dma_start3A_1784 = arith.constant 0 : i32
      %dma_start3A_1785 = tpu.memref_slice %arg13[%dma_start3A_1782, %dma_start3A_1783, %dma_start3A_1784] : memref<16x16x128xf32, #tpu.memory_space<vmem>> -> memref<1x16x128xf32, #tpu.memory_space<vmem>>
      %dma_start3A_1786 = tpu.memref_squeeze %dma_start3A_1785 : memref<1x16x128xf32, #tpu.memory_space<vmem>> -> memref<16x128xf32, #tpu.memory_space<vmem>>
      %dma_start3A_1787 = arith.constant 0 : i32
      %dma_start3A_1788 = tpu.memref_slice %arg5[%dma_start3A_1787, %multiple_of3A_1768] : memref<16x1000000xf32, #tpu.memory_space<hbm>> -> memref<16x128xf32, #tpu.memory_space<hbm>>
      %dma_start3A_1789 = arith.constant 0 : i32
      %dma_start3A_1790 = arith.constant 0 : i32
      %dma_start3A_1791 = tpu.memref_slice %arg13[%dma_start3A_1782, %dma_start3A_1789, %dma_start3A_1790] : memref<16x16x128xf32, #tpu.memory_space<vmem>> -> memref<1x16x128xf32, #tpu.memory_space<vmem>>
      %dma_start3A_1792 = tpu.memref_squeeze %dma_start3A_1791 : memref<1x16x128xf32, #tpu.memory_space<vmem>> -> memref<16x128xf32, #tpu.memory_space<vmem>>
      %dma_start3A_1793 = arith.constant 0 : i32
      %dma_start3A_1794 = tpu.memref_slice %arg5[%dma_start3A_1793, %multiple_of3A_1768] : memref<16x1000000xf32, #tpu.memory_space<hbm>> -> memref<16x128xf32, #tpu.memory_space<hbm>>
      tpu.enqueue_dma source(%dma_start3A_1794 : memref<16x128xf32, #tpu.memory_space<hbm>>) target(%dma_start3A_1792 : memref<16x128xf32, #tpu.memory_space<vmem>>) target_semaphore(%arg16 : memref<!tpu.dma_semaphore, #tpu.memory_space<semaphore_mem>>)
      %slice3A_1795 = vector.extract_strided_slice %get3A_17 {offsets = [14], sizes = [1], strides = [1]} : vector<16xi32> to vector<1xi32>
      %squeeze3A_1796 = vector.extract %slice3A_1795[0] : i32 from vector<1xi32>
      %shift_right_logical3A_1797 = arith.constant 7 : i32
      %shift_right_logical3A_1798 = arith.shrui %squeeze3A_1796, %shift_right_logical3A_1797 : i32
      %shift_left3A_1799 = arith.constant 7 : i32
      %shift_left3A_1800 = arith.shli %shift_right_logical3A_1798, %shift_left3A_1799 : i32
      %multiple_of3A_1801 = tpu.assume_multiple %shift_left3A_1800, 128 : i32
      %slice3A_1802 = vector.extract_strided_slice %get3A_19 {offsets = [14], sizes = [1], strides = [1]} : vector<16xi32> to vector<1xi32>
      %squeeze3A_1803 = vector.extract %slice3A_1802[0] : i32 from vector<1xi32>
      %shift_right_logical3A_1804 = arith.constant 7 : i32
      %shift_right_logical3A_1805 = arith.shrui %squeeze3A_1803, %shift_right_logical3A_1804 : i32
      %shift_left3A_1806 = arith.constant 7 : i32
      %shift_left3A_1807 = arith.shli %shift_right_logical3A_1805, %shift_left3A_1806 : i32
      %multiple_of3A_1808 = tpu.assume_multiple %shift_left3A_1807, 128 : i32
      %dma_start3A_1809 = arith.constant 14 : i32
      %dma_start3A_1810 = arith.constant 0 : i32
      %dma_start3A_1811 = arith.constant 0 : i32
      %dma_start3A_1812 = tpu.memref_slice %arg12[%dma_start3A_1809, %dma_start3A_1810, %dma_start3A_1811] : memref<16x16x128xf32, #tpu.memory_space<vmem>> -> memref<1x16x128xf32, #tpu.memory_space<vmem>>
      %dma_start3A_1813 = tpu.memref_squeeze %dma_start3A_1812 : memref<1x16x128xf32, #tpu.memory_space<vmem>> -> memref<16x128xf32, #tpu.memory_space<vmem>>
      %dma_start3A_1814 = arith.constant 0 : i32
      %dma_start3A_1815 = tpu.memref_slice %arg4[%dma_start3A_1814, %multiple_of3A_1801] : memref<16x1000000xf32, #tpu.memory_space<hbm>> -> memref<16x128xf32, #tpu.memory_space<hbm>>
      %dma_start3A_1816 = arith.constant 0 : i32
      %dma_start3A_1817 = arith.constant 0 : i32
      %dma_start3A_1818 = tpu.memref_slice %arg12[%dma_start3A_1809, %dma_start3A_1816, %dma_start3A_1817] : memref<16x16x128xf32, #tpu.memory_space<vmem>> -> memref<1x16x128xf32, #tpu.memory_space<vmem>>
      %dma_start3A_1819 = tpu.memref_squeeze %dma_start3A_1818 : memref<1x16x128xf32, #tpu.memory_space<vmem>> -> memref<16x128xf32, #tpu.memory_space<vmem>>
      %dma_start3A_1820 = arith.constant 0 : i32
      %dma_start3A_1821 = tpu.memref_slice %arg4[%dma_start3A_1820, %multiple_of3A_1801] : memref<16x1000000xf32, #tpu.memory_space<hbm>> -> memref<16x128xf32, #tpu.memory_space<hbm>>
      tpu.enqueue_dma source(%dma_start3A_1821 : memref<16x128xf32, #tpu.memory_space<hbm>>) target(%dma_start3A_1819 : memref<16x128xf32, #tpu.memory_space<vmem>>) target_semaphore(%arg16 : memref<!tpu.dma_semaphore, #tpu.memory_space<semaphore_mem>>)
      %dma_start3A_1822 = arith.constant 14 : i32
      %dma_start3A_1823 = arith.constant 0 : i32
      %dma_start3A_1824 = arith.constant 0 : i32
      %dma_start3A_1825 = tpu.memref_slice %arg13[%dma_start3A_1822, %dma_start3A_1823, %dma_start3A_1824] : memref<16x16x128xf32, #tpu.memory_space<vmem>> -> memref<1x16x128xf32, #tpu.memory_space<vmem>>
      %dma_start3A_1826 = tpu.memref_squeeze %dma_start3A_1825 : memref<1x16x128xf32, #tpu.memory_space<vmem>> -> memref<16x128xf32, #tpu.memory_space<vmem>>
      %dma_start3A_1827 = arith.constant 0 : i32
      %dma_start3A_1828 = tpu.memref_slice %arg5[%dma_start3A_1827, %multiple_of3A_1808] : memref<16x1000000xf32, #tpu.memory_space<hbm>> -> memref<16x128xf32, #tpu.memory_space<hbm>>
      %dma_start3A_1829 = arith.constant 0 : i32
      %dma_start3A_1830 = arith.constant 0 : i32
      %dma_start3A_1831 = tpu.memref_slice %arg13[%dma_start3A_1822, %dma_start3A_1829, %dma_start3A_1830] : memref<16x16x128xf32, #tpu.memory_space<vmem>> -> memref<1x16x128xf32, #tpu.memory_space<vmem>>
      %dma_start3A_1832 = tpu.memref_squeeze %dma_start3A_1831 : memref<1x16x128xf32, #tpu.memory_space<vmem>> -> memref<16x128xf32, #tpu.memory_space<vmem>>
      %dma_start3A_1833 = arith.constant 0 : i32
      %dma_start3A_1834 = tpu.memref_slice %arg5[%dma_start3A_1833, %multiple_of3A_1808] : memref<16x1000000xf32, #tpu.memory_space<hbm>> -> memref<16x128xf32, #tpu.memory_space<hbm>>
      tpu.enqueue_dma source(%dma_start3A_1834 : memref<16x128xf32, #tpu.memory_space<hbm>>) target(%dma_start3A_1832 : memref<16x128xf32, #tpu.memory_space<vmem>>) target_semaphore(%arg16 : memref<!tpu.dma_semaphore, #tpu.memory_space<semaphore_mem>>)
      %slice3A_1835 = vector.extract_strided_slice %get3A_17 {offsets = [15], sizes = [1], strides = [1]} : vector<16xi32> to vector<1xi32>
      %squeeze3A_1836 = vector.extract %slice3A_1835[0] : i32 from vector<1xi32>
      %shift_right_logical3A_1837 = arith.constant 7 : i32
      %shift_right_logical3A_1838 = arith.shrui %squeeze3A_1836, %shift_right_logical3A_1837 : i32
      %shift_left3A_1839 = arith.constant 7 : i32
      %shift_left3A_1840 = arith.shli %shift_right_logical3A_1838, %shift_left3A_1839 : i32
      %multiple_of3A_1841 = tpu.assume_multiple %shift_left3A_1840, 128 : i32
      %slice3A_1842 = vector.extract_strided_slice %get3A_19 {offsets = [15], sizes = [1], strides = [1]} : vector<16xi32> to vector<1xi32>
      %squeeze3A_1843 = vector.extract %slice3A_1842[0] : i32 from vector<1xi32>
      %shift_right_logical3A_1844 = arith.constant 7 : i32
      %shift_right_logical3A_1845 = arith.shrui %squeeze3A_1843, %shift_right_logical3A_1844 : i32
      %shift_left3A_1846 = arith.constant 7 : i32
      %shift_left3A_1847 = arith.shli %shift_right_logical3A_1845, %shift_left3A_1846 : i32
      %multiple_of3A_1848 = tpu.assume_multiple %shift_left3A_1847, 128 : i32
      %dma_start3A_1849 = arith.constant 15 : i32
      %dma_start3A_1850 = arith.constant 0 : i32
      %dma_start3A_1851 = arith.constant 0 : i32
      %dma_start3A_1852 = tpu.memref_slice %arg12[%dma_start3A_1849, %dma_start3A_1850, %dma_start3A_1851] : memref<16x16x128xf32, #tpu.memory_space<vmem>> -> memref<1x16x128xf32, #tpu.memory_space<vmem>>
      %dma_start3A_1853 = tpu.memref_squeeze %dma_start3A_1852 : memref<1x16x128xf32, #tpu.memory_space<vmem>> -> memref<16x128xf32, #tpu.memory_space<vmem>>
      %dma_start3A_1854 = arith.constant 0 : i32
      %dma_start3A_1855 = tpu.memref_slice %arg4[%dma_start3A_1854, %multiple_of3A_1841] : memref<16x1000000xf32, #tpu.memory_space<hbm>> -> memref<16x128xf32, #tpu.memory_space<hbm>>
      %dma_start3A_1856 = arith.constant 0 : i32
      %dma_start3A_1857 = arith.constant 0 : i32
      %dma_start3A_1858 = tpu.memref_slice %arg12[%dma_start3A_1849, %dma_start3A_1856, %dma_start3A_1857] : memref<16x16x128xf32, #tpu.memory_space<vmem>> -> memref<1x16x128xf32, #tpu.memory_space<vmem>>
      %dma_start3A_1859 = tpu.memref_squeeze %dma_start3A_1858 : memref<1x16x128xf32, #tpu.memory_space<vmem>> -> memref<16x128xf32, #tpu.memory_space<vmem>>
      %dma_start3A_1860 = arith.constant 0 : i32
      %dma_start3A_1861 = tpu.memref_slice %arg4[%dma_start3A_1860, %multiple_of3A_1841] : memref<16x1000000xf32, #tpu.memory_space<hbm>> -> memref<16x128xf32, #tpu.memory_space<hbm>>
      tpu.enqueue_dma source(%dma_start3A_1861 : memref<16x128xf32, #tpu.memory_space<hbm>>) target(%dma_start3A_1859 : memref<16x128xf32, #tpu.memory_space<vmem>>) target_semaphore(%arg16 : memref<!tpu.dma_semaphore, #tpu.memory_space<semaphore_mem>>)
      %dma_start3A_1862 = arith.constant 15 : i32
      %dma_start3A_1863 = arith.constant 0 : i32
      %dma_start3A_1864 = arith.constant 0 : i32
      %dma_start3A_1865 = tpu.memref_slice %arg13[%dma_start3A_1862, %dma_start3A_1863, %dma_start3A_1864] : memref<16x16x128xf32, #tpu.memory_space<vmem>> -> memref<1x16x128xf32, #tpu.memory_space<vmem>>
      %dma_start3A_1866 = tpu.memref_squeeze %dma_start3A_1865 : memref<1x16x128xf32, #tpu.memory_space<vmem>> -> memref<16x128xf32, #tpu.memory_space<vmem>>
      %dma_start3A_1867 = arith.constant 0 : i32
      %dma_start3A_1868 = tpu.memref_slice %arg5[%dma_start3A_1867, %multiple_of3A_1848] : memref<16x1000000xf32, #tpu.memory_space<hbm>> -> memref<16x128xf32, #tpu.memory_space<hbm>>
      %dma_start3A_1869 = arith.constant 0 : i32
      %dma_start3A_1870 = arith.constant 0 : i32
      %dma_start3A_1871 = tpu.memref_slice %arg13[%dma_start3A_1862, %dma_start3A_1869, %dma_start3A_1870] : memref<16x16x128xf32, #tpu.memory_space<vmem>> -> memref<1x16x128xf32, #tpu.memory_space<vmem>>
      %dma_start3A_1872 = tpu.memref_squeeze %dma_start3A_1871 : memref<1x16x128xf32, #tpu.memory_space<vmem>> -> memref<16x128xf32, #tpu.memory_space<vmem>>
      %dma_start3A_1873 = arith.constant 0 : i32
      %dma_start3A_1874 = tpu.memref_slice %arg5[%dma_start3A_1873, %multiple_of3A_1848] : memref<16x1000000xf32, #tpu.memory_space<hbm>> -> memref<16x128xf32, #tpu.memory_space<hbm>>
      tpu.enqueue_dma source(%dma_start3A_1874 : memref<16x128xf32, #tpu.memory_space<hbm>>) target(%dma_start3A_1872 : memref<16x128xf32, #tpu.memory_space<vmem>>) target_semaphore(%arg16 : memref<!tpu.dma_semaphore, #tpu.memory_space<semaphore_mem>>)
      %dma_wait3A_1875 = arith.constant 0 : i32
      %dma_wait3A_1876 = arith.constant 0 : i32
      %dma_wait3A_1877 = arith.constant 0 : i32
      %dma_wait3A_1878 = tpu.memref_slice %arg12[%dma_wait3A_1875, %dma_wait3A_1876, %dma_wait3A_1877] : memref<16x16x128xf32, #tpu.memory_space<vmem>> -> memref<1x16x128xf32, #tpu.memory_space<vmem>>
      %dma_wait3A_1879 = tpu.memref_squeeze %dma_wait3A_1878 : memref<1x16x128xf32, #tpu.memory_space<vmem>> -> memref<16x128xf32, #tpu.memory_space<vmem>>
      %dma_wait3A_1880 = arith.constant 0 : i32
      %dma_wait3A_1881 = tpu.memref_slice %arg4[%dma_wait3A_1880, %multiple_of3A_1241] : memref<16x1000000xf32, #tpu.memory_space<hbm>> -> memref<16x128xf32, #tpu.memory_space<hbm>>
      %dma_wait3A_1882 = arith.constant 0 : i32
      %dma_wait3A_1883 = arith.constant 0 : i32
      %dma_wait3A_1884 = tpu.memref_slice %arg12[%dma_wait3A_1875, %dma_wait3A_1882, %dma_wait3A_1883] : memref<16x16x128xf32, #tpu.memory_space<vmem>> -> memref<1x16x128xf32, #tpu.memory_space<vmem>>
      %dma_wait3A_1885 = tpu.memref_squeeze %dma_wait3A_1884 : memref<1x16x128xf32, #tpu.memory_space<vmem>> -> memref<16x128xf32, #tpu.memory_space<vmem>>
      %dma_wait3A_1886 = arith.constant 0 : i32
      %dma_wait3A_1887 = tpu.memref_slice %arg4[%dma_wait3A_1886, %multiple_of3A_1241] : memref<16x1000000xf32, #tpu.memory_space<hbm>> -> memref<16x128xf32, #tpu.memory_space<hbm>>
      tpu.wait_dma2 semaphore(%arg16 : memref<!tpu.dma_semaphore, #tpu.memory_space<semaphore_mem>>) src(%dma_wait3A_1887 : memref<16x128xf32, #tpu.memory_space<hbm>>) dst(%dma_wait3A_1885 : memref<16x128xf32, #tpu.memory_space<vmem>>)
      %dma_wait3A_1888 = arith.constant 0 : i32
      %dma_wait3A_1889 = arith.constant 0 : i32
      %dma_wait3A_1890 = arith.constant 0 : i32
      %dma_wait3A_1891 = tpu.memref_slice %arg13[%dma_wait3A_1888, %dma_wait3A_1889, %dma_wait3A_1890] : memref<16x16x128xf32, #tpu.memory_space<vmem>> -> memref<1x16x128xf32, #tpu.memory_space<vmem>>
      %dma_wait3A_1892 = tpu.memref_squeeze %dma_wait3A_1891 : memref<1x16x128xf32, #tpu.memory_space<vmem>> -> memref<16x128xf32, #tpu.memory_space<vmem>>
      %dma_wait3A_1893 = arith.constant 0 : i32
      %dma_wait3A_1894 = tpu.memref_slice %arg5[%dma_wait3A_1893, %multiple_of3A_1248] : memref<16x1000000xf32, #tpu.memory_space<hbm>> -> memref<16x128xf32, #tpu.memory_space<hbm>>
      %dma_wait3A_1895 = arith.constant 0 : i32
      %dma_wait3A_1896 = arith.constant 0 : i32
      %dma_wait3A_1897 = tpu.memref_slice %arg13[%dma_wait3A_1888, %dma_wait3A_1895, %dma_wait3A_1896] : memref<16x16x128xf32, #tpu.memory_space<vmem>> -> memref<1x16x128xf32, #tpu.memory_space<vmem>>
      %dma_wait3A_1898 = tpu.memref_squeeze %dma_wait3A_1897 : memref<1x16x128xf32, #tpu.memory_space<vmem>> -> memref<16x128xf32, #tpu.memory_space<vmem>>
      %dma_wait3A_1899 = arith.constant 0 : i32
      %dma_wait3A_1900 = tpu.memref_slice %arg5[%dma_wait3A_1899, %multiple_of3A_1248] : memref<16x1000000xf32, #tpu.memory_space<hbm>> -> memref<16x128xf32, #tpu.memory_space<hbm>>
      tpu.wait_dma2 semaphore(%arg16 : memref<!tpu.dma_semaphore, #tpu.memory_space<semaphore_mem>>) src(%dma_wait3A_1900 : memref<16x128xf32, #tpu.memory_space<hbm>>) dst(%dma_wait3A_1898 : memref<16x128xf32, #tpu.memory_space<vmem>>)
      %dma_wait3A_1901 = arith.constant 1 : i32
      %dma_wait3A_1902 = arith.constant 0 : i32
      %dma_wait3A_1903 = arith.constant 0 : i32
      %dma_wait3A_1904 = tpu.memref_slice %arg12[%dma_wait3A_1901, %dma_wait3A_1902, %dma_wait3A_1903] : memref<16x16x128xf32, #tpu.memory_space<vmem>> -> memref<1x16x128xf32, #tpu.memory_space<vmem>>
      %dma_wait3A_1905 = tpu.memref_squeeze %dma_wait3A_1904 : memref<1x16x128xf32, #tpu.memory_space<vmem>> -> memref<16x128xf32, #tpu.memory_space<vmem>>
      %dma_wait3A_1906 = arith.constant 0 : i32
      %dma_wait3A_1907 = tpu.memref_slice %arg4[%dma_wait3A_1906, %multiple_of3A_1281] : memref<16x1000000xf32, #tpu.memory_space<hbm>> -> memref<16x128xf32, #tpu.memory_space<hbm>>
      %dma_wait3A_1908 = arith.constant 0 : i32
      %dma_wait3A_1909 = arith.constant 0 : i32
      %dma_wait3A_1910 = tpu.memref_slice %arg12[%dma_wait3A_1901, %dma_wait3A_1908, %dma_wait3A_1909] : memref<16x16x128xf32, #tpu.memory_space<vmem>> -> memref<1x16x128xf32, #tpu.memory_space<vmem>>
      %dma_wait3A_1911 = tpu.memref_squeeze %dma_wait3A_1910 : memref<1x16x128xf32, #tpu.memory_space<vmem>> -> memref<16x128xf32, #tpu.memory_space<vmem>>
      %dma_wait3A_1912 = arith.constant 0 : i32
      %dma_wait3A_1913 = tpu.memref_slice %arg4[%dma_wait3A_1912, %multiple_of3A_1281] : memref<16x1000000xf32, #tpu.memory_space<hbm>> -> memref<16x128xf32, #tpu.memory_space<hbm>>
      tpu.wait_dma2 semaphore(%arg16 : memref<!tpu.dma_semaphore, #tpu.memory_space<semaphore_mem>>) src(%dma_wait3A_1913 : memref<16x128xf32, #tpu.memory_space<hbm>>) dst(%dma_wait3A_1911 : memref<16x128xf32, #tpu.memory_space<vmem>>)
      %dma_wait3A_1914 = arith.constant 1 : i32
      %dma_wait3A_1915 = arith.constant 0 : i32
      %dma_wait3A_1916 = arith.constant 0 : i32
      %dma_wait3A_1917 = tpu.memref_slice %arg13[%dma_wait3A_1914, %dma_wait3A_1915, %dma_wait3A_1916] : memref<16x16x128xf32, #tpu.memory_space<vmem>> -> memref<1x16x128xf32, #tpu.memory_space<vmem>>
      %dma_wait3A_1918 = tpu.memref_squeeze %dma_wait3A_1917 : memref<1x16x128xf32, #tpu.memory_space<vmem>> -> memref<16x128xf32, #tpu.memory_space<vmem>>
      %dma_wait3A_1919 = arith.constant 0 : i32
      %dma_wait3A_1920 = tpu.memref_slice %arg5[%dma_wait3A_1919, %multiple_of3A_1288] : memref<16x1000000xf32, #tpu.memory_space<hbm>> -> memref<16x128xf32, #tpu.memory_space<hbm>>
      %dma_wait3A_1921 = arith.constant 0 : i32
      %dma_wait3A_1922 = arith.constant 0 : i32
      %dma_wait3A_1923 = tpu.memref_slice %arg13[%dma_wait3A_1914, %dma_wait3A_1921, %dma_wait3A_1922] : memref<16x16x128xf32, #tpu.memory_space<vmem>> -> memref<1x16x128xf32, #tpu.memory_space<vmem>>
      %dma_wait3A_1924 = tpu.memref_squeeze %dma_wait3A_1923 : memref<1x16x128xf32, #tpu.memory_space<vmem>> -> memref<16x128xf32, #tpu.memory_space<vmem>>
      %dma_wait3A_1925 = arith.constant 0 : i32
      %dma_wait3A_1926 = tpu.memref_slice %arg5[%dma_wait3A_1925, %multiple_of3A_1288] : memref<16x1000000xf32, #tpu.memory_space<hbm>> -> memref<16x128xf32, #tpu.memory_space<hbm>>
      tpu.wait_dma2 semaphore(%arg16 : memref<!tpu.dma_semaphore, #tpu.memory_space<semaphore_mem>>) src(%dma_wait3A_1926 : memref<16x128xf32, #tpu.memory_space<hbm>>) dst(%dma_wait3A_1924 : memref<16x128xf32, #tpu.memory_space<vmem>>)
      %dma_wait3A_1927 = arith.constant 2 : i32
      %dma_wait3A_1928 = arith.constant 0 : i32
      %dma_wait3A_1929 = arith.constant 0 : i32
      %dma_wait3A_1930 = tpu.memref_slice %arg12[%dma_wait3A_1927, %dma_wait3A_1928, %dma_wait3A_1929] : memref<16x16x128xf32, #tpu.memory_space<vmem>> -> memref<1x16x128xf32, #tpu.memory_space<vmem>>
      %dma_wait3A_1931 = tpu.memref_squeeze %dma_wait3A_1930 : memref<1x16x128xf32, #tpu.memory_space<vmem>> -> memref<16x128xf32, #tpu.memory_space<vmem>>
      %dma_wait3A_1932 = arith.constant 0 : i32
      %dma_wait3A_1933 = tpu.memref_slice %arg4[%dma_wait3A_1932, %multiple_of3A_1321] : memref<16x1000000xf32, #tpu.memory_space<hbm>> -> memref<16x128xf32, #tpu.memory_space<hbm>>
      %dma_wait3A_1934 = arith.constant 0 : i32
      %dma_wait3A_1935 = arith.constant 0 : i32
      %dma_wait3A_1936 = tpu.memref_slice %arg12[%dma_wait3A_1927, %dma_wait3A_1934, %dma_wait3A_1935] : memref<16x16x128xf32, #tpu.memory_space<vmem>> -> memref<1x16x128xf32, #tpu.memory_space<vmem>>
      %dma_wait3A_1937 = tpu.memref_squeeze %dma_wait3A_1936 : memref<1x16x128xf32, #tpu.memory_space<vmem>> -> memref<16x128xf32, #tpu.memory_space<vmem>>
      %dma_wait3A_1938 = arith.constant 0 : i32
      %dma_wait3A_1939 = tpu.memref_slice %arg4[%dma_wait3A_1938, %multiple_of3A_1321] : memref<16x1000000xf32, #tpu.memory_space<hbm>> -> memref<16x128xf32, #tpu.memory_space<hbm>>
      tpu.wait_dma2 semaphore(%arg16 : memref<!tpu.dma_semaphore, #tpu.memory_space<semaphore_mem>>) src(%dma_wait3A_1939 : memref<16x128xf32, #tpu.memory_space<hbm>>) dst(%dma_wait3A_1937 : memref<16x128xf32, #tpu.memory_space<vmem>>)
      %dma_wait3A_1940 = arith.constant 2 : i32
      %dma_wait3A_1941 = arith.constant 0 : i32
      %dma_wait3A_1942 = arith.constant 0 : i32
      %dma_wait3A_1943 = tpu.memref_slice %arg13[%dma_wait3A_1940, %dma_wait3A_1941, %dma_wait3A_1942] : memref<16x16x128xf32, #tpu.memory_space<vmem>> -> memref<1x16x128xf32, #tpu.memory_space<vmem>>
      %dma_wait3A_1944 = tpu.memref_squeeze %dma_wait3A_1943 : memref<1x16x128xf32, #tpu.memory_space<vmem>> -> memref<16x128xf32, #tpu.memory_space<vmem>>
      %dma_wait3A_1945 = arith.constant 0 : i32
      %dma_wait3A_1946 = tpu.memref_slice %arg5[%dma_wait3A_1945, %multiple_of3A_1328] : memref<16x1000000xf32, #tpu.memory_space<hbm>> -> memref<16x128xf32, #tpu.memory_space<hbm>>
      %dma_wait3A_1947 = arith.constant 0 : i32
      %dma_wait3A_1948 = arith.constant 0 : i32
      %dma_wait3A_1949 = tpu.memref_slice %arg13[%dma_wait3A_1940, %dma_wait3A_1947, %dma_wait3A_1948] : memref<16x16x128xf32, #tpu.memory_space<vmem>> -> memref<1x16x128xf32, #tpu.memory_space<vmem>>
      %dma_wait3A_1950 = tpu.memref_squeeze %dma_wait3A_1949 : memref<1x16x128xf32, #tpu.memory_space<vmem>> -> memref<16x128xf32, #tpu.memory_space<vmem>>
      %dma_wait3A_1951 = arith.constant 0 : i32
      %dma_wait3A_1952 = tpu.memref_slice %arg5[%dma_wait3A_1951, %multiple_of3A_1328] : memref<16x1000000xf32, #tpu.memory_space<hbm>> -> memref<16x128xf32, #tpu.memory_space<hbm>>
      tpu.wait_dma2 semaphore(%arg16 : memref<!tpu.dma_semaphore, #tpu.memory_space<semaphore_mem>>) src(%dma_wait3A_1952 : memref<16x128xf32, #tpu.memory_space<hbm>>) dst(%dma_wait3A_1950 : memref<16x128xf32, #tpu.memory_space<vmem>>)
      %dma_wait3A_1953 = arith.constant 3 : i32
      %dma_wait3A_1954 = arith.constant 0 : i32
      %dma_wait3A_1955 = arith.constant 0 : i32
      %dma_wait3A_1956 = tpu.memref_slice %arg12[%dma_wait3A_1953, %dma_wait3A_1954, %dma_wait3A_1955] : memref<16x16x128xf32, #tpu.memory_space<vmem>> -> memref<1x16x128xf32, #tpu.memory_space<vmem>>
      %dma_wait3A_1957 = tpu.memref_squeeze %dma_wait3A_1956 : memref<1x16x128xf32, #tpu.memory_space<vmem>> -> memref<16x128xf32, #tpu.memory_space<vmem>>
      %dma_wait3A_1958 = arith.constant 0 : i32
      %dma_wait3A_1959 = tpu.memref_slice %arg4[%dma_wait3A_1958, %multiple_of3A_1361] : memref<16x1000000xf32, #tpu.memory_space<hbm>> -> memref<16x128xf32, #tpu.memory_space<hbm>>
      %dma_wait3A_1960 = arith.constant 0 : i32
      %dma_wait3A_1961 = arith.constant 0 : i32
      %dma_wait3A_1962 = tpu.memref_slice %arg12[%dma_wait3A_1953, %dma_wait3A_1960, %dma_wait3A_1961] : memref<16x16x128xf32, #tpu.memory_space<vmem>> -> memref<1x16x128xf32, #tpu.memory_space<vmem>>
      %dma_wait3A_1963 = tpu.memref_squeeze %dma_wait3A_1962 : memref<1x16x128xf32, #tpu.memory_space<vmem>> -> memref<16x128xf32, #tpu.memory_space<vmem>>
      %dma_wait3A_1964 = arith.constant 0 : i32
      %dma_wait3A_1965 = tpu.memref_slice %arg4[%dma_wait3A_1964, %multiple_of3A_1361] : memref<16x1000000xf32, #tpu.memory_space<hbm>> -> memref<16x128xf32, #tpu.memory_space<hbm>>
      tpu.wait_dma2 semaphore(%arg16 : memref<!tpu.dma_semaphore, #tpu.memory_space<semaphore_mem>>) src(%dma_wait3A_1965 : memref<16x128xf32, #tpu.memory_space<hbm>>) dst(%dma_wait3A_1963 : memref<16x128xf32, #tpu.memory_space<vmem>>)
      %dma_wait3A_1966 = arith.constant 3 : i32
      %dma_wait3A_1967 = arith.constant 0 : i32
      %dma_wait3A_1968 = arith.constant 0 : i32
      %dma_wait3A_1969 = tpu.memref_slice %arg13[%dma_wait3A_1966, %dma_wait3A_1967, %dma_wait3A_1968] : memref<16x16x128xf32, #tpu.memory_space<vmem>> -> memref<1x16x128xf32, #tpu.memory_space<vmem>>
      %dma_wait3A_1970 = tpu.memref_squeeze %dma_wait3A_1969 : memref<1x16x128xf32, #tpu.memory_space<vmem>> -> memref<16x128xf32, #tpu.memory_space<vmem>>
      %dma_wait3A_1971 = arith.constant 0 : i32
      %dma_wait3A_1972 = tpu.memref_slice %arg5[%dma_wait3A_1971, %multiple_of3A_1368] : memref<16x1000000xf32, #tpu.memory_space<hbm>> -> memref<16x128xf32, #tpu.memory_space<hbm>>
      %dma_wait3A_1973 = arith.constant 0 : i32
      %dma_wait3A_1974 = arith.constant 0 : i32
      %dma_wait3A_1975 = tpu.memref_slice %arg13[%dma_wait3A_1966, %dma_wait3A_1973, %dma_wait3A_1974] : memref<16x16x128xf32, #tpu.memory_space<vmem>> -> memref<1x16x128xf32, #tpu.memory_space<vmem>>
      %dma_wait3A_1976 = tpu.memref_squeeze %dma_wait3A_1975 : memref<1x16x128xf32, #tpu.memory_space<vmem>> -> memref<16x128xf32, #tpu.memory_space<vmem>>
      %dma_wait3A_1977 = arith.constant 0 : i32
      %dma_wait3A_1978 = tpu.memref_slice %arg5[%dma_wait3A_1977, %multiple_of3A_1368] : memref<16x1000000xf32, #tpu.memory_space<hbm>> -> memref<16x128xf32, #tpu.memory_space<hbm>>
      tpu.wait_dma2 semaphore(%arg16 : memref<!tpu.dma_semaphore, #tpu.memory_space<semaphore_mem>>) src(%dma_wait3A_1978 : memref<16x128xf32, #tpu.memory_space<hbm>>) dst(%dma_wait3A_1976 : memref<16x128xf32, #tpu.memory_space<vmem>>)
      %dma_wait3A_1979 = arith.constant 4 : i32
      %dma_wait3A_1980 = arith.constant 0 : i32
      %dma_wait3A_1981 = arith.constant 0 : i32
      %dma_wait3A_1982 = tpu.memref_slice %arg12[%dma_wait3A_1979, %dma_wait3A_1980, %dma_wait3A_1981] : memref<16x16x128xf32, #tpu.memory_space<vmem>> -> memref<1x16x128xf32, #tpu.memory_space<vmem>>
      %dma_wait3A_1983 = tpu.memref_squeeze %dma_wait3A_1982 : memref<1x16x128xf32, #tpu.memory_space<vmem>> -> memref<16x128xf32, #tpu.memory_space<vmem>>
      %dma_wait3A_1984 = arith.constant 0 : i32
      %dma_wait3A_1985 = tpu.memref_slice %arg4[%dma_wait3A_1984, %multiple_of3A_1401] : memref<16x1000000xf32, #tpu.memory_space<hbm>> -> memref<16x128xf32, #tpu.memory_space<hbm>>
      %dma_wait3A_1986 = arith.constant 0 : i32
      %dma_wait3A_1987 = arith.constant 0 : i32
      %dma_wait3A_1988 = tpu.memref_slice %arg12[%dma_wait3A_1979, %dma_wait3A_1986, %dma_wait3A_1987] : memref<16x16x128xf32, #tpu.memory_space<vmem>> -> memref<1x16x128xf32, #tpu.memory_space<vmem>>
      %dma_wait3A_1989 = tpu.memref_squeeze %dma_wait3A_1988 : memref<1x16x128xf32, #tpu.memory_space<vmem>> -> memref<16x128xf32, #tpu.memory_space<vmem>>
      %dma_wait3A_1990 = arith.constant 0 : i32
      %dma_wait3A_1991 = tpu.memref_slice %arg4[%dma_wait3A_1990, %multiple_of3A_1401] : memref<16x1000000xf32, #tpu.memory_space<hbm>> -> memref<16x128xf32, #tpu.memory_space<hbm>>
      tpu.wait_dma2 semaphore(%arg16 : memref<!tpu.dma_semaphore, #tpu.memory_space<semaphore_mem>>) src(%dma_wait3A_1991 : memref<16x128xf32, #tpu.memory_space<hbm>>) dst(%dma_wait3A_1989 : memref<16x128xf32, #tpu.memory_space<vmem>>)
      %dma_wait3A_1992 = arith.constant 4 : i32
      %dma_wait3A_1993 = arith.constant 0 : i32
      %dma_wait3A_1994 = arith.constant 0 : i32
      %dma_wait3A_1995 = tpu.memref_slice %arg13[%dma_wait3A_1992, %dma_wait3A_1993, %dma_wait3A_1994] : memref<16x16x128xf32, #tpu.memory_space<vmem>> -> memref<1x16x128xf32, #tpu.memory_space<vmem>>
      %dma_wait3A_1996 = tpu.memref_squeeze %dma_wait3A_1995 : memref<1x16x128xf32, #tpu.memory_space<vmem>> -> memref<16x128xf32, #tpu.memory_space<vmem>>
      %dma_wait3A_1997 = arith.constant 0 : i32
      %dma_wait3A_1998 = tpu.memref_slice %arg5[%dma_wait3A_1997, %multiple_of3A_1408] : memref<16x1000000xf32, #tpu.memory_space<hbm>> -> memref<16x128xf32, #tpu.memory_space<hbm>>
      %dma_wait3A_1999 = arith.constant 0 : i32
      %dma_wait3A_2000 = arith.constant 0 : i32
      %dma_wait3A_2001 = tpu.memref_slice %arg13[%dma_wait3A_1992, %dma_wait3A_1999, %dma_wait3A_2000] : memref<16x16x128xf32, #tpu.memory_space<vmem>> -> memref<1x16x128xf32, #tpu.memory_space<vmem>>
      %dma_wait3A_2002 = tpu.memref_squeeze %dma_wait3A_2001 : memref<1x16x128xf32, #tpu.memory_space<vmem>> -> memref<16x128xf32, #tpu.memory_space<vmem>>
      %dma_wait3A_2003 = arith.constant 0 : i32
      %dma_wait3A_2004 = tpu.memref_slice %arg5[%dma_wait3A_2003, %multiple_of3A_1408] : memref<16x1000000xf32, #tpu.memory_space<hbm>> -> memref<16x128xf32, #tpu.memory_space<hbm>>
      tpu.wait_dma2 semaphore(%arg16 : memref<!tpu.dma_semaphore, #tpu.memory_space<semaphore_mem>>) src(%dma_wait3A_2004 : memref<16x128xf32, #tpu.memory_space<hbm>>) dst(%dma_wait3A_2002 : memref<16x128xf32, #tpu.memory_space<vmem>>)
      %dma_wait3A_2005 = arith.constant 5 : i32
      %dma_wait3A_2006 = arith.constant 0 : i32
      %dma_wait3A_2007 = arith.constant 0 : i32
      %dma_wait3A_2008 = tpu.memref_slice %arg12[%dma_wait3A_2005, %dma_wait3A_2006, %dma_wait3A_2007] : memref<16x16x128xf32, #tpu.memory_space<vmem>> -> memref<1x16x128xf32, #tpu.memory_space<vmem>>
      %dma_wait3A_2009 = tpu.memref_squeeze %dma_wait3A_2008 : memref<1x16x128xf32, #tpu.memory_space<vmem>> -> memref<16x128xf32, #tpu.memory_space<vmem>>
      %dma_wait3A_2010 = arith.constant 0 : i32
      %dma_wait3A_2011 = tpu.memref_slice %arg4[%dma_wait3A_2010, %multiple_of3A_1441] : memref<16x1000000xf32, #tpu.memory_space<hbm>> -> memref<16x128xf32, #tpu.memory_space<hbm>>
      %dma_wait3A_2012 = arith.constant 0 : i32
      %dma_wait3A_2013 = arith.constant 0 : i32
      %dma_wait3A_2014 = tpu.memref_slice %arg12[%dma_wait3A_2005, %dma_wait3A_2012, %dma_wait3A_2013] : memref<16x16x128xf32, #tpu.memory_space<vmem>> -> memref<1x16x128xf32, #tpu.memory_space<vmem>>
      %dma_wait3A_2015 = tpu.memref_squeeze %dma_wait3A_2014 : memref<1x16x128xf32, #tpu.memory_space<vmem>> -> memref<16x128xf32, #tpu.memory_space<vmem>>
      %dma_wait3A_2016 = arith.constant 0 : i32
      %dma_wait3A_2017 = tpu.memref_slice %arg4[%dma_wait3A_2016, %multiple_of3A_1441] : memref<16x1000000xf32, #tpu.memory_space<hbm>> -> memref<16x128xf32, #tpu.memory_space<hbm>>
      tpu.wait_dma2 semaphore(%arg16 : memref<!tpu.dma_semaphore, #tpu.memory_space<semaphore_mem>>) src(%dma_wait3A_2017 : memref<16x128xf32, #tpu.memory_space<hbm>>) dst(%dma_wait3A_2015 : memref<16x128xf32, #tpu.memory_space<vmem>>)
      %dma_wait3A_2018 = arith.constant 5 : i32
      %dma_wait3A_2019 = arith.constant 0 : i32
      %dma_wait3A_2020 = arith.constant 0 : i32
      %dma_wait3A_2021 = tpu.memref_slice %arg13[%dma_wait3A_2018, %dma_wait3A_2019, %dma_wait3A_2020] : memref<16x16x128xf32, #tpu.memory_space<vmem>> -> memref<1x16x128xf32, #tpu.memory_space<vmem>>
      %dma_wait3A_2022 = tpu.memref_squeeze %dma_wait3A_2021 : memref<1x16x128xf32, #tpu.memory_space<vmem>> -> memref<16x128xf32, #tpu.memory_space<vmem>>
      %dma_wait3A_2023 = arith.constant 0 : i32
      %dma_wait3A_2024 = tpu.memref_slice %arg5[%dma_wait3A_2023, %multiple_of3A_1448] : memref<16x1000000xf32, #tpu.memory_space<hbm>> -> memref<16x128xf32, #tpu.memory_space<hbm>>
      %dma_wait3A_2025 = arith.constant 0 : i32
      %dma_wait3A_2026 = arith.constant 0 : i32
      %dma_wait3A_2027 = tpu.memref_slice %arg13[%dma_wait3A_2018, %dma_wait3A_2025, %dma_wait3A_2026] : memref<16x16x128xf32, #tpu.memory_space<vmem>> -> memref<1x16x128xf32, #tpu.memory_space<vmem>>
      %dma_wait3A_2028 = tpu.memref_squeeze %dma_wait3A_2027 : memref<1x16x128xf32, #tpu.memory_space<vmem>> -> memref<16x128xf32, #tpu.memory_space<vmem>>
      %dma_wait3A_2029 = arith.constant 0 : i32
      %dma_wait3A_2030 = tpu.memref_slice %arg5[%dma_wait3A_2029, %multiple_of3A_1448] : memref<16x1000000xf32, #tpu.memory_space<hbm>> -> memref<16x128xf32, #tpu.memory_space<hbm>>
      tpu.wait_dma2 semaphore(%arg16 : memref<!tpu.dma_semaphore, #tpu.memory_space<semaphore_mem>>) src(%dma_wait3A_2030 : memref<16x128xf32, #tpu.memory_space<hbm>>) dst(%dma_wait3A_2028 : memref<16x128xf32, #tpu.memory_space<vmem>>)
      %dma_wait3A_2031 = arith.constant 6 : i32
      %dma_wait3A_2032 = arith.constant 0 : i32
      %dma_wait3A_2033 = arith.constant 0 : i32
      %dma_wait3A_2034 = tpu.memref_slice %arg12[%dma_wait3A_2031, %dma_wait3A_2032, %dma_wait3A_2033] : memref<16x16x128xf32, #tpu.memory_space<vmem>> -> memref<1x16x128xf32, #tpu.memory_space<vmem>>
      %dma_wait3A_2035 = tpu.memref_squeeze %dma_wait3A_2034 : memref<1x16x128xf32, #tpu.memory_space<vmem>> -> memref<16x128xf32, #tpu.memory_space<vmem>>
      %dma_wait3A_2036 = arith.constant 0 : i32
      %dma_wait3A_2037 = tpu.memref_slice %arg4[%dma_wait3A_2036, %multiple_of3A_1481] : memref<16x1000000xf32, #tpu.memory_space<hbm>> -> memref<16x128xf32, #tpu.memory_space<hbm>>
      %dma_wait3A_2038 = arith.constant 0 : i32
      %dma_wait3A_2039 = arith.constant 0 : i32
      %dma_wait3A_2040 = tpu.memref_slice %arg12[%dma_wait3A_2031, %dma_wait3A_2038, %dma_wait3A_2039] : memref<16x16x128xf32, #tpu.memory_space<vmem>> -> memref<1x16x128xf32, #tpu.memory_space<vmem>>
      %dma_wait3A_2041 = tpu.memref_squeeze %dma_wait3A_2040 : memref<1x16x128xf32, #tpu.memory_space<vmem>> -> memref<16x128xf32, #tpu.memory_space<vmem>>
      %dma_wait3A_2042 = arith.constant 0 : i32
      %dma_wait3A_2043 = tpu.memref_slice %arg4[%dma_wait3A_2042, %multiple_of3A_1481] : memref<16x1000000xf32, #tpu.memory_space<hbm>> -> memref<16x128xf32, #tpu.memory_space<hbm>>
      tpu.wait_dma2 semaphore(%arg16 : memref<!tpu.dma_semaphore, #tpu.memory_space<semaphore_mem>>) src(%dma_wait3A_2043 : memref<16x128xf32, #tpu.memory_space<hbm>>) dst(%dma_wait3A_2041 : memref<16x128xf32, #tpu.memory_space<vmem>>)
      %dma_wait3A_2044 = arith.constant 6 : i32
      %dma_wait3A_2045 = arith.constant 0 : i32
      %dma_wait3A_2046 = arith.constant 0 : i32
      %dma_wait3A_2047 = tpu.memref_slice %arg13[%dma_wait3A_2044, %dma_wait3A_2045, %dma_wait3A_2046] : memref<16x16x128xf32, #tpu.memory_space<vmem>> -> memref<1x16x128xf32, #tpu.memory_space<vmem>>
      %dma_wait3A_2048 = tpu.memref_squeeze %dma_wait3A_2047 : memref<1x16x128xf32, #tpu.memory_space<vmem>> -> memref<16x128xf32, #tpu.memory_space<vmem>>
      %dma_wait3A_2049 = arith.constant 0 : i32
      %dma_wait3A_2050 = tpu.memref_slice %arg5[%dma_wait3A_2049, %multiple_of3A_1488] : memref<16x1000000xf32, #tpu.memory_space<hbm>> -> memref<16x128xf32, #tpu.memory_space<hbm>>
      %dma_wait3A_2051 = arith.constant 0 : i32
      %dma_wait3A_2052 = arith.constant 0 : i32
      %dma_wait3A_2053 = tpu.memref_slice %arg13[%dma_wait3A_2044, %dma_wait3A_2051, %dma_wait3A_2052] : memref<16x16x128xf32, #tpu.memory_space<vmem>> -> memref<1x16x128xf32, #tpu.memory_space<vmem>>
      %dma_wait3A_2054 = tpu.memref_squeeze %dma_wait3A_2053 : memref<1x16x128xf32, #tpu.memory_space<vmem>> -> memref<16x128xf32, #tpu.memory_space<vmem>>
      %dma_wait3A_2055 = arith.constant 0 : i32
      %dma_wait3A_2056 = tpu.memref_slice %arg5[%dma_wait3A_2055, %multiple_of3A_1488] : memref<16x1000000xf32, #tpu.memory_space<hbm>> -> memref<16x128xf32, #tpu.memory_space<hbm>>
      tpu.wait_dma2 semaphore(%arg16 : memref<!tpu.dma_semaphore, #tpu.memory_space<semaphore_mem>>) src(%dma_wait3A_2056 : memref<16x128xf32, #tpu.memory_space<hbm>>) dst(%dma_wait3A_2054 : memref<16x128xf32, #tpu.memory_space<vmem>>)
      %dma_wait3A_2057 = arith.constant 7 : i32
      %dma_wait3A_2058 = arith.constant 0 : i32
      %dma_wait3A_2059 = arith.constant 0 : i32
      %dma_wait3A_2060 = tpu.memref_slice %arg12[%dma_wait3A_2057, %dma_wait3A_2058, %dma_wait3A_2059] : memref<16x16x128xf32, #tpu.memory_space<vmem>> -> memref<1x16x128xf32, #tpu.memory_space<vmem>>
      %dma_wait3A_2061 = tpu.memref_squeeze %dma_wait3A_2060 : memref<1x16x128xf32, #tpu.memory_space<vmem>> -> memref<16x128xf32, #tpu.memory_space<vmem>>
      %dma_wait3A_2062 = arith.constant 0 : i32
      %dma_wait3A_2063 = tpu.memref_slice %arg4[%dma_wait3A_2062, %multiple_of3A_1521] : memref<16x1000000xf32, #tpu.memory_space<hbm>> -> memref<16x128xf32, #tpu.memory_space<hbm>>
      %dma_wait3A_2064 = arith.constant 0 : i32
      %dma_wait3A_2065 = arith.constant 0 : i32
      %dma_wait3A_2066 = tpu.memref_slice %arg12[%dma_wait3A_2057, %dma_wait3A_2064, %dma_wait3A_2065] : memref<16x16x128xf32, #tpu.memory_space<vmem>> -> memref<1x16x128xf32, #tpu.memory_space<vmem>>
      %dma_wait3A_2067 = tpu.memref_squeeze %dma_wait3A_2066 : memref<1x16x128xf32, #tpu.memory_space<vmem>> -> memref<16x128xf32, #tpu.memory_space<vmem>>
      %dma_wait3A_2068 = arith.constant 0 : i32
      %dma_wait3A_2069 = tpu.memref_slice %arg4[%dma_wait3A_2068, %multiple_of3A_1521] : memref<16x1000000xf32, #tpu.memory_space<hbm>> -> memref<16x128xf32, #tpu.memory_space<hbm>>
      tpu.wait_dma2 semaphore(%arg16 : memref<!tpu.dma_semaphore, #tpu.memory_space<semaphore_mem>>) src(%dma_wait3A_2069 : memref<16x128xf32, #tpu.memory_space<hbm>>) dst(%dma_wait3A_2067 : memref<16x128xf32, #tpu.memory_space<vmem>>)
      %dma_wait3A_2070 = arith.constant 7 : i32
      %dma_wait3A_2071 = arith.constant 0 : i32
      %dma_wait3A_2072 = arith.constant 0 : i32
      %dma_wait3A_2073 = tpu.memref_slice %arg13[%dma_wait3A_2070, %dma_wait3A_2071, %dma_wait3A_2072] : memref<16x16x128xf32, #tpu.memory_space<vmem>> -> memref<1x16x128xf32, #tpu.memory_space<vmem>>
      %dma_wait3A_2074 = tpu.memref_squeeze %dma_wait3A_2073 : memref<1x16x128xf32, #tpu.memory_space<vmem>> -> memref<16x128xf32, #tpu.memory_space<vmem>>
      %dma_wait3A_2075 = arith.constant 0 : i32
      %dma_wait3A_2076 = tpu.memref_slice %arg5[%dma_wait3A_2075, %multiple_of3A_1528] : memref<16x1000000xf32, #tpu.memory_space<hbm>> -> memref<16x128xf32, #tpu.memory_space<hbm>>
      %dma_wait3A_2077 = arith.constant 0 : i32
      %dma_wait3A_2078 = arith.constant 0 : i32
      %dma_wait3A_2079 = tpu.memref_slice %arg13[%dma_wait3A_2070, %dma_wait3A_2077, %dma_wait3A_2078] : memref<16x16x128xf32, #tpu.memory_space<vmem>> -> memref<1x16x128xf32, #tpu.memory_space<vmem>>
      %dma_wait3A_2080 = tpu.memref_squeeze %dma_wait3A_2079 : memref<1x16x128xf32, #tpu.memory_space<vmem>> -> memref<16x128xf32, #tpu.memory_space<vmem>>
      %dma_wait3A_2081 = arith.constant 0 : i32
      %dma_wait3A_2082 = tpu.memref_slice %arg5[%dma_wait3A_2081, %multiple_of3A_1528] : memref<16x1000000xf32, #tpu.memory_space<hbm>> -> memref<16x128xf32, #tpu.memory_space<hbm>>
      tpu.wait_dma2 semaphore(%arg16 : memref<!tpu.dma_semaphore, #tpu.memory_space<semaphore_mem>>) src(%dma_wait3A_2082 : memref<16x128xf32, #tpu.memory_space<hbm>>) dst(%dma_wait3A_2080 : memref<16x128xf32, #tpu.memory_space<vmem>>)
      %dma_wait3A_2083 = arith.constant 8 : i32
      %dma_wait3A_2084 = arith.constant 0 : i32
      %dma_wait3A_2085 = arith.constant 0 : i32
      %dma_wait3A_2086 = tpu.memref_slice %arg12[%dma_wait3A_2083, %dma_wait3A_2084, %dma_wait3A_2085] : memref<16x16x128xf32, #tpu.memory_space<vmem>> -> memref<1x16x128xf32, #tpu.memory_space<vmem>>
      %dma_wait3A_2087 = tpu.memref_squeeze %dma_wait3A_2086 : memref<1x16x128xf32, #tpu.memory_space<vmem>> -> memref<16x128xf32, #tpu.memory_space<vmem>>
      %dma_wait3A_2088 = arith.constant 0 : i32
      %dma_wait3A_2089 = tpu.memref_slice %arg4[%dma_wait3A_2088, %multiple_of3A_1561] : memref<16x1000000xf32, #tpu.memory_space<hbm>> -> memref<16x128xf32, #tpu.memory_space<hbm>>
      %dma_wait3A_2090 = arith.constant 0 : i32
      %dma_wait3A_2091 = arith.constant 0 : i32
      %dma_wait3A_2092 = tpu.memref_slice %arg12[%dma_wait3A_2083, %dma_wait3A_2090, %dma_wait3A_2091] : memref<16x16x128xf32, #tpu.memory_space<vmem>> -> memref<1x16x128xf32, #tpu.memory_space<vmem>>
      %dma_wait3A_2093 = tpu.memref_squeeze %dma_wait3A_2092 : memref<1x16x128xf32, #tpu.memory_space<vmem>> -> memref<16x128xf32, #tpu.memory_space<vmem>>
      %dma_wait3A_2094 = arith.constant 0 : i32
      %dma_wait3A_2095 = tpu.memref_slice %arg4[%dma_wait3A_2094, %multiple_of3A_1561] : memref<16x1000000xf32, #tpu.memory_space<hbm>> -> memref<16x128xf32, #tpu.memory_space<hbm>>
      tpu.wait_dma2 semaphore(%arg16 : memref<!tpu.dma_semaphore, #tpu.memory_space<semaphore_mem>>) src(%dma_wait3A_2095 : memref<16x128xf32, #tpu.memory_space<hbm>>) dst(%dma_wait3A_2093 : memref<16x128xf32, #tpu.memory_space<vmem>>)
      %dma_wait3A_2096 = arith.constant 8 : i32
      %dma_wait3A_2097 = arith.constant 0 : i32
      %dma_wait3A_2098 = arith.constant 0 : i32
      %dma_wait3A_2099 = tpu.memref_slice %arg13[%dma_wait3A_2096, %dma_wait3A_2097, %dma_wait3A_2098] : memref<16x16x128xf32, #tpu.memory_space<vmem>> -> memref<1x16x128xf32, #tpu.memory_space<vmem>>
      %dma_wait3A_2100 = tpu.memref_squeeze %dma_wait3A_2099 : memref<1x16x128xf32, #tpu.memory_space<vmem>> -> memref<16x128xf32, #tpu.memory_space<vmem>>
      %dma_wait3A_2101 = arith.constant 0 : i32
      %dma_wait3A_2102 = tpu.memref_slice %arg5[%dma_wait3A_2101, %multiple_of3A_1568] : memref<16x1000000xf32, #tpu.memory_space<hbm>> -> memref<16x128xf32, #tpu.memory_space<hbm>>
      %dma_wait3A_2103 = arith.constant 0 : i32
      %dma_wait3A_2104 = arith.constant 0 : i32
      %dma_wait3A_2105 = tpu.memref_slice %arg13[%dma_wait3A_2096, %dma_wait3A_2103, %dma_wait3A_2104] : memref<16x16x128xf32, #tpu.memory_space<vmem>> -> memref<1x16x128xf32, #tpu.memory_space<vmem>>
      %dma_wait3A_2106 = tpu.memref_squeeze %dma_wait3A_2105 : memref<1x16x128xf32, #tpu.memory_space<vmem>> -> memref<16x128xf32, #tpu.memory_space<vmem>>
      %dma_wait3A_2107 = arith.constant 0 : i32
      %dma_wait3A_2108 = tpu.memref_slice %arg5[%dma_wait3A_2107, %multiple_of3A_1568] : memref<16x1000000xf32, #tpu.memory_space<hbm>> -> memref<16x128xf32, #tpu.memory_space<hbm>>
      tpu.wait_dma2 semaphore(%arg16 : memref<!tpu.dma_semaphore, #tpu.memory_space<semaphore_mem>>) src(%dma_wait3A_2108 : memref<16x128xf32, #tpu.memory_space<hbm>>) dst(%dma_wait3A_2106 : memref<16x128xf32, #tpu.memory_space<vmem>>)
      %dma_wait3A_2109 = arith.constant 9 : i32
      %dma_wait3A_2110 = arith.constant 0 : i32
      %dma_wait3A_2111 = arith.constant 0 : i32
      %dma_wait3A_2112 = tpu.memref_slice %arg12[%dma_wait3A_2109, %dma_wait3A_2110, %dma_wait3A_2111] : memref<16x16x128xf32, #tpu.memory_space<vmem>> -> memref<1x16x128xf32, #tpu.memory_space<vmem>>
      %dma_wait3A_2113 = tpu.memref_squeeze %dma_wait3A_2112 : memref<1x16x128xf32, #tpu.memory_space<vmem>> -> memref<16x128xf32, #tpu.memory_space<vmem>>
      %dma_wait3A_2114 = arith.constant 0 : i32
      %dma_wait3A_2115 = tpu.memref_slice %arg4[%dma_wait3A_2114, %multiple_of3A_1601] : memref<16x1000000xf32, #tpu.memory_space<hbm>> -> memref<16x128xf32, #tpu.memory_space<hbm>>
      %dma_wait3A_2116 = arith.constant 0 : i32
      %dma_wait3A_2117 = arith.constant 0 : i32
      %dma_wait3A_2118 = tpu.memref_slice %arg12[%dma_wait3A_2109, %dma_wait3A_2116, %dma_wait3A_2117] : memref<16x16x128xf32, #tpu.memory_space<vmem>> -> memref<1x16x128xf32, #tpu.memory_space<vmem>>
      %dma_wait3A_2119 = tpu.memref_squeeze %dma_wait3A_2118 : memref<1x16x128xf32, #tpu.memory_space<vmem>> -> memref<16x128xf32, #tpu.memory_space<vmem>>
      %dma_wait3A_2120 = arith.constant 0 : i32
      %dma_wait3A_2121 = tpu.memref_slice %arg4[%dma_wait3A_2120, %multiple_of3A_1601] : memref<16x1000000xf32, #tpu.memory_space<hbm>> -> memref<16x128xf32, #tpu.memory_space<hbm>>
      tpu.wait_dma2 semaphore(%arg16 : memref<!tpu.dma_semaphore, #tpu.memory_space<semaphore_mem>>) src(%dma_wait3A_2121 : memref<16x128xf32, #tpu.memory_space<hbm>>) dst(%dma_wait3A_2119 : memref<16x128xf32, #tpu.memory_space<vmem>>)
      %dma_wait3A_2122 = arith.constant 9 : i32
      %dma_wait3A_2123 = arith.constant 0 : i32
      %dma_wait3A_2124 = arith.constant 0 : i32
      %dma_wait3A_2125 = tpu.memref_slice %arg13[%dma_wait3A_2122, %dma_wait3A_2123, %dma_wait3A_2124] : memref<16x16x128xf32, #tpu.memory_space<vmem>> -> memref<1x16x128xf32, #tpu.memory_space<vmem>>
      %dma_wait3A_2126 = tpu.memref_squeeze %dma_wait3A_2125 : memref<1x16x128xf32, #tpu.memory_space<vmem>> -> memref<16x128xf32, #tpu.memory_space<vmem>>
      %dma_wait3A_2127 = arith.constant 0 : i32
      %dma_wait3A_2128 = tpu.memref_slice %arg5[%dma_wait3A_2127, %multiple_of3A_1608] : memref<16x1000000xf32, #tpu.memory_space<hbm>> -> memref<16x128xf32, #tpu.memory_space<hbm>>
      %dma_wait3A_2129 = arith.constant 0 : i32
      %dma_wait3A_2130 = arith.constant 0 : i32
      %dma_wait3A_2131 = tpu.memref_slice %arg13[%dma_wait3A_2122, %dma_wait3A_2129, %dma_wait3A_2130] : memref<16x16x128xf32, #tpu.memory_space<vmem>> -> memref<1x16x128xf32, #tpu.memory_space<vmem>>
      %dma_wait3A_2132 = tpu.memref_squeeze %dma_wait3A_2131 : memref<1x16x128xf32, #tpu.memory_space<vmem>> -> memref<16x128xf32, #tpu.memory_space<vmem>>
      %dma_wait3A_2133 = arith.constant 0 : i32
      %dma_wait3A_2134 = tpu.memref_slice %arg5[%dma_wait3A_2133, %multiple_of3A_1608] : memref<16x1000000xf32, #tpu.memory_space<hbm>> -> memref<16x128xf32, #tpu.memory_space<hbm>>
      tpu.wait_dma2 semaphore(%arg16 : memref<!tpu.dma_semaphore, #tpu.memory_space<semaphore_mem>>) src(%dma_wait3A_2134 : memref<16x128xf32, #tpu.memory_space<hbm>>) dst(%dma_wait3A_2132 : memref<16x128xf32, #tpu.memory_space<vmem>>)
      %dma_wait3A_2135 = arith.constant 10 : i32
      %dma_wait3A_2136 = arith.constant 0 : i32
      %dma_wait3A_2137 = arith.constant 0 : i32
      %dma_wait3A_2138 = tpu.memref_slice %arg12[%dma_wait3A_2135, %dma_wait3A_2136, %dma_wait3A_2137] : memref<16x16x128xf32, #tpu.memory_space<vmem>> -> memref<1x16x128xf32, #tpu.memory_space<vmem>>
      %dma_wait3A_2139 = tpu.memref_squeeze %dma_wait3A_2138 : memref<1x16x128xf32, #tpu.memory_space<vmem>> -> memref<16x128xf32, #tpu.memory_space<vmem>>
      %dma_wait3A_2140 = arith.constant 0 : i32
      %dma_wait3A_2141 = tpu.memref_slice %arg4[%dma_wait3A_2140, %multiple_of3A_1641] : memref<16x1000000xf32, #tpu.memory_space<hbm>> -> memref<16x128xf32, #tpu.memory_space<hbm>>
      %dma_wait3A_2142 = arith.constant 0 : i32
      %dma_wait3A_2143 = arith.constant 0 : i32
      %dma_wait3A_2144 = tpu.memref_slice %arg12[%dma_wait3A_2135, %dma_wait3A_2142, %dma_wait3A_2143] : memref<16x16x128xf32, #tpu.memory_space<vmem>> -> memref<1x16x128xf32, #tpu.memory_space<vmem>>
      %dma_wait3A_2145 = tpu.memref_squeeze %dma_wait3A_2144 : memref<1x16x128xf32, #tpu.memory_space<vmem>> -> memref<16x128xf32, #tpu.memory_space<vmem>>
      %dma_wait3A_2146 = arith.constant 0 : i32
      %dma_wait3A_2147 = tpu.memref_slice %arg4[%dma_wait3A_2146, %multiple_of3A_1641] : memref<16x1000000xf32, #tpu.memory_space<hbm>> -> memref<16x128xf32, #tpu.memory_space<hbm>>
      tpu.wait_dma2 semaphore(%arg16 : memref<!tpu.dma_semaphore, #tpu.memory_space<semaphore_mem>>) src(%dma_wait3A_2147 : memref<16x128xf32, #tpu.memory_space<hbm>>) dst(%dma_wait3A_2145 : memref<16x128xf32, #tpu.memory_space<vmem>>)
      %dma_wait3A_2148 = arith.constant 10 : i32
      %dma_wait3A_2149 = arith.constant 0 : i32
      %dma_wait3A_2150 = arith.constant 0 : i32
      %dma_wait3A_2151 = tpu.memref_slice %arg13[%dma_wait3A_2148, %dma_wait3A_2149, %dma_wait3A_2150] : memref<16x16x128xf32, #tpu.memory_space<vmem>> -> memref<1x16x128xf32, #tpu.memory_space<vmem>>
      %dma_wait3A_2152 = tpu.memref_squeeze %dma_wait3A_2151 : memref<1x16x128xf32, #tpu.memory_space<vmem>> -> memref<16x128xf32, #tpu.memory_space<vmem>>
      %dma_wait3A_2153 = arith.constant 0 : i32
      %dma_wait3A_2154 = tpu.memref_slice %arg5[%dma_wait3A_2153, %multiple_of3A_1648] : memref<16x1000000xf32, #tpu.memory_space<hbm>> -> memref<16x128xf32, #tpu.memory_space<hbm>>
      %dma_wait3A_2155 = arith.constant 0 : i32
      %dma_wait3A_2156 = arith.constant 0 : i32
      %dma_wait3A_2157 = tpu.memref_slice %arg13[%dma_wait3A_2148, %dma_wait3A_2155, %dma_wait3A_2156] : memref<16x16x128xf32, #tpu.memory_space<vmem>> -> memref<1x16x128xf32, #tpu.memory_space<vmem>>
      %dma_wait3A_2158 = tpu.memref_squeeze %dma_wait3A_2157 : memref<1x16x128xf32, #tpu.memory_space<vmem>> -> memref<16x128xf32, #tpu.memory_space<vmem>>
      %dma_wait3A_2159 = arith.constant 0 : i32
      %dma_wait3A_2160 = tpu.memref_slice %arg5[%dma_wait3A_2159, %multiple_of3A_1648] : memref<16x1000000xf32, #tpu.memory_space<hbm>> -> memref<16x128xf32, #tpu.memory_space<hbm>>
      tpu.wait_dma2 semaphore(%arg16 : memref<!tpu.dma_semaphore, #tpu.memory_space<semaphore_mem>>) src(%dma_wait3A_2160 : memref<16x128xf32, #tpu.memory_space<hbm>>) dst(%dma_wait3A_2158 : memref<16x128xf32, #tpu.memory_space<vmem>>)
      %dma_wait3A_2161 = arith.constant 11 : i32
      %dma_wait3A_2162 = arith.constant 0 : i32
      %dma_wait3A_2163 = arith.constant 0 : i32
      %dma_wait3A_2164 = tpu.memref_slice %arg12[%dma_wait3A_2161, %dma_wait3A_2162, %dma_wait3A_2163] : memref<16x16x128xf32, #tpu.memory_space<vmem>> -> memref<1x16x128xf32, #tpu.memory_space<vmem>>
      %dma_wait3A_2165 = tpu.memref_squeeze %dma_wait3A_2164 : memref<1x16x128xf32, #tpu.memory_space<vmem>> -> memref<16x128xf32, #tpu.memory_space<vmem>>
      %dma_wait3A_2166 = arith.constant 0 : i32
      %dma_wait3A_2167 = tpu.memref_slice %arg4[%dma_wait3A_2166, %multiple_of3A_1681] : memref<16x1000000xf32, #tpu.memory_space<hbm>> -> memref<16x128xf32, #tpu.memory_space<hbm>>
      %dma_wait3A_2168 = arith.constant 0 : i32
      %dma_wait3A_2169 = arith.constant 0 : i32
      %dma_wait3A_2170 = tpu.memref_slice %arg12[%dma_wait3A_2161, %dma_wait3A_2168, %dma_wait3A_2169] : memref<16x16x128xf32, #tpu.memory_space<vmem>> -> memref<1x16x128xf32, #tpu.memory_space<vmem>>
      %dma_wait3A_2171 = tpu.memref_squeeze %dma_wait3A_2170 : memref<1x16x128xf32, #tpu.memory_space<vmem>> -> memref<16x128xf32, #tpu.memory_space<vmem>>
      %dma_wait3A_2172 = arith.constant 0 : i32
      %dma_wait3A_2173 = tpu.memref_slice %arg4[%dma_wait3A_2172, %multiple_of3A_1681] : memref<16x1000000xf32, #tpu.memory_space<hbm>> -> memref<16x128xf32, #tpu.memory_space<hbm>>
      tpu.wait_dma2 semaphore(%arg16 : memref<!tpu.dma_semaphore, #tpu.memory_space<semaphore_mem>>) src(%dma_wait3A_2173 : memref<16x128xf32, #tpu.memory_space<hbm>>) dst(%dma_wait3A_2171 : memref<16x128xf32, #tpu.memory_space<vmem>>)
      %dma_wait3A_2174 = arith.constant 11 : i32
      %dma_wait3A_2175 = arith.constant 0 : i32
      %dma_wait3A_2176 = arith.constant 0 : i32
      %dma_wait3A_2177 = tpu.memref_slice %arg13[%dma_wait3A_2174, %dma_wait3A_2175, %dma_wait3A_2176] : memref<16x16x128xf32, #tpu.memory_space<vmem>> -> memref<1x16x128xf32, #tpu.memory_space<vmem>>
      %dma_wait3A_2178 = tpu.memref_squeeze %dma_wait3A_2177 : memref<1x16x128xf32, #tpu.memory_space<vmem>> -> memref<16x128xf32, #tpu.memory_space<vmem>>
      %dma_wait3A_2179 = arith.constant 0 : i32
      %dma_wait3A_2180 = tpu.memref_slice %arg5[%dma_wait3A_2179, %multiple_of3A_1688] : memref<16x1000000xf32, #tpu.memory_space<hbm>> -> memref<16x128xf32, #tpu.memory_space<hbm>>
      %dma_wait3A_2181 = arith.constant 0 : i32
      %dma_wait3A_2182 = arith.constant 0 : i32
      %dma_wait3A_2183 = tpu.memref_slice %arg13[%dma_wait3A_2174, %dma_wait3A_2181, %dma_wait3A_2182] : memref<16x16x128xf32, #tpu.memory_space<vmem>> -> memref<1x16x128xf32, #tpu.memory_space<vmem>>
      %dma_wait3A_2184 = tpu.memref_squeeze %dma_wait3A_2183 : memref<1x16x128xf32, #tpu.memory_space<vmem>> -> memref<16x128xf32, #tpu.memory_space<vmem>>
      %dma_wait3A_2185 = arith.constant 0 : i32
      %dma_wait3A_2186 = tpu.memref_slice %arg5[%dma_wait3A_2185, %multiple_of3A_1688] : memref<16x1000000xf32, #tpu.memory_space<hbm>> -> memref<16x128xf32, #tpu.memory_space<hbm>>
      tpu.wait_dma2 semaphore(%arg16 : memref<!tpu.dma_semaphore, #tpu.memory_space<semaphore_mem>>) src(%dma_wait3A_2186 : memref<16x128xf32, #tpu.memory_space<hbm>>) dst(%dma_wait3A_2184 : memref<16x128xf32, #tpu.memory_space<vmem>>)
      %dma_wait3A_2187 = arith.constant 12 : i32
      %dma_wait3A_2188 = arith.constant 0 : i32
      %dma_wait3A_2189 = arith.constant 0 : i32
      %dma_wait3A_2190 = tpu.memref_slice %arg12[%dma_wait3A_2187, %dma_wait3A_2188, %dma_wait3A_2189] : memref<16x16x128xf32, #tpu.memory_space<vmem>> -> memref<1x16x128xf32, #tpu.memory_space<vmem>>
      %dma_wait3A_2191 = tpu.memref_squeeze %dma_wait3A_2190 : memref<1x16x128xf32, #tpu.memory_space<vmem>> -> memref<16x128xf32, #tpu.memory_space<vmem>>
      %dma_wait3A_2192 = arith.constant 0 : i32
      %dma_wait3A_2193 = tpu.memref_slice %arg4[%dma_wait3A_2192, %multiple_of3A_1721] : memref<16x1000000xf32, #tpu.memory_space<hbm>> -> memref<16x128xf32, #tpu.memory_space<hbm>>
      %dma_wait3A_2194 = arith.constant 0 : i32
      %dma_wait3A_2195 = arith.constant 0 : i32
      %dma_wait3A_2196 = tpu.memref_slice %arg12[%dma_wait3A_2187, %dma_wait3A_2194, %dma_wait3A_2195] : memref<16x16x128xf32, #tpu.memory_space<vmem>> -> memref<1x16x128xf32, #tpu.memory_space<vmem>>
      %dma_wait3A_2197 = tpu.memref_squeeze %dma_wait3A_2196 : memref<1x16x128xf32, #tpu.memory_space<vmem>> -> memref<16x128xf32, #tpu.memory_space<vmem>>
      %dma_wait3A_2198 = arith.constant 0 : i32
      %dma_wait3A_2199 = tpu.memref_slice %arg4[%dma_wait3A_2198, %multiple_of3A_1721] : memref<16x1000000xf32, #tpu.memory_space<hbm>> -> memref<16x128xf32, #tpu.memory_space<hbm>>
      tpu.wait_dma2 semaphore(%arg16 : memref<!tpu.dma_semaphore, #tpu.memory_space<semaphore_mem>>) src(%dma_wait3A_2199 : memref<16x128xf32, #tpu.memory_space<hbm>>) dst(%dma_wait3A_2197 : memref<16x128xf32, #tpu.memory_space<vmem>>)
      %dma_wait3A_2200 = arith.constant 12 : i32
      %dma_wait3A_2201 = arith.constant 0 : i32
      %dma_wait3A_2202 = arith.constant 0 : i32
      %dma_wait3A_2203 = tpu.memref_slice %arg13[%dma_wait3A_2200, %dma_wait3A_2201, %dma_wait3A_2202] : memref<16x16x128xf32, #tpu.memory_space<vmem>> -> memref<1x16x128xf32, #tpu.memory_space<vmem>>
      %dma_wait3A_2204 = tpu.memref_squeeze %dma_wait3A_2203 : memref<1x16x128xf32, #tpu.memory_space<vmem>> -> memref<16x128xf32, #tpu.memory_space<vmem>>
      %dma_wait3A_2205 = arith.constant 0 : i32
      %dma_wait3A_2206 = tpu.memref_slice %arg5[%dma_wait3A_2205, %multiple_of3A_1728] : memref<16x1000000xf32, #tpu.memory_space<hbm>> -> memref<16x128xf32, #tpu.memory_space<hbm>>
      %dma_wait3A_2207 = arith.constant 0 : i32
      %dma_wait3A_2208 = arith.constant 0 : i32
      %dma_wait3A_2209 = tpu.memref_slice %arg13[%dma_wait3A_2200, %dma_wait3A_2207, %dma_wait3A_2208] : memref<16x16x128xf32, #tpu.memory_space<vmem>> -> memref<1x16x128xf32, #tpu.memory_space<vmem>>
      %dma_wait3A_2210 = tpu.memref_squeeze %dma_wait3A_2209 : memref<1x16x128xf32, #tpu.memory_space<vmem>> -> memref<16x128xf32, #tpu.memory_space<vmem>>
      %dma_wait3A_2211 = arith.constant 0 : i32
      %dma_wait3A_2212 = tpu.memref_slice %arg5[%dma_wait3A_2211, %multiple_of3A_1728] : memref<16x1000000xf32, #tpu.memory_space<hbm>> -> memref<16x128xf32, #tpu.memory_space<hbm>>
      tpu.wait_dma2 semaphore(%arg16 : memref<!tpu.dma_semaphore, #tpu.memory_space<semaphore_mem>>) src(%dma_wait3A_2212 : memref<16x128xf32, #tpu.memory_space<hbm>>) dst(%dma_wait3A_2210 : memref<16x128xf32, #tpu.memory_space<vmem>>)
      %dma_wait3A_2213 = arith.constant 13 : i32
      %dma_wait3A_2214 = arith.constant 0 : i32
      %dma_wait3A_2215 = arith.constant 0 : i32
      %dma_wait3A_2216 = tpu.memref_slice %arg12[%dma_wait3A_2213, %dma_wait3A_2214, %dma_wait3A_2215] : memref<16x16x128xf32, #tpu.memory_space<vmem>> -> memref<1x16x128xf32, #tpu.memory_space<vmem>>
      %dma_wait3A_2217 = tpu.memref_squeeze %dma_wait3A_2216 : memref<1x16x128xf32, #tpu.memory_space<vmem>> -> memref<16x128xf32, #tpu.memory_space<vmem>>
      %dma_wait3A_2218 = arith.constant 0 : i32
      %dma_wait3A_2219 = tpu.memref_slice %arg4[%dma_wait3A_2218, %multiple_of3A_1761] : memref<16x1000000xf32, #tpu.memory_space<hbm>> -> memref<16x128xf32, #tpu.memory_space<hbm>>
      %dma_wait3A_2220 = arith.constant 0 : i32
      %dma_wait3A_2221 = arith.constant 0 : i32
      %dma_wait3A_2222 = tpu.memref_slice %arg12[%dma_wait3A_2213, %dma_wait3A_2220, %dma_wait3A_2221] : memref<16x16x128xf32, #tpu.memory_space<vmem>> -> memref<1x16x128xf32, #tpu.memory_space<vmem>>
      %dma_wait3A_2223 = tpu.memref_squeeze %dma_wait3A_2222 : memref<1x16x128xf32, #tpu.memory_space<vmem>> -> memref<16x128xf32, #tpu.memory_space<vmem>>
      %dma_wait3A_2224 = arith.constant 0 : i32
      %dma_wait3A_2225 = tpu.memref_slice %arg4[%dma_wait3A_2224, %multiple_of3A_1761] : memref<16x1000000xf32, #tpu.memory_space<hbm>> -> memref<16x128xf32, #tpu.memory_space<hbm>>
      tpu.wait_dma2 semaphore(%arg16 : memref<!tpu.dma_semaphore, #tpu.memory_space<semaphore_mem>>) src(%dma_wait3A_2225 : memref<16x128xf32, #tpu.memory_space<hbm>>) dst(%dma_wait3A_2223 : memref<16x128xf32, #tpu.memory_space<vmem>>)
      %dma_wait3A_2226 = arith.constant 13 : i32
      %dma_wait3A_2227 = arith.constant 0 : i32
      %dma_wait3A_2228 = arith.constant 0 : i32
      %dma_wait3A_2229 = tpu.memref_slice %arg13[%dma_wait3A_2226, %dma_wait3A_2227, %dma_wait3A_2228] : memref<16x16x128xf32, #tpu.memory_space<vmem>> -> memref<1x16x128xf32, #tpu.memory_space<vmem>>
      %dma_wait3A_2230 = tpu.memref_squeeze %dma_wait3A_2229 : memref<1x16x128xf32, #tpu.memory_space<vmem>> -> memref<16x128xf32, #tpu.memory_space<vmem>>
      %dma_wait3A_2231 = arith.constant 0 : i32
      %dma_wait3A_2232 = tpu.memref_slice %arg5[%dma_wait3A_2231, %multiple_of3A_1768] : memref<16x1000000xf32, #tpu.memory_space<hbm>> -> memref<16x128xf32, #tpu.memory_space<hbm>>
      %dma_wait3A_2233 = arith.constant 0 : i32
      %dma_wait3A_2234 = arith.constant 0 : i32
      %dma_wait3A_2235 = tpu.memref_slice %arg13[%dma_wait3A_2226, %dma_wait3A_2233, %dma_wait3A_2234] : memref<16x16x128xf32, #tpu.memory_space<vmem>> -> memref<1x16x128xf32, #tpu.memory_space<vmem>>
      %dma_wait3A_2236 = tpu.memref_squeeze %dma_wait3A_2235 : memref<1x16x128xf32, #tpu.memory_space<vmem>> -> memref<16x128xf32, #tpu.memory_space<vmem>>
      %dma_wait3A_2237 = arith.constant 0 : i32
      %dma_wait3A_2238 = tpu.memref_slice %arg5[%dma_wait3A_2237, %multiple_of3A_1768] : memref<16x1000000xf32, #tpu.memory_space<hbm>> -> memref<16x128xf32, #tpu.memory_space<hbm>>
      tpu.wait_dma2 semaphore(%arg16 : memref<!tpu.dma_semaphore, #tpu.memory_space<semaphore_mem>>) src(%dma_wait3A_2238 : memref<16x128xf32, #tpu.memory_space<hbm>>) dst(%dma_wait3A_2236 : memref<16x128xf32, #tpu.memory_space<vmem>>)
      %dma_wait3A_2239 = arith.constant 14 : i32
      %dma_wait3A_2240 = arith.constant 0 : i32
      %dma_wait3A_2241 = arith.constant 0 : i32
      %dma_wait3A_2242 = tpu.memref_slice %arg12[%dma_wait3A_2239, %dma_wait3A_2240, %dma_wait3A_2241] : memref<16x16x128xf32, #tpu.memory_space<vmem>> -> memref<1x16x128xf32, #tpu.memory_space<vmem>>
      %dma_wait3A_2243 = tpu.memref_squeeze %dma_wait3A_2242 : memref<1x16x128xf32, #tpu.memory_space<vmem>> -> memref<16x128xf32, #tpu.memory_space<vmem>>
      %dma_wait3A_2244 = arith.constant 0 : i32
      %dma_wait3A_2245 = tpu.memref_slice %arg4[%dma_wait3A_2244, %multiple_of3A_1801] : memref<16x1000000xf32, #tpu.memory_space<hbm>> -> memref<16x128xf32, #tpu.memory_space<hbm>>
      %dma_wait3A_2246 = arith.constant 0 : i32
      %dma_wait3A_2247 = arith.constant 0 : i32
      %dma_wait3A_2248 = tpu.memref_slice %arg12[%dma_wait3A_2239, %dma_wait3A_2246, %dma_wait3A_2247] : memref<16x16x128xf32, #tpu.memory_space<vmem>> -> memref<1x16x128xf32, #tpu.memory_space<vmem>>
      %dma_wait3A_2249 = tpu.memref_squeeze %dma_wait3A_2248 : memref<1x16x128xf32, #tpu.memory_space<vmem>> -> memref<16x128xf32, #tpu.memory_space<vmem>>
      %dma_wait3A_2250 = arith.constant 0 : i32
      %dma_wait3A_2251 = tpu.memref_slice %arg4[%dma_wait3A_2250, %multiple_of3A_1801] : memref<16x1000000xf32, #tpu.memory_space<hbm>> -> memref<16x128xf32, #tpu.memory_space<hbm>>
      tpu.wait_dma2 semaphore(%arg16 : memref<!tpu.dma_semaphore, #tpu.memory_space<semaphore_mem>>) src(%dma_wait3A_2251 : memref<16x128xf32, #tpu.memory_space<hbm>>) dst(%dma_wait3A_2249 : memref<16x128xf32, #tpu.memory_space<vmem>>)
      %dma_wait3A_2252 = arith.constant 14 : i32
      %dma_wait3A_2253 = arith.constant 0 : i32
      %dma_wait3A_2254 = arith.constant 0 : i32
      %dma_wait3A_2255 = tpu.memref_slice %arg13[%dma_wait3A_2252, %dma_wait3A_2253, %dma_wait3A_2254] : memref<16x16x128xf32, #tpu.memory_space<vmem>> -> memref<1x16x128xf32, #tpu.memory_space<vmem>>
      %dma_wait3A_2256 = tpu.memref_squeeze %dma_wait3A_2255 : memref<1x16x128xf32, #tpu.memory_space<vmem>> -> memref<16x128xf32, #tpu.memory_space<vmem>>
      %dma_wait3A_2257 = arith.constant 0 : i32
      %dma_wait3A_2258 = tpu.memref_slice %arg5[%dma_wait3A_2257, %multiple_of3A_1808] : memref<16x1000000xf32, #tpu.memory_space<hbm>> -> memref<16x128xf32, #tpu.memory_space<hbm>>
      %dma_wait3A_2259 = arith.constant 0 : i32
      %dma_wait3A_2260 = arith.constant 0 : i32
      %dma_wait3A_2261 = tpu.memref_slice %arg13[%dma_wait3A_2252, %dma_wait3A_2259, %dma_wait3A_2260] : memref<16x16x128xf32, #tpu.memory_space<vmem>> -> memref<1x16x128xf32, #tpu.memory_space<vmem>>
      %dma_wait3A_2262 = tpu.memref_squeeze %dma_wait3A_2261 : memref<1x16x128xf32, #tpu.memory_space<vmem>> -> memref<16x128xf32, #tpu.memory_space<vmem>>
      %dma_wait3A_2263 = arith.constant 0 : i32
      %dma_wait3A_2264 = tpu.memref_slice %arg5[%dma_wait3A_2263, %multiple_of3A_1808] : memref<16x1000000xf32, #tpu.memory_space<hbm>> -> memref<16x128xf32, #tpu.memory_space<hbm>>
      tpu.wait_dma2 semaphore(%arg16 : memref<!tpu.dma_semaphore, #tpu.memory_space<semaphore_mem>>) src(%dma_wait3A_2264 : memref<16x128xf32, #tpu.memory_space<hbm>>) dst(%dma_wait3A_2262 : memref<16x128xf32, #tpu.memory_space<vmem>>)
      %dma_wait3A_2265 = arith.constant 15 : i32
      %dma_wait3A_2266 = arith.constant 0 : i32
      %dma_wait3A_2267 = arith.constant 0 : i32
      %dma_wait3A_2268 = tpu.memref_slice %arg12[%dma_wait3A_2265, %dma_wait3A_2266, %dma_wait3A_2267] : memref<16x16x128xf32, #tpu.memory_space<vmem>> -> memref<1x16x128xf32, #tpu.memory_space<vmem>>
      %dma_wait3A_2269 = tpu.memref_squeeze %dma_wait3A_2268 : memref<1x16x128xf32, #tpu.memory_space<vmem>> -> memref<16x128xf32, #tpu.memory_space<vmem>>
      %dma_wait3A_2270 = arith.constant 0 : i32
      %dma_wait3A_2271 = tpu.memref_slice %arg4[%dma_wait3A_2270, %multiple_of3A_1841] : memref<16x1000000xf32, #tpu.memory_space<hbm>> -> memref<16x128xf32, #tpu.memory_space<hbm>>
      %dma_wait3A_2272 = arith.constant 0 : i32
      %dma_wait3A_2273 = arith.constant 0 : i32
      %dma_wait3A_2274 = tpu.memref_slice %arg12[%dma_wait3A_2265, %dma_wait3A_2272, %dma_wait3A_2273] : memref<16x16x128xf32, #tpu.memory_space<vmem>> -> memref<1x16x128xf32, #tpu.memory_space<vmem>>
      %dma_wait3A_2275 = tpu.memref_squeeze %dma_wait3A_2274 : memref<1x16x128xf32, #tpu.memory_space<vmem>> -> memref<16x128xf32, #tpu.memory_space<vmem>>
      %dma_wait3A_2276 = arith.constant 0 : i32
      %dma_wait3A_2277 = tpu.memref_slice %arg4[%dma_wait3A_2276, %multiple_of3A_1841] : memref<16x1000000xf32, #tpu.memory_space<hbm>> -> memref<16x128xf32, #tpu.memory_space<hbm>>
      tpu.wait_dma2 semaphore(%arg16 : memref<!tpu.dma_semaphore, #tpu.memory_space<semaphore_mem>>) src(%dma_wait3A_2277 : memref<16x128xf32, #tpu.memory_space<hbm>>) dst(%dma_wait3A_2275 : memref<16x128xf32, #tpu.memory_space<vmem>>)
      %dma_wait3A_2278 = arith.constant 15 : i32
      %dma_wait3A_2279 = arith.constant 0 : i32
      %dma_wait3A_2280 = arith.constant 0 : i32
      %dma_wait3A_2281 = tpu.memref_slice %arg13[%dma_wait3A_2278, %dma_wait3A_2279, %dma_wait3A_2280] : memref<16x16x128xf32, #tpu.memory_space<vmem>> -> memref<1x16x128xf32, #tpu.memory_space<vmem>>
      %dma_wait3A_2282 = tpu.memref_squeeze %dma_wait3A_2281 : memref<1x16x128xf32, #tpu.memory_space<vmem>> -> memref<16x128xf32, #tpu.memory_space<vmem>>
      %dma_wait3A_2283 = arith.constant 0 : i32
      %dma_wait3A_2284 = tpu.memref_slice %arg5[%dma_wait3A_2283, %multiple_of3A_1848] : memref<16x1000000xf32, #tpu.memory_space<hbm>> -> memref<16x128xf32, #tpu.memory_space<hbm>>
      %dma_wait3A_2285 = arith.constant 0 : i32
      %dma_wait3A_2286 = arith.constant 0 : i32
      %dma_wait3A_2287 = tpu.memref_slice %arg13[%dma_wait3A_2278, %dma_wait3A_2285, %dma_wait3A_2286] : memref<16x16x128xf32, #tpu.memory_space<vmem>> -> memref<1x16x128xf32, #tpu.memory_space<vmem>>
      %dma_wait3A_2288 = tpu.memref_squeeze %dma_wait3A_2287 : memref<1x16x128xf32, #tpu.memory_space<vmem>> -> memref<16x128xf32, #tpu.memory_space<vmem>>
      %dma_wait3A_2289 = arith.constant 0 : i32
      %dma_wait3A_2290 = tpu.memref_slice %arg5[%dma_wait3A_2289, %multiple_of3A_1848] : memref<16x1000000xf32, #tpu.memory_space<hbm>> -> memref<16x128xf32, #tpu.memory_space<hbm>>
      tpu.wait_dma2 semaphore(%arg16 : memref<!tpu.dma_semaphore, #tpu.memory_space<semaphore_mem>>) src(%dma_wait3A_2290 : memref<16x128xf32, #tpu.memory_space<hbm>>) dst(%dma_wait3A_2288 : memref<16x128xf32, #tpu.memory_space<vmem>>)
      %and3A_2291 = arith.constant 127 : i32
      %and3A_2292 = vector.broadcast %and3A_2291 : i32 to vector<16xi32>
      %and3A_2293 = arith.andi %get3A_17, %and3A_2292 : vector<16xi32>
      %and3A_2294 = arith.constant 127 : i32
      %and3A_2295 = vector.broadcast %and3A_2294 : i32 to vector<16xi32>
      %and3A_2296 = arith.andi %get3A_19, %and3A_2295 : vector<16xi32>
      %broadcast_in_dim3A_2297 = arith.constant 0 : i32
      %broadcast_in_dim3A_2298 = vector.broadcast %broadcast_in_dim3A_2297 : i32 to vector<16xi32>
      %gather3A_2299 = tpu.vector_load_idx %arg12[%iota3A, %broadcast_in_dim3A_2298, %and3A_2293] : memref<16x16x128xf32, #tpu.memory_space<vmem>>[vector<16xi32>, vector<16xi32>, vector<16xi32>], vector<16xf32>,
      %gather3A_2300 = tpu.vector_load_idx %arg13[%iota3A, %broadcast_in_dim3A_2298, %and3A_2296] : memref<16x16x128xf32, #tpu.memory_space<vmem>>[vector<16xi32>, vector<16xi32>, vector<16xi32>], vector<16xf32>,
      %mul3A_2301 = arith.mulf %gather3A_2299, %gather3A_2300 : vector<16xf32>
      %slice3A_2302 = vector.extract_strided_slice %get3A_5 {offsets = [0], sizes = [1], strides = [1]} : vector<16xf32> to vector<1xf32>
      %squeeze3A_2303 = vector.extract %slice3A_2302[0] : f32 from vector<1xf32>
      %mul3A_2304 = vector.broadcast %squeeze3A_2303 : f32 to vector<16xf32>
      %mul3A_2305 = arith.mulf %mul3A_2301, %mul3A_2304 : vector<16xf32>
      %add3A_2306 = arith.addf %add3A_1234, %mul3A_2305 : vector<16xf32>
      %broadcast_in_dim3A_2307 = arith.constant 1 : i32
      %broadcast_in_dim3A_2308 = vector.broadcast %broadcast_in_dim3A_2307 : i32 to vector<16xi32>
      %gather3A_2309 = tpu.vector_load_idx %arg12[%iota3A, %broadcast_in_dim3A_2308, %and3A_2293] : memref<16x16x128xf32, #tpu.memory_space<vmem>>[vector<16xi32>, vector<16xi32>, vector<16xi32>], vector<16xf32>,
      %gather3A_2310 = tpu.vector_load_idx %arg13[%iota3A, %broadcast_in_dim3A_2308, %and3A_2296] : memref<16x16x128xf32, #tpu.memory_space<vmem>>[vector<16xi32>, vector<16xi32>, vector<16xi32>], vector<16xf32>,
      %mul3A_2311 = arith.mulf %gather3A_2309, %gather3A_2310 : vector<16xf32>
      %slice3A_2312 = vector.extract_strided_slice %get3A_5 {offsets = [1], sizes = [1], strides = [1]} : vector<16xf32> to vector<1xf32>
      %squeeze3A_2313 = vector.extract %slice3A_2312[0] : f32 from vector<1xf32>
      %mul3A_2314 = vector.broadcast %squeeze3A_2313 : f32 to vector<16xf32>
      %mul3A_2315 = arith.mulf %mul3A_2311, %mul3A_2314 : vector<16xf32>
      %add3A_2316 = arith.addf %add3A_2306, %mul3A_2315 : vector<16xf32>
      %broadcast_in_dim3A_2317 = arith.constant 2 : i32
      %broadcast_in_dim3A_2318 = vector.broadcast %broadcast_in_dim3A_2317 : i32 to vector<16xi32>
      %gather3A_2319 = tpu.vector_load_idx %arg12[%iota3A, %broadcast_in_dim3A_2318, %and3A_2293] : memref<16x16x128xf32, #tpu.memory_space<vmem>>[vector<16xi32>, vector<16xi32>, vector<16xi32>], vector<16xf32>,
      %gather3A_2320 = tpu.vector_load_idx %arg13[%iota3A, %broadcast_in_dim3A_2318, %and3A_2296] : memref<16x16x128xf32, #tpu.memory_space<vmem>>[vector<16xi32>, vector<16xi32>, vector<16xi32>], vector<16xf32>,
      %mul3A_2321 = arith.mulf %gather3A_2319, %gather3A_2320 : vector<16xf32>
      %slice3A_2322 = vector.extract_strided_slice %get3A_5 {offsets = [2], sizes = [1], strides = [1]} : vector<16xf32> to vector<1xf32>
      %squeeze3A_2323 = vector.extract %slice3A_2322[0] : f32 from vector<1xf32>
      %mul3A_2324 = vector.broadcast %squeeze3A_2323 : f32 to vector<16xf32>
      %mul3A_2325 = arith.mulf %mul3A_2321, %mul3A_2324 : vector<16xf32>
      %add3A_2326 = arith.addf %add3A_2316, %mul3A_2325 : vector<16xf32>
      %broadcast_in_dim3A_2327 = arith.constant 3 : i32
      %broadcast_in_dim3A_2328 = vector.broadcast %broadcast_in_dim3A_2327 : i32 to vector<16xi32>
      %gather3A_2329 = tpu.vector_load_idx %arg12[%iota3A, %broadcast_in_dim3A_2328, %and3A_2293] : memref<16x16x128xf32, #tpu.memory_space<vmem>>[vector<16xi32>, vector<16xi32>, vector<16xi32>], vector<16xf32>,
      %gather3A_2330 = tpu.vector_load_idx %arg13[%iota3A, %broadcast_in_dim3A_2328, %and3A_2296] : memref<16x16x128xf32, #tpu.memory_space<vmem>>[vector<16xi32>, vector<16xi32>, vector<16xi32>], vector<16xf32>,
      %mul3A_2331 = arith.mulf %gather3A_2329, %gather3A_2330 : vector<16xf32>
      %slice3A_2332 = vector.extract_strided_slice %get3A_5 {offsets = [3], sizes = [1], strides = [1]} : vector<16xf32> to vector<1xf32>
      %squeeze3A_2333 = vector.extract %slice3A_2332[0] : f32 from vector<1xf32>
      %mul3A_2334 = vector.broadcast %squeeze3A_2333 : f32 to vector<16xf32>
      %mul3A_2335 = arith.mulf %mul3A_2331, %mul3A_2334 : vector<16xf32>
      %add3A_2336 = arith.addf %add3A_2326, %mul3A_2335 : vector<16xf32>
      %broadcast_in_dim3A_2337 = arith.constant 4 : i32
      %broadcast_in_dim3A_2338 = vector.broadcast %broadcast_in_dim3A_2337 : i32 to vector<16xi32>
      %gather3A_2339 = tpu.vector_load_idx %arg12[%iota3A, %broadcast_in_dim3A_2338, %and3A_2293] : memref<16x16x128xf32, #tpu.memory_space<vmem>>[vector<16xi32>, vector<16xi32>, vector<16xi32>], vector<16xf32>,
      %gather3A_2340 = tpu.vector_load_idx %arg13[%iota3A, %broadcast_in_dim3A_2338, %and3A_2296] : memref<16x16x128xf32, #tpu.memory_space<vmem>>[vector<16xi32>, vector<16xi32>, vector<16xi32>], vector<16xf32>,
      %mul3A_2341 = arith.mulf %gather3A_2339, %gather3A_2340 : vector<16xf32>
      %slice3A_2342 = vector.extract_strided_slice %get3A_5 {offsets = [4], sizes = [1], strides = [1]} : vector<16xf32> to vector<1xf32>
      %squeeze3A_2343 = vector.extract %slice3A_2342[0] : f32 from vector<1xf32>
      %mul3A_2344 = vector.broadcast %squeeze3A_2343 : f32 to vector<16xf32>
      %mul3A_2345 = arith.mulf %mul3A_2341, %mul3A_2344 : vector<16xf32>
      %add3A_2346 = arith.addf %add3A_2336, %mul3A_2345 : vector<16xf32>
      %broadcast_in_dim3A_2347 = arith.constant 5 : i32
      %broadcast_in_dim3A_2348 = vector.broadcast %broadcast_in_dim3A_2347 : i32 to vector<16xi32>
      %gather3A_2349 = tpu.vector_load_idx %arg12[%iota3A, %broadcast_in_dim3A_2348, %and3A_2293] : memref<16x16x128xf32, #tpu.memory_space<vmem>>[vector<16xi32>, vector<16xi32>, vector<16xi32>], vector<16xf32>,
      %gather3A_2350 = tpu.vector_load_idx %arg13[%iota3A, %broadcast_in_dim3A_2348, %and3A_2296] : memref<16x16x128xf32, #tpu.memory_space<vmem>>[vector<16xi32>, vector<16xi32>, vector<16xi32>], vector<16xf32>,
      %mul3A_2351 = arith.mulf %gather3A_2349, %gather3A_2350 : vector<16xf32>
      %slice3A_2352 = vector.extract_strided_slice %get3A_5 {offsets = [5], sizes = [1], strides = [1]} : vector<16xf32> to vector<1xf32>
      %squeeze3A_2353 = vector.extract %slice3A_2352[0] : f32 from vector<1xf32>
      %mul3A_2354 = vector.broadcast %squeeze3A_2353 : f32 to vector<16xf32>
      %mul3A_2355 = arith.mulf %mul3A_2351, %mul3A_2354 : vector<16xf32>
      %add3A_2356 = arith.addf %add3A_2346, %mul3A_2355 : vector<16xf32>
      %broadcast_in_dim3A_2357 = arith.constant 6 : i32
      %broadcast_in_dim3A_2358 = vector.broadcast %broadcast_in_dim3A_2357 : i32 to vector<16xi32>
      %gather3A_2359 = tpu.vector_load_idx %arg12[%iota3A, %broadcast_in_dim3A_2358, %and3A_2293] : memref<16x16x128xf32, #tpu.memory_space<vmem>>[vector<16xi32>, vector<16xi32>, vector<16xi32>], vector<16xf32>,
      %gather3A_2360 = tpu.vector_load_idx %arg13[%iota3A, %broadcast_in_dim3A_2358, %and3A_2296] : memref<16x16x128xf32, #tpu.memory_space<vmem>>[vector<16xi32>, vector<16xi32>, vector<16xi32>], vector<16xf32>,
      %mul3A_2361 = arith.mulf %gather3A_2359, %gather3A_2360 : vector<16xf32>
      %slice3A_2362 = vector.extract_strided_slice %get3A_5 {offsets = [6], sizes = [1], strides = [1]} : vector<16xf32> to vector<1xf32>
      %squeeze3A_2363 = vector.extract %slice3A_2362[0] : f32 from vector<1xf32>
      %mul3A_2364 = vector.broadcast %squeeze3A_2363 : f32 to vector<16xf32>
      %mul3A_2365 = arith.mulf %mul3A_2361, %mul3A_2364 : vector<16xf32>
      %add3A_2366 = arith.addf %add3A_2356, %mul3A_2365 : vector<16xf32>
      %broadcast_in_dim3A_2367 = arith.constant 7 : i32
      %broadcast_in_dim3A_2368 = vector.broadcast %broadcast_in_dim3A_2367 : i32 to vector<16xi32>
      %gather3A_2369 = tpu.vector_load_idx %arg12[%iota3A, %broadcast_in_dim3A_2368, %and3A_2293] : memref<16x16x128xf32, #tpu.memory_space<vmem>>[vector<16xi32>, vector<16xi32>, vector<16xi32>], vector<16xf32>,
      %gather3A_2370 = tpu.vector_load_idx %arg13[%iota3A, %broadcast_in_dim3A_2368, %and3A_2296] : memref<16x16x128xf32, #tpu.memory_space<vmem>>[vector<16xi32>, vector<16xi32>, vector<16xi32>], vector<16xf32>,
      %mul3A_2371 = arith.mulf %gather3A_2369, %gather3A_2370 : vector<16xf32>
      %slice3A_2372 = vector.extract_strided_slice %get3A_5 {offsets = [7], sizes = [1], strides = [1]} : vector<16xf32> to vector<1xf32>
      %squeeze3A_2373 = vector.extract %slice3A_2372[0] : f32 from vector<1xf32>
      %mul3A_2374 = vector.broadcast %squeeze3A_2373 : f32 to vector<16xf32>
      %mul3A_2375 = arith.mulf %mul3A_2371, %mul3A_2374 : vector<16xf32>
      %add3A_2376 = arith.addf %add3A_2366, %mul3A_2375 : vector<16xf32>
      %broadcast_in_dim3A_2377 = arith.constant 8 : i32
      %broadcast_in_dim3A_2378 = vector.broadcast %broadcast_in_dim3A_2377 : i32 to vector<16xi32>
      %gather3A_2379 = tpu.vector_load_idx %arg12[%iota3A, %broadcast_in_dim3A_2378, %and3A_2293] : memref<16x16x128xf32, #tpu.memory_space<vmem>>[vector<16xi32>, vector<16xi32>, vector<16xi32>], vector<16xf32>,
      %gather3A_2380 = tpu.vector_load_idx %arg13[%iota3A, %broadcast_in_dim3A_2378, %and3A_2296] : memref<16x16x128xf32, #tpu.memory_space<vmem>>[vector<16xi32>, vector<16xi32>, vector<16xi32>], vector<16xf32>,
      %mul3A_2381 = arith.mulf %gather3A_2379, %gather3A_2380 : vector<16xf32>
      %slice3A_2382 = vector.extract_strided_slice %get3A_5 {offsets = [8], sizes = [1], strides = [1]} : vector<16xf32> to vector<1xf32>
      %squeeze3A_2383 = vector.extract %slice3A_2382[0] : f32 from vector<1xf32>
      %mul3A_2384 = vector.broadcast %squeeze3A_2383 : f32 to vector<16xf32>
      %mul3A_2385 = arith.mulf %mul3A_2381, %mul3A_2384 : vector<16xf32>
      %add3A_2386 = arith.addf %add3A_2376, %mul3A_2385 : vector<16xf32>
      %broadcast_in_dim3A_2387 = arith.constant 9 : i32
      %broadcast_in_dim3A_2388 = vector.broadcast %broadcast_in_dim3A_2387 : i32 to vector<16xi32>
      %gather3A_2389 = tpu.vector_load_idx %arg12[%iota3A, %broadcast_in_dim3A_2388, %and3A_2293] : memref<16x16x128xf32, #tpu.memory_space<vmem>>[vector<16xi32>, vector<16xi32>, vector<16xi32>], vector<16xf32>,
      %gather3A_2390 = tpu.vector_load_idx %arg13[%iota3A, %broadcast_in_dim3A_2388, %and3A_2296] : memref<16x16x128xf32, #tpu.memory_space<vmem>>[vector<16xi32>, vector<16xi32>, vector<16xi32>], vector<16xf32>,
      %mul3A_2391 = arith.mulf %gather3A_2389, %gather3A_2390 : vector<16xf32>
      %slice3A_2392 = vector.extract_strided_slice %get3A_5 {offsets = [9], sizes = [1], strides = [1]} : vector<16xf32> to vector<1xf32>
      %squeeze3A_2393 = vector.extract %slice3A_2392[0] : f32 from vector<1xf32>
      %mul3A_2394 = vector.broadcast %squeeze3A_2393 : f32 to vector<16xf32>
      %mul3A_2395 = arith.mulf %mul3A_2391, %mul3A_2394 : vector<16xf32>
      %add3A_2396 = arith.addf %add3A_2386, %mul3A_2395 : vector<16xf32>
      %broadcast_in_dim3A_2397 = arith.constant 10 : i32
      %broadcast_in_dim3A_2398 = vector.broadcast %broadcast_in_dim3A_2397 : i32 to vector<16xi32>
      %gather3A_2399 = tpu.vector_load_idx %arg12[%iota3A, %broadcast_in_dim3A_2398, %and3A_2293] : memref<16x16x128xf32, #tpu.memory_space<vmem>>[vector<16xi32>, vector<16xi32>, vector<16xi32>], vector<16xf32>,
      %gather3A_2400 = tpu.vector_load_idx %arg13[%iota3A, %broadcast_in_dim3A_2398, %and3A_2296] : memref<16x16x128xf32, #tpu.memory_space<vmem>>[vector<16xi32>, vector<16xi32>, vector<16xi32>], vector<16xf32>,
      %mul3A_2401 = arith.mulf %gather3A_2399, %gather3A_2400 : vector<16xf32>
      %slice3A_2402 = vector.extract_strided_slice %get3A_5 {offsets = [10], sizes = [1], strides = [1]} : vector<16xf32> to vector<1xf32>
      %squeeze3A_2403 = vector.extract %slice3A_2402[0] : f32 from vector<1xf32>
      %mul3A_2404 = vector.broadcast %squeeze3A_2403 : f32 to vector<16xf32>
      %mul3A_2405 = arith.mulf %mul3A_2401, %mul3A_2404 : vector<16xf32>
      %add3A_2406 = arith.addf %add3A_2396, %mul3A_2405 : vector<16xf32>
      %broadcast_in_dim3A_2407 = arith.constant 11 : i32
      %broadcast_in_dim3A_2408 = vector.broadcast %broadcast_in_dim3A_2407 : i32 to vector<16xi32>
      %gather3A_2409 = tpu.vector_load_idx %arg12[%iota3A, %broadcast_in_dim3A_2408, %and3A_2293] : memref<16x16x128xf32, #tpu.memory_space<vmem>>[vector<16xi32>, vector<16xi32>, vector<16xi32>], vector<16xf32>,
      %gather3A_2410 = tpu.vector_load_idx %arg13[%iota3A, %broadcast_in_dim3A_2408, %and3A_2296] : memref<16x16x128xf32, #tpu.memory_space<vmem>>[vector<16xi32>, vector<16xi32>, vector<16xi32>], vector<16xf32>,
      %mul3A_2411 = arith.mulf %gather3A_2409, %gather3A_2410 : vector<16xf32>
      %slice3A_2412 = vector.extract_strided_slice %get3A_5 {offsets = [11], sizes = [1], strides = [1]} : vector<16xf32> to vector<1xf32>
      %squeeze3A_2413 = vector.extract %slice3A_2412[0] : f32 from vector<1xf32>
      %mul3A_2414 = vector.broadcast %squeeze3A_2413 : f32 to vector<16xf32>
      %mul3A_2415 = arith.mulf %mul3A_2411, %mul3A_2414 : vector<16xf32>
      %add3A_2416 = arith.addf %add3A_2406, %mul3A_2415 : vector<16xf32>
      %broadcast_in_dim3A_2417 = arith.constant 12 : i32
      %broadcast_in_dim3A_2418 = vector.broadcast %broadcast_in_dim3A_2417 : i32 to vector<16xi32>
      %gather3A_2419 = tpu.vector_load_idx %arg12[%iota3A, %broadcast_in_dim3A_2418, %and3A_2293] : memref<16x16x128xf32, #tpu.memory_space<vmem>>[vector<16xi32>, vector<16xi32>, vector<16xi32>], vector<16xf32>,
      %gather3A_2420 = tpu.vector_load_idx %arg13[%iota3A, %broadcast_in_dim3A_2418, %and3A_2296] : memref<16x16x128xf32, #tpu.memory_space<vmem>>[vector<16xi32>, vector<16xi32>, vector<16xi32>], vector<16xf32>,
      %mul3A_2421 = arith.mulf %gather3A_2419, %gather3A_2420 : vector<16xf32>
      %slice3A_2422 = vector.extract_strided_slice %get3A_5 {offsets = [12], sizes = [1], strides = [1]} : vector<16xf32> to vector<1xf32>
      %squeeze3A_2423 = vector.extract %slice3A_2422[0] : f32 from vector<1xf32>
      %mul3A_2424 = vector.broadcast %squeeze3A_2423 : f32 to vector<16xf32>
      %mul3A_2425 = arith.mulf %mul3A_2421, %mul3A_2424 : vector<16xf32>
      %add3A_2426 = arith.addf %add3A_2416, %mul3A_2425 : vector<16xf32>
      %broadcast_in_dim3A_2427 = arith.constant 13 : i32
      %broadcast_in_dim3A_2428 = vector.broadcast %broadcast_in_dim3A_2427 : i32 to vector<16xi32>
      %gather3A_2429 = tpu.vector_load_idx %arg12[%iota3A, %broadcast_in_dim3A_2428, %and3A_2293] : memref<16x16x128xf32, #tpu.memory_space<vmem>>[vector<16xi32>, vector<16xi32>, vector<16xi32>], vector<16xf32>,
      %gather3A_2430 = tpu.vector_load_idx %arg13[%iota3A, %broadcast_in_dim3A_2428, %and3A_2296] : memref<16x16x128xf32, #tpu.memory_space<vmem>>[vector<16xi32>, vector<16xi32>, vector<16xi32>], vector<16xf32>,
      %mul3A_2431 = arith.mulf %gather3A_2429, %gather3A_2430 : vector<16xf32>
      %slice3A_2432 = vector.extract_strided_slice %get3A_5 {offsets = [13], sizes = [1], strides = [1]} : vector<16xf32> to vector<1xf32>
      %squeeze3A_2433 = vector.extract %slice3A_2432[0] : f32 from vector<1xf32>
      %mul3A_2434 = vector.broadcast %squeeze3A_2433 : f32 to vector<16xf32>
      %mul3A_2435 = arith.mulf %mul3A_2431, %mul3A_2434 : vector<16xf32>
      %add3A_2436 = arith.addf %add3A_2426, %mul3A_2435 : vector<16xf32>
      %broadcast_in_dim3A_2437 = arith.constant 14 : i32
      %broadcast_in_dim3A_2438 = vector.broadcast %broadcast_in_dim3A_2437 : i32 to vector<16xi32>
      %gather3A_2439 = tpu.vector_load_idx %arg12[%iota3A, %broadcast_in_dim3A_2438, %and3A_2293] : memref<16x16x128xf32, #tpu.memory_space<vmem>>[vector<16xi32>, vector<16xi32>, vector<16xi32>], vector<16xf32>,
      %gather3A_2440 = tpu.vector_load_idx %arg13[%iota3A, %broadcast_in_dim3A_2438, %and3A_2296] : memref<16x16x128xf32, #tpu.memory_space<vmem>>[vector<16xi32>, vector<16xi32>, vector<16xi32>], vector<16xf32>,
      %mul3A_2441 = arith.mulf %gather3A_2439, %gather3A_2440 : vector<16xf32>
      %slice3A_2442 = vector.extract_strided_slice %get3A_5 {offsets = [14], sizes = [1], strides = [1]} : vector<16xf32> to vector<1xf32>
      %squeeze3A_2443 = vector.extract %slice3A_2442[0] : f32 from vector<1xf32>
      %mul3A_2444 = vector.broadcast %squeeze3A_2443 : f32 to vector<16xf32>
      %mul3A_2445 = arith.mulf %mul3A_2441, %mul3A_2444 : vector<16xf32>
      %add3A_2446 = arith.addf %add3A_2436, %mul3A_2445 : vector<16xf32>
      %broadcast_in_dim3A_2447 = arith.constant 15 : i32
      %broadcast_in_dim3A_2448 = vector.broadcast %broadcast_in_dim3A_2447 : i32 to vector<16xi32>
      %gather3A_2449 = tpu.vector_load_idx %arg12[%iota3A, %broadcast_in_dim3A_2448, %and3A_2293] : memref<16x16x128xf32, #tpu.memory_space<vmem>>[vector<16xi32>, vector<16xi32>, vector<16xi32>], vector<16xf32>,
      %gather3A_2450 = tpu.vector_load_idx %arg13[%iota3A, %broadcast_in_dim3A_2448, %and3A_2296] : memref<16x16x128xf32, #tpu.memory_space<vmem>>[vector<16xi32>, vector<16xi32>, vector<16xi32>], vector<16xf32>,
      %mul3A_2451 = arith.mulf %gather3A_2449, %gather3A_2450 : vector<16xf32>
      %slice3A_2452 = vector.extract_strided_slice %get3A_5 {offsets = [15], sizes = [1], strides = [1]} : vector<16xf32> to vector<1xf32>
      %squeeze3A_2453 = vector.extract %slice3A_2452[0] : f32 from vector<1xf32>
      %mul3A_2454 = vector.broadcast %squeeze3A_2453 : f32 to vector<16xf32>
      %mul3A_2455 = arith.mulf %mul3A_2451, %mul3A_2454 : vector<16xf32>
      %add3A_2456 = arith.addf %add3A_2446, %mul3A_2455 : vector<16xf32>
      %neg3A = arith.constant 0.000000e+00 : f32
      %neg3A_2457 = vector.broadcast %neg3A : f32 to vector<16xf32>
      %neg3A_2458 = arith.subf %neg3A_2457, %add3A_2456 : vector<16xf32>
      %exp3A = math.exp %neg3A_2458 : vector<16xf32>
      %add3A_2459 = arith.constant 1.000000e+00 : f32
      %add3A_2460 = vector.broadcast %add3A_2459 : f32 to vector<16xf32>
      %add3A_2461 = arith.addf %add3A_2460, %exp3A : vector<16xf32>
      %div3A = arith.constant 1.000000e+00 : f32
      %div3A_2462 = vector.broadcast %div3A : f32 to vector<16xf32>
      %div3A_2463 = arith.divf %div3A_2462, %add3A_2461 : vector<16xf32>
      %swap3A = arith.index_cast %mul3A_15 : i32 to index
      %swap3A_2464 = tpu.vector_load %arg15[%swap3A] {strides = array<i32>} : memref<512xf32, #tpu.memory_space<vmem>>, vector<16xf32>,
      tpu.vector_store %arg15[%swap3A], %div3A_2463 {strides = array<i32>} : memref<512xf32, #tpu.memory_space<vmem>>, vector<16xf32>,
    }
    %scan3A_12 = arith.constant 32 : i32
    "tpu.region"() ({
      %run_scoped3A = tpu.sem_alloc : memref<!tpu.dma_semaphore, #tpu.memory_space<semaphore_mem>>
      %dma_start3A = tpu.memref_slice %arg9[%mul3A_2] : memref<16384xf32, #tpu.memory_space<hbm>> -> memref<512xf32, #tpu.memory_space<hbm>>
      %dma_start3A_13 = tpu.memref_slice %arg9[%mul3A_2] : memref<16384xf32, #tpu.memory_space<hbm>> -> memref<512xf32, #tpu.memory_space<hbm>>
      tpu.enqueue_dma source(%arg15 : memref<512xf32, #tpu.memory_space<vmem>>) target(%dma_start3A_13 : memref<512xf32, #tpu.memory_space<hbm>>) target_semaphore(%run_scoped3A : memref<!tpu.dma_semaphore, #tpu.memory_space<semaphore_mem>>)
      %dma_wait3A = tpu.memref_slice %arg9[%mul3A_2] : memref<16384xf32, #tpu.memory_space<hbm>> -> memref<512xf32, #tpu.memory_space<hbm>>
      %dma_wait3A_14 = tpu.memref_slice %arg9[%mul3A_2] : memref<16384xf32, #tpu.memory_space<hbm>> -> memref<512xf32, #tpu.memory_space<hbm>>
      tpu.wait_dma2 semaphore(%run_scoped3A : memref<!tpu.dma_semaphore, #tpu.memory_space<semaphore_mem>>) src(%arg15 : memref<512xf32, #tpu.memory_space<vmem>>) dst(%dma_wait3A_14 : memref<512xf32, #tpu.memory_space<hbm>>)
      tpu.yield
    }) : () -> ()
    return
  }
}

</mosaic_0001>

<sc_bundles>
// kernel: kernel.3.cloned.1.call-start
scs
__scs_entry_jumppad:
0x0: {  	(pc) =	sbr.rel $0x88, $3  }
0x1: {  	(tag) =	ssettag $0x0;
	lr =	simm.s32 $0x1  }
0x2: {  	[smem:$0x3F99] =	sst lr;
	_ =	strace $0xD0000000  }
0x3: {  	_ = 	snop  }
0x4: {  	_ = 	snop  }
0x5: {  	_ = 	snop  }
0x6: {  	_ = 	snop  }
0x7: {  	_ = 	snop  }
__scs_overlays_trampoline_lowered:
0x8: {  	[smem:$0x3FA8] =	sst s0  }
0x9: {  	[smem:$0x3FA9] =	sst s1  }
0xa: {  	[smem:$0x3FAA] =	sst s2  }
0xb: {  	[smem:$0x3FAB] =	sst s3  }
0xc: {  	[smem:$0x3FAC] =	sst s4  }
0xd: {  	[smem:$0x3FAD] =	sst s5  }
0xe: {  	[smem:$0x3FAE] =	sst s6  }
0xf: {  	[smem:$0x3FAF] =	sst s7  }
0x10: {  	[smem:$0x3FB0] =	sst s8  }
0x11: {  	[smem:$0x3FB1] =	sst s9;
	s0 =	simm.s32 @!p0 $0x0  }
0x12: {  	s1 =	sld [smem:$0x3F97];
	s0 =	simm.s32 @p0 $0x1  }
0x13: {  	[smem:$0x3FB2] =	sst s0;
	s0 =	simm.s32 @!p1 $0x0  }
0x14: {  	s2 =	sld [smem:$0x3F96];
	s0 =	simm.s32 @p1 $0x1  }
0x15: {  	[smem:$0x3FB3] =	sst s0;
	s0 =	simm.s32 @!p2 $0x0  }
0x16: {  	s3 =	sld [smem:$0x3FDB];
	s0 =	simm.s32 @p2 $0x1  }
0x17: {  	s4 =	simm.s32 $0x1BF5;
	[smem:$0x3FB5] =	sst s0  }
0x18: {  	s0 =	sld [smem:$0x3F98];
	_ =	swait.ge [sflag:s4], $0x0  }
0x19: {  	s7 =	sld [smem:$0x3F99]  }
0x1a: {  	s8 =	sadd.s32 $0xFFFFE003, lr  }
0x1b: {  	s9 =	sadd.s32 $0xFFFFFEF7, lr;
	s5 =	simm.s32 $0xFFFFFFFF;
	p2 =	slt.u32 s8, $0xFFFFF086  }
0x1c: {  	p1 =	slt.u32 s9, $0xF7A;
	s5 =	simm.s32 @!p2 $0x0  }
0x1d: {  	s5 =	simm.s32 @p1 $0x1;
	p0 =	seq.s32 s7, s2  }
0x1e: {  	s7 =	smul.u32 @!p0 $0xF7A, s2;
	p2 =	seq.s32 @!p0 s5, $0x0  }
0x1f: {  	s9 =	smul.u32 $0xF7A, s1;
	s8 =	simm.s32 @!p0 $0x1BF5;
	p2 =	por !p2, p0  }
0x20: {  	[sflag:s8] =	ssyncset.s32 @!p0 $0xFFFFF086;
	s6 =	sadd.s32 @!p0 s3, s7;
	s7 =	simm.s32 @!p0 $0x108  }
0x21: {  	s3 =	sadd.s32 s3, s9;
	s6 =	sadd.s32 @!p0 $0x88, s6;
	s7 =	simm.s32 @p2 $0x1082  }
0x22: {  	[simem:s7], [sflag:s8] =	dma.local @!p0 [hbm:s6], $0xF7A  }
0x23: {  	s9 =	sor.u32 $0xD0000000, s2;
	s6 =	simm.s32 $0x108;
	_ =	swait.ge @!p0 [sflag:s8], $0x0  }
0x24: {  	s3 =	sadd.s32 $0x88, s3;
	s6 =	simm.s32 @!p1 $0x1082;
	[sflag:s4] =	ssyncset.s32 $0xFFFFF086  }
0x25: {  	[simem:s6], [sflag:s4] =	dma.local [hbm:s3], $0xF7A  }
0x26: {  	[smem:$0x3F99] =	sst s1;
	(tag) =	ssettag s2;
	_ =	strace s9  }
0x27: {  	s1 =	sld [smem:$0x3FA9]  }
0x28: {  	s2 =	sld [smem:$0x3FAA]  }
0x29: {  	s4 =	sld [smem:$0x3FAC]  }
0x2a: {  	p0 =	seq.s32 s5, $0x0;
	s5 =	sld [smem:$0x3FAD]  }
0x2b: {  	s6 =	sld [smem:$0x3FAE]  }
0x2c: {  	s7 =	sld [smem:$0x3FAF]  }
0x2d: {  	s3 =	simm.s32 $0x108;
	s8 =	sld [smem:$0x3FB0]  }
0x2e: {  	s3 =	simm.s32 @!p0 $0x1082;
	s9 =	sld [smem:$0x3FB1]  }
0x2f: {  	lr =	sadd.s32 s0, s3;
	s0 =	sld [smem:$0x3FA8]  }
0x30: {  	s3 =	sld [smem:$0x3FAB]  }
0x31: {  	[smem:$0x3FB4] =	sst s10  }
0x32: {  	s10 =	sld [smem:$0x3FB2];
	_ =	sdelay $0x3  }
0x33: {  	p0 =	seq.s32 s10, $0x1;
	s10 =	sld [smem:$0x3FB4];
	_ =	sdelay $0x3  }
0x34: {  	[smem:$0x3FB4] =	sst s10  }
0x35: {  	s10 =	sld [smem:$0x3FB3];
	_ =	sdelay $0x3  }
0x36: {  	p1 =	seq.s32 s10, $0x1;
	s10 =	sld [smem:$0x3FB4];
	_ =	sdelay $0x3  }
0x37: {  	[smem:$0x3FB4] =	sst s10  }
0x38: {  	s10 =	sld [smem:$0x3FB5]  }
0x39: {  	_ = 	snop;
	(pc) =	sbr.ind lr, $3  }
0x3a: {  	_ = 	snop  }
0x3b: {  	_ = 	snop  }
0x3c: {  	p2 =	seq.s32 s10, $0x1;
	s10 =	sld [smem:$0x3FB4]  }
0x3d: {  	_ =	shalt  }
0x3e: {  	_ =	shalt  }
0x3f: {  	_ =	shalt  }
0x40: {  	_ =	shalt  }
0x41: {  	_ =	shalt  }
0x42: {  	_ =	shalt  }
0x43: {  	_ =	shalt  }
0x44: {  	_ =	shalt  }
0x45: {  	_ =	shalt  }
0x46: {  	_ =	shalt  }
0x47: {  	_ =	shalt  }
0x48: {  	_ =	shalt  }
0x49: {  	_ =	shalt  }
0x4a: {  	_ =	shalt  }
0x4b: {  	_ =	shalt  }
0x4c: {  	_ =	shalt  }
0x4d: {  	_ =	shalt  }
0x4e: {  	_ =	shalt  }
0x4f: {  	_ =	shalt  }
0x50: {  	_ =	shalt  }
0x51: {  	_ =	shalt  }
0x52: {  	_ =	shalt  }
0x53: {  	_ =	shalt  }
0x54: {  	_ =	shalt  }
0x55: {  	_ =	shalt  }
0x56: {  	_ =	shalt  }
0x57: {  	_ =	shalt  }
0x58: {  	_ =	shalt  }
0x59: {  	_ =	shalt  }
0x5a: {  	_ =	shalt  }
0x5b: {  	_ =	shalt  }
0x5c: {  	_ =	shalt  }
0x5d: {  	_ =	shalt  }
0x5e: {  	_ =	shalt  }
0x5f: {  	_ =	shalt  }
0x60: {  	_ =	shalt  }
0x61: {  	_ =	shalt  }
0x62: {  	_ =	shalt  }
0x63: {  	_ =	shalt  }
0x64: {  	_ =	shalt  }
0x65: {  	_ =	shalt  }
0x66: {  	_ =	shalt  }
0x67: {  	_ =	shalt  }
0x68: {  	_ =	shalt  }
0x69: {  	_ =	shalt  }
0x6a: {  	_ =	shalt  }
0x6b: {  	_ =	shalt  }
0x6c: {  	_ =	shalt  }
0x6d: {  	_ =	shalt  }
0x6e: {  	_ =	shalt  }
0x6f: {  	_ =	shalt  }
0x70: {  	_ =	shalt  }
0x71: {  	_ =	shalt  }
0x72: {  	_ =	shalt  }
0x73: {  	_ =	shalt  }
0x74: {  	_ =	shalt  }
0x75: {  	_ =	shalt  }
0x76: {  	_ =	shalt  }
0x77: {  	_ =	shalt  }
0x78: {  	_ =	shalt  }
0x79: {  	_ =	shalt  }
0x7a: {  	_ =	shalt  }
0x7b: {  	_ =	shalt  }
0x7c: {  	_ =	shalt  }
0x7d: {  	_ =	shalt  }
0x7e: {  	_ =	shalt  }
0x7f: {  	_ =	shalt  }
0x80: {  	_ =	shalt  }
0x81: {  	_ =	shalt  }
0x82: {  	_ =	shalt  }
0x83: {  	_ =	shalt  }
0x84: {  	_ =	shalt  }
0x85: {  	_ =	shalt  }
0x86: {  	_ =	shalt  }
0x87: {  	_ =	shalt  }
.Lfunc_end0:
.L_simem_size_0:
called_computation_lowered:
.L_overlay_start_0:
0x88: {  	s2 =	sld [smem:$0x3FD9]  }
0x89: {  	s3 =	sld [smem:$0x3FFE];
	_ =	sdelay $0x1  }
0x8a: {  	s1 =	srdreg.scid  }
0x8b: {  	s0 =	sand.u32 $0x1, s1  }
0x8c: {  	s17 =	sshll.u32 s0, $0xA;
	s2 =	sadd.s32 s3, s2  }
0x8d: {  	s2 =	sadd.s32 s2, s17  }
0x8e: {  	[smem:$0x3FC0] =	sst s2  }
0x8f: {  	_ = 	snop  }
0x90: {  	s2 =	sld [smem:$0x3FC9]  }
0x91: {  	s18 =	sld [smem:$0x3FC8]  }
0x92: {  	s4 =	sld [smem:$0x3FC7]  }
0x93: {  	s5 =	sld [smem:$0x3FC6]  }
0x94: {  	s6 =	sld [smem:$0x3FC5]  }
0x95: {  	s7 =	sld [smem:$0x3FC4]  }
0x96: {  	s8 =	sld [smem:$0x3FD0];
	(tm) =	ssettm $0x1  }
0x97: {  	s9 =	sld [smem:$0x3FFB];
	_ =	sdelay $0x3  }
0x98: {  	_ =	strace s9  }
0x99: {  	s9 =	sld [smem:$0x3FFC];
	_ =	sdelay $0x3  }
0x9a: {  	_ =	strace s9  }
0x9b: {  	s9 =	sld [smem:$0x3FFD];
	_ =	sdelay $0x3  }
0x9c: {  	_ =	strace s9  }
0x9d: {  	_ =	strace $0x8FFFFFFF  }
0x9e: {  	s19 =	sld [smem:$0x3FDB];
	_ =	sdelay $0x1  }
0x9f: {  	s10 =	simm.s32 $_scs_section_size  }
0xa0: {  	s11 =	simm.s32 $_size__tile_overlayer_lowered;
	s12 =	simm.s32 $_tile_overlayer_lowered  }
0xa1: {  	s22 =	simm.s32 $0x1BFF;
	s21 =	sshll.u32 s12, $0x1;
	s9 =	sadd.s32 s10, s19  }
0xa2: {  	s13 =	simm.s32 $0x0;
	s20 =	sshll.u32 s11, $0x1;
	s11 =	sadd.s32 s21, s9  }
0xa3: {  	[timem:s13], [sflag:s22] =	dma.local [hbm:s11], s20  }
0xa4: {  	_ =	swait.ge [sflag:s22], s20  }
0xa5: {  	s10 =	ssub.s32 $0x0, s20;
	[sflag:s22] =	ssyncset.done $0x0  }
0xa6: {  	[sflag:s22] =	ssyncadd.s32 s10;
	_ =	sdelay $0x1  }
0xa7: {  	s23 =	simm.s32 $0x1B8B  }
0xa8: {  	_ =	swait.ge [sflag:s23], $0x1  }
0xa9: {  	[sflag:s23] =	ssyncset.done $0x0  }
0xaa: {  	s25 =	simm.s32 $0x1B8E;
	s24 =	sld [smem:$0x3FFE];
	[sflag:s23] =	ssyncadd.s32 $0xFFFFFFFF  }
0xab: {  	s26 =	simm.s32 $execute0_lowered;
	[smem:$0x3FD2] =	sst s25  }
0xac: {  	s11 =	sshll.u32 s26, $0x1;
	_ =	strace $0x80000046;
	[dreg:$0x1] =	wrdreg $0xFFFFFFFF  }
0xad: {  	s28 =	simm.s32 $_size_execute0_lowered;
	s9 =	sadd.s32 s9, s11;
	[dreg:$0x0] =	wrdreg $0x0  }
0xae: {  	s11 =	sshll.u32 s28, $0x1;
	[dreg:$0x2] =	wrdreg s9  }
0xaf: {  	[dreg:$0x3] =	wrdreg s11  }
0xb0: {  	[dreg:$0x4] =	wrdreg $0xC0  }
0xb1: {  	_ =	task [dreg:s13], $0x5FFFF  }
0xb2: {  	[dreg:$0x1] =	wrdreg $0xFFFFFFFF  }
0xb3: {  	[dreg:$0x0] =	wrdreg $0x60  }
0xb4: {  	[dreg:$0x2] =	wrdreg s2  }
0xb5: {  	[dreg:$0x3] =	wrdreg s18  }
0xb6: {  	[dreg:$0x4] =	wrdreg s4  }
0xb7: {  	[dreg:$0x5] =	wrdreg s5  }
0xb8: {  	[dreg:$0x6] =	wrdreg s6  }
0xb9: {  	[dreg:$0x7] =	wrdreg s7  }
0xba: {  	[dreg:$0x8] =	wrdreg s24  }
0xbb: {  	[dreg:$0x9] =	wrdreg s8  }
0xbc: {  	[dreg:$0xa] =	wrdreg $0x9  }
0xbd: {  	_ =	task.clear_ibuf [dreg:s13], $0xBFFFF;
	_ =	strace $0x90000046  }
0xbe: {  	s29 =	simm.s32 $0x9;
	_ =	strace $0x80000048  }
0xbf: {  	_ =	swait.ge [sflag:s29], $0x1  }
0xc0: {  	[sflag:s29] =	ssyncadd.s32 $0xFFFFFFFF  }
0xc1: {  	_ =	strace $0x90000048  }
0xc2: {  	_ =	sfence  }
0xc3: {  	s30 =	sld [smem:$0x0];
	_ =	sdelay $0x2  }
0xc4: {  	s31 =	sshll.u32 s1, $0xD;
	s1 =	sshrl.u32 s1, $0x2  }
0xc5: {  	s3 =	sand.u32 $0x4000, s31;
	s1 =	sadd.s32 s1, s30  }
0xc6: {  	s0 =	sor.u32 s3, s0;
	s1 =	sshll.u32 s1, $0x11  }
0xc7: {  	s0 =	sor.u32 s1, s0  }
0xc8: {  	s0 =	sadd.s32 $0x8F2B, s0  }
0xc9: {  	[sflag:s0] =	ssyncadd.remote.s32 $0x1  }
0xca: {  	_ =	sfence.sel $0xFFFF  }
0xcb: {  	[dreg:$0x0] =	wrdreg $0xFFFFFFFF;
	(pc) =	sbr.abs _section_cstart, $3  }
0xcc: {  	[dreg:$0x1] =	wrdreg $0xFFFFFFFF  }
0xcd: {  	_ =	task.clear_ibuf [dreg:s13], $0x2FFFF;
	_ =	strace $0x9FFFFFFF  }
0xce: {  	(tm) =	ssettm $0x7FFFFFFF  }
0xcf: {  	_ =	shalt  }
tec
execute0_lowered:
.L_overlay_start_1:
0x0: {  	(tag) =	ssettag $0x1  }
0x1: {  	s0 =	rddreg [dreg:$0x0]  }
0x2: {  	s1 =	rddreg [dreg:$0x1]  }
0x3: {  	s13 =	rddreg [dreg:$0x2]  }
0x4: {  	s2 =	rddreg [dreg:$0x3]  }
0x5: {  	s3 =	rddreg [dreg:$0x4]  }
0x6: {  	s4 =	rddreg [dreg:$0x5]  }
0x7: {  	s5 =	rddreg [dreg:$0x6]  }
0x8: {  	s6 =	rddreg [dreg:$0x7];
	s12 =	simm.s32 $0x0  }
0x9: {  	s7 =	srdreg.scid;
	s10 =	stileid.u32;
	s15 =	simm.s32 $0x7A1400  }
0xa: {  	s16 =	simm.s32 $0x400;
	s17 =	simm.s32 $0x8400;
	s8 =	simm.s32 $0x9C00  }
0xb: {  	s14 =	simm.s32 $0x2400;
	s19 =	simm.s32 $0x2C00;
	s20 =	simm.s32 $0xAC00  }
0xc: {  	v0 =	vlaneseq.u32;
	s21 =	simm.s32 $0x3400;
	s22 =	simm.s32 $0xB400;
	s23 =	simm.s32 $0xBC00  }
0xd: {  	s24 =	simm.s32 $0x1;
	[smem:$0x7FF] =	sst s12;
	s7 =	sand.u32 $0x1, s7;
	v2 =	vmul.u32 $0x800, v0  }
0xe: {  	s10 =	sshll.u32 s10, $0x7;
	s5 =	sadd.s32 $0x400, s5;
	s9 =	ssub.s32 $0x2, s7  }
0xf: {  	s7 =	sshll.u32 s7, $0x6;
	_ =	strace $0x80000047;
	[dreg:$0x9] =	wrdreg s5;
	v3 =	vor.u32 $0x80, v2;
	[tilespmem:$0x1FF90] =	vst v2  }
0x10: {  	s5 =	simm.s32 $0x2;
	s11 =	sshrl.u32 s9, $0x1;
	s7 =	sor.u32 s7, s10;
	v4 =	vor.u32 $0x100, v2;
	[tilespmem:$0x1FFA0] =	vst v3  }
0x11: {  	s10 =	simm.s32 $0x8C00;
	v5 =	vor.u32 $0x180, v2;
	s28 =	ssub.s32 s9, s11;
	s0 =	sadd.s32 s0, s7;
	[tilespmem:$0x1FFB0] =	vst v4  }
0x12: {  	v6 =	vor.u32 $0x200, v2;
	v7 =	vor.u32 $0x280, v2;
	v9 =	vor.u32 $0x300, v2;
	s29 =	sadd.s32 s1, s7;
	s30 =	sadd.s32 s6, s7;
	[tilespmem:$0x1FFC0] =	vst v5;
	[dreg:$0xa] =	wrdreg s0  }
0x13: {  	v19 =	vor.u32 $0x380, v2;
	v36 =	vor.u32 $0x400, v2;
	v37 =	vor.u32 $0x480, v2;
	s6 =	simm.s32 $0xC00;
	s7 =	simm.s32 $0x1400;
	[tilespmem:$0x1FFD0] =	vst v6;
	[dreg:$0xb] =	wrdreg s29  }
0x14: {  	v38 =	vor.u32 $0x500, v2;
	v40 =	vor.u32 $0x580, v2;
	v49 =	vor.u32 $0x700, v2;
	s11 =	simm.s32 $0x9400;
	[tilespmem:$0x1FFE0] =	vst v7;
	[dreg:$0xc] =	wrdreg s30;
	s31 =	smax.u32 s28, $0x1  }
0x15: {  	v42 =	vor.u32 $0x600, v2;
	v44 =	vor.u32 $0x680, v2;
	v51 =	vor.u32 $0x780, v2;
	s9 =	simm.s32 $0x3C00;
	s1 =	simm.s32 $0x0;
	[tilespmem:$0x1FFF0] =	vst v49;
	[dreg:$0xd] =	wrdreg s31  }
.LBB2_1:
0x16: {  	[dreg:$0xe] =	wrdreg s1  }
0x17: {  	s0 =	rddreg [dreg:$0x9];
	s28 =	simm.s32 $0x10400  }
0x18: {  	[tilespmem:s28], [sflag:$0x2] =	stream.linear.gather [hbm4b:s0+s12], $0x80, $0x38;
	[tilespmem:$0x10680] =	vst v63  }
0x19: {  	_ =	swait.ge [sflag:s5], $0x80  }
0x1a: {  	[sflag:s5] =	ssyncset.done $0x0  }
0x1b: {  	s29 =	rddreg [dreg:$0xa];
	[sflag:s5] =	ssyncadd.s32 $0xFFFFFF80  }
0x1c: {  	[tilespmem:s12], [sflag:$0x2] =	stream.linear.gather [hbm4b:s29+s12], $0x200, $0x38;
	[tilespmem:$0x10680] =	vst v63  }
0x1d: {  	_ =	swait.ge [sflag:s5], $0x200  }
0x1e: {  	[sflag:s5] =	ssyncset.done $0x0  }
0x1f: {  	s31 =	simm.s32 $0x200;
	s30 =	rddreg [dreg:$0xb];
	[sflag:s5] =	ssyncadd.s32 $0xFFFFFE00  }
0x20: {  	[tilespmem:s31], [sflag:$0x2] =	stream.linear.gather [hbm4b:s30+s12], $0x200, $0x38;
	[tilespmem:$0x10680] =	vst v63  }
0x21: {  	_ =	swait.ge [sflag:s5], $0x200  }
0x22: {  	[sflag:s5] =	ssyncset.done $0x0  }
0x23: {  	[sflag:s5] =	ssyncadd.s32 $0xFFFFFE00  }
0x24: {  	v0 =	vld [tilespmem:$0x10400];
	_ =	sdelay $0x4  }
0x25: {  	v8 =	vbroadcast v0, $0x6  }
0x26: {  	v1 =	vbroadcast v0, $0x0  }
0x27: {  	[tilespmem:$0x1FDE0] =	vst v8;
	v8 =	vbroadcast v0, $0x7  }
0x28: {  	[tilespmem:$0x1FD80] =	vst v1;
	v1 =	vbroadcast v0, $0x1  }
0x29: {  	[tilespmem:$0x1FDF0] =	vst v8;
	v8 =	vbroadcast v0, $0x8  }
0x2a: {  	[tilespmem:$0x1FD90] =	vst v1;
	v1 =	vbroadcast v0, $0x2  }
0x2b: {  	[tilespmem:$0x1FE00] =	vst v8;
	v8 =	vbroadcast v0, $0x9  }
0x2c: {  	[tilespmem:$0x1FDA0] =	vst v1;
	v1 =	vbroadcast v0, $0x3  }
0x2d: {  	[tilespmem:$0x1FE10] =	vst v8;
	v8 =	vbroadcast v0, $0xA  }
0x2e: {  	[tilespmem:$0x1FDB0] =	vst v1;
	v1 =	vbroadcast v0, $0x4  }
0x2f: {  	[tilespmem:$0x1FE20] =	vst v8;
	v8 =	vbroadcast v0, $0xB  }
0x30: {  	[tilespmem:$0x1FDC0] =	vst v1;
	v1 =	vbroadcast v0, $0x5  }
0x31: {  	[tilespmem:$0x1FE30] =	vst v8;
	v8 =	vbroadcast v0, $0xC  }
0x32: {  	[tilespmem:$0x1FDD0] =	vst v1;
	v1 =	vld [tilespmem:$0x10410]  }
0x33: {  	[tilespmem:$0x1FE40] =	vst v8;
	v8 =	vbroadcast v0, $0xD;
	_ =	sdelay $0x1  }
0x34: {  	[tilespmem:$0x1FE50] =	vst v8;
	v8 =	vbroadcast v0, $0xE;
	v0 =	vbroadcast v0, $0xF;
	_ =	sdelay $0x1  }
0x35: {  	[tilespmem:$0x1FE70] =	vst v0;
	v0 =	vbroadcast v1, $0x0;
	_ =	sdelay $0x1  }
0x36: {  	[tilespmem:$0x1FE80] =	vst v0;
	v0 =	vbroadcast v1, $0x1;
	_ =	sdelay $0x1  }
0x37: {  	[tilespmem:$0x1FE90] =	vst v0;
	v0 =	vbroadcast v1, $0x2;
	_ =	sdelay $0x1  }
0x38: {  	[tilespmem:$0x1FEA0] =	vst v0;
	v0 =	vbroadcast v1, $0x3;
	_ =	sdelay $0x1  }
0x39: {  	[tilespmem:$0x1FEB0] =	vst v0;
	v0 =	vbroadcast v1, $0x4;
	_ =	sdelay $0x1  }
0x3a: {  	[tilespmem:$0x1FEC0] =	vst v0;
	v0 =	vbroadcast v1, $0x5;
	_ =	sdelay $0x1  }
0x3b: {  	[tilespmem:$0x1FED0] =	vst v0;
	v0 =	vbroadcast v1, $0x6;
	_ =	sdelay $0x1  }
0x3c: {  	[tilespmem:$0x1FEE0] =	vst v0;
	v0 =	vbroadcast v1, $0x7;
	_ =	sdelay $0x1  }
0x3d: {  	[tilespmem:$0x1FEF0] =	vst v0;
	v0 =	vbroadcast v1, $0x8;
	_ =	sdelay $0x1  }
0x3e: {  	[tilespmem:$0x1FF00] =	vst v0;
	v0 =	vbroadcast v1, $0x9;
	_ =	sdelay $0x1  }
0x3f: {  	[tilespmem:$0x1FF10] =	vst v0;
	v0 =	vbroadcast v1, $0xA;
	_ =	sdelay $0x1  }
0x40: {  	[tilespmem:$0x1FF20] =	vst v0;
	v0 =	vbroadcast v1, $0xB;
	_ =	sdelay $0x1  }
0x41: {  	[tilespmem:$0x1FF30] =	vst v0;
	v0 =	vbroadcast v1, $0xC;
	_ =	sdelay $0x1  }
0x42: {  	[tilespmem:$0x1FF40] =	vst v0;
	v0 =	vbroadcast v1, $0xD;
	_ =	sdelay $0x1  }
0x43: {  	[tilespmem:$0x1FF50] =	vst v0;
	v0 =	vld.msk [tilespmem:$0x10420 ss:$0x0], $0xffff;
	_ =	sdelay $0x4  }
0x44: {  	[tilespmem:$0x1FF60] =	vst v0;
	v0 =	vbroadcast v1, $0xE;
	_ =	sdelay $0x1  }
0x45: {  	[tilespmem:$0x1FF70] =	vst v0;
	v0 =	vbroadcast v1, $0xF  }
0x46: {  	[tilespmem:$0x1FE60] =	vst v8  }
0x47: {  	s25 =	simm.s32 $0x0;
	[tilespmem:$0x1FF80] =	vst v0  }
.LBB2_2:
0x48: {  	s0 =	sshra.s32 s25, $0x2  }
0x49: {  	v17 =	vld [tilespmem:s0+$0x0];
	_ =	sdelay $0x2  }
0x4a: {  	v16 =	vld [tilespmem:s0+$0x200];
	_ =	sdelay $0x1  }
0x4b: {  	(v2sf) =	vpush v17, $0x0;
	_ =	sdelay $0x2  }
0x4c: {  	(v2sf) =	vpush v16, $0x0  }
0x4d: {  	(v2sf) =	vpush v17, $0x1;
	_ =	sdelay $0x4  }
0x4e: {  	(v2sf) =	vpush v16, $0x1;
	_ =	sdelay $0x1  }
0x4f: {  	(v2sf) =	vpush v17, $0x2;
	_ =	sdelay $0x3  }
0x50: {  	s5 =	spop (v2sf);
	(v2sf) =	vpush v16, $0x2;
	_ =	sdelay $0x2  }
0x51: {  	s12 =	spop (v2sf);
	(v2sf) =	vpush v17, $0x3  }
0x52: {  	s18 =	spop (v2sf);
	(v2sf) =	vpush v16, $0x3  }
0x53: {  	[dreg:$0xf] =	wrdreg s0;
	s1 =	sand.u32 $0xFFFFF80, s5  }
0x54: {  	[dreg:$0x10] =	wrdreg s1;
	s1 =	sadd.s32 s3, s1;
	s0 =	sand.u32 $0xFFFFF80, s12  }
0x55: {  	[tilespmem:s16], [sflag:$0x1] =	stream.strided.gather [hbm4b:s1+s16], $0x800, s15, s16, $0x38;
	[tilespmem:$0x10680] =	vst v63  }
0x56: {  	[dreg:$0x11] =	wrdreg s0  }
0x57: {  	s0 =	sadd.s32 s4, s0;
	s26 =	sand.u32 $0xFFFFF80, s18;
	s28 =	spop (v2sf)  }
0x58: {  	(v2sf) =	vpush v17, $0x4;
	[tilespmem:s17], [sflag:$0x1] =	stream.strided.gather [hbm4b:s0+s16], $0x800, s15, s16, $0x38;
	[tilespmem:$0x10680] =	vst v63  }
0x59: {  	s1 =	sadd.s32 s3, s26;
	s29 =	spop (v2sf);
	s0 =	sand.u32 $0xFFFFF80, s28  }
0x5a: {  	[tilespmem:s6], [sflag:$0x1] =	stream.strided.gather [hbm4b:s1+s16], $0x800, s15, s16, $0x38;
	[tilespmem:$0x10680] =	vst v63  }
0x5b: {  	(v2sf) =	vpush v16, $0x4;
	s30 =	sand.u32 $0xFFFFF80, s29;
	[dreg:$0x13] =	wrdreg s0;
	s0 =	sadd.s32 s4, s0  }
0x5c: {  	[tilespmem:s10], [sflag:$0x1] =	stream.strided.gather [hbm4b:s0+s16], $0x800, s15, s16, $0x38;
	[tilespmem:$0x10680] =	vst v63  }
0x5d: {  	s1 =	sadd.s32 s3, s30;
	s31 =	spop (v2sf);
	(v2sf) =	vpush v17, $0x5  }
0x5e: {  	[tilespmem:s7], [sflag:$0x1] =	stream.strided.gather [hbm4b:s1+s16], $0x800, s15, s16, $0x38;
	[tilespmem:$0x10680] =	vst v63  }
0x5f: {  	s0 =	sand.u32 $0xFFFFF80, s31  }
0x60: {  	s5 =	spop (v2sf);
	[dreg:$0x15] =	wrdreg s0  }
0x61: {  	(v2sf) =	vpush v16, $0x5;
	s0 =	sadd.s32 s4, s0;
	s6 =	sand.u32 $0xFFFFF80, s5;
	s7 =	spop (v2sf)  }
0x62: {  	[tilespmem:s11], [sflag:$0x1] =	stream.strided.gather [hbm4b:s0+s16], $0x800, s15, s16, $0x38;
	[tilespmem:$0x10680] =	vst v63  }
0x63: {  	s5 =	simm.s32 $0x1C00;
	(v2sf) =	vpush v17, $0x6;
	s1 =	sadd.s32 s3, s6;
	s0 =	sand.u32 $0xFFFFF80, s7  }
0x64: {  	[tilespmem:s5], [sflag:$0x1] =	stream.strided.gather [hbm4b:s1+s16], $0x800, s15, s16, $0x38;
	[tilespmem:$0x10680] =	vst v63  }
0x65: {  	[dreg:$0x17] =	wrdreg s0;
	s0 =	sadd.s32 s4, s0  }
0x66: {  	[tilespmem:s8], [sflag:$0x1] =	stream.strided.gather [hbm4b:s0+s16], $0x800, s15, s16, $0x38;
	[tilespmem:$0x10680] =	vst v63  }
0x67: {  	s8 =	spop (v2sf);
	(v2sf) =	vpush v16, $0x6;
	_ =	sdelay $0x1  }
0x68: {  	s10 =	sand.u32 $0xFFFFF80, s8  }
0x69: {  	s11 =	spop (v2sf);
	(v2sf) =	vpush v17, $0x7;
	s1 =	sadd.s32 s3, s10  }
0x6a: {  	[tilespmem:s14], [sflag:$0x1] =	stream.strided.gather [hbm4b:s1+s16], $0x800, s15, s16, $0x38;
	[tilespmem:$0x10680] =	vst v63  }
0x6b: {  	s14 =	spop (v2sf);
	(v2sf) =	vpush v16, $0x7  }
0x6c: {  	s0 =	sand.u32 $0xFFFFF80, s11  }
0x6d: {  	s12 =	simm.s32 $0xA400;
	[dreg:$0x19] =	wrdreg s0;
	s0 =	sadd.s32 s4, s0  }
0x6e: {  	[tilespmem:s12], [sflag:$0x1] =	stream.strided.gather [hbm4b:s0+s16], $0x800, s15, s16, $0x38;
	[tilespmem:$0x10680] =	vst v63  }
0x6f: {  	[dreg:$0x12] =	wrdreg s26;
	s26 =	spop (v2sf);
	(v2sf) =	vpush v17, $0x8  }
0x70: {  	s18 =	sand.u32 $0xFFFFF80, s14  }
0x71: {  	s1 =	sadd.s32 s3, s18;
	s0 =	sand.u32 $0xFFFFF80, s26;
	s28 =	spop (v2sf);
	(v2sf) =	vpush v16, $0x8  }
0x72: {  	[tilespmem:s19], [sflag:$0x1] =	stream.strided.gather [hbm4b:s1+s16], $0x800, s15, s16, $0x38;
	[tilespmem:$0x10680] =	vst v63  }
0x73: {  	[dreg:$0x1b] =	wrdreg s0;
	s0 =	sadd.s32 s4, s0;
	s29 =	sand.u32 $0xFFFFF80, s28  }
0x74: {  	[tilespmem:s20], [sflag:$0x1] =	stream.strided.gather [hbm4b:s0+s16], $0x800, s15, s16, $0x38;
	[tilespmem:$0x10680] =	vst v63  }
0x75: {  	[dreg:$0x14] =	wrdreg s30;
	s1 =	sadd.s32 s3, s29;
	s30 =	spop (v2sf);
	(v2sf) =	vpush v17, $0x9  }
0x76: {  	[tilespmem:s21], [sflag:$0x1] =	stream.strided.gather [hbm4b:s1+s16], $0x800, s15, s16, $0x38;
	[tilespmem:$0x10680] =	vst v63  }
0x77: {  	s0 =	sand.u32 $0xFFFFF80, s30  }
0x78: {  	s31 =	spop (v2sf);
	(v2sf) =	vpush v16, $0x9;
	[dreg:$0x1d] =	wrdreg s0;
	s0 =	sadd.s32 s4, s0  }
0x79: {  	[tilespmem:s22], [sflag:$0x1] =	stream.strided.gather [hbm4b:s0+s16], $0x800, s15, s16, $0x38;
	[tilespmem:$0x10680] =	vst v63  }
0x7a: {  	s5 =	spop (v2sf);
	(v2sf) =	vpush v17, $0xA  }
0x7b: {  	[dreg:$0x16] =	wrdreg s6;
	s0 =	sand.u32 $0xFFFFF80, s31  }
0x7c: {  	[dreg:$0x1c] =	wrdreg s29;
	s1 =	sadd.s32 s3, s0  }
0x7d: {  	[tilespmem:s9], [sflag:$0x1] =	stream.strided.gather [hbm4b:s1+s16], $0x800, s15, s16, $0x38;
	[tilespmem:$0x10680] =	vst v63  }
0x7e: {  	[dreg:$0x1e] =	wrdreg s0;
	s0 =	sand.u32 $0xFFFFF80, s5;
	s28 =	spop (v2sf);
	(v2sf) =	vpush v16, $0xA  }
0x7f: {  	s6 =	simm.s32 $0x4400;
	[dreg:$0x1f] =	wrdreg s0  }
0x80: {  	s0 =	sadd.s32 s4, s0;
	s29 =	sand.u32 $0xFFFFF80, s28;
	s30 =	spop (v2sf)  }
0x81: {  	(v2sf) =	vpush v17, $0xB;
	[tilespmem:s23], [sflag:$0x1] =	stream.strided.gather [hbm4b:s0+s16], $0x800, s15, s16, $0x38;
	[tilespmem:$0x10680] =	vst v63  }
0x82: {  	s7 =	simm.s32 $0xC400;
	s1 =	sadd.s32 s3, s29;
	s0 =	sand.u32 $0xFFFFF80, s30  }
0x83: {  	[tilespmem:s6], [sflag:$0x1] =	stream.strided.gather [hbm4b:s1+s16], $0x800, s15, s16, $0x38;
	[tilespmem:$0x10680] =	vst v63  }
0x84: {  	[smem:$0x7FC] =	sst s0;
	s0 =	sadd.s32 s4, s0;
	s1 =	spop (v2sf);
	(v2sf) =	vpush v16, $0xB  }
0x85: {  	[tilespmem:s7], [sflag:$0x1] =	stream.strided.gather [hbm4b:s0+s16], $0x800, s15, s16, $0x38;
	[tilespmem:$0x10680] =	vst v63  }
0x86: {  	s5 =	sand.u32 $0xFFFFF80, s1  }
0x87: {  	s22 =	simm.s32 $0x4C00;
	s6 =	spop (v2sf);
	s1 =	sadd.s32 s3, s5  }
0x88: {  	[tilespmem:s22], [sflag:$0x1] =	stream.strided.gather [hbm4b:s1+s16], $0x800, s15, s16, $0x38;
	[tilespmem:$0x10680] =	vst v63  }
0x89: {  	s7 =	spop (v2sf);
	(v2sf) =	vpush v17, $0xC  }
0x8a: {  	s22 =	sand.u32 $0xFFFFF80, s6  }
0x8b: {  	s9 =	simm.s32 $0xCC00;
	s0 =	sadd.s32 s4, s22  }
0x8c: {  	[tilespmem:s9], [sflag:$0x1] =	stream.strided.gather [hbm4b:s0+s16], $0x800, s15, s16, $0x38;
	[tilespmem:$0x10680] =	vst v63  }
0x8d: {  	s9 =	spop (v2sf);
	(v2sf) =	vpush v16, $0xC;
	_ =	sdelay $0x2  }
0x8e: {  	[smem:$0x7FB] =	sst s29;
	s23 =	sand.u32 $0xFFFFF80, s7;
	s29 =	spop (v2sf);
	(v2sf) =	vpush v17, $0xD  }
0x8f: {  	[dreg:$0x18] =	wrdreg s10;
	s10 =	simm.s32 $0x5400;
	s1 =	sadd.s32 s3, s23  }
0x90: {  	[tilespmem:s10], [sflag:$0x1] =	stream.strided.gather [hbm4b:s1+s16], $0x800, s15, s16, $0x38;
	[tilespmem:$0x10680] =	vst v63  }
0x91: {  	s0 =	sand.u32 $0xFFFFF80, s9;
	s30 =	spop (v2sf);
	(v2sf) =	vpush v16, $0xD  }
0x92: {  	s11 =	simm.s32 $0xD400;
	s28 =	sadd.s32 s4, s0;
	s1 =	sand.u32 $0xFFFFF80, s29  }
0x93: {  	[tilespmem:s11], [sflag:$0x1] =	stream.strided.gather [hbm4b:s28+s16], $0x800, s15, s16, $0x38;
	[tilespmem:$0x10680] =	vst v63  }
0x94: {  	s12 =	simm.s32 $0x5C00;
	s6 =	sadd.s32 s3, s1  }
0x95: {  	[tilespmem:s12], [sflag:$0x1] =	stream.strided.gather [hbm4b:s6+s16], $0x800, s15, s16, $0x38;
	[tilespmem:$0x10680] =	vst v63  }
0x96: {  	s9 =	spop (v2sf);
	(v2sf) =	vpush v17, $0xE  }
0x97: {  	s28 =	sand.u32 $0xFFFFF80, s30  }
0x98: {  	s14 =	simm.s32 $0xDC00;
	[smem:$0x7FD] =	sst s5;
	s5 =	sadd.s32 s4, s28  }
0x99: {  	[tilespmem:s14], [sflag:$0x1] =	stream.strided.gather [hbm4b:s5+s16], $0x800, s15, s16, $0x38;
	[tilespmem:$0x10680] =	vst v63  }
0x9a: {  	s29 =	sand.u32 $0xFFFFF80, s9;
	s10 =	spop (v2sf);
	(v2sf) =	vpush v16, $0xE  }
0x9b: {  	s26 =	simm.s32 $0x6400;
	s5 =	sadd.s32 s3, s29;
	s30 =	sand.u32 $0xFFFFF80, s10  }
0x9c: {  	[tilespmem:s26], [sflag:$0x1] =	stream.strided.gather [hbm4b:s5+s16], $0x800, s15, s16, $0x38;
	[tilespmem:$0x10680] =	vst v63  }
0x9d: {  	s31 =	simm.s32 $0xE400;
	s11 =	spop (v2sf);
	s5 =	sadd.s32 s4, s30  }
0x9e: {  	(v2sf) =	vpush v17, $0xF;
	[tilespmem:s31], [sflag:$0x1] =	stream.strided.gather [hbm4b:s5+s16], $0x800, s15, s16, $0x38;
	[tilespmem:$0x10680] =	vst v63  }
0x9f: {  	s31 =	sand.u32 $0xFFFFF80, s11  }
0xa0: {  	s8 =	simm.s32 $0x6C00;
	s5 =	sadd.s32 s3, s31;
	s12 =	spop (v2sf);
	(v2sf) =	vpush v16, $0xF  }
0xa1: {  	[tilespmem:s8], [sflag:$0x1] =	stream.strided.gather [hbm4b:s5+s16], $0x800, s15, s16, $0x38;
	[tilespmem:$0x10680] =	vst v63  }
0xa2: {  	s26 =	sand.u32 $0xFFFFF80, s12  }
0xa3: {  	[dreg:$0x1a] =	wrdreg s18;
	s18 =	simm.s32 $0xEC00;
	s5 =	sadd.s32 s4, s26  }
0xa4: {  	[tilespmem:s18], [sflag:$0x1] =	stream.strided.gather [hbm4b:s5+s16], $0x800, s15, s16, $0x38;
	[tilespmem:$0x10680] =	vst v63  }
0xa5: {  	s14 =	spop (v2sf)  }
0xa6: {  	s5 =	sand.u32 $0xFFFFF80, s14  }
0xa7: {  	s19 =	simm.s32 $0x7400;
	s18 =	sadd.s32 s3, s5  }
0xa8: {  	[tilespmem:s19], [sflag:$0x1] =	stream.strided.gather [hbm4b:s18+s16], $0x800, s15, s16, $0x38;
	[tilespmem:$0x10680] =	vst v63  }
0xa9: {  	s19 =	spop (v2sf)  }
0xaa: {  	s12 =	sand.u32 $0xFFFFF80, s19  }
0xab: {  	s20 =	simm.s32 $0xF400;
	s7 =	sadd.s32 s4, s12  }
0xac: {  	[tilespmem:s20], [sflag:$0x1] =	stream.strided.gather [hbm4b:s7+s16], $0x800, s15, s16, $0x38;
	[tilespmem:$0x10680] =	vst v63  }
0xad: {  	s20 =	spop (v2sf)  }
0xae: {  	s14 =	sand.u32 $0xFFFFF80, s20  }
0xaf: {  	s21 =	simm.s32 $0x7C00;
	s6 =	spop (v2sf);
	s7 =	sadd.s32 s3, s14  }
0xb0: {  	[tilespmem:s21], [sflag:$0x1] =	stream.strided.gather [hbm4b:s7+s16], $0x800, s15, s16, $0x38;
	[tilespmem:$0x10680] =	vst v63  }
0xb1: {  	s7 =	sand.u32 $0xFFFFF80, s6  }
0xb2: {  	s10 =	simm.s32 $0xFC00;
	s8 =	sadd.s32 s4, s7  }
0xb3: {  	[tilespmem:s10], [sflag:$0x1] =	stream.strided.gather [hbm4b:s8+s16], $0x800, s15, s16, $0x38;
	[tilespmem:$0x10680] =	vst v63  }
0xb4: {  	_ =	swait.ge [sflag:s24], $0x800  }
0xb5: {  	[sflag:s24] =	ssyncset.done $0x0  }
0xb6: {  	[sflag:s24] =	ssyncadd.s32 $0xFFFFF800  }
0xb7: {  	_ =	swait.ge [sflag:s24], $0x800  }
0xb8: {  	[sflag:s24] =	ssyncset.done $0x0  }
0xb9: {  	[sflag:s24] =	ssyncadd.s32 $0xFFFFF800  }
0xba: {  	_ =	swait.ge [sflag:s24], $0x800  }
0xbb: {  	[sflag:s24] =	ssyncset.done $0x0  }
0xbc: {  	[sflag:s24] =	ssyncadd.s32 $0xFFFFF800  }
0xbd: {  	_ =	swait.ge [sflag:s24], $0x800  }
0xbe: {  	[sflag:s24] =	ssyncset.done $0x0  }
0xbf: {  	[sflag:s24] =	ssyncadd.s32 $0xFFFFF800  }
0xc0: {  	_ =	swait.ge [sflag:s24], $0x800  }
0xc1: {  	[sflag:s24] =	ssyncset.done $0x0  }
0xc2: {  	[sflag:s24] =	ssyncadd.s32 $0xFFFFF800  }
0xc3: {  	_ =	swait.ge [sflag:s24], $0x800  }
0xc4: {  	[sflag:s24] =	ssyncset.done $0x0  }
0xc5: {  	[sflag:s24] =	ssyncadd.s32 $0xFFFFF800  }
0xc6: {  	_ =	swait.ge [sflag:s24], $0x800  }
0xc7: {  	[sflag:s24] =	ssyncset.done $0x0  }
0xc8: {  	[sflag:s24] =	ssyncadd.s32 $0xFFFFF800  }
0xc9: {  	_ =	swait.ge [sflag:s24], $0x800  }
0xca: {  	[sflag:s24] =	ssyncset.done $0x0  }
0xcb: {  	[sflag:s24] =	ssyncadd.s32 $0xFFFFF800  }
0xcc: {  	_ =	swait.ge [sflag:s24], $0x800  }
0xcd: {  	[sflag:s24] =	ssyncset.done $0x0  }
0xce: {  	[sflag:s24] =	ssyncadd.s32 $0xFFFFF800  }
0xcf: {  	_ =	swait.ge [sflag:s24], $0x800  }
0xd0: {  	[sflag:s24] =	ssyncset.done $0x0  }
0xd1: {  	[sflag:s24] =	ssyncadd.s32 $0xFFFFF800  }
0xd2: {  	_ =	swait.ge [sflag:s24], $0x800  }
0xd3: {  	[sflag:s24] =	ssyncset.done $0x0  }
0xd4: {  	[sflag:s24] =	ssyncadd.s32 $0xFFFFF800  }
0xd5: {  	_ =	swait.ge [sflag:s24], $0x800  }
0xd6: {  	[sflag:s24] =	ssyncset.done $0x0  }
0xd7: {  	[sflag:s24] =	ssyncadd.s32 $0xFFFFF800  }
0xd8: {  	_ =	swait.ge [sflag:s24], $0x800  }
0xd9: {  	[sflag:s24] =	ssyncset.done $0x0  }
0xda: {  	[sflag:s24] =	ssyncadd.s32 $0xFFFFF800  }
0xdb: {  	_ =	swait.ge [sflag:s24], $0x800  }
0xdc: {  	[sflag:s24] =	ssyncset.done $0x0  }
0xdd: {  	[sflag:s24] =	ssyncadd.s32 $0xFFFFF800  }
0xde: {  	_ =	swait.ge [sflag:s24], $0x800  }
0xdf: {  	[sflag:s24] =	ssyncset.done $0x0  }
0xe0: {  	[sflag:s24] =	ssyncadd.s32 $0xFFFFF800  }
0xe1: {  	_ =	swait.ge [sflag:s24], $0x800  }
0xe2: {  	[sflag:s24] =	ssyncset.done $0x0  }
0xe3: {  	[sflag:s24] =	ssyncadd.s32 $0xFFFFF800  }
0xe4: {  	_ =	swait.ge [sflag:s24], $0x800  }
0xe5: {  	[sflag:s24] =	ssyncset.done $0x0  }
0xe6: {  	[sflag:s24] =	ssyncadd.s32 $0xFFFFF800  }
0xe7: {  	_ =	swait.ge [sflag:s24], $0x800  }
0xe8: {  	[sflag:s24] =	ssyncset.done $0x0  }
0xe9: {  	[sflag:s24] =	ssyncadd.s32 $0xFFFFF800  }
0xea: {  	_ =	swait.ge [sflag:s24], $0x800  }
0xeb: {  	[sflag:s24] =	ssyncset.done $0x0  }
0xec: {  	[sflag:s24] =	ssyncadd.s32 $0xFFFFF800  }
0xed: {  	_ =	swait.ge [sflag:s24], $0x800  }
0xee: {  	[sflag:s24] =	ssyncset.done $0x0  }
0xef: {  	[sflag:s24] =	ssyncadd.s32 $0xFFFFF800  }
0xf0: {  	_ =	swait.ge [sflag:s24], $0x800  }
0xf1: {  	[sflag:s24] =	ssyncset.done $0x0  }
0xf2: {  	[sflag:s24] =	ssyncadd.s32 $0xFFFFF800  }
0xf3: {  	_ =	swait.ge [sflag:s24], $0x800  }
0xf4: {  	[sflag:s24] =	ssyncset.done $0x0  }
0xf5: {  	[sflag:s24] =	ssyncadd.s32 $0xFFFFF800  }
0xf6: {  	_ =	swait.ge [sflag:s24], $0x800  }
0xf7: {  	[sflag:s24] =	ssyncset.done $0x0  }
0xf8: {  	[sflag:s24] =	ssyncadd.s32 $0xFFFFF800  }
0xf9: {  	_ =	swait.ge [sflag:s24], $0x800  }
0xfa: {  	[sflag:s24] =	ssyncset.done $0x0  }
0xfb: {  	[sflag:s24] =	ssyncadd.s32 $0xFFFFF800  }
0xfc: {  	_ =	swait.ge [sflag:s24], $0x800  }
0xfd: {  	[sflag:s24] =	ssyncset.done $0x0  }
0xfe: {  	[sflag:s24] =	ssyncadd.s32 $0xFFFFF800  }
0xff: {  	_ =	swait.ge [sflag:s24], $0x800  }
0x100: {  	[sflag:s24] =	ssyncset.done $0x0  }
0x101: {  	[sflag:s24] =	ssyncadd.s32 $0xFFFFF800  }
0x102: {  	_ =	swait.ge [sflag:s24], $0x800  }
0x103: {  	[sflag:s24] =	ssyncset.done $0x0  }
0x104: {  	[sflag:s24] =	ssyncadd.s32 $0xFFFFF800  }
0x105: {  	_ =	swait.ge [sflag:s24], $0x800  }
0x106: {  	[sflag:s24] =	ssyncset.done $0x0  }
0x107: {  	[sflag:s24] =	ssyncadd.s32 $0xFFFFF800  }
0x108: {  	_ =	swait.ge [sflag:s24], $0x800  }
0x109: {  	[sflag:s24] =	ssyncset.done $0x0  }
0x10a: {  	[sflag:s24] =	ssyncadd.s32 $0xFFFFF800  }
0x10b: {  	_ =	swait.ge [sflag:s24], $0x800  }
0x10c: {  	[sflag:s24] =	ssyncset.done $0x0  }
0x10d: {  	[sflag:s24] =	ssyncadd.s32 $0xFFFFF800  }
0x10e: {  	v33 =	vand.u32 $0x7F, v17;
	_ =	swait.ge [sflag:s24], $0x800  }
0x10f: {  	v34 =	vand.u32 $0x7F, v16;
	v30 =	vor.u32 v2, v33;
	[sflag:s24] =	ssyncset.done $0x0  }
0x110: {  	v32 =	vor.u32 v2, v34;
	[sflag:s24] =	ssyncadd.s32 $0xFFFFF800  }
0x111: {  	v28 =	vor.u32 v3, v33;
	_ =	swait.ge [sflag:s24], $0x800  }
0x112: {  	v31 =	vor.u32 v3, v34;
	[sflag:s24] =	ssyncset.done $0x0  }
0x113: {  	v26 =	vor.u32 v4, v33;
	[sflag:s24] =	ssyncadd.s32 $0xFFFFF800  }
0x114: {  	v29 =	vor.u32 v4, v34;
	v8 =	vld.idx.msk [tilespmem:v30+s16+$0x0], $0xffff  }
0x115: {  	v59 =	vor.u32 v40, v34;
	v0 =	vld.idx.msk [tilespmem:v32+s17+$0x0], $0xffff  }
0x116: {  	v24 =	vor.u32 v5, v33;
	v10 =	vld.idx.msk [tilespmem:v28+s16+$0x0], $0xffff  }
0x117: {  	v27 =	vor.u32 v5, v34;
	v14 =	vld.idx.msk [tilespmem:v31+s17+$0x0], $0xffff  }
0x118: {  	v58 =	vor.u32 v38, v33;
	v11 =	vld.idx.msk [tilespmem:v26+s16+$0x0], $0xffff  }
0x119: {  	v54 =	vor.u32 v42, v33;
	v15 =	vld.idx.msk [tilespmem:v29+s17+$0x0], $0xffff  }
0x11a: {  	v56 =	vor.u32 v40, v33;
	v50 =	vld.idx.msk [tilespmem:v59+s17+$0x0], $0xffff  }
0x11b: {  	v22 =	vor.u32 v6, v33;
	v25 =	vor.u32 v6, v34;
	v6 =	vld.idx.msk [tilespmem:v24+s16+$0x0], $0xffff  }
0x11c: {  	v1 =	vld.idx.msk [tilespmem:v27+s17+$0x0], $0xffff  }
0x11d: {  	v20 =	vor.u32 v7, v33;
	v13 =	vld.idx.msk [tilespmem:v58+s16+$0x0], $0xffff  }
0x11e: {  	v57 =	vor.u32 v42, v34;
	v53 =	vld.idx.msk [tilespmem:v54+s16+$0x0], $0xffff  }
0x11f: {  	v55 =	vld.idx.msk [tilespmem:v56+s16+$0x0], $0xffff;
	[tilespmem:$0x1FD10] =	vst v50;
	v50 =	vor.u32 v49, v33  }
0x120: {  	v23 =	vor.u32 v7, v34;
	v18 =	vor.u32 v9, v33;
	v4 =	vld.idx.msk [tilespmem:v22+s16+$0x0], $0xffff  }
0x121: {  	v21 =	vor.u32 v9, v34;
	v12 =	vor.u32 v19, v34;
	v63 =	vor.u32 v37, v34;
	v2 =	vld.idx.msk [tilespmem:v25+s17+$0x0], $0xffff  }
0x122: {  	v61 =	vor.u32 v38, v34;
	v17 =	vor.u32 v36, v34;
	v35 =	vld.idx.msk [tilespmem:v20+s16+$0x0], $0xffff;
	[tilespmem:$0x1FCF0] =	vst v13  }
0x123: {  	v16 =	vor.u32 v19, v33;
	[tilespmem:$0x1FD20] =	vst v53;
	v53 =	vor.u32 v49, v34;
	v49 =	vld.idx.msk [tilespmem:v57+s17+$0x0], $0xffff  }
0x124: {  	[tilespmem:$0x1FD00] =	vst v55;
	v55 =	vor.u32 v44, v34;
	v13 =	vor.u32 v51, v34;
	v34 =	vld.idx.msk [tilespmem:v50+s16+$0x0], $0xffff  }
0x125: {  	v7 =	vld.idx.msk [tilespmem:v23+s17+$0x0], $0xffff  }
0x126: {  	v62 =	vor.u32 v36, v33;
	v41 =	vld.idx.msk [tilespmem:v18+s16+$0x0], $0xffff  }
0x127: {  	v5 =	vld.idx.msk [tilespmem:v21+s17+$0x0], $0xffff  }
0x128: {  	v52 =	vor.u32 v44, v33;
	v47 =	vld.idx.msk [tilespmem:v16+s16+$0x0], $0xffff;
	[tilespmem:$0x1FD30] =	vst v49  }
0x129: {  	v49 =	vor.u32 v51, v33;
	[tilespmem:$0x1FD50] =	vst v34;
	v34 =	vld.idx.msk [tilespmem:v53+s17+$0x0], $0xffff  }
0x12a: {  	v60 =	vor.u32 v37, v33;
	v3 =	vld.idx.msk [tilespmem:v12+s17+$0x0], $0xffff  }
0x12b: {  	v45 =	vld.idx.msk [tilespmem:v62+s16+$0x0], $0xffff  }
0x12c: {  	v39 =	vld.idx.msk [tilespmem:v17+s17+$0x0], $0xffff  }
0x12d: {  	v33 =	vld.idx.msk [tilespmem:v52+s16+$0x0], $0xffff  }
0x12e: {  	[tilespmem:$0x1FD60] =	vst v34;
	v34 =	vld.idx.msk [tilespmem:v49+s16+$0x0], $0xffff  }
0x12f: {  	v43 =	vld.idx.msk [tilespmem:v60+s16+$0x0], $0xffff  }
0x130: {  	v48 =	vld.idx.msk [tilespmem:v63+s17+$0x0], $0xffff  }
0x131: {  	s11 =	rddreg [dreg:$0x10];
	v46 =	vld.idx.msk [tilespmem:v61+s17+$0x0], $0xffff  }
0x132: {  	s19 =	rddreg [dreg:$0x11];
	s18 =	sadd.s32 s13, s11;
	[tilespmem:$0x1FD40] =	vst v33;
	v33 =	vld.idx.msk [tilespmem:v55+s17+$0x0], $0xffff  }
0x133: {  	[tilespmem:$0x1FD70] =	vst v34;
	v34 =	vld.idx.msk [tilespmem:v13+s17+$0x0], $0xffff;
	[tilespmem:s16], [sflag:$0x1] =	stream.strided.gather [hbm4b:s18+s16], $0x800, s15, s16, $0x38  }
0x134: {  	s21 =	rddreg [dreg:$0x12];
	s20 =	sadd.s32 s2, s19  }
0x135: {  	[tilespmem:s17], [sflag:$0x1] =	stream.strided.gather [hbm4b:s20+s16], $0x800, s15, s16, $0x38;
	[tilespmem:$0x10680] =	vst v63  }
0x136: {  	s8 =	simm.s32 $0xC00;
	s9 =	rddreg [dreg:$0x13];
	s6 =	sadd.s32 s13, s21  }
0x137: {  	[tilespmem:s8], [sflag:$0x1] =	stream.strided.gather [hbm4b:s6+s16], $0x800, s15, s16, $0x38;
	[tilespmem:$0x10680] =	vst v63  }
0x138: {  	s10 =	simm.s32 $0x8C00;
	s11 =	sadd.s32 s2, s9;
	s18 =	rddreg [dreg:$0x14]  }
0x139: {  	[tilespmem:s10], [sflag:$0x1] =	stream.strided.gather [hbm4b:s11+s16], $0x800, s15, s16, $0x38;
	[tilespmem:$0x10680] =	vst v63  }
0x13a: {  	s21 =	rddreg [dreg:$0x15];
	s19 =	sadd.s32 s13, s18;
	s20 =	simm.s32 $0x1400  }
0x13b: {  	[tilespmem:s20], [sflag:$0x1] =	stream.strided.gather [hbm4b:s19+s16], $0x800, s15, s16, $0x38;
	[tilespmem:$0x10680] =	vst v63  }
0x13c: {  	s18 =	rddreg [dreg:$0x16];
	s8 =	sadd.s32 s2, s21;
	s11 =	simm.s32 $0x9400  }
0x13d: {  	[tilespmem:s11], [sflag:$0x1] =	stream.strided.gather [hbm4b:s8+s16], $0x800, s15, s16, $0x38;
	[tilespmem:$0x10680] =	vst v63  }
0x13e: {  	s21 =	rddreg [dreg:$0x17];
	s19 =	sadd.s32 s13, s18;
	s20 =	simm.s32 $0x1C00  }
0x13f: {  	[tilespmem:s20], [sflag:$0x1] =	stream.strided.gather [hbm4b:s19+s16], $0x800, s15, s16, $0x38;
	[tilespmem:$0x10680] =	vst v63  }
0x140: {  	s6 =	sadd.s32 s2, s21;
	s18 =	rddreg [dreg:$0x18];
	s8 =	simm.s32 $0x9C00  }
0x141: {  	[tilespmem:s8], [sflag:$0x1] =	stream.strided.gather [hbm4b:s6+s16], $0x800, s15, s16, $0x38;
	[tilespmem:$0x10680] =	vst v63  }
0x142: {  	s21 =	rddreg [dreg:$0x19];
	s19 =	sadd.s32 s13, s18;
	s20 =	simm.s32 $0x2400  }
0x143: {  	[tilespmem:s20], [sflag:$0x1] =	stream.strided.gather [hbm4b:s19+s16], $0x800, s15, s16, $0x38;
	[tilespmem:$0x10680] =	vst v63  }
0x144: {  	s18 =	rddreg [dreg:$0x1a];
	s6 =	sadd.s32 s2, s21;
	s8 =	simm.s32 $0xA400  }
0x145: {  	[tilespmem:s8], [sflag:$0x1] =	stream.strided.gather [hbm4b:s6+s16], $0x800, s15, s16, $0x38;
	[tilespmem:$0x10680] =	vst v63  }
0x146: {  	s21 =	rddreg [dreg:$0x1b];
	s19 =	sadd.s32 s13, s18;
	s20 =	simm.s32 $0x2C00  }
0x147: {  	[tilespmem:s20], [sflag:$0x1] =	stream.strided.gather [hbm4b:s19+s16], $0x800, s15, s16, $0x38;
	[tilespmem:$0x10680] =	vst v63  }
0x148: {  	s18 =	rddreg [dreg:$0x1c];
	s6 =	sadd.s32 s2, s21;
	s8 =	simm.s32 $0xAC00  }
0x149: {  	[tilespmem:s8], [sflag:$0x1] =	stream.strided.gather [hbm4b:s6+s16], $0x800, s15, s16, $0x38;
	[tilespmem:$0x10680] =	vst v63  }
0x14a: {  	s21 =	rddreg [dreg:$0x1d];
	s19 =	sadd.s32 s13, s18;
	s20 =	simm.s32 $0x3400  }
0x14b: {  	[tilespmem:s20], [sflag:$0x1] =	stream.strided.gather [hbm4b:s19+s16], $0x800, s15, s16, $0x38;
	[tilespmem:$0x10680] =	vst v63  }
0x14c: {  	s18 =	rddreg [dreg:$0x1e];
	s6 =	sadd.s32 s2, s21;
	s8 =	simm.s32 $0xB400  }
0x14d: {  	[tilespmem:s8], [sflag:$0x1] =	stream.strided.gather [hbm4b:s6+s16], $0x800, s15, s16, $0x38;
	[tilespmem:$0x10680] =	vst v63  }
0x14e: {  	s9 =	simm.s32 $0x3C00;
	s19 =	rddreg [dreg:$0x1f];
	s6 =	sadd.s32 s13, s18  }
0x14f: {  	[tilespmem:s9], [sflag:$0x1] =	stream.strided.gather [hbm4b:s6+s16], $0x800, s15, s16, $0x38;
	[tilespmem:$0x10680] =	vst v63  }
0x150: {  	s20 =	simm.s32 $0xBC00;
	s6 =	sadd.s32 s2, s19  }
0x151: {  	[tilespmem:s20], [sflag:$0x1] =	stream.strided.gather [hbm4b:s6+s16], $0x800, s15, s16, $0x38;
	[tilespmem:$0x10680] =	vst v63  }
0x152: {  	s20 =	sld [smem:$0x7FB];
	_ =	sdelay $0x2  }
0x153: {  	s6 =	sadd.s32 s13, s20;
	s20 =	sld [smem:$0x7FC]  }
0x154: {  	s21 =	simm.s32 $0x4400  }
0x155: {  	[tilespmem:s21], [sflag:$0x1] =	stream.strided.gather [hbm4b:s6+s16], $0x800, s15, s16, $0x38;
	[tilespmem:$0x10680] =	vst v63  }
0x156: {  	s21 =	simm.s32 $0xC400;
	s6 =	sadd.s32 s2, s20  }
0x157: {  	[tilespmem:s21], [sflag:$0x1] =	stream.strided.gather [hbm4b:s6+s16], $0x800, s15, s16, $0x38;
	[tilespmem:$0x10680] =	vst v63  }
0x158: {  	s21 =	sld [smem:$0x7FD];
	_ =	sdelay $0x2  }
0x159: {  	s18 =	simm.s32 $0x4C00;
	s6 =	sadd.s32 s13, s21  }
0x15a: {  	[tilespmem:s18], [sflag:$0x1] =	stream.strided.gather [hbm4b:s6+s16], $0x800, s15, s16, $0x38;
	[tilespmem:$0x10680] =	vst v63  }
0x15b: {  	s18 =	simm.s32 $0xCC00;
	s6 =	sadd.s32 s2, s22  }
0x15c: {  	[tilespmem:s18], [sflag:$0x1] =	stream.strided.gather [hbm4b:s6+s16], $0x800, s15, s16, $0x38;
	[tilespmem:$0x10680] =	vst v63  }
0x15d: {  	s18 =	simm.s32 $0x5400;
	s6 =	sadd.s32 s13, s23  }
0x15e: {  	[tilespmem:s18], [sflag:$0x1] =	stream.strided.gather [hbm4b:s6+s16], $0x800, s15, s16, $0x38;
	[tilespmem:$0x10680] =	vst v63  }
0x15f: {  	s0 =	sadd.s32 s2, s0;
	s18 =	simm.s32 $0xD400  }
0x160: {  	[tilespmem:s18], [sflag:$0x1] =	stream.strided.gather [hbm4b:s0+s16], $0x800, s15, s16, $0x38;
	[tilespmem:$0x10680] =	vst v63  }
0x161: {  	s1 =	sadd.s32 s13, s1;
	s0 =	simm.s32 $0x5C00  }
0x162: {  	[tilespmem:s0], [sflag:$0x1] =	stream.strided.gather [hbm4b:s1+s16], $0x800, s15, s16, $0x38;
	[tilespmem:$0x10680] =	vst v63  }
0x163: {  	s28 =	sadd.s32 s2, s28;
	s0 =	simm.s32 $0xDC00  }
0x164: {  	[tilespmem:s0], [sflag:$0x1] =	stream.strided.gather [hbm4b:s28+s16], $0x800, s15, s16, $0x38;
	[tilespmem:$0x10680] =	vst v63  }
0x165: {  	s18 =	simm.s32 $0x6400;
	s1 =	sadd.s32 s13, s29  }
0x166: {  	[tilespmem:s18], [sflag:$0x1] =	stream.strided.gather [hbm4b:s1+s16], $0x800, s15, s16, $0x38;
	[tilespmem:$0x10680] =	vst v63  }
0x167: {  	s29 =	sadd.s32 s2, s30;
	s28 =	simm.s32 $0xE400  }
0x168: {  	[tilespmem:s28], [sflag:$0x1] =	stream.strided.gather [hbm4b:s29+s16], $0x800, s15, s16, $0x38;
	[tilespmem:$0x10680] =	vst v63  }
0x169: {  	s30 =	sadd.s32 s13, s31;
	s18 =	simm.s32 $0x6C00  }
0x16a: {  	[tilespmem:s18], [sflag:$0x1] =	stream.strided.gather [hbm4b:s30+s16], $0x800, s15, s16, $0x38;
	[tilespmem:$0x10680] =	vst v63  }
0x16b: {  	s28 =	simm.s32 $0xEC00;
	s29 =	sadd.s32 s2, s26  }
0x16c: {  	[tilespmem:s28], [sflag:$0x1] =	stream.strided.gather [hbm4b:s29+s16], $0x800, s15, s16, $0x38;
	[tilespmem:$0x10680] =	vst v63  }
0x16d: {  	s31 =	simm.s32 $0x7400;
	s30 =	sadd.s32 s13, s5  }
0x16e: {  	[tilespmem:s31], [sflag:$0x1] =	stream.strided.gather [hbm4b:s30+s16], $0x800, s15, s16, $0x38;
	[tilespmem:$0x10680] =	vst v63  }
0x16f: {  	s26 =	simm.s32 $0xF400;
	s28 =	sadd.s32 s2, s12  }
0x170: {  	[tilespmem:s26], [sflag:$0x1] =	stream.strided.gather [hbm4b:s28+s16], $0x800, s15, s16, $0x38;
	[tilespmem:$0x10680] =	vst v63  }
0x171: {  	s29 =	sadd.s32 s13, s14;
	s31 =	simm.s32 $0x7C00  }
0x172: {  	[tilespmem:s31], [sflag:$0x1] =	stream.strided.gather [hbm4b:s29+s16], $0x800, s15, s16, $0x38;
	[tilespmem:$0x10680] =	vst v63  }
0x173: {  	s18 =	simm.s32 $0xFC00;
	s30 =	sadd.s32 s2, s7  }
0x174: {  	[tilespmem:s18], [sflag:$0x1] =	stream.strided.gather [hbm4b:s30+s16], $0x800, s15, s16, $0x38;
	[tilespmem:$0x10680] =	vst v63  }
0x175: {  	_ =	swait.ge [sflag:s24], $0x800  }
0x176: {  	[sflag:s24] =	ssyncset.done $0x0  }
0x177: {  	[sflag:s24] =	ssyncadd.s32 $0xFFFFF800  }
0x178: {  	_ =	swait.ge [sflag:s24], $0x800  }
0x179: {  	[sflag:s24] =	ssyncset.done $0x0  }
0x17a: {  	[sflag:s24] =	ssyncadd.s32 $0xFFFFF800  }
0x17b: {  	_ =	swait.ge [sflag:s24], $0x800  }
0x17c: {  	[sflag:s24] =	ssyncset.done $0x0  }
0x17d: {  	[sflag:s24] =	ssyncadd.s32 $0xFFFFF800  }
0x17e: {  	_ =	swait.ge [sflag:s24], $0x800  }
0x17f: {  	[sflag:s24] =	ssyncset.done $0x0  }
0x180: {  	[sflag:s24] =	ssyncadd.s32 $0xFFFFF800  }
0x181: {  	_ =	swait.ge [sflag:s24], $0x800  }
0x182: {  	[sflag:s24] =	ssyncset.done $0x0  }
0x183: {  	[sflag:s24] =	ssyncadd.s32 $0xFFFFF800  }
0x184: {  	_ =	swait.ge [sflag:s24], $0x800  }
0x185: {  	[sflag:s24] =	ssyncset.done $0x0  }
0x186: {  	[sflag:s24] =	ssyncadd.s32 $0xFFFFF800  }
0x187: {  	_ =	swait.ge [sflag:s24], $0x800  }
0x188: {  	[sflag:s24] =	ssyncset.done $0x0  }
0x189: {  	[sflag:s24] =	ssyncadd.s32 $0xFFFFF800  }
0x18a: {  	_ =	swait.ge [sflag:s24], $0x800  }
0x18b: {  	[sflag:s24] =	ssyncset.done $0x0  }
0x18c: {  	[sflag:s24] =	ssyncadd.s32 $0xFFFFF800  }
0x18d: {  	_ =	swait.ge [sflag:s24], $0x800  }
0x18e: {  	[sflag:s24] =	ssyncset.done $0x0  }
0x18f: {  	[sflag:s24] =	ssyncadd.s32 $0xFFFFF800  }
0x190: {  	_ =	swait.ge [sflag:s24], $0x800  }
0x191: {  	[sflag:s24] =	ssyncset.done $0x0  }
0x192: {  	[sflag:s24] =	ssyncadd.s32 $0xFFFFF800  }
0x193: {  	_ =	swait.ge [sflag:s24], $0x800  }
0x194: {  	[sflag:s24] =	ssyncset.done $0x0  }
0x195: {  	[sflag:s24] =	ssyncadd.s32 $0xFFFFF800  }
0x196: {  	_ =	swait.ge [sflag:s24], $0x800  }
0x197: {  	[sflag:s24] =	ssyncset.done $0x0  }
0x198: {  	[sflag:s24] =	ssyncadd.s32 $0xFFFFF800  }
0x199: {  	_ =	swait.ge [sflag:s24], $0x800  }
0x19a: {  	[sflag:s24] =	ssyncset.done $0x0  }
0x19b: {  	[sflag:s24] =	ssyncadd.s32 $0xFFFFF800  }
0x19c: {  	_ =	swait.ge [sflag:s24], $0x800  }
0x19d: {  	[sflag:s24] =	ssyncset.done $0x0  }
0x19e: {  	[sflag:s24] =	ssyncadd.s32 $0xFFFFF800  }
0x19f: {  	_ =	swait.ge [sflag:s24], $0x800  }
0x1a0: {  	[sflag:s24] =	ssyncset.done $0x0  }
0x1a1: {  	[sflag:s24] =	ssyncadd.s32 $0xFFFFF800  }
0x1a2: {  	_ =	swait.ge [sflag:s24], $0x800  }
0x1a3: {  	[sflag:s24] =	ssyncset.done $0x0  }
0x1a4: {  	[sflag:s24] =	ssyncadd.s32 $0xFFFFF800  }
0x1a5: {  	_ =	swait.ge [sflag:s24], $0x800  }
0x1a6: {  	[sflag:s24] =	ssyncset.done $0x0  }
0x1a7: {  	[sflag:s24] =	ssyncadd.s32 $0xFFFFF800  }
0x1a8: {  	_ =	swait.ge [sflag:s24], $0x800  }
0x1a9: {  	[sflag:s24] =	ssyncset.done $0x0  }
0x1aa: {  	[sflag:s24] =	ssyncadd.s32 $0xFFFFF800  }
0x1ab: {  	_ =	swait.ge [sflag:s24], $0x800  }
0x1ac: {  	[sflag:s24] =	ssyncset.done $0x0  }
0x1ad: {  	[sflag:s24] =	ssyncadd.s32 $0xFFFFF800  }
0x1ae: {  	_ =	swait.ge [sflag:s24], $0x800  }
0x1af: {  	[sflag:s24] =	ssyncset.done $0x0  }
0x1b0: {  	[sflag:s24] =	ssyncadd.s32 $0xFFFFF800  }
0x1b1: {  	_ =	swait.ge [sflag:s24], $0x800  }
0x1b2: {  	[sflag:s24] =	ssyncset.done $0x0  }
0x1b3: {  	[sflag:s24] =	ssyncadd.s32 $0xFFFFF800  }
0x1b4: {  	_ =	swait.ge [sflag:s24], $0x800  }
0x1b5: {  	[sflag:s24] =	ssyncset.done $0x0  }
0x1b6: {  	[sflag:s24] =	ssyncadd.s32 $0xFFFFF800  }
0x1b7: {  	_ =	swait.ge [sflag:s24], $0x800  }
0x1b8: {  	[sflag:s24] =	ssyncset.done $0x0  }
0x1b9: {  	[sflag:s24] =	ssyncadd.s32 $0xFFFFF800  }
0x1ba: {  	_ =	swait.ge [sflag:s24], $0x800  }
0x1bb: {  	v8 =	vmul.f32 v0, v8;
	v0 =	vld [tilespmem:$0x1FD80];
	_ =	sdelay $0x1  }
0x1bc: {  	[sflag:s24] =	ssyncset.done $0x0  }
0x1bd: {  	[sflag:s24] =	ssyncadd.s32 $0xFFFFF800  }
0x1be: {  	_ =	swait.ge [sflag:s24], $0x800  }
0x1bf: {  	v8 =	vmul.f32 v8, v0;
	v0 =	vld [tilespmem:$0x1FF60];
	_ =	sdelay $0x4  }
0x1c0: {  	v8 =	vadd.f32 v8, v0;
	v0 =	vld [tilespmem:$0x1FD90];
	_ =	sdelay $0x1  }
0x1c1: {  	[sflag:s24] =	ssyncset.done $0x0  }
0x1c2: {  	v10 =	vmul.f32 v14, v10;
	[sflag:s24] =	ssyncadd.s32 $0xFFFFF800  }
0x1c3: {  	_ =	swait.ge [sflag:s24], $0x800  }
0x1c4: {  	v10 =	vmul.f32 v10, v0;
	v0 =	vld [tilespmem:$0x1FDA0];
	_ =	sdelay $0x2  }
0x1c5: {  	v11 =	vmul.f32 v15, v11;
	_ =	sdelay $0x1  }
0x1c6: {  	[sflag:s24] =	ssyncset.done $0x0;
	v8 =	vadd.f32 v10, v8;
	v10 =	vmul.f32 v11, v0;
	v0 =	vld [tilespmem:$0x1FDB0]  }
0x1c7: {  	[sflag:s24] =	ssyncadd.s32 $0xFFFFF800  }
0x1c8: {  	_ =	swait.ge [sflag:s24], $0x800  }
0x1c9: {  	v6 =	vmul.f32 v1, v6;
	[sflag:s24] =	ssyncset.done $0x0  }
0x1ca: {  	[sflag:s24] =	ssyncadd.s32 $0xFFFFF800  }
0x1cb: {  	v6 =	vmul.f32 v6, v0;
	v0 =	vld [tilespmem:$0x1FDC0];
	_ =	swait.ge [sflag:s24], $0x800  }
0x1cc: {  	v1 =	vld [tilespmem:$0x1FDD0];
	_ =	sdelay $0x2  }
0x1cd: {  	v4 =	vmul.f32 v2, v4;
	v2 =	vmul.f32 v7, v35  }
0x1ce: {  	v8 =	vadd.f32 v10, v8  }
0x1cf: {  	v2 =	vmul.f32 v2, v1;
	v1 =	vld [tilespmem:$0x1FDE0]  }
0x1d0: {  	v6 =	vadd.f32 v6, v8;
	v4 =	vmul.f32 v4, v0;
	_ =	sdelay $0x1  }
0x1d1: {  	v0 =	vmul.f32 v5, v41;
	v4 =	vadd.f32 v4, v6  }
0x1d2: {  	[sflag:s24] =	ssyncset.done $0x0  }
0x1d3: {  	[sflag:s24] =	ssyncadd.s32 $0xFFFFF800;
	v2 =	vadd.f32 v2, v4;
	v0 =	vmul.f32 v0, v1  }
0x1d4: {  	_ =	swait.ge [sflag:s24], $0x800  }
0x1d5: {  	v0 =	vadd.f32 v0, v2;
	v2 =	vld [tilespmem:$0x1FDF0];
	_ =	sdelay $0x1  }
0x1d6: {  	[sflag:s24] =	ssyncset.done $0x0  }
0x1d7: {  	v3 =	vmul.f32 v3, v47;
	[sflag:s24] =	ssyncadd.s32 $0xFFFFF800  }
0x1d8: {  	_ =	swait.ge [sflag:s24], $0x800  }
0x1d9: {  	v2 =	vmul.f32 v3, v2;
	v3 =	vld [tilespmem:$0x1FE00];
	_ =	sdelay $0x2  }
0x1da: {  	v1 =	vmul.f32 v39, v45;
	_ =	sdelay $0x1  }
0x1db: {  	v1 =	vmul.f32 v1, v3;
	v3 =	vld [tilespmem:$0x1FE10];
	_ =	sdelay $0x2  }
0x1dc: {  	[sflag:s24] =	ssyncset.done $0x0;
	v0 =	vadd.f32 v2, v0;
	v2 =	vmul.f32 v48, v43  }
0x1dd: {  	[sflag:s24] =	ssyncadd.s32 $0xFFFFF800  }
0x1de: {  	v0 =	vadd.f32 v1, v0;
	v1 =	vld [tilespmem:$0x1FCF0];
	_ =	swait.ge [sflag:s24], $0x800;
	v2 =	vmul.f32 v2, v3  }
0x1df: {  	v3 =	vld [tilespmem:$0x1FD10]  }
0x1e0: {  	v0 =	vadd.f32 v2, v0;
	v2 =	vld [tilespmem:$0x1FD00];
	_ =	sdelay $0x4  }
0x1e1: {  	v2 =	vmul.f32 v3, v2;
	v3 =	vld [tilespmem:$0x1FE20];
	_ =	sdelay $0x2  }
0x1e2: {  	[sflag:s24] =	ssyncset.done $0x0;
	v1 =	vmul.f32 v46, v1  }
0x1e3: {  	[sflag:s24] =	ssyncadd.s32 $0xFFFFF800  }
0x1e4: {  	_ =	swait.ge [sflag:s24], $0x800;
	v1 =	vmul.f32 v1, v3  }
0x1e5: {  	v3 =	vld [tilespmem:$0x1FD30]  }
0x1e6: {  	v0 =	vadd.f32 v1, v0;
	v1 =	vld [tilespmem:$0x1FD20];
	_ =	sdelay $0x4  }
0x1e7: {  	v1 =	vmul.f32 v3, v1;
	v3 =	vld [tilespmem:$0x1FE30];
	_ =	sdelay $0x4  }
0x1e8: {  	v2 =	vmul.f32 v2, v3;
	v3 =	vld [tilespmem:$0x1FE40];
	_ =	sdelay $0x4  }
0x1e9: {  	v0 =	vadd.f32 v2, v0;
	v1 =	vmul.f32 v1, v3  }
0x1ea: {  	v5 =	vld [tilespmem:$0x1FD60]  }
0x1eb: {  	v0 =	vadd.f32 v1, v0;
	v1 =	vld [tilespmem:$0x1FD50];
	_ =	sdelay $0x2  }
0x1ec: {  	v2 =	vld [tilespmem:$0x1FD40];
	_ =	sdelay $0x1  }
0x1ed: {  	v1 =	vmul.f32 v5, v1;
	v5 =	vld [tilespmem:$0x1FE50]  }
0x1ee: {  	[sflag:s24] =	ssyncset.done $0x0  }
0x1ef: {  	v7 =	vld [tilespmem:$0x1FE60];
	[sflag:s24] =	ssyncadd.s32 $0xFFFFF800  }
0x1f0: {  	v4 =	vld.idx.msk [tilespmem:v32+s17+$0x0], $0xffff;
	v2 =	vmul.f32 v33, v2  }
0x1f1: {  	v3 =	vld.idx.msk [tilespmem:v30+s16+$0x0], $0xffff  }
0x1f2: {  	v2 =	vmul.f32 v2, v5;
	_ =	sdelay $0x1  }
0x1f3: {  	v1 =	vmul.f32 v1, v7;
	v0 =	vadd.f32 v2, v0;
	v2 =	vld [tilespmem:$0x1FD70];
	_ =	sdelay $0x1  }
0x1f4: {  	v0 =	vadd.f32 v1, v0;
	v1 =	vmul.f32 v4, v3;
	v3 =	vld [tilespmem:$0x1FE70]  }
0x1f5: {  	v6 =	vld.idx.msk [tilespmem:v31+s17+$0x0], $0xffff  }
0x1f6: {  	v5 =	vld.idx.msk [tilespmem:v28+s16+$0x0], $0xffff  }
0x1f7: {  	v2 =	vmul.f32 v34, v2;
	_ =	sdelay $0x1  }
0x1f8: {  	v2 =	vmul.f32 v2, v3;
	_ =	sdelay $0x1  }
0x1f9: {  	v0 =	vadd.f32 v2, v0;
	v2 =	vmul.f32 v6, v5;
	v5 =	vld [tilespmem:$0x1FE80]  }
0x1fa: {  	v8 =	vld.idx.msk [tilespmem:v29+s17+$0x0], $0xffff  }
0x1fb: {  	v7 =	vld.idx.msk [tilespmem:v26+s16+$0x0], $0xffff;
	_ =	sdelay $0x2  }
0x1fc: {  	v1 =	vmul.f32 v1, v5;
	_ =	sdelay $0x1  }
0x1fd: {  	v0 =	vadd.f32 v1, v0;
	v1 =	vmul.f32 v8, v7;
	v7 =	vld [tilespmem:$0x1FE90]  }
0x1fe: {  	v4 =	vld.idx.msk [tilespmem:v27+s17+$0x0], $0xffff  }
0x1ff: {  	v3 =	vld.idx.msk [tilespmem:v24+s16+$0x0], $0xffff;
	_ =	sdelay $0x2  }
0x200: {  	v2 =	vmul.f32 v2, v7;
	_ =	sdelay $0x1  }
0x201: {  	v0 =	vadd.f32 v2, v0;
	v2 =	vmul.f32 v4, v3;
	v3 =	vld [tilespmem:$0x1FEA0]  }
0x202: {  	v6 =	vld.idx.msk [tilespmem:v25+s17+$0x0], $0xffff  }
0x203: {  	v5 =	vld.idx.msk [tilespmem:v22+s16+$0x0], $0xffff;
	_ =	sdelay $0x2  }
0x204: {  	v1 =	vmul.f32 v1, v3;
	_ =	sdelay $0x1  }
0x205: {  	v0 =	vadd.f32 v1, v0;
	v1 =	vmul.f32 v6, v5;
	v5 =	vld [tilespmem:$0x1FEB0]  }
0x206: {  	v8 =	vld.idx.msk [tilespmem:v23+s17+$0x0], $0xffff  }
0x207: {  	v7 =	vld.idx.msk [tilespmem:v20+s16+$0x0], $0xffff;
	_ =	sdelay $0x2  }
0x208: {  	v2 =	vmul.f32 v2, v5;
	_ =	sdelay $0x1  }
0x209: {  	v0 =	vadd.f32 v2, v0;
	v2 =	vmul.f32 v8, v7;
	v7 =	vld [tilespmem:$0x1FEC0]  }
0x20a: {  	v4 =	vld.idx.msk [tilespmem:v21+s17+$0x0], $0xffff  }
0x20b: {  	v3 =	vld.idx.msk [tilespmem:v18+s16+$0x0], $0xffff;
	_ =	sdelay $0x2  }
0x20c: {  	v1 =	vmul.f32 v1, v7;
	_ =	sdelay $0x1  }
0x20d: {  	v0 =	vadd.f32 v1, v0;
	v1 =	vmul.f32 v4, v3;
	v3 =	vld [tilespmem:$0x1FED0]  }
0x20e: {  	v6 =	vld.idx.msk [tilespmem:v12+s17+$0x0], $0xffff  }
0x20f: {  	v5 =	vld.idx.msk [tilespmem:v16+s16+$0x0], $0xffff;
	_ =	sdelay $0x2  }
0x210: {  	v2 =	vmul.f32 v2, v3;
	_ =	sdelay $0x1  }
0x211: {  	v0 =	vadd.f32 v2, v0;
	v2 =	vmul.f32 v6, v5;
	v5 =	vld [tilespmem:$0x1FEE0]  }
0x212: {  	v8 =	vld.idx.msk [tilespmem:v17+s17+$0x0], $0xffff  }
0x213: {  	v7 =	vld.idx.msk [tilespmem:v62+s16+$0x0], $0xffff;
	_ =	sdelay $0x2  }
0x214: {  	v1 =	vmul.f32 v1, v5;
	_ =	sdelay $0x1  }
0x215: {  	v0 =	vadd.f32 v1, v0;
	v1 =	vmul.f32 v8, v7;
	v7 =	vld [tilespmem:$0x1FEF0]  }
0x216: {  	v4 =	vld.idx.msk [tilespmem:v63+s17+$0x0], $0xffff  }
0x217: {  	v3 =	vld.idx.msk [tilespmem:v60+s16+$0x0], $0xffff;
	_ =	sdelay $0x2  }
0x218: {  	v2 =	vmul.f32 v2, v7;
	_ =	sdelay $0x1  }
0x219: {  	v0 =	vadd.f32 v2, v0;
	v2 =	vmul.f32 v4, v3;
	v3 =	vld [tilespmem:$0x1FF00]  }
0x21a: {  	v6 =	vld.idx.msk [tilespmem:v61+s17+$0x0], $0xffff  }
0x21b: {  	v5 =	vld.idx.msk [tilespmem:v58+s16+$0x0], $0xffff;
	_ =	sdelay $0x2  }
0x21c: {  	v1 =	vmul.f32 v1, v3;
	_ =	sdelay $0x1  }
0x21d: {  	v0 =	vadd.f32 v1, v0;
	v1 =	vmul.f32 v6, v5;
	v5 =	vld [tilespmem:$0x1FF10]  }
0x21e: {  	v8 =	vld.idx.msk [tilespmem:v59+s17+$0x0], $0xffff  }
0x21f: {  	v7 =	vld.idx.msk [tilespmem:v56+s16+$0x0], $0xffff;
	_ =	sdelay $0x2  }
0x220: {  	v2 =	vmul.f32 v2, v5;
	_ =	sdelay $0x1  }
0x221: {  	v0 =	vadd.f32 v2, v0;
	v2 =	vmul.f32 v8, v7;
	v7 =	vld [tilespmem:$0x1FF20]  }
0x222: {  	v4 =	vld.idx.msk [tilespmem:v57+s17+$0x0], $0xffff  }
0x223: {  	v3 =	vld.idx.msk [tilespmem:v54+s16+$0x0], $0xffff;
	_ =	sdelay $0x2  }
0x224: {  	v1 =	vmul.f32 v1, v7;
	_ =	sdelay $0x1  }
0x225: {  	v0 =	vadd.f32 v1, v0;
	v1 =	vmul.f32 v4, v3;
	v3 =	vld [tilespmem:$0x1FF30];
	_ =	sdelay $0x1  }
0x226: {  	v10 =	vld [tilespmem:$0x1FF40]  }
0x227: {  	v8 =	vld.idx.msk [tilespmem:v53+s17+$0x0], $0xffff  }
0x228: {  	v7 =	vld.idx.msk [tilespmem:v50+s16+$0x0], $0xffff  }
0x229: {  	v2 =	vmul.f32 v2, v3  }
0x22a: {  	v6 =	vld.idx.msk [tilespmem:v55+s17+$0x0], $0xffff  }
0x22b: {  	v5 =	vld.idx.msk [tilespmem:v52+s16+$0x0], $0xffff;
	v1 =	vmul.f32 v1, v10;
	v0 =	vadd.f32 v2, v0;
	_ =	sdelay $0x1  }
0x22c: {  	v0 =	vadd.f32 v1, v0;
	v1 =	vmul.f32 v8, v7;
	v8 =	vld [tilespmem:$0x1FF50];
	_ =	sdelay $0x2  }
0x22d: {  	v2 =	vmul.f32 v6, v5;
	_ =	sdelay $0x1  }
0x22e: {  	v2 =	vmul.f32 v2, v8;
	v8 =	vld [tilespmem:$0x1FF70];
	_ =	sdelay $0x3  }
0x22f: {  	v4 =	vld.idx.msk [tilespmem:v13+s17+$0x0], $0xffff  }
0x230: {  	v3 =	vld.idx.msk [tilespmem:v49+s16+$0x0], $0xffff;
	v0 =	vadd.f32 v2, v0;
	v1 =	vmul.f32 v1, v8;
	_ =	sdelay $0x1  }
0x231: {  	v0 =	vadd.f32 v1, v0;
	v1 =	vld [tilespmem:$0x1FF80];
	_ =	sdelay $0x2  }
0x232: {  	v2 =	vmul.f32 v4, v3;
	_ =	sdelay $0x1  }
0x233: {  	v1 =	vmul.f32 v2, v1;
	_ =	sdelay $0x1  }
0x234: {  	v0 =	vadd.f32 v1, v0;
	_ =	sdelay $0x1  }
0x235: {  	v0 =	vsub.f32 $0.0e+00, v0;
	_ =	sdelay $0x1  }
0x236: {  	v0 =	vmul.f32 $1.442695020e+00, v0;
	_ =	sdelay $0x1  }
0x237: {  	(erf) = vpow2.f32 v0;
	_ =	sdelay $0x8  }
0x238: {  	v0 =	vpop (erf)  }
0x239: {  	v0 =	vadd.f32 $1.000000000e+00, v0;
	_ =	sdelay $0x1  }
0x23a: {  	(erf) = vrcp.f32 v0;
	_ =	sdelay $0x3  }
0x23b: {  	v49 =	vld [tilespmem:$0x1FFF0]  }
0x23c: {  	p0 =	sne.s32 s25, $0x7C0;
	v6 =	vld [tilespmem:$0x1FFD0]  }
.Ltmp0:
0x23d: {  	v5 =	vld [tilespmem:$0x1FFC0];
	(pc) =	sbr.rel @p0 .LBB2_2-.Ltmp0, $4  }
0x23e: {  	s25 =	sadd.s32 $0x40, s25;
	s8 =	simm.s32 $0x9C00;
	v7 =	vld [tilespmem:$0x1FFE0]  }
0x23f: {  	s19 =	simm.s32 $0x2C00;
	s20 =	simm.s32 $0xAC00;
	s21 =	simm.s32 $0x3400;
	v4 =	vld [tilespmem:$0x1FFB0]  }
0x240: {  	s22 =	simm.s32 $0xB400;
	s23 =	simm.s32 $0xBC00;
	s31 =	rddreg [dreg:$0xf];
	v3 =	vld [tilespmem:$0x1FFA0];
	v0 =	vpop (erf)  }
0x241: {  	s6 =	simm.s32 $0xC00;
	s14 =	simm.s32 $0x2400;
	s7 =	simm.s32 $0x1400;
	v2 =	vld [tilespmem:$0x1FF90];
	[tilespmem:s31+$0x10480] =	vst v0  }
0x242: {  	s12 =	simm.s32 $0x0  }
0x243: {  	s0 =	rddreg [dreg:$0xc];
	s1 =	simm.s32 $0x10480;
	s5 =	simm.s32 $0x2  }
0x244: {  	[hbm4b:s0+s12] =	stream.linear.scatter [tilespmem:s1], [sflag:$0x2], $0x200, $0x38;
	[tilespmem:$0x10680] =	vst v63  }
0x245: {  	_ =	swait.ge [sflag:s5], $0x200  }
0x246: {  	s30 =	rddreg [dreg:$0xe]  }
0x247: {  	s31 =	rddreg [dreg:$0xd];
	s1 =	sadd.s32 $0x1, s30  }
0x248: {  	p0 =	sne.s32 s1, s31  }
.Ltmp1:
0x249: {  	_ = 	snop;
	(pc) =	sbr.rel @p0 .LBB2_1-.Ltmp1, $3  }
0x24a: {  	_ =	sdelay $0x1  }
0x24b: {  	[sflag:s5] =	ssyncset.done $0x0  }
0x24c: {  	[sflag:s5] =	ssyncadd.s32 $0xFFFFFE00  }
0x24d: {  	_ =	sfence.sel $0x180000  }
0x24e: {  	[bflag:$0x0] =	sbarrier.arrive $0xFFFF  }
0x24f: {  	_ =	strace $0x90000047  }
0x250: {  	s0 =	stileid.u32;
	[bflag:$0x2] =	sbarrier.arrive $0xFFFF  }
0x251: {  	p0 =	sne.s32 s0, $0x0;
	s0 =	rddreg [dreg:$0x8]  }
0x252: {  	s0 =	sadd.s32 @!p0 $0x100000, s0  }
0x253: {  	[sflag:s0] =	ssyncadd.tile.s32 @!p0 $0x1;
	_ =	shalt  }
.Lfunc_end2:
_tile_overlayer_lowered:
.L_overlay_start_2:
0x254: {  	(tag) =	ssettag $0x2  }
0x255: {  	s0 =	rddreg [dreg:$0x0];
	s2 =	stileid.u32  }
0x256: {  	s1 =	rddreg [dreg:$0x1];
	p0 =	sne.s32 s2, $0x0  }
0x257: {  	s3 =	rddreg [dreg:$0x2];
	[bflag:$0x3] =	sbarrier.arrive $0xFFFF;
	s2 =	simm.s32 @!p0 $0x1C02  }
0x258: {  	[timem:s3], [sflag:s2] =	dma.local @!p0 [hbm:s0], s1  }
0x259: {  	s0 =	simm.s32 @!p0 $0x2  }
0x25a: {  	_ =	swait.ge @!p0 [sflag:s0], s1  }
0x25b: {  	s1 =	ssub.s32 @!p0 $0x0, s1;
	[sflag:s0] =	ssyncset.done @!p0 $0x0  }
0x25c: {  	[sflag:s0] =	ssyncadd.s32 @!p0 s1  }
0x25d: {  	[bflag:$0x3] =	sbarrier.arrive $0xFFFF  }
0x25e: {  	_ =	shalt  }

</sc_bundles>
